<compile_context>
chip_gen: v7x
topology: tpu7x:2x2x1
jax: 0.10.2.dev20260603
libtpu: 0.0.44.dev20260713+nightly
codegen_flags: <defaults>
</compile_context>

<pallas_src>
import functools

import jax
import jax.numpy as jnp
from jax import lax
from jax.experimental import pallas as pl
from jax.experimental.pallas import tpu as pltpu
from jax.experimental.pallas import tpu_sc as plsc

N = 2048
E = 32768
F = 128
LANES = 16
NC = 2
NS = 16
EPS = E // NS
GROUPS = EPS // LANES
ROWS_PER_SC = 512
NPASS = N // (NC * ROWS_PER_SC)
SPROWS = ROWS_PER_SC * (N // LANES)
SHARE = SPROWS // NS
NCHUNK = N // LANES
CHE = 512
SCAT = CHE // 128
JUNK = 128
DEGROWS = ROWS_PER_SC // LANES
DEGBASE = SPROWS + JUNK


def _build_lcount(row, col):
  mesh = plsc.VectorSubcoreMesh(core_axis_name="c", subcore_axis_name="s")

  @functools.partial(
      pl.kernel,
      out_type=[
          jax.ShapeDtypeStruct((N * NCHUNK, LANES), jnp.float32),
          jax.ShapeDtypeStruct((N // LANES, LANES), jnp.float32),
      ],
      mesh=mesh,
      compiler_params=pltpu.CompilerParams(needs_layout_passes=False,
                                           use_tc_tiling_on_sc=False),
      scratch_types=[
          pltpu.VMEM((EPS,), jnp.int32),
          pltpu.VMEM((EPS,), jnp.int32),
          pltpu.VMEM((2, CHE, LANES), jnp.float32),
          pltpu.VMEM((2, CHE, LANES), jnp.float32),
          pltpu.VMEM((2, SCAT, 128), jnp.int32),
          pltpu.VMEM((2, SCAT, 128), jnp.int32),
          pltpu.VMEM((512, LANES), jnp.float32),
          pltpu.VMEM_SHARED((SPROWS + JUNK + DEGROWS, LANES), jnp.float32),
          pltpu.SemaphoreType.DMA,
      ],
  )
  def build(row_hbm, col_hbm, out_hbm, degp_hbm, rowv, colv, oh, oh2, idxb,
            idx2, zb, slab, sem):
    c = lax.axis_index("c")
    s = lax.axis_index("s")
    pltpu.sync_copy(row_hbm.at[pl.ds(s * EPS, EPS)], rowv)
    pltpu.sync_copy(col_hbm.at[pl.ds(s * EPS, EPS)], colv)

    zeros16 = jnp.zeros((LANES,), jnp.float32)
    ones16 = jnp.ones((LANES,), jnp.float32)
    lanes_iota = lax.iota(jnp.int32, LANES)

    def _zerozb(i, _):
      zb[i, :] = zeros16
      return 0
    lax.fori_loop(0, 512, _zerozb, 0)

    for p in range(NPASS):
      lo = (p * NC + c) * ROWS_PER_SC

      zdesc = [pltpu.async_copy(zb, slab.at[pl.ds(s * SHARE + q * 512, 512)],
                                sem)
               for q in range(SHARE // 512)]
      for d in zdesc:
        d.wait()

      @pl.when(s == 0)
      def _():
        pltpu.sync_copy(zb.at[pl.ds(0, DEGROWS)],
                        slab.at[pl.ds(DEGBASE, DEGROWS)])

      plsc.subcore_barrier()

      pending = [[], []]
      for ch in range(EPS // CHE):
        hb = ch % 2
        for d in pending[hb]:
          d.wait()
        pending[hb] = []

        def _zero(i, _):
          oh[hb, i, :] = zeros16
          oh2[hb, i, :] = zeros16
          return 0
        lax.fori_loop(0, CHE, _zero, 0)

        def _fill(g, _):
          e0 = ch * CHE + g * LANES
          r = rowv[pl.ds(e0, LANES)]
          cc = colv[pl.ds(e0, LANES)]
          m = (r >= lo) & (r < lo + ROWS_PER_SC) & (r != cc)
          rl = r - lo
          flat = rl * NCHUNK + lax.shift_right_logical(cc, 2 + 2)
          junk = SPROWS + lanes_iota + ((g % 8) * LANES)
          idxb[hb, g // 8, pl.ds((g % 8) * LANES, LANES)] = jnp.where(m, flat,
                                                                     junk)
          flat2 = DEGBASE + lax.shift_right_logical(rl, 2 + 2)
          idx2[hb, g // 8, pl.ds((g % 8) * LANES, LANES)] = jnp.where(m, flat2,
                                                                     junk)
          slot = lanes_iota + g * LANES
          plsc.store_scatter(oh.at[hb], [slot, lax.bitwise_and(cc, LANES - 1)],
                             ones16)
          plsc.store_scatter(oh2.at[hb],
                             [slot, lax.bitwise_and(rl, LANES - 1)], ones16)
          return 0
        lax.fori_loop(0, CHE // LANES, _fill, 0)

        for j in range(SCAT):
          pending[hb].append(
              pltpu.async_copy(oh.at[hb, pl.ds(j * 128, 128)],
                               slab.at[idxb.at[hb, j]], sem, add=True))
          pending[hb].append(
              pltpu.async_copy(oh2.at[hb, pl.ds(j * 128, 128)],
                               slab.at[idx2.at[hb, j]], sem, add=True))

      for lst in pending:
        for d in lst:
          d.wait()

      plsc.subcore_barrier()
      obase = lo * NCHUNK + s * SHARE
      pltpu.sync_copy(slab.at[pl.ds(s * SHARE, SHARE)],
                      out_hbm.at[pl.ds(obase, SHARE)])

      @pl.when(s == 0)
      def _():
        pltpu.sync_copy(slab.at[pl.ds(DEGBASE, DEGROWS)],
                        degp_hbm.at[pl.ds((p * NC + c) * DEGROWS, DEGROWS)])

  return build(row, col)


TR = 256
TGRID = N // TR
B = 4


def _k0_body(sa, x, t0):
  ii = lax.broadcasted_iota(jnp.int32, (TR, TR), 0)
  jj = lax.broadcasted_iota(jnp.int32, (TR, TR), 1)
  for b in range(B):
    d = jnp.sum(jnp.where(ii == jj, sa[b], 0.0), axis=1, keepdims=True)
    t0[b] = d * x[b]


def _dis_of(deg):
  pos = deg > 0.0
  return jnp.where(pos, lax.rsqrt(jnp.where(pos, deg, 1.0)), 0.0)


def _k1_body(sa, lc, deg, degt, t0, t1):
  disc = _dis_of(deg[:, :])
  dist = _dis_of(degt[:, :])
  scale = -dist / (degt[:, :] + 2.0)
  lcd = lc[:, :] * disc
  for b in range(B):
    acc = jnp.dot(sa[b] * lcd, t0[b], preferred_element_type=jnp.float32)
    t1[b] = scale * acc


def _k2_body(lc, deg, degt, t1f, t0t, t1t, w, bias, out):
  disc = _dis_of(deg[:, :])
  dist = _dis_of(degt[:, :])
  scale = -2.0 * dist / (degt[:, :] + 2.0)
  mc = lc[:, :] * disc
  for b in range(B):
    prop = scale * jnp.dot(mc, t1f[b], preferred_element_type=jnp.float32)
    t2 = prop - t0t[b]
    out[b] = (jnp.dot(t0t[b], w[0], preferred_element_type=jnp.float32)
              + jnp.dot(t1t[b], w[1], preferred_element_type=jnp.float32)
              + jnp.dot(t2, w[2], preferred_element_type=jnp.float32)
              + bias[:, :])


def kernel(x, edge_index, spatial_attention, weight, bias):
  row = edge_index[0]
  col = edge_index[1]
  lc16, degp = _build_lcount(row, col)
  lc = lc16.reshape(N, N)

  t0 = pl.pallas_call(
      _k0_body,
      grid=(TGRID,),
      in_specs=[
          pl.BlockSpec((B, TR, TR), lambda t: (0, t, t)),
          pl.BlockSpec((B, TR, F), lambda t: (0, t, 0)),
      ],
      out_specs=pl.BlockSpec((B, TR, F), lambda t: (0, t, 0)),
      out_shape=jax.ShapeDtypeStruct((B, N, F), jnp.float32),
  )(spatial_attention, x)

  deg = degp.reshape(1, N)
  degt = degp.reshape(N, 1)

  t1 = pl.pallas_call(
      _k1_body,
      grid=(TGRID,),
      in_specs=[
          pl.BlockSpec((B, TR, N), lambda t: (0, t, 0)),
          pl.BlockSpec((TR, N), lambda t: (t, 0)),
          pl.BlockSpec((1, N), lambda t: (0, 0)),
          pl.BlockSpec((TR, 1), lambda t: (t, 0)),
          pl.BlockSpec((B, N, F), lambda t: (0, 0, 0)),
      ],
      out_specs=pl.BlockSpec((B, TR, F), lambda t: (0, t, 0)),
      out_shape=jax.ShapeDtypeStruct((B, N, F), jnp.float32),
  )(spatial_attention, lc, deg, degt, t0)

  out = pl.pallas_call(
      _k2_body,
      grid=(TGRID,),
      in_specs=[
          pl.BlockSpec((TR, N), lambda t: (t, 0)),
          pl.BlockSpec((1, N), lambda t: (0, 0)),
          pl.BlockSpec((TR, 1), lambda t: (t, 0)),
          pl.BlockSpec((B, N, F), lambda t: (0, 0, 0)),
          pl.BlockSpec((B, TR, F), lambda t: (0, t, 0)),
          pl.BlockSpec((B, TR, F), lambda t: (0, t, 0)),
          pl.BlockSpec((3, F, F), lambda t: (0, 0, 0)),
          pl.BlockSpec((1, F), lambda t: (0, 0)),
      ],
      out_specs=pl.BlockSpec((B, TR, F), lambda t: (0, t, 0)),
      out_shape=jax.ShapeDtypeStruct((B, N, F), jnp.float32),
  )(lc, deg, degt, t1, t0, t1, weight, bias.reshape(1, F))

  return out

# --- scband reference (transcript-rebuilt; emitter-appended) ---
"""Pipeline reference for scband-stattention-8306466750999 (READ-ONLY COPY).

The authoritative reference and input builder live on the scoring server;
editing this copy changes nothing except your own understanding.
"""

import jax, jax.numpy as jnp
import numpy as np

B, N, E, F_IN, F_OUT, K = 4, 2048, 32768, 128, 128, 3


def setup_inputs(seed: int = 0) -> dict:
    key = jax.random.key(seed)
    k1, k2, k3, k4, k5, k6 = jax.random.split(key, 6)
    x = jax.random.normal(k1, (B, N, F_IN), dtype=jnp.float32)
    row = jax.random.randint(k2, (E,), 0, N, dtype=jnp.int32)
    col = jax.random.randint(k3, (E,), 0, N, dtype=jnp.int32)
    edge_index = jnp.stack([row, col])
    spatial_attention = jax.random.uniform(k4, (B, N, N), dtype=jnp.float32)
    # xavier_uniform_ on (K, F_IN, F_OUT): fan_in = F_IN*F_OUT? torch uses dims[1]* recp; use standard bound
    fan_in, fan_out = F_IN, F_OUT
    limit = float(np.sqrt(6.0 / (fan_in + fan_out)))
    weight = jax.random.uniform(k5, (K, F_IN, F_OUT), minval=-limit, maxval=limit, dtype=jnp.float32)
    bias = jax.random.uniform(k6, (F_OUT,), dtype=jnp.float32)
    return {"x": x, "edge_index": edge_index, "spatial_attention": spatial_attention,
            "weight": weight, "bias": bias}


def _cheb_norm(edge_index, num_nodes):
    # remove self loops
    row, col = edge_index[0], edge_index[1]
    mask = row != col
    w = jnp.where(mask, 1.0, 0.0).astype(jnp.float32)
    # sym-normalized laplacian: L = I - D^{-1/2} A D^{-1/2}
    deg = jnp.zeros(num_nodes, dtype=jnp.float32).at[row].add(w)
    dis = jnp.where(deg > 0, 1.0 / jnp.sqrt(jnp.where(deg > 0, deg, 1.0)), 0.0)
    lap_w = -dis[row] * w * dis[col]
    ar = jnp.arange(num_nodes, dtype=row.dtype)
    row = jnp.concatenate([row, ar])
    col = jnp.concatenate([col, ar])
    ew = jnp.concatenate([lap_w, jnp.ones(num_nodes, dtype=jnp.float32)])
    # scale by 2/lambda_max with lambda_max = 2.0
    lambda_max = 2.0
    ew = 2.0 * ew / lambda_max
    ew = jnp.where(jnp.isinf(ew), 0.0, ew)
    # add_self_loops with fill_value = -1.0
    row = jnp.concatenate([row, ar])
    col = jnp.concatenate([col, ar])
    ew = jnp.concatenate([ew, -jnp.ones(num_nodes, dtype=jnp.float32)])
    valid = jnp.concatenate([w, jnp.ones(num_nodes, dtype=jnp.float32),
                             jnp.ones(num_nodes, dtype=jnp.float32)])
    return jnp.stack([row, col]), ew, valid


def _propagate_mean(edge_index_t, feat, norm, num_nodes, valid):
    src, dst = edge_index_t[0], edge_index_t[1]
    x_j = feat[:, src, :]  # gather along node dim
    if norm.ndim == 1:
        msg = norm[None, :, None] * x_j
    else:
        msg = norm[:, :, None] * x_j
    summed = jnp.zeros((feat.shape[0], num_nodes, feat.shape[2]), dtype=feat.dtype).at[:, dst, :].add(msg)
    cnt = jnp.zeros((num_nodes,), dtype=feat.dtype).at[dst].add(valid)
    return summed / jnp.clip(cnt, 1.0)[None, :, None]


def reference(x, edge_index, spatial_attention, weight, bias):
    num_nodes = x.shape[1]
    ei, norm, valid = _cheb_norm(edge_index, num_nodes)
    row, col = ei[0], ei[1]
    att_norm = norm[None, :] * spatial_attention[:, row, col]
    eye = jnp.eye(num_nodes, dtype=x.dtype)
    TAx_0 = jnp.matmul(jnp.transpose(eye[None, :, :] * spatial_attention, (0, 2, 1)), x)
    out = jnp.matmul(TAx_0, weight[0])
    ei_t = jnp.stack([ei[1], ei[0]])
    TAx_1 = TAx_0
    if weight.shape[0] > 1:
        TAx_1 = _propagate_mean(ei_t, TAx_0, att_norm, num_nodes, valid)
        out = out + jnp.matmul(TAx_1, weight[1])
    for k in range(2, weight.shape[0]):
        TAx_2 = _propagate_mean(ei_t, TAx_1, norm, num_nodes, valid)
        TAx_2 = 2.0 * TAx_2 - TAx_0
        out = out + jnp.matmul(TAx_2, weight[k])
        TAx_0, TAx_1 = TAx_1, TAx_2
    out = out + bias
    return out

if __name__ == "__main__":
    import jax
    _d = setup_inputs()
    print(jax.jit(kernel)(*tuple(_d.values())))

</pallas_src>

<mosaic_0001>
#map = affine_map<(d0, d1) -> (0)>
#map1 = affine_map<(d0, d1) -> (0, 0)>
module attributes {stable_mosaic.version = 14 : i64} {
  func.func @build(%arg0: i32, %arg1: i32, %arg2: memref<32768xi32, #tpu.memory_space<hbm>>, %arg3: memref<32768xi32, #tpu.memory_space<hbm>>, %arg4: memref<262144x16xf32, #tpu.memory_space<hbm>>, %arg5: memref<128x16xf32, #tpu.memory_space<hbm>>, %arg6: memref<2048xi32, #tpu.memory_space<vmem>>, %arg7: memref<2048xi32, #tpu.memory_space<vmem>>, %arg8: memref<2x512x16xf32, #tpu.memory_space<vmem>>, %arg9: memref<2x512x16xf32, #tpu.memory_space<vmem>>, %arg10: memref<2x4x128xi32, #tpu.memory_space<vmem>>, %arg11: memref<2x4x128xi32, #tpu.memory_space<vmem>>, %arg12: memref<512x16xf32, #tpu.memory_space<vmem>>, %arg13: memref<65696x16xf32, #tpu.memory_space<vmem_shared>>, %arg14: memref<!tpu.dma_semaphore, #tpu.memory_space<semaphore_mem>>) attributes {dimension_semantics = [#tpu.dimension_semantics<core_parallel>, #tpu.dimension_semantics<subcore_parallel>], iteration_bounds = array<i64: 2, 16>, scalar_prefetch = 0 : i64, scratch_operands = 9 : i64, tpu.core_type = #tpu.core_type<sc_vector_subcore>, window_params = [{transform_indices = #map}, {transform_indices = #map}, {transform_indices = #map1}, {transform_indices = #map1}]} {
    %mul3A = arith.constant 2048 : i32
    %mul3A_0 = arith.muli %arg1, %mul3A : i32
    "tpu.region"() ({
      %run_scoped3A = tpu.sem_alloc : memref<!tpu.dma_semaphore, #tpu.memory_space<semaphore_mem>>
      %dma_start3A_2019 = tpu.memref_slice %arg2[%mul3A_0] : memref<32768xi32, #tpu.memory_space<hbm>> -> memref<2048xi32, #tpu.memory_space<hbm>>
      %dma_start3A_2020 = tpu.memref_slice %arg2[%mul3A_0] : memref<32768xi32, #tpu.memory_space<hbm>> -> memref<2048xi32, #tpu.memory_space<hbm>>
      tpu.enqueue_dma source(%dma_start3A_2020 : memref<2048xi32, #tpu.memory_space<hbm>>) target(%arg6 : memref<2048xi32, #tpu.memory_space<vmem>>) target_semaphore(%run_scoped3A : memref<!tpu.dma_semaphore, #tpu.memory_space<semaphore_mem>>)
      %dma_wait3A_2021 = tpu.memref_slice %arg2[%mul3A_0] : memref<32768xi32, #tpu.memory_space<hbm>> -> memref<2048xi32, #tpu.memory_space<hbm>>
      %dma_wait3A_2022 = tpu.memref_slice %arg2[%mul3A_0] : memref<32768xi32, #tpu.memory_space<hbm>> -> memref<2048xi32, #tpu.memory_space<hbm>>
      tpu.wait_dma2 semaphore(%run_scoped3A : memref<!tpu.dma_semaphore, #tpu.memory_space<semaphore_mem>>) src(%dma_wait3A_2022 : memref<2048xi32, #tpu.memory_space<hbm>>) dst(%arg6 : memref<2048xi32, #tpu.memory_space<vmem>>)
      tpu.yield
    }) : () -> ()
    %mul3A_1 = arith.constant 2048 : i32
    %mul3A_2 = arith.muli %arg1, %mul3A_1 : i32
    "tpu.region"() ({
      %run_scoped3A = tpu.sem_alloc : memref<!tpu.dma_semaphore, #tpu.memory_space<semaphore_mem>>
      %dma_start3A_2019 = tpu.memref_slice %arg3[%mul3A_2] : memref<32768xi32, #tpu.memory_space<hbm>> -> memref<2048xi32, #tpu.memory_space<hbm>>
      %dma_start3A_2020 = tpu.memref_slice %arg3[%mul3A_2] : memref<32768xi32, #tpu.memory_space<hbm>> -> memref<2048xi32, #tpu.memory_space<hbm>>
      tpu.enqueue_dma source(%dma_start3A_2020 : memref<2048xi32, #tpu.memory_space<hbm>>) target(%arg7 : memref<2048xi32, #tpu.memory_space<vmem>>) target_semaphore(%run_scoped3A : memref<!tpu.dma_semaphore, #tpu.memory_space<semaphore_mem>>)
      %dma_wait3A_2021 = tpu.memref_slice %arg3[%mul3A_2] : memref<32768xi32, #tpu.memory_space<hbm>> -> memref<2048xi32, #tpu.memory_space<hbm>>
      %dma_wait3A_2022 = tpu.memref_slice %arg3[%mul3A_2] : memref<32768xi32, #tpu.memory_space<hbm>> -> memref<2048xi32, #tpu.memory_space<hbm>>
      tpu.wait_dma2 semaphore(%run_scoped3A : memref<!tpu.dma_semaphore, #tpu.memory_space<semaphore_mem>>) src(%dma_wait3A_2022 : memref<2048xi32, #tpu.memory_space<hbm>>) dst(%arg7 : memref<2048xi32, #tpu.memory_space<vmem>>)
      tpu.yield
    }) : () -> ()
    %broadcast_in_dim3A = arith.constant 0.000000e+00 : f32
    %broadcast_in_dim3A_3 = vector.broadcast %broadcast_in_dim3A : f32 to vector<16xf32>
    %broadcast_in_dim3A_4 = arith.constant 1.000000e+00 : f32
    %broadcast_in_dim3A_5 = vector.broadcast %broadcast_in_dim3A_4 : f32 to vector<16xf32>
    %iota3A = tpu.iota {dimensions = array<i32: 0>} : vector<16xi32>
    %scan3A = arith.constant 0 : i32
    %scan3A_6 = arith.constant 0 : i32
    %scan3A_7 = arith.constant 512 : i32
    %scan3A_8 = arith.addi %scan3A_6, %scan3A_7 : i32
    %scan3A_9 = arith.constant 1 : i32
    %scan3A_10 = scf.for %scan3A_2019 = %scan3A_6 to %scan3A_8 step %scan3A_9 iter_args(%scan3A_2020 = %scan3A) -> (i32)  : i32 {
      %swap3A = arith.index_cast %scan3A_2019 : i32 to index
      %swap3A_2021 = arith.constant 0 : index
      %swap3A_2022 = tpu.vector_load %arg12[%swap3A, %swap3A_2021] {strides = array<i32>} : memref<512x16xf32, #tpu.memory_space<vmem>>, vector<16xf32>,
      tpu.vector_store %arg12[%swap3A, %swap3A_2021], %broadcast_in_dim3A_3 {strides = array<i32>} : memref<512x16xf32, #tpu.memory_space<vmem>>, vector<16xf32>,
      %scan3A_2023 = arith.constant 0 : i32
      scf.yield %scan3A_2023 : i32
    }
    %scan3A_11 = arith.constant 512 : i32
    %add3A = arith.constant 0 : i32
    %add3A_12 = arith.addi %add3A, %arg0 : i32
    %mul3A_13 = arith.constant 512 : i32
    %mul3A_14 = arith.muli %add3A_12, %mul3A_13 : i32
    %mul3A_15 = arith.constant 4096 : i32
    %mul3A_16 = arith.muli %arg1, %mul3A_15 : i32
    %add3A_17 = arith.constant 0 : i32
    %add3A_18 = arith.addi %mul3A_16, %add3A_17 : i32
    %dma_start3A = arith.constant 0 : i32
    %dma_start3A_19 = tpu.memref_slice %arg13[%add3A_18, %dma_start3A] : memref<65696x16xf32, #tpu.memory_space<vmem_shared>> -> memref<512x16xf32, #tpu.memory_space<vmem_shared>>
    %dma_start3A_20 = arith.constant 0 : i32
    %dma_start3A_21 = tpu.memref_slice %arg13[%add3A_18, %dma_start3A_20] : memref<65696x16xf32, #tpu.memory_space<vmem_shared>> -> memref<512x16xf32, #tpu.memory_space<vmem_shared>>
    tpu.enqueue_dma source(%arg12 : memref<512x16xf32, #tpu.memory_space<vmem>>) target(%dma_start3A_21 : memref<512x16xf32, #tpu.memory_space<vmem_shared>>) target_semaphore(%arg14 : memref<!tpu.dma_semaphore, #tpu.memory_space<semaphore_mem>>)
    %mul3A_22 = arith.constant 4096 : i32
    %mul3A_23 = arith.muli %arg1, %mul3A_22 : i32
    %add3A_24 = arith.constant 512 : i32
    %add3A_25 = arith.addi %mul3A_23, %add3A_24 : i32
    %dma_start3A_26 = arith.constant 0 : i32
    %dma_start3A_27 = tpu.memref_slice %arg13[%add3A_25, %dma_start3A_26] : memref<65696x16xf32, #tpu.memory_space<vmem_shared>> -> memref<512x16xf32, #tpu.memory_space<vmem_shared>>
    %dma_start3A_28 = arith.constant 0 : i32
    %dma_start3A_29 = tpu.memref_slice %arg13[%add3A_25, %dma_start3A_28] : memref<65696x16xf32, #tpu.memory_space<vmem_shared>> -> memref<512x16xf32, #tpu.memory_space<vmem_shared>>
    tpu.enqueue_dma source(%arg12 : memref<512x16xf32, #tpu.memory_space<vmem>>) target(%dma_start3A_29 : memref<512x16xf32, #tpu.memory_space<vmem_shared>>) target_semaphore(%arg14 : memref<!tpu.dma_semaphore, #tpu.memory_space<semaphore_mem>>)
    %mul3A_30 = arith.constant 4096 : i32
    %mul3A_31 = arith.muli %arg1, %mul3A_30 : i32
    %add3A_32 = arith.constant 1024 : i32
    %add3A_33 = arith.addi %mul3A_31, %add3A_32 : i32
    %dma_start3A_34 = arith.constant 0 : i32
    %dma_start3A_35 = tpu.memref_slice %arg13[%add3A_33, %dma_start3A_34] : memref<65696x16xf32, #tpu.memory_space<vmem_shared>> -> memref<512x16xf32, #tpu.memory_space<vmem_shared>>
    %dma_start3A_36 = arith.constant 0 : i32
    %dma_start3A_37 = tpu.memref_slice %arg13[%add3A_33, %dma_start3A_36] : memref<65696x16xf32, #tpu.memory_space<vmem_shared>> -> memref<512x16xf32, #tpu.memory_space<vmem_shared>>
    tpu.enqueue_dma source(%arg12 : memref<512x16xf32, #tpu.memory_space<vmem>>) target(%dma_start3A_37 : memref<512x16xf32, #tpu.memory_space<vmem_shared>>) target_semaphore(%arg14 : memref<!tpu.dma_semaphore, #tpu.memory_space<semaphore_mem>>)
    %mul3A_38 = arith.constant 4096 : i32
    %mul3A_39 = arith.muli %arg1, %mul3A_38 : i32
    %add3A_40 = arith.constant 1536 : i32
    %add3A_41 = arith.addi %mul3A_39, %add3A_40 : i32
    %dma_start3A_42 = arith.constant 0 : i32
    %dma_start3A_43 = tpu.memref_slice %arg13[%add3A_41, %dma_start3A_42] : memref<65696x16xf32, #tpu.memory_space<vmem_shared>> -> memref<512x16xf32, #tpu.memory_space<vmem_shared>>
    %dma_start3A_44 = arith.constant 0 : i32
    %dma_start3A_45 = tpu.memref_slice %arg13[%add3A_41, %dma_start3A_44] : memref<65696x16xf32, #tpu.memory_space<vmem_shared>> -> memref<512x16xf32, #tpu.memory_space<vmem_shared>>
    tpu.enqueue_dma source(%arg12 : memref<512x16xf32, #tpu.memory_space<vmem>>) target(%dma_start3A_45 : memref<512x16xf32, #tpu.memory_space<vmem_shared>>) target_semaphore(%arg14 : memref<!tpu.dma_semaphore, #tpu.memory_space<semaphore_mem>>)
    %mul3A_46 = arith.constant 4096 : i32
    %mul3A_47 = arith.muli %arg1, %mul3A_46 : i32
    %add3A_48 = arith.constant 2048 : i32
    %add3A_49 = arith.addi %mul3A_47, %add3A_48 : i32
    %dma_start3A_50 = arith.constant 0 : i32
    %dma_start3A_51 = tpu.memref_slice %arg13[%add3A_49, %dma_start3A_50] : memref<65696x16xf32, #tpu.memory_space<vmem_shared>> -> memref<512x16xf32, #tpu.memory_space<vmem_shared>>
    %dma_start3A_52 = arith.constant 0 : i32
    %dma_start3A_53 = tpu.memref_slice %arg13[%add3A_49, %dma_start3A_52] : memref<65696x16xf32, #tpu.memory_space<vmem_shared>> -> memref<512x16xf32, #tpu.memory_space<vmem_shared>>
    tpu.enqueue_dma source(%arg12 : memref<512x16xf32, #tpu.memory_space<vmem>>) target(%dma_start3A_53 : memref<512x16xf32, #tpu.memory_space<vmem_shared>>) target_semaphore(%arg14 : memref<!tpu.dma_semaphore, #tpu.memory_space<semaphore_mem>>)
    %mul3A_54 = arith.constant 4096 : i32
    %mul3A_55 = arith.muli %arg1, %mul3A_54 : i32
    %add3A_56 = arith.constant 2560 : i32
    %add3A_57 = arith.addi %mul3A_55, %add3A_56 : i32
    %dma_start3A_58 = arith.constant 0 : i32
    %dma_start3A_59 = tpu.memref_slice %arg13[%add3A_57, %dma_start3A_58] : memref<65696x16xf32, #tpu.memory_space<vmem_shared>> -> memref<512x16xf32, #tpu.memory_space<vmem_shared>>
    %dma_start3A_60 = arith.constant 0 : i32
    %dma_start3A_61 = tpu.memref_slice %arg13[%add3A_57, %dma_start3A_60] : memref<65696x16xf32, #tpu.memory_space<vmem_shared>> -> memref<512x16xf32, #tpu.memory_space<vmem_shared>>
    tpu.enqueue_dma source(%arg12 : memref<512x16xf32, #tpu.memory_space<vmem>>) target(%dma_start3A_61 : memref<512x16xf32, #tpu.memory_space<vmem_shared>>) target_semaphore(%arg14 : memref<!tpu.dma_semaphore, #tpu.memory_space<semaphore_mem>>)
    %mul3A_62 = arith.constant 4096 : i32
    %mul3A_63 = arith.muli %arg1, %mul3A_62 : i32
    %add3A_64 = arith.constant 3072 : i32
    %add3A_65 = arith.addi %mul3A_63, %add3A_64 : i32
    %dma_start3A_66 = arith.constant 0 : i32
    %dma_start3A_67 = tpu.memref_slice %arg13[%add3A_65, %dma_start3A_66] : memref<65696x16xf32, #tpu.memory_space<vmem_shared>> -> memref<512x16xf32, #tpu.memory_space<vmem_shared>>
    %dma_start3A_68 = arith.constant 0 : i32
    %dma_start3A_69 = tpu.memref_slice %arg13[%add3A_65, %dma_start3A_68] : memref<65696x16xf32, #tpu.memory_space<vmem_shared>> -> memref<512x16xf32, #tpu.memory_space<vmem_shared>>
    tpu.enqueue_dma source(%arg12 : memref<512x16xf32, #tpu.memory_space<vmem>>) target(%dma_start3A_69 : memref<512x16xf32, #tpu.memory_space<vmem_shared>>) target_semaphore(%arg14 : memref<!tpu.dma_semaphore, #tpu.memory_space<semaphore_mem>>)
    %mul3A_70 = arith.constant 4096 : i32
    %mul3A_71 = arith.muli %arg1, %mul3A_70 : i32
    %add3A_72 = arith.constant 3584 : i32
    %add3A_73 = arith.addi %mul3A_71, %add3A_72 : i32
    %dma_start3A_74 = arith.constant 0 : i32
    %dma_start3A_75 = tpu.memref_slice %arg13[%add3A_73, %dma_start3A_74] : memref<65696x16xf32, #tpu.memory_space<vmem_shared>> -> memref<512x16xf32, #tpu.memory_space<vmem_shared>>
    %dma_start3A_76 = arith.constant 0 : i32
    %dma_start3A_77 = tpu.memref_slice %arg13[%add3A_73, %dma_start3A_76] : memref<65696x16xf32, #tpu.memory_space<vmem_shared>> -> memref<512x16xf32, #tpu.memory_space<vmem_shared>>
    tpu.enqueue_dma source(%arg12 : memref<512x16xf32, #tpu.memory_space<vmem>>) target(%dma_start3A_77 : memref<512x16xf32, #tpu.memory_space<vmem_shared>>) target_semaphore(%arg14 : memref<!tpu.dma_semaphore, #tpu.memory_space<semaphore_mem>>)
    %dma_wait3A = arith.constant 0 : i32
    %dma_wait3A_78 = tpu.memref_slice %arg13[%add3A_18, %dma_wait3A] : memref<65696x16xf32, #tpu.memory_space<vmem_shared>> -> memref<512x16xf32, #tpu.memory_space<vmem_shared>>
    %dma_wait3A_79 = arith.constant 0 : i32
    %dma_wait3A_80 = tpu.memref_slice %arg13[%add3A_18, %dma_wait3A_79] : memref<65696x16xf32, #tpu.memory_space<vmem_shared>> -> memref<512x16xf32, #tpu.memory_space<vmem_shared>>
    tpu.wait_dma2 semaphore(%arg14 : memref<!tpu.dma_semaphore, #tpu.memory_space<semaphore_mem>>) src(%arg12 : memref<512x16xf32, #tpu.memory_space<vmem>>) dst(%dma_wait3A_80 : memref<512x16xf32, #tpu.memory_space<vmem_shared>>)
    %dma_wait3A_81 = arith.constant 0 : i32
    %dma_wait3A_82 = tpu.memref_slice %arg13[%add3A_25, %dma_wait3A_81] : memref<65696x16xf32, #tpu.memory_space<vmem_shared>> -> memref<512x16xf32, #tpu.memory_space<vmem_shared>>
    %dma_wait3A_83 = arith.constant 0 : i32
    %dma_wait3A_84 = tpu.memref_slice %arg13[%add3A_25, %dma_wait3A_83] : memref<65696x16xf32, #tpu.memory_space<vmem_shared>> -> memref<512x16xf32, #tpu.memory_space<vmem_shared>>
    tpu.wait_dma2 semaphore(%arg14 : memref<!tpu.dma_semaphore, #tpu.memory_space<semaphore_mem>>) src(%arg12 : memref<512x16xf32, #tpu.memory_space<vmem>>) dst(%dma_wait3A_84 : memref<512x16xf32, #tpu.memory_space<vmem_shared>>)
    %dma_wait3A_85 = arith.constant 0 : i32
    %dma_wait3A_86 = tpu.memref_slice %arg13[%add3A_33, %dma_wait3A_85] : memref<65696x16xf32, #tpu.memory_space<vmem_shared>> -> memref<512x16xf32, #tpu.memory_space<vmem_shared>>
    %dma_wait3A_87 = arith.constant 0 : i32
    %dma_wait3A_88 = tpu.memref_slice %arg13[%add3A_33, %dma_wait3A_87] : memref<65696x16xf32, #tpu.memory_space<vmem_shared>> -> memref<512x16xf32, #tpu.memory_space<vmem_shared>>
    tpu.wait_dma2 semaphore(%arg14 : memref<!tpu.dma_semaphore, #tpu.memory_space<semaphore_mem>>) src(%arg12 : memref<512x16xf32, #tpu.memory_space<vmem>>) dst(%dma_wait3A_88 : memref<512x16xf32, #tpu.memory_space<vmem_shared>>)
    %dma_wait3A_89 = arith.constant 0 : i32
    %dma_wait3A_90 = tpu.memref_slice %arg13[%add3A_41, %dma_wait3A_89] : memref<65696x16xf32, #tpu.memory_space<vmem_shared>> -> memref<512x16xf32, #tpu.memory_space<vmem_shared>>
    %dma_wait3A_91 = arith.constant 0 : i32
    %dma_wait3A_92 = tpu.memref_slice %arg13[%add3A_41, %dma_wait3A_91] : memref<65696x16xf32, #tpu.memory_space<vmem_shared>> -> memref<512x16xf32, #tpu.memory_space<vmem_shared>>
    tpu.wait_dma2 semaphore(%arg14 : memref<!tpu.dma_semaphore, #tpu.memory_space<semaphore_mem>>) src(%arg12 : memref<512x16xf32, #tpu.memory_space<vmem>>) dst(%dma_wait3A_92 : memref<512x16xf32, #tpu.memory_space<vmem_shared>>)
    %dma_wait3A_93 = arith.constant 0 : i32
    %dma_wait3A_94 = tpu.memref_slice %arg13[%add3A_49, %dma_wait3A_93] : memref<65696x16xf32, #tpu.memory_space<vmem_shared>> -> memref<512x16xf32, #tpu.memory_space<vmem_shared>>
    %dma_wait3A_95 = arith.constant 0 : i32
    %dma_wait3A_96 = tpu.memref_slice %arg13[%add3A_49, %dma_wait3A_95] : memref<65696x16xf32, #tpu.memory_space<vmem_shared>> -> memref<512x16xf32, #tpu.memory_space<vmem_shared>>
    tpu.wait_dma2 semaphore(%arg14 : memref<!tpu.dma_semaphore, #tpu.memory_space<semaphore_mem>>) src(%arg12 : memref<512x16xf32, #tpu.memory_space<vmem>>) dst(%dma_wait3A_96 : memref<512x16xf32, #tpu.memory_space<vmem_shared>>)
    %dma_wait3A_97 = arith.constant 0 : i32
    %dma_wait3A_98 = tpu.memref_slice %arg13[%add3A_57, %dma_wait3A_97] : memref<65696x16xf32, #tpu.memory_space<vmem_shared>> -> memref<512x16xf32, #tpu.memory_space<vmem_shared>>
    %dma_wait3A_99 = arith.constant 0 : i32
    %dma_wait3A_100 = tpu.memref_slice %arg13[%add3A_57, %dma_wait3A_99] : memref<65696x16xf32, #tpu.memory_space<vmem_shared>> -> memref<512x16xf32, #tpu.memory_space<vmem_shared>>
    tpu.wait_dma2 semaphore(%arg14 : memref<!tpu.dma_semaphore, #tpu.memory_space<semaphore_mem>>) src(%arg12 : memref<512x16xf32, #tpu.memory_space<vmem>>) dst(%dma_wait3A_100 : memref<512x16xf32, #tpu.memory_space<vmem_shared>>)
    %dma_wait3A_101 = arith.constant 0 : i32
    %dma_wait3A_102 = tpu.memref_slice %arg13[%add3A_65, %dma_wait3A_101] : memref<65696x16xf32, #tpu.memory_space<vmem_shared>> -> memref<512x16xf32, #tpu.memory_space<vmem_shared>>
    %dma_wait3A_103 = arith.constant 0 : i32
    %dma_wait3A_104 = tpu.memref_slice %arg13[%add3A_65, %dma_wait3A_103] : memref<65696x16xf32, #tpu.memory_space<vmem_shared>> -> memref<512x16xf32, #tpu.memory_space<vmem_shared>>
    tpu.wait_dma2 semaphore(%arg14 : memref<!tpu.dma_semaphore, #tpu.memory_space<semaphore_mem>>) src(%arg12 : memref<512x16xf32, #tpu.memory_space<vmem>>) dst(%dma_wait3A_104 : memref<512x16xf32, #tpu.memory_space<vmem_shared>>)
    %dma_wait3A_105 = arith.constant 0 : i32
    %dma_wait3A_106 = tpu.memref_slice %arg13[%add3A_73, %dma_wait3A_105] : memref<65696x16xf32, #tpu.memory_space<vmem_shared>> -> memref<512x16xf32, #tpu.memory_space<vmem_shared>>
    %dma_wait3A_107 = arith.constant 0 : i32
    %dma_wait3A_108 = tpu.memref_slice %arg13[%add3A_73, %dma_wait3A_107] : memref<65696x16xf32, #tpu.memory_space<vmem_shared>> -> memref<512x16xf32, #tpu.memory_space<vmem_shared>>
    tpu.wait_dma2 semaphore(%arg14 : memref<!tpu.dma_semaphore, #tpu.memory_space<semaphore_mem>>) src(%arg12 : memref<512x16xf32, #tpu.memory_space<vmem>>) dst(%dma_wait3A_108 : memref<512x16xf32, #tpu.memory_space<vmem_shared>>)
    %eq3A = arith.constant 0 : i32
    %eq3A_109 = arith.cmpi eq, %arg1, %eq3A : i32
    %convert_element_type3A = arith.extui %eq3A_109 : i1 to i32
    %cond3A = arith.constant 0 : i32
    %cond3A_110 = arith.cmpi ne, %convert_element_type3A, %cond3A : i32
    scf.if %cond3A_110 {
      "tpu.region"() ({
        %run_scoped3A = tpu.sem_alloc : memref<!tpu.dma_semaphore, #tpu.memory_space<semaphore_mem>>
        %dma_start3A_2019 = arith.constant 0 : i32
        %dma_start3A_2020 = arith.constant 0 : i32
        %dma_start3A_2021 = tpu.memref_slice %arg12[%dma_start3A_2019, %dma_start3A_2020] : memref<512x16xf32, #tpu.memory_space<vmem>> -> memref<32x16xf32, #tpu.memory_space<vmem>>
        %dma_start3A_2022 = arith.constant 65664 : i32
        %dma_start3A_2023 = arith.constant 0 : i32
        %dma_start3A_2024 = tpu.memref_slice %arg13[%dma_start3A_2022, %dma_start3A_2023] : memref<65696x16xf32, #tpu.memory_space<vmem_shared>> -> memref<32x16xf32, #tpu.memory_space<vmem_shared>>
        %dma_start3A_2025 = arith.constant 65664 : i32
        %dma_start3A_2026 = arith.constant 0 : i32
        %dma_start3A_2027 = tpu.memref_slice %arg13[%dma_start3A_2025, %dma_start3A_2026] : memref<65696x16xf32, #tpu.memory_space<vmem_shared>> -> memref<32x16xf32, #tpu.memory_space<vmem_shared>>
        %dma_start3A_2028 = arith.constant 0 : i32
        %dma_start3A_2029 = arith.constant 0 : i32
        %dma_start3A_2030 = tpu.memref_slice %arg12[%dma_start3A_2028, %dma_start3A_2029] : memref<512x16xf32, #tpu.memory_space<vmem>> -> memref<32x16xf32, #tpu.memory_space<vmem>>
        tpu.enqueue_dma source(%dma_start3A_2030 : memref<32x16xf32, #tpu.memory_space<vmem>>) target(%dma_start3A_2027 : memref<32x16xf32, #tpu.memory_space<vmem_shared>>) target_semaphore(%run_scoped3A : memref<!tpu.dma_semaphore, #tpu.memory_space<semaphore_mem>>)
        %dma_wait3A_2031 = arith.constant 0 : i32
        %dma_wait3A_2032 = arith.constant 0 : i32
        %dma_wait3A_2033 = tpu.memref_slice %arg12[%dma_wait3A_2031, %dma_wait3A_2032] : memref<512x16xf32, #tpu.memory_space<vmem>> -> memref<32x16xf32, #tpu.memory_space<vmem>>
        %dma_wait3A_2034 = arith.constant 65664 : i32
        %dma_wait3A_2035 = arith.constant 0 : i32
        %dma_wait3A_2036 = tpu.memref_slice %arg13[%dma_wait3A_2034, %dma_wait3A_2035] : memref<65696x16xf32, #tpu.memory_space<vmem_shared>> -> memref<32x16xf32, #tpu.memory_space<vmem_shared>>
        %dma_wait3A_2037 = arith.constant 65664 : i32
        %dma_wait3A_2038 = arith.constant 0 : i32
        %dma_wait3A_2039 = tpu.memref_slice %arg13[%dma_wait3A_2037, %dma_wait3A_2038] : memref<65696x16xf32, #tpu.memory_space<vmem_shared>> -> memref<32x16xf32, #tpu.memory_space<vmem_shared>>
        %dma_wait3A_2040 = arith.constant 0 : i32
        %dma_wait3A_2041 = arith.constant 0 : i32
        %dma_wait3A_2042 = tpu.memref_slice %arg12[%dma_wait3A_2040, %dma_wait3A_2041] : memref<512x16xf32, #tpu.memory_space<vmem>> -> memref<32x16xf32, #tpu.memory_space<vmem>>
        tpu.wait_dma2 semaphore(%run_scoped3A : memref<!tpu.dma_semaphore, #tpu.memory_space<semaphore_mem>>) src(%dma_wait3A_2042 : memref<32x16xf32, #tpu.memory_space<vmem>>) dst(%dma_wait3A_2039 : memref<32x16xf32, #tpu.memory_space<vmem_shared>>)
        tpu.yield
      }) : () -> ()
    } else {
    }
    %barrier3A = arith.constant 0 : index
    tpu.barrier barrier_id(%barrier3A)
    %scan3A_111 = arith.constant 0 : i32
    %scan3A_112 = arith.constant 0 : i32
    %scan3A_113 = arith.constant 512 : i32
    %scan3A_114 = arith.addi %scan3A_112, %scan3A_113 : i32
    %scan3A_115 = arith.constant 1 : i32
    %scan3A_116 = scf.for %scan3A_2019 = %scan3A_112 to %scan3A_114 step %scan3A_115 iter_args(%scan3A_2020 = %scan3A_111) -> (i32)  : i32 {
      %swap3A = arith.constant 0 : i32
      %swap3A_2021 = arith.index_cast %swap3A : i32 to index
      %swap3A_2022 = arith.index_cast %scan3A_2019 : i32 to index
      %swap3A_2023 = arith.constant 0 : index
      %swap3A_2024 = tpu.vector_load %arg8[%swap3A_2021, %swap3A_2022, %swap3A_2023] {strides = array<i32>} : memref<2x512x16xf32, #tpu.memory_space<vmem>>, vector<16xf32>,
      tpu.vector_store %arg8[%swap3A_2021, %swap3A_2022, %swap3A_2023], %broadcast_in_dim3A_3 {strides = array<i32>} : memref<2x512x16xf32, #tpu.memory_space<vmem>>, vector<16xf32>,
      %swap3A_2025 = arith.constant 0 : i32
      %swap3A_2026 = arith.index_cast %swap3A_2025 : i32 to index
      %swap3A_2027 = arith.index_cast %scan3A_2019 : i32 to index
      %swap3A_2028 = arith.constant 0 : index
      %swap3A_2029 = tpu.vector_load %arg9[%swap3A_2026, %swap3A_2027, %swap3A_2028] {strides = array<i32>} : memref<2x512x16xf32, #tpu.memory_space<vmem>>, vector<16xf32>,
      tpu.vector_store %arg9[%swap3A_2026, %swap3A_2027, %swap3A_2028], %broadcast_in_dim3A_3 {strides = array<i32>} : memref<2x512x16xf32, #tpu.memory_space<vmem>>, vector<16xf32>,
      %scan3A_2030 = arith.constant 0 : i32
      scf.yield %scan3A_2030 : i32
    }
    %scan3A_117 = arith.constant 512 : i32
    %scan3A_118 = arith.constant 0 : i32
    %scan3A_119 = arith.constant 0 : i32
    %scan3A_120 = arith.constant 32 : i32
    %scan3A_121 = arith.addi %scan3A_119, %scan3A_120 : i32
    %scan3A_122 = arith.constant 1 : i32
    %scan3A_123 = scf.for %scan3A_2019 = %scan3A_119 to %scan3A_121 step %scan3A_122 iter_args(%scan3A_2020 = %scan3A_118) -> (i32)  : i32 {
      %mul3A_2021 = arith.constant 16 : i32
      %mul3A_2022 = arith.muli %scan3A_2019, %mul3A_2021 : i32
      %add3A_2023 = arith.constant 0 : i32
      %add3A_2024 = arith.addi %add3A_2023, %mul3A_2022 : i32
      %get3A = arith.index_cast %add3A_2024 : i32 to index
      %get3A_2025 = tpu.vector_load %arg6[%get3A] {strides = array<i32>} : memref<2048xi32, #tpu.memory_space<vmem>>, vector<16xi32>,
      %get3A_2026 = arith.index_cast %add3A_2024 : i32 to index
      %get3A_2027 = tpu.vector_load %arg7[%get3A_2026] {strides = array<i32>} : memref<2048xi32, #tpu.memory_space<vmem>>, vector<16xi32>,
      %ge3A = vector.broadcast %mul3A_14 : i32 to vector<16xi32>
      %ge3A_2028 = arith.cmpi sge, %get3A_2025, %ge3A : vector<16xi32>
      %add3A_2029 = arith.constant 512 : i32
      %add3A_2030 = arith.addi %mul3A_14, %add3A_2029 : i32
      %lt3A = vector.broadcast %add3A_2030 : i32 to vector<16xi32>
      %lt3A_2031 = arith.cmpi slt, %get3A_2025, %lt3A : vector<16xi32>
      %and3A = arith.andi %ge3A_2028, %lt3A_2031 : vector<16xi1>
      %ne3A = arith.cmpi ne, %get3A_2025, %get3A_2027 : vector<16xi32>
      %and3A_2032 = arith.andi %and3A, %ne3A : vector<16xi1>
      %sub3A = vector.broadcast %mul3A_14 : i32 to vector<16xi32>
      %sub3A_2033 = arith.subi %get3A_2025, %sub3A : vector<16xi32>
      %mul3A_2034 = arith.constant 128 : i32
      %mul3A_2035 = vector.broadcast %mul3A_2034 : i32 to vector<16xi32>
      %mul3A_2036 = arith.muli %sub3A_2033, %mul3A_2035 : vector<16xi32>
      %shift_right_logical3A = arith.constant 4 : i32
      %shift_right_logical3A_2037 = vector.broadcast %shift_right_logical3A : i32 to vector<16xi32>
      %shift_right_logical3A_2038 = arith.shrui %get3A_2027, %shift_right_logical3A_2037 : vector<16xi32>
      %add3A_2039 = arith.addi %mul3A_2036, %shift_right_logical3A_2038 : vector<16xi32>
      %add3A_2040 = arith.constant 65536 : i32
      %add3A_2041 = vector.broadcast %add3A_2040 : i32 to vector<16xi32>
      %add3A_2042 = arith.addi %add3A_2041, %iota3A : vector<16xi32>
      %jit3A = arith.constant 8 : i32
      %eq3A_2043 = arith.constant 0 : i32
      %eq3A_2044 = arith.cmpi eq, %jit3A, %eq3A_2043 : i32
      %jit3A_2045 = arith.constant 1 : i32
      %select_n3A = arith.select %eq3A_2044, %jit3A_2045, %jit3A : i32
      %rem3A = arith.remsi %scan3A_2019, %select_n3A : i32
      %ne3A_2046 = arith.constant 0 : i32
      %ne3A_2047 = arith.cmpi ne, %rem3A, %ne3A_2046 : i32
      %lt3A_2048 = arith.constant 0 : i32
      %lt3A_2049 = arith.cmpi slt, %rem3A, %lt3A_2048 : i32
      %lt3A_2050 = arith.constant 0 : i32
      %lt3A_2051 = arith.cmpi slt, %select_n3A, %lt3A_2050 : i32
      %ne3A_2052 = arith.xori %lt3A_2049, %lt3A_2051 : i1
      %and3A_2053 = arith.andi %ne3A_2052, %ne3A_2047 : i1
      %add3A_2054 = arith.addi %rem3A, %select_n3A : i32
      %select_n3A_2055 = arith.select %and3A_2053, %add3A_2054, %rem3A : i32
      %mul3A_2056 = arith.constant 16 : i32
      %mul3A_2057 = arith.muli %select_n3A_2055, %mul3A_2056 : i32
      %add3A_2058 = vector.broadcast %mul3A_2057 : i32 to vector<16xi32>
      %add3A_2059 = arith.addi %add3A_2042, %add3A_2058 : vector<16xi32>
      %select_n3A_2060 = arith.select %and3A_2032, %add3A_2039, %add3A_2059 : vector<16xi1>, vector<16xi32>
      %jit3A_2061 = arith.constant 8 : i32
      %div3A = arith.divsi %scan3A_2019, %jit3A_2061 : i32
      %sign3A = arith.constant 0 : i32
      %sign3A_2062 = arith.cmpi sgt, %scan3A_2019, %sign3A : i32
      %sign3A_2063 = arith.extui %sign3A_2062 : i1 to i32
      %sign3A_2064 = arith.constant 0 : i32
      %sign3A_2065 = arith.cmpi slt, %scan3A_2019, %sign3A_2064 : i32
      %sign3A_2066 = arith.extui %sign3A_2065 : i1 to i32
      %sign3A_2067 = arith.subi %sign3A_2063, %sign3A_2066 : i32
      %sign3A_2068 = arith.constant 0 : i32
      %sign3A_2069 = arith.cmpi sgt, %jit3A_2061, %sign3A_2068 : i32
      %sign3A_2070 = arith.extui %sign3A_2069 : i1 to i32
      %sign3A_2071 = arith.constant 0 : i32
      %sign3A_2072 = arith.cmpi slt, %jit3A_2061, %sign3A_2071 : i32
      %sign3A_2073 = arith.extui %sign3A_2072 : i1 to i32
      %sign3A_2074 = arith.subi %sign3A_2070, %sign3A_2073 : i32
      %ne3A_2075 = arith.cmpi ne, %sign3A_2067, %sign3A_2074 : i32
      %rem3A_2076 = arith.remsi %scan3A_2019, %jit3A_2061 : i32
      %ne3A_2077 = arith.constant 0 : i32
      %ne3A_2078 = arith.cmpi ne, %rem3A_2076, %ne3A_2077 : i32
      %and3A_2079 = arith.andi %ne3A_2075, %ne3A_2078 : i1
      %sub3A_2080 = arith.constant 1 : i32
      %sub3A_2081 = arith.subi %div3A, %sub3A_2080 : i32
      %select_n3A_2082 = arith.select %and3A_2079, %sub3A_2081, %div3A : i32
      %jit3A_2083 = arith.constant 8 : i32
      %eq3A_2084 = arith.constant 0 : i32
      %eq3A_2085 = arith.cmpi eq, %jit3A_2083, %eq3A_2084 : i32
      %jit3A_2086 = arith.constant 1 : i32
      %select_n3A_2087 = arith.select %eq3A_2085, %jit3A_2086, %jit3A_2083 : i32
      %rem3A_2088 = arith.remsi %scan3A_2019, %select_n3A_2087 : i32
      %ne3A_2089 = arith.constant 0 : i32
      %ne3A_2090 = arith.cmpi ne, %rem3A_2088, %ne3A_2089 : i32
      %lt3A_2091 = arith.constant 0 : i32
      %lt3A_2092 = arith.cmpi slt, %rem3A_2088, %lt3A_2091 : i32
      %lt3A_2093 = arith.constant 0 : i32
      %lt3A_2094 = arith.cmpi slt, %select_n3A_2087, %lt3A_2093 : i32
      %ne3A_2095 = arith.xori %lt3A_2092, %lt3A_2094 : i1
      %and3A_2096 = arith.andi %ne3A_2095, %ne3A_2090 : i1
      %add3A_2097 = arith.addi %rem3A_2088, %select_n3A_2087 : i32
      %select_n3A_2098 = arith.select %and3A_2096, %add3A_2097, %rem3A_2088 : i32
      %mul3A_2099 = arith.constant 16 : i32
      %mul3A_2100 = arith.muli %select_n3A_2098, %mul3A_2099 : i32
      %swap3A = arith.constant 0 : i32
      %swap3A_2101 = arith.index_cast %swap3A : i32 to index
      %swap3A_2102 = arith.index_cast %select_n3A_2082 : i32 to index
      %swap3A_2103 = arith.index_cast %mul3A_2100 : i32 to index
      %swap3A_2104 = tpu.vector_load %arg10[%swap3A_2101, %swap3A_2102, %swap3A_2103] {strides = array<i32>} : memref<2x4x128xi32, #tpu.memory_space<vmem>>, vector<16xi32>,
      tpu.vector_store %arg10[%swap3A_2101, %swap3A_2102, %swap3A_2103], %select_n3A_2060 {strides = array<i32>} : memref<2x4x128xi32, #tpu.memory_space<vmem>>, vector<16xi32>,
      %shift_right_logical3A_2105 = arith.constant 4 : i32
      %shift_right_logical3A_2106 = vector.broadcast %shift_right_logical3A_2105 : i32 to vector<16xi32>
      %shift_right_logical3A_2107 = arith.shrui %sub3A_2033, %shift_right_logical3A_2106 : vector<16xi32>
      %add3A_2108 = arith.constant 65664 : i32
      %add3A_2109 = vector.broadcast %add3A_2108 : i32 to vector<16xi32>
      %add3A_2110 = arith.addi %add3A_2109, %shift_right_logical3A_2107 : vector<16xi32>
      %select_n3A_2111 = arith.select %and3A_2032, %add3A_2110, %add3A_2059 : vector<16xi1>, vector<16xi32>
      %jit3A_2112 = arith.constant 8 : i32
      %div3A_2113 = arith.divsi %scan3A_2019, %jit3A_2112 : i32
      %sign3A_2114 = arith.constant 0 : i32
      %sign3A_2115 = arith.cmpi sgt, %scan3A_2019, %sign3A_2114 : i32
      %sign3A_2116 = arith.extui %sign3A_2115 : i1 to i32
      %sign3A_2117 = arith.constant 0 : i32
      %sign3A_2118 = arith.cmpi slt, %scan3A_2019, %sign3A_2117 : i32
      %sign3A_2119 = arith.extui %sign3A_2118 : i1 to i32
      %sign3A_2120 = arith.subi %sign3A_2116, %sign3A_2119 : i32
      %sign3A_2121 = arith.constant 0 : i32
      %sign3A_2122 = arith.cmpi sgt, %jit3A_2112, %sign3A_2121 : i32
      %sign3A_2123 = arith.extui %sign3A_2122 : i1 to i32
      %sign3A_2124 = arith.constant 0 : i32
      %sign3A_2125 = arith.cmpi slt, %jit3A_2112, %sign3A_2124 : i32
      %sign3A_2126 = arith.extui %sign3A_2125 : i1 to i32
      %sign3A_2127 = arith.subi %sign3A_2123, %sign3A_2126 : i32
      %ne3A_2128 = arith.cmpi ne, %sign3A_2120, %sign3A_2127 : i32
      %rem3A_2129 = arith.remsi %scan3A_2019, %jit3A_2112 : i32
      %ne3A_2130 = arith.constant 0 : i32
      %ne3A_2131 = arith.cmpi ne, %rem3A_2129, %ne3A_2130 : i32
      %and3A_2132 = arith.andi %ne3A_2128, %ne3A_2131 : i1
      %sub3A_2133 = arith.constant 1 : i32
      %sub3A_2134 = arith.subi %div3A_2113, %sub3A_2133 : i32
      %select_n3A_2135 = arith.select %and3A_2132, %sub3A_2134, %div3A_2113 : i32
      %jit3A_2136 = arith.constant 8 : i32
      %eq3A_2137 = arith.constant 0 : i32
      %eq3A_2138 = arith.cmpi eq, %jit3A_2136, %eq3A_2137 : i32
      %jit3A_2139 = arith.constant 1 : i32
      %select_n3A_2140 = arith.select %eq3A_2138, %jit3A_2139, %jit3A_2136 : i32
      %rem3A_2141 = arith.remsi %scan3A_2019, %select_n3A_2140 : i32
      %ne3A_2142 = arith.constant 0 : i32
      %ne3A_2143 = arith.cmpi ne, %rem3A_2141, %ne3A_2142 : i32
      %lt3A_2144 = arith.constant 0 : i32
      %lt3A_2145 = arith.cmpi slt, %rem3A_2141, %lt3A_2144 : i32
      %lt3A_2146 = arith.constant 0 : i32
      %lt3A_2147 = arith.cmpi slt, %select_n3A_2140, %lt3A_2146 : i32
      %ne3A_2148 = arith.xori %lt3A_2145, %lt3A_2147 : i1
      %and3A_2149 = arith.andi %ne3A_2148, %ne3A_2143 : i1
      %add3A_2150 = arith.addi %rem3A_2141, %select_n3A_2140 : i32
      %select_n3A_2151 = arith.select %and3A_2149, %add3A_2150, %rem3A_2141 : i32
      %mul3A_2152 = arith.constant 16 : i32
      %mul3A_2153 = arith.muli %select_n3A_2151, %mul3A_2152 : i32
      %swap3A_2154 = arith.constant 0 : i32
      %swap3A_2155 = arith.index_cast %swap3A_2154 : i32 to index
      %swap3A_2156 = arith.index_cast %select_n3A_2135 : i32 to index
      %swap3A_2157 = arith.index_cast %mul3A_2153 : i32 to index
      %swap3A_2158 = tpu.vector_load %arg11[%swap3A_2155, %swap3A_2156, %swap3A_2157] {strides = array<i32>} : memref<2x4x128xi32, #tpu.memory_space<vmem>>, vector<16xi32>,
      tpu.vector_store %arg11[%swap3A_2155, %swap3A_2156, %swap3A_2157], %select_n3A_2111 {strides = array<i32>} : memref<2x4x128xi32, #tpu.memory_space<vmem>>, vector<16xi32>,
      %mul3A_2159 = arith.constant 16 : i32
      %mul3A_2160 = arith.muli %scan3A_2019, %mul3A_2159 : i32
      %add3A_2161 = vector.broadcast %mul3A_2160 : i32 to vector<16xi32>
      %add3A_2162 = arith.addi %iota3A, %add3A_2161 : vector<16xi32>
      %and3A_2163 = arith.constant 15 : i32
      %and3A_2164 = vector.broadcast %and3A_2163 : i32 to vector<16xi32>
      %and3A_2165 = arith.andi %get3A_2027, %and3A_2164 : vector<16xi32>
      %scatter3A = arith.constant 0 : i32
      %scatter3A_2166 = arith.constant 0 : i32
      %scatter3A_2167 = arith.constant 0 : i32
      %scatter3A_2168 = tpu.memref_slice %arg8[%scatter3A, %scatter3A_2166, %scatter3A_2167] : memref<2x512x16xf32, #tpu.memory_space<vmem>> -> memref<1x512x16xf32, #tpu.memory_space<vmem>>
      %scatter3A_2169 = tpu.memref_squeeze %scatter3A_2168 : memref<1x512x16xf32, #tpu.memory_space<vmem>> -> memref<512x16xf32, #tpu.memory_space<vmem>>
      tpu.vector_store_idx %scatter3A_2169[%add3A_2162, %and3A_2165], %broadcast_in_dim3A_5 : memref<512x16xf32, #tpu.memory_space<vmem>>[vector<16xi32>, vector<16xi32>], vector<16xf32>,
      %and3A_2170 = arith.constant 15 : i32
      %and3A_2171 = vector.broadcast %and3A_2170 : i32 to vector<16xi32>
      %and3A_2172 = arith.andi %sub3A_2033, %and3A_2171 : vector<16xi32>
      %scatter3A_2173 = arith.constant 0 : i32
      %scatter3A_2174 = arith.constant 0 : i32
      %scatter3A_2175 = arith.constant 0 : i32
      %scatter3A_2176 = tpu.memref_slice %arg9[%scatter3A_2173, %scatter3A_2174, %scatter3A_2175] : memref<2x512x16xf32, #tpu.memory_space<vmem>> -> memref<1x512x16xf32, #tpu.memory_space<vmem>>
      %scatter3A_2177 = tpu.memref_squeeze %scatter3A_2176 : memref<1x512x16xf32, #tpu.memory_space<vmem>> -> memref<512x16xf32, #tpu.memory_space<vmem>>
      tpu.vector_store_idx %scatter3A_2177[%add3A_2162, %and3A_2172], %broadcast_in_dim3A_5 : memref<512x16xf32, #tpu.memory_space<vmem>>[vector<16xi32>, vector<16xi32>], vector<16xf32>,
      %scan3A_2178 = arith.constant 0 : i32
      scf.yield %scan3A_2178 : i32
    }
    %scan3A_124 = arith.constant 32 : i32
    %dma_start3A_125 = arith.constant 0 : i32
    %dma_start3A_126 = arith.constant 0 : i32
    %dma_start3A_127 = arith.constant 0 : i32
    %dma_start3A_128 = arith.constant 0 : i32
    %dma_start3A_129 = arith.constant 0 : i32
    %dma_start3A_130 = tpu.memref_slice %arg8[%dma_start3A_125, %dma_start3A_128, %dma_start3A_129] : memref<2x512x16xf32, #tpu.memory_space<vmem>> -> memref<1x128x16xf32, #tpu.memory_space<vmem>>
    %dma_start3A_131 = tpu.memref_squeeze %dma_start3A_130 : memref<1x128x16xf32, #tpu.memory_space<vmem>> -> memref<128x16xf32, #tpu.memory_space<vmem>>
    %dma_start3A_132 = arith.constant 0 : i32
    %dma_start3A_133 = tpu.memref_slice %arg10[%dma_start3A_126, %dma_start3A_127, %dma_start3A_132] : memref<2x4x128xi32, #tpu.memory_space<vmem>> -> memref<1x1x128xi32, #tpu.memory_space<vmem>>
    %dma_start3A_134 = tpu.memref_squeeze %dma_start3A_133 : memref<1x1x128xi32, #tpu.memory_space<vmem>> -> memref<128xi32, #tpu.memory_space<vmem>>
    %dma_start3A_135 = arith.constant 0 : i32
    %dma_start3A_136 = arith.constant 0 : i32
    %dma_start3A_137 = tpu.memref_slice %arg13[%dma_start3A_135, %dma_start3A_136] : memref<65696x16xf32, #tpu.memory_space<vmem_shared>> -> memref<65696x16xf32, #tpu.memory_space<vmem_shared>>
    tpu.enqueue_indirect_dma source(%dma_start3A_131 : memref<128x16xf32, #tpu.memory_space<vmem>>) target(%dma_start3A_137 : memref<65696x16xf32, #tpu.memory_space<vmem_shared>>) offsets(%dma_start3A_134 : memref<128xi32, #tpu.memory_space<vmem>>) semaphore(%arg14 : memref<!tpu.dma_semaphore, #tpu.memory_space<semaphore_mem>>) {add = true}
    %dma_start3A_138 = arith.constant 0 : i32
    %dma_start3A_139 = arith.constant 0 : i32
    %dma_start3A_140 = arith.constant 0 : i32
    %dma_start3A_141 = arith.constant 0 : i32
    %dma_start3A_142 = arith.constant 0 : i32
    %dma_start3A_143 = tpu.memref_slice %arg9[%dma_start3A_138, %dma_start3A_141, %dma_start3A_142] : memref<2x512x16xf32, #tpu.memory_space<vmem>> -> memref<1x128x16xf32, #tpu.memory_space<vmem>>
    %dma_start3A_144 = tpu.memref_squeeze %dma_start3A_143 : memref<1x128x16xf32, #tpu.memory_space<vmem>> -> memref<128x16xf32, #tpu.memory_space<vmem>>
    %dma_start3A_145 = arith.constant 0 : i32
    %dma_start3A_146 = tpu.memref_slice %arg11[%dma_start3A_139, %dma_start3A_140, %dma_start3A_145] : memref<2x4x128xi32, #tpu.memory_space<vmem>> -> memref<1x1x128xi32, #tpu.memory_space<vmem>>
    %dma_start3A_147 = tpu.memref_squeeze %dma_start3A_146 : memref<1x1x128xi32, #tpu.memory_space<vmem>> -> memref<128xi32, #tpu.memory_space<vmem>>
    %dma_start3A_148 = arith.constant 0 : i32
    %dma_start3A_149 = arith.constant 0 : i32
    %dma_start3A_150 = tpu.memref_slice %arg13[%dma_start3A_148, %dma_start3A_149] : memref<65696x16xf32, #tpu.memory_space<vmem_shared>> -> memref<65696x16xf32, #tpu.memory_space<vmem_shared>>
    tpu.enqueue_indirect_dma source(%dma_start3A_144 : memref<128x16xf32, #tpu.memory_space<vmem>>) target(%dma_start3A_150 : memref<65696x16xf32, #tpu.memory_space<vmem_shared>>) offsets(%dma_start3A_147 : memref<128xi32, #tpu.memory_space<vmem>>) semaphore(%arg14 : memref<!tpu.dma_semaphore, #tpu.memory_space<semaphore_mem>>) {add = true}
    %dma_start3A_151 = arith.constant 0 : i32
    %dma_start3A_152 = arith.constant 0 : i32
    %dma_start3A_153 = arith.constant 1 : i32
    %dma_start3A_154 = arith.constant 128 : i32
    %dma_start3A_155 = arith.constant 0 : i32
    %dma_start3A_156 = tpu.memref_slice %arg8[%dma_start3A_151, %dma_start3A_154, %dma_start3A_155] : memref<2x512x16xf32, #tpu.memory_space<vmem>> -> memref<1x128x16xf32, #tpu.memory_space<vmem>>
    %dma_start3A_157 = tpu.memref_squeeze %dma_start3A_156 : memref<1x128x16xf32, #tpu.memory_space<vmem>> -> memref<128x16xf32, #tpu.memory_space<vmem>>
    %dma_start3A_158 = arith.constant 0 : i32
    %dma_start3A_159 = tpu.memref_slice %arg10[%dma_start3A_152, %dma_start3A_153, %dma_start3A_158] : memref<2x4x128xi32, #tpu.memory_space<vmem>> -> memref<1x1x128xi32, #tpu.memory_space<vmem>>
    %dma_start3A_160 = tpu.memref_squeeze %dma_start3A_159 : memref<1x1x128xi32, #tpu.memory_space<vmem>> -> memref<128xi32, #tpu.memory_space<vmem>>
    %dma_start3A_161 = arith.constant 0 : i32
    %dma_start3A_162 = arith.constant 0 : i32
    %dma_start3A_163 = tpu.memref_slice %arg13[%dma_start3A_161, %dma_start3A_162] : memref<65696x16xf32, #tpu.memory_space<vmem_shared>> -> memref<65696x16xf32, #tpu.memory_space<vmem_shared>>
    tpu.enqueue_indirect_dma source(%dma_start3A_157 : memref<128x16xf32, #tpu.memory_space<vmem>>) target(%dma_start3A_163 : memref<65696x16xf32, #tpu.memory_space<vmem_shared>>) offsets(%dma_start3A_160 : memref<128xi32, #tpu.memory_space<vmem>>) semaphore(%arg14 : memref<!tpu.dma_semaphore, #tpu.memory_space<semaphore_mem>>) {add = true}
    %dma_start3A_164 = arith.constant 0 : i32
    %dma_start3A_165 = arith.constant 0 : i32
    %dma_start3A_166 = arith.constant 1 : i32
    %dma_start3A_167 = arith.constant 128 : i32
    %dma_start3A_168 = arith.constant 0 : i32
    %dma_start3A_169 = tpu.memref_slice %arg9[%dma_start3A_164, %dma_start3A_167, %dma_start3A_168] : memref<2x512x16xf32, #tpu.memory_space<vmem>> -> memref<1x128x16xf32, #tpu.memory_space<vmem>>
    %dma_start3A_170 = tpu.memref_squeeze %dma_start3A_169 : memref<1x128x16xf32, #tpu.memory_space<vmem>> -> memref<128x16xf32, #tpu.memory_space<vmem>>
    %dma_start3A_171 = arith.constant 0 : i32
    %dma_start3A_172 = tpu.memref_slice %arg11[%dma_start3A_165, %dma_start3A_166, %dma_start3A_171] : memref<2x4x128xi32, #tpu.memory_space<vmem>> -> memref<1x1x128xi32, #tpu.memory_space<vmem>>
    %dma_start3A_173 = tpu.memref_squeeze %dma_start3A_172 : memref<1x1x128xi32, #tpu.memory_space<vmem>> -> memref<128xi32, #tpu.memory_space<vmem>>
    %dma_start3A_174 = arith.constant 0 : i32
    %dma_start3A_175 = arith.constant 0 : i32
    %dma_start3A_176 = tpu.memref_slice %arg13[%dma_start3A_174, %dma_start3A_175] : memref<65696x16xf32, #tpu.memory_space<vmem_shared>> -> memref<65696x16xf32, #tpu.memory_space<vmem_shared>>
    tpu.enqueue_indirect_dma source(%dma_start3A_170 : memref<128x16xf32, #tpu.memory_space<vmem>>) target(%dma_start3A_176 : memref<65696x16xf32, #tpu.memory_space<vmem_shared>>) offsets(%dma_start3A_173 : memref<128xi32, #tpu.memory_space<vmem>>) semaphore(%arg14 : memref<!tpu.dma_semaphore, #tpu.memory_space<semaphore_mem>>) {add = true}
    %dma_start3A_177 = arith.constant 0 : i32
    %dma_start3A_178 = arith.constant 0 : i32
    %dma_start3A_179 = arith.constant 2 : i32
    %dma_start3A_180 = arith.constant 256 : i32
    %dma_start3A_181 = arith.constant 0 : i32
    %dma_start3A_182 = tpu.memref_slice %arg8[%dma_start3A_177, %dma_start3A_180, %dma_start3A_181] : memref<2x512x16xf32, #tpu.memory_space<vmem>> -> memref<1x128x16xf32, #tpu.memory_space<vmem>>
    %dma_start3A_183 = tpu.memref_squeeze %dma_start3A_182 : memref<1x128x16xf32, #tpu.memory_space<vmem>> -> memref<128x16xf32, #tpu.memory_space<vmem>>
    %dma_start3A_184 = arith.constant 0 : i32
    %dma_start3A_185 = tpu.memref_slice %arg10[%dma_start3A_178, %dma_start3A_179, %dma_start3A_184] : memref<2x4x128xi32, #tpu.memory_space<vmem>> -> memref<1x1x128xi32, #tpu.memory_space<vmem>>
    %dma_start3A_186 = tpu.memref_squeeze %dma_start3A_185 : memref<1x1x128xi32, #tpu.memory_space<vmem>> -> memref<128xi32, #tpu.memory_space<vmem>>
    %dma_start3A_187 = arith.constant 0 : i32
    %dma_start3A_188 = arith.constant 0 : i32
    %dma_start3A_189 = tpu.memref_slice %arg13[%dma_start3A_187, %dma_start3A_188] : memref<65696x16xf32, #tpu.memory_space<vmem_shared>> -> memref<65696x16xf32, #tpu.memory_space<vmem_shared>>
    tpu.enqueue_indirect_dma source(%dma_start3A_183 : memref<128x16xf32, #tpu.memory_space<vmem>>) target(%dma_start3A_189 : memref<65696x16xf32, #tpu.memory_space<vmem_shared>>) offsets(%dma_start3A_186 : memref<128xi32, #tpu.memory_space<vmem>>) semaphore(%arg14 : memref<!tpu.dma_semaphore, #tpu.memory_space<semaphore_mem>>) {add = true}
    %dma_start3A_190 = arith.constant 0 : i32
    %dma_start3A_191 = arith.constant 0 : i32
    %dma_start3A_192 = arith.constant 2 : i32
    %dma_start3A_193 = arith.constant 256 : i32
    %dma_start3A_194 = arith.constant 0 : i32
    %dma_start3A_195 = tpu.memref_slice %arg9[%dma_start3A_190, %dma_start3A_193, %dma_start3A_194] : memref<2x512x16xf32, #tpu.memory_space<vmem>> -> memref<1x128x16xf32, #tpu.memory_space<vmem>>
    %dma_start3A_196 = tpu.memref_squeeze %dma_start3A_195 : memref<1x128x16xf32, #tpu.memory_space<vmem>> -> memref<128x16xf32, #tpu.memory_space<vmem>>
    %dma_start3A_197 = arith.constant 0 : i32
    %dma_start3A_198 = tpu.memref_slice %arg11[%dma_start3A_191, %dma_start3A_192, %dma_start3A_197] : memref<2x4x128xi32, #tpu.memory_space<vmem>> -> memref<1x1x128xi32, #tpu.memory_space<vmem>>
    %dma_start3A_199 = tpu.memref_squeeze %dma_start3A_198 : memref<1x1x128xi32, #tpu.memory_space<vmem>> -> memref<128xi32, #tpu.memory_space<vmem>>
    %dma_start3A_200 = arith.constant 0 : i32
    %dma_start3A_201 = arith.constant 0 : i32
    %dma_start3A_202 = tpu.memref_slice %arg13[%dma_start3A_200, %dma_start3A_201] : memref<65696x16xf32, #tpu.memory_space<vmem_shared>> -> memref<65696x16xf32, #tpu.memory_space<vmem_shared>>
    tpu.enqueue_indirect_dma source(%dma_start3A_196 : memref<128x16xf32, #tpu.memory_space<vmem>>) target(%dma_start3A_202 : memref<65696x16xf32, #tpu.memory_space<vmem_shared>>) offsets(%dma_start3A_199 : memref<128xi32, #tpu.memory_space<vmem>>) semaphore(%arg14 : memref<!tpu.dma_semaphore, #tpu.memory_space<semaphore_mem>>) {add = true}
    %dma_start3A_203 = arith.constant 0 : i32
    %dma_start3A_204 = arith.constant 0 : i32
    %dma_start3A_205 = arith.constant 3 : i32
    %dma_start3A_206 = arith.constant 384 : i32
    %dma_start3A_207 = arith.constant 0 : i32
    %dma_start3A_208 = tpu.memref_slice %arg8[%dma_start3A_203, %dma_start3A_206, %dma_start3A_207] : memref<2x512x16xf32, #tpu.memory_space<vmem>> -> memref<1x128x16xf32, #tpu.memory_space<vmem>>
    %dma_start3A_209 = tpu.memref_squeeze %dma_start3A_208 : memref<1x128x16xf32, #tpu.memory_space<vmem>> -> memref<128x16xf32, #tpu.memory_space<vmem>>
    %dma_start3A_210 = arith.constant 0 : i32
    %dma_start3A_211 = tpu.memref_slice %arg10[%dma_start3A_204, %dma_start3A_205, %dma_start3A_210] : memref<2x4x128xi32, #tpu.memory_space<vmem>> -> memref<1x1x128xi32, #tpu.memory_space<vmem>>
    %dma_start3A_212 = tpu.memref_squeeze %dma_start3A_211 : memref<1x1x128xi32, #tpu.memory_space<vmem>> -> memref<128xi32, #tpu.memory_space<vmem>>
    %dma_start3A_213 = arith.constant 0 : i32
    %dma_start3A_214 = arith.constant 0 : i32
    %dma_start3A_215 = tpu.memref_slice %arg13[%dma_start3A_213, %dma_start3A_214] : memref<65696x16xf32, #tpu.memory_space<vmem_shared>> -> memref<65696x16xf32, #tpu.memory_space<vmem_shared>>
    tpu.enqueue_indirect_dma source(%dma_start3A_209 : memref<128x16xf32, #tpu.memory_space<vmem>>) target(%dma_start3A_215 : memref<65696x16xf32, #tpu.memory_space<vmem_shared>>) offsets(%dma_start3A_212 : memref<128xi32, #tpu.memory_space<vmem>>) semaphore(%arg14 : memref<!tpu.dma_semaphore, #tpu.memory_space<semaphore_mem>>) {add = true}
    %dma_start3A_216 = arith.constant 0 : i32
    %dma_start3A_217 = arith.constant 0 : i32
    %dma_start3A_218 = arith.constant 3 : i32
    %dma_start3A_219 = arith.constant 384 : i32
    %dma_start3A_220 = arith.constant 0 : i32
    %dma_start3A_221 = tpu.memref_slice %arg9[%dma_start3A_216, %dma_start3A_219, %dma_start3A_220] : memref<2x512x16xf32, #tpu.memory_space<vmem>> -> memref<1x128x16xf32, #tpu.memory_space<vmem>>
    %dma_start3A_222 = tpu.memref_squeeze %dma_start3A_221 : memref<1x128x16xf32, #tpu.memory_space<vmem>> -> memref<128x16xf32, #tpu.memory_space<vmem>>
    %dma_start3A_223 = arith.constant 0 : i32
    %dma_start3A_224 = tpu.memref_slice %arg11[%dma_start3A_217, %dma_start3A_218, %dma_start3A_223] : memref<2x4x128xi32, #tpu.memory_space<vmem>> -> memref<1x1x128xi32, #tpu.memory_space<vmem>>
    %dma_start3A_225 = tpu.memref_squeeze %dma_start3A_224 : memref<1x1x128xi32, #tpu.memory_space<vmem>> -> memref<128xi32, #tpu.memory_space<vmem>>
    %dma_start3A_226 = arith.constant 0 : i32
    %dma_start3A_227 = arith.constant 0 : i32
    %dma_start3A_228 = tpu.memref_slice %arg13[%dma_start3A_226, %dma_start3A_227] : memref<65696x16xf32, #tpu.memory_space<vmem_shared>> -> memref<65696x16xf32, #tpu.memory_space<vmem_shared>>
    tpu.enqueue_indirect_dma source(%dma_start3A_222 : memref<128x16xf32, #tpu.memory_space<vmem>>) target(%dma_start3A_228 : memref<65696x16xf32, #tpu.memory_space<vmem_shared>>) offsets(%dma_start3A_225 : memref<128xi32, #tpu.memory_space<vmem>>) semaphore(%arg14 : memref<!tpu.dma_semaphore, #tpu.memory_space<semaphore_mem>>) {add = true}
    %scan3A_229 = arith.constant 0 : i32
    %scan3A_230 = arith.constant 0 : i32
    %scan3A_231 = arith.constant 512 : i32
    %scan3A_232 = arith.addi %scan3A_230, %scan3A_231 : i32
    %scan3A_233 = arith.constant 1 : i32
    %scan3A_234 = scf.for %scan3A_2019 = %scan3A_230 to %scan3A_232 step %scan3A_233 iter_args(%scan3A_2020 = %scan3A_229) -> (i32)  : i32 {
      %swap3A = arith.constant 1 : i32
      %swap3A_2021 = arith.index_cast %swap3A : i32 to index
      %swap3A_2022 = arith.index_cast %scan3A_2019 : i32 to index
      %swap3A_2023 = arith.constant 0 : index
      %swap3A_2024 = tpu.vector_load %arg8[%swap3A_2021, %swap3A_2022, %swap3A_2023] {strides = array<i32>} : memref<2x512x16xf32, #tpu.memory_space<vmem>>, vector<16xf32>,
      tpu.vector_store %arg8[%swap3A_2021, %swap3A_2022, %swap3A_2023], %broadcast_in_dim3A_3 {strides = array<i32>} : memref<2x512x16xf32, #tpu.memory_space<vmem>>, vector<16xf32>,
      %swap3A_2025 = arith.constant 1 : i32
      %swap3A_2026 = arith.index_cast %swap3A_2025 : i32 to index
      %swap3A_2027 = arith.index_cast %scan3A_2019 : i32 to index
      %swap3A_2028 = arith.constant 0 : index
      %swap3A_2029 = tpu.vector_load %arg9[%swap3A_2026, %swap3A_2027, %swap3A_2028] {strides = array<i32>} : memref<2x512x16xf32, #tpu.memory_space<vmem>>, vector<16xf32>,
      tpu.vector_store %arg9[%swap3A_2026, %swap3A_2027, %swap3A_2028], %broadcast_in_dim3A_3 {strides = array<i32>} : memref<2x512x16xf32, #tpu.memory_space<vmem>>, vector<16xf32>,
      %scan3A_2030 = arith.constant 0 : i32
      scf.yield %scan3A_2030 : i32
    }
    %scan3A_235 = arith.constant 512 : i32
    %scan3A_236 = arith.constant 0 : i32
    %scan3A_237 = arith.constant 0 : i32
    %scan3A_238 = arith.constant 32 : i32
    %scan3A_239 = arith.addi %scan3A_237, %scan3A_238 : i32
    %scan3A_240 = arith.constant 1 : i32
    %scan3A_241 = scf.for %scan3A_2019 = %scan3A_237 to %scan3A_239 step %scan3A_240 iter_args(%scan3A_2020 = %scan3A_236) -> (i32)  : i32 {
      %mul3A_2021 = arith.constant 16 : i32
      %mul3A_2022 = arith.muli %scan3A_2019, %mul3A_2021 : i32
      %add3A_2023 = arith.constant 512 : i32
      %add3A_2024 = arith.addi %add3A_2023, %mul3A_2022 : i32
      %get3A = arith.index_cast %add3A_2024 : i32 to index
      %get3A_2025 = tpu.vector_load %arg6[%get3A] {strides = array<i32>} : memref<2048xi32, #tpu.memory_space<vmem>>, vector<16xi32>,
      %get3A_2026 = arith.index_cast %add3A_2024 : i32 to index
      %get3A_2027 = tpu.vector_load %arg7[%get3A_2026] {strides = array<i32>} : memref<2048xi32, #tpu.memory_space<vmem>>, vector<16xi32>,
      %ge3A = vector.broadcast %mul3A_14 : i32 to vector<16xi32>
      %ge3A_2028 = arith.cmpi sge, %get3A_2025, %ge3A : vector<16xi32>
      %add3A_2029 = arith.constant 512 : i32
      %add3A_2030 = arith.addi %mul3A_14, %add3A_2029 : i32
      %lt3A = vector.broadcast %add3A_2030 : i32 to vector<16xi32>
      %lt3A_2031 = arith.cmpi slt, %get3A_2025, %lt3A : vector<16xi32>
      %and3A = arith.andi %ge3A_2028, %lt3A_2031 : vector<16xi1>
      %ne3A = arith.cmpi ne, %get3A_2025, %get3A_2027 : vector<16xi32>
      %and3A_2032 = arith.andi %and3A, %ne3A : vector<16xi1>
      %sub3A = vector.broadcast %mul3A_14 : i32 to vector<16xi32>
      %sub3A_2033 = arith.subi %get3A_2025, %sub3A : vector<16xi32>
      %mul3A_2034 = arith.constant 128 : i32
      %mul3A_2035 = vector.broadcast %mul3A_2034 : i32 to vector<16xi32>
      %mul3A_2036 = arith.muli %sub3A_2033, %mul3A_2035 : vector<16xi32>
      %shift_right_logical3A = arith.constant 4 : i32
      %shift_right_logical3A_2037 = vector.broadcast %shift_right_logical3A : i32 to vector<16xi32>
      %shift_right_logical3A_2038 = arith.shrui %get3A_2027, %shift_right_logical3A_2037 : vector<16xi32>
      %add3A_2039 = arith.addi %mul3A_2036, %shift_right_logical3A_2038 : vector<16xi32>
      %add3A_2040 = arith.constant 65536 : i32
      %add3A_2041 = vector.broadcast %add3A_2040 : i32 to vector<16xi32>
      %add3A_2042 = arith.addi %add3A_2041, %iota3A : vector<16xi32>
      %jit3A = arith.constant 8 : i32
      %eq3A_2043 = arith.constant 0 : i32
      %eq3A_2044 = arith.cmpi eq, %jit3A, %eq3A_2043 : i32
      %jit3A_2045 = arith.constant 1 : i32
      %select_n3A = arith.select %eq3A_2044, %jit3A_2045, %jit3A : i32
      %rem3A = arith.remsi %scan3A_2019, %select_n3A : i32
      %ne3A_2046 = arith.constant 0 : i32
      %ne3A_2047 = arith.cmpi ne, %rem3A, %ne3A_2046 : i32
      %lt3A_2048 = arith.constant 0 : i32
      %lt3A_2049 = arith.cmpi slt, %rem3A, %lt3A_2048 : i32
      %lt3A_2050 = arith.constant 0 : i32
      %lt3A_2051 = arith.cmpi slt, %select_n3A, %lt3A_2050 : i32
      %ne3A_2052 = arith.xori %lt3A_2049, %lt3A_2051 : i1
      %and3A_2053 = arith.andi %ne3A_2052, %ne3A_2047 : i1
      %add3A_2054 = arith.addi %rem3A, %select_n3A : i32
      %select_n3A_2055 = arith.select %and3A_2053, %add3A_2054, %rem3A : i32
      %mul3A_2056 = arith.constant 16 : i32
      %mul3A_2057 = arith.muli %select_n3A_2055, %mul3A_2056 : i32
      %add3A_2058 = vector.broadcast %mul3A_2057 : i32 to vector<16xi32>
      %add3A_2059 = arith.addi %add3A_2042, %add3A_2058 : vector<16xi32>
      %select_n3A_2060 = arith.select %and3A_2032, %add3A_2039, %add3A_2059 : vector<16xi1>, vector<16xi32>
      %jit3A_2061 = arith.constant 8 : i32
      %div3A = arith.divsi %scan3A_2019, %jit3A_2061 : i32
      %sign3A = arith.constant 0 : i32
      %sign3A_2062 = arith.cmpi sgt, %scan3A_2019, %sign3A : i32
      %sign3A_2063 = arith.extui %sign3A_2062 : i1 to i32
      %sign3A_2064 = arith.constant 0 : i32
      %sign3A_2065 = arith.cmpi slt, %scan3A_2019, %sign3A_2064 : i32
      %sign3A_2066 = arith.extui %sign3A_2065 : i1 to i32
      %sign3A_2067 = arith.subi %sign3A_2063, %sign3A_2066 : i32
      %sign3A_2068 = arith.constant 0 : i32
      %sign3A_2069 = arith.cmpi sgt, %jit3A_2061, %sign3A_2068 : i32
      %sign3A_2070 = arith.extui %sign3A_2069 : i1 to i32
      %sign3A_2071 = arith.constant 0 : i32
      %sign3A_2072 = arith.cmpi slt, %jit3A_2061, %sign3A_2071 : i32
      %sign3A_2073 = arith.extui %sign3A_2072 : i1 to i32
      %sign3A_2074 = arith.subi %sign3A_2070, %sign3A_2073 : i32
      %ne3A_2075 = arith.cmpi ne, %sign3A_2067, %sign3A_2074 : i32
      %rem3A_2076 = arith.remsi %scan3A_2019, %jit3A_2061 : i32
      %ne3A_2077 = arith.constant 0 : i32
      %ne3A_2078 = arith.cmpi ne, %rem3A_2076, %ne3A_2077 : i32
      %and3A_2079 = arith.andi %ne3A_2075, %ne3A_2078 : i1
      %sub3A_2080 = arith.constant 1 : i32
      %sub3A_2081 = arith.subi %div3A, %sub3A_2080 : i32
      %select_n3A_2082 = arith.select %and3A_2079, %sub3A_2081, %div3A : i32
      %jit3A_2083 = arith.constant 8 : i32
      %eq3A_2084 = arith.constant 0 : i32
      %eq3A_2085 = arith.cmpi eq, %jit3A_2083, %eq3A_2084 : i32
      %jit3A_2086 = arith.constant 1 : i32
      %select_n3A_2087 = arith.select %eq3A_2085, %jit3A_2086, %jit3A_2083 : i32
      %rem3A_2088 = arith.remsi %scan3A_2019, %select_n3A_2087 : i32
      %ne3A_2089 = arith.constant 0 : i32
      %ne3A_2090 = arith.cmpi ne, %rem3A_2088, %ne3A_2089 : i32
      %lt3A_2091 = arith.constant 0 : i32
      %lt3A_2092 = arith.cmpi slt, %rem3A_2088, %lt3A_2091 : i32
      %lt3A_2093 = arith.constant 0 : i32
      %lt3A_2094 = arith.cmpi slt, %select_n3A_2087, %lt3A_2093 : i32
      %ne3A_2095 = arith.xori %lt3A_2092, %lt3A_2094 : i1
      %and3A_2096 = arith.andi %ne3A_2095, %ne3A_2090 : i1
      %add3A_2097 = arith.addi %rem3A_2088, %select_n3A_2087 : i32
      %select_n3A_2098 = arith.select %and3A_2096, %add3A_2097, %rem3A_2088 : i32
      %mul3A_2099 = arith.constant 16 : i32
      %mul3A_2100 = arith.muli %select_n3A_2098, %mul3A_2099 : i32
      %swap3A = arith.constant 1 : i32
      %swap3A_2101 = arith.index_cast %swap3A : i32 to index
      %swap3A_2102 = arith.index_cast %select_n3A_2082 : i32 to index
      %swap3A_2103 = arith.index_cast %mul3A_2100 : i32 to index
      %swap3A_2104 = tpu.vector_load %arg10[%swap3A_2101, %swap3A_2102, %swap3A_2103] {strides = array<i32>} : memref<2x4x128xi32, #tpu.memory_space<vmem>>, vector<16xi32>,
      tpu.vector_store %arg10[%swap3A_2101, %swap3A_2102, %swap3A_2103], %select_n3A_2060 {strides = array<i32>} : memref<2x4x128xi32, #tpu.memory_space<vmem>>, vector<16xi32>,
      %shift_right_logical3A_2105 = arith.constant 4 : i32
      %shift_right_logical3A_2106 = vector.broadcast %shift_right_logical3A_2105 : i32 to vector<16xi32>
      %shift_right_logical3A_2107 = arith.shrui %sub3A_2033, %shift_right_logical3A_2106 : vector<16xi32>
      %add3A_2108 = arith.constant 65664 : i32
      %add3A_2109 = vector.broadcast %add3A_2108 : i32 to vector<16xi32>
      %add3A_2110 = arith.addi %add3A_2109, %shift_right_logical3A_2107 : vector<16xi32>
      %select_n3A_2111 = arith.select %and3A_2032, %add3A_2110, %add3A_2059 : vector<16xi1>, vector<16xi32>
      %jit3A_2112 = arith.constant 8 : i32
      %div3A_2113 = arith.divsi %scan3A_2019, %jit3A_2112 : i32
      %sign3A_2114 = arith.constant 0 : i32
      %sign3A_2115 = arith.cmpi sgt, %scan3A_2019, %sign3A_2114 : i32
      %sign3A_2116 = arith.extui %sign3A_2115 : i1 to i32
      %sign3A_2117 = arith.constant 0 : i32
      %sign3A_2118 = arith.cmpi slt, %scan3A_2019, %sign3A_2117 : i32
      %sign3A_2119 = arith.extui %sign3A_2118 : i1 to i32
      %sign3A_2120 = arith.subi %sign3A_2116, %sign3A_2119 : i32
      %sign3A_2121 = arith.constant 0 : i32
      %sign3A_2122 = arith.cmpi sgt, %jit3A_2112, %sign3A_2121 : i32
      %sign3A_2123 = arith.extui %sign3A_2122 : i1 to i32
      %sign3A_2124 = arith.constant 0 : i32
      %sign3A_2125 = arith.cmpi slt, %jit3A_2112, %sign3A_2124 : i32
      %sign3A_2126 = arith.extui %sign3A_2125 : i1 to i32
      %sign3A_2127 = arith.subi %sign3A_2123, %sign3A_2126 : i32
      %ne3A_2128 = arith.cmpi ne, %sign3A_2120, %sign3A_2127 : i32
      %rem3A_2129 = arith.remsi %scan3A_2019, %jit3A_2112 : i32
      %ne3A_2130 = arith.constant 0 : i32
      %ne3A_2131 = arith.cmpi ne, %rem3A_2129, %ne3A_2130 : i32
      %and3A_2132 = arith.andi %ne3A_2128, %ne3A_2131 : i1
      %sub3A_2133 = arith.constant 1 : i32
      %sub3A_2134 = arith.subi %div3A_2113, %sub3A_2133 : i32
      %select_n3A_2135 = arith.select %and3A_2132, %sub3A_2134, %div3A_2113 : i32
      %jit3A_2136 = arith.constant 8 : i32
      %eq3A_2137 = arith.constant 0 : i32
      %eq3A_2138 = arith.cmpi eq, %jit3A_2136, %eq3A_2137 : i32
      %jit3A_2139 = arith.constant 1 : i32
      %select_n3A_2140 = arith.select %eq3A_2138, %jit3A_2139, %jit3A_2136 : i32
      %rem3A_2141 = arith.remsi %scan3A_2019, %select_n3A_2140 : i32
      %ne3A_2142 = arith.constant 0 : i32
      %ne3A_2143 = arith.cmpi ne, %rem3A_2141, %ne3A_2142 : i32
      %lt3A_2144 = arith.constant 0 : i32
      %lt3A_2145 = arith.cmpi slt, %rem3A_2141, %lt3A_2144 : i32
      %lt3A_2146 = arith.constant 0 : i32
      %lt3A_2147 = arith.cmpi slt, %select_n3A_2140, %lt3A_2146 : i32
      %ne3A_2148 = arith.xori %lt3A_2145, %lt3A_2147 : i1
      %and3A_2149 = arith.andi %ne3A_2148, %ne3A_2143 : i1
      %add3A_2150 = arith.addi %rem3A_2141, %select_n3A_2140 : i32
      %select_n3A_2151 = arith.select %and3A_2149, %add3A_2150, %rem3A_2141 : i32
      %mul3A_2152 = arith.constant 16 : i32
      %mul3A_2153 = arith.muli %select_n3A_2151, %mul3A_2152 : i32
      %swap3A_2154 = arith.constant 1 : i32
      %swap3A_2155 = arith.index_cast %swap3A_2154 : i32 to index
      %swap3A_2156 = arith.index_cast %select_n3A_2135 : i32 to index
      %swap3A_2157 = arith.index_cast %mul3A_2153 : i32 to index
      %swap3A_2158 = tpu.vector_load %arg11[%swap3A_2155, %swap3A_2156, %swap3A_2157] {strides = array<i32>} : memref<2x4x128xi32, #tpu.memory_space<vmem>>, vector<16xi32>,
      tpu.vector_store %arg11[%swap3A_2155, %swap3A_2156, %swap3A_2157], %select_n3A_2111 {strides = array<i32>} : memref<2x4x128xi32, #tpu.memory_space<vmem>>, vector<16xi32>,
      %mul3A_2159 = arith.constant 16 : i32
      %mul3A_2160 = arith.muli %scan3A_2019, %mul3A_2159 : i32
      %add3A_2161 = vector.broadcast %mul3A_2160 : i32 to vector<16xi32>
      %add3A_2162 = arith.addi %iota3A, %add3A_2161 : vector<16xi32>
      %and3A_2163 = arith.constant 15 : i32
      %and3A_2164 = vector.broadcast %and3A_2163 : i32 to vector<16xi32>
      %and3A_2165 = arith.andi %get3A_2027, %and3A_2164 : vector<16xi32>
      %scatter3A = arith.constant 1 : i32
      %scatter3A_2166 = arith.constant 0 : i32
      %scatter3A_2167 = arith.constant 0 : i32
      %scatter3A_2168 = tpu.memref_slice %arg8[%scatter3A, %scatter3A_2166, %scatter3A_2167] : memref<2x512x16xf32, #tpu.memory_space<vmem>> -> memref<1x512x16xf32, #tpu.memory_space<vmem>>
      %scatter3A_2169 = tpu.memref_squeeze %scatter3A_2168 : memref<1x512x16xf32, #tpu.memory_space<vmem>> -> memref<512x16xf32, #tpu.memory_space<vmem>>
      tpu.vector_store_idx %scatter3A_2169[%add3A_2162, %and3A_2165], %broadcast_in_dim3A_5 : memref<512x16xf32, #tpu.memory_space<vmem>>[vector<16xi32>, vector<16xi32>], vector<16xf32>,
      %and3A_2170 = arith.constant 15 : i32
      %and3A_2171 = vector.broadcast %and3A_2170 : i32 to vector<16xi32>
      %and3A_2172 = arith.andi %sub3A_2033, %and3A_2171 : vector<16xi32>
      %scatter3A_2173 = arith.constant 1 : i32
      %scatter3A_2174 = arith.constant 0 : i32
      %scatter3A_2175 = arith.constant 0 : i32
      %scatter3A_2176 = tpu.memref_slice %arg9[%scatter3A_2173, %scatter3A_2174, %scatter3A_2175] : memref<2x512x16xf32, #tpu.memory_space<vmem>> -> memref<1x512x16xf32, #tpu.memory_space<vmem>>
      %scatter3A_2177 = tpu.memref_squeeze %scatter3A_2176 : memref<1x512x16xf32, #tpu.memory_space<vmem>> -> memref<512x16xf32, #tpu.memory_space<vmem>>
      tpu.vector_store_idx %scatter3A_2177[%add3A_2162, %and3A_2172], %broadcast_in_dim3A_5 : memref<512x16xf32, #tpu.memory_space<vmem>>[vector<16xi32>, vector<16xi32>], vector<16xf32>,
      %scan3A_2178 = arith.constant 0 : i32
      scf.yield %scan3A_2178 : i32
    }
    %scan3A_242 = arith.constant 32 : i32
    %dma_start3A_243 = arith.constant 1 : i32
    %dma_start3A_244 = arith.constant 1 : i32
    %dma_start3A_245 = arith.constant 0 : i32
    %dma_start3A_246 = arith.constant 0 : i32
    %dma_start3A_247 = arith.constant 0 : i32
    %dma_start3A_248 = tpu.memref_slice %arg8[%dma_start3A_243, %dma_start3A_246, %dma_start3A_247] : memref<2x512x16xf32, #tpu.memory_space<vmem>> -> memref<1x128x16xf32, #tpu.memory_space<vmem>>
    %dma_start3A_249 = tpu.memref_squeeze %dma_start3A_248 : memref<1x128x16xf32, #tpu.memory_space<vmem>> -> memref<128x16xf32, #tpu.memory_space<vmem>>
    %dma_start3A_250 = arith.constant 0 : i32
    %dma_start3A_251 = tpu.memref_slice %arg10[%dma_start3A_244, %dma_start3A_245, %dma_start3A_250] : memref<2x4x128xi32, #tpu.memory_space<vmem>> -> memref<1x1x128xi32, #tpu.memory_space<vmem>>
    %dma_start3A_252 = tpu.memref_squeeze %dma_start3A_251 : memref<1x1x128xi32, #tpu.memory_space<vmem>> -> memref<128xi32, #tpu.memory_space<vmem>>
    %dma_start3A_253 = arith.constant 0 : i32
    %dma_start3A_254 = arith.constant 0 : i32
    %dma_start3A_255 = tpu.memref_slice %arg13[%dma_start3A_253, %dma_start3A_254] : memref<65696x16xf32, #tpu.memory_space<vmem_shared>> -> memref<65696x16xf32, #tpu.memory_space<vmem_shared>>
    tpu.enqueue_indirect_dma source(%dma_start3A_249 : memref<128x16xf32, #tpu.memory_space<vmem>>) target(%dma_start3A_255 : memref<65696x16xf32, #tpu.memory_space<vmem_shared>>) offsets(%dma_start3A_252 : memref<128xi32, #tpu.memory_space<vmem>>) semaphore(%arg14 : memref<!tpu.dma_semaphore, #tpu.memory_space<semaphore_mem>>) {add = true}
    %dma_start3A_256 = arith.constant 1 : i32
    %dma_start3A_257 = arith.constant 1 : i32
    %dma_start3A_258 = arith.constant 0 : i32
    %dma_start3A_259 = arith.constant 0 : i32
    %dma_start3A_260 = arith.constant 0 : i32
    %dma_start3A_261 = tpu.memref_slice %arg9[%dma_start3A_256, %dma_start3A_259, %dma_start3A_260] : memref<2x512x16xf32, #tpu.memory_space<vmem>> -> memref<1x128x16xf32, #tpu.memory_space<vmem>>
    %dma_start3A_262 = tpu.memref_squeeze %dma_start3A_261 : memref<1x128x16xf32, #tpu.memory_space<vmem>> -> memref<128x16xf32, #tpu.memory_space<vmem>>
    %dma_start3A_263 = arith.constant 0 : i32
    %dma_start3A_264 = tpu.memref_slice %arg11[%dma_start3A_257, %dma_start3A_258, %dma_start3A_263] : memref<2x4x128xi32, #tpu.memory_space<vmem>> -> memref<1x1x128xi32, #tpu.memory_space<vmem>>
    %dma_start3A_265 = tpu.memref_squeeze %dma_start3A_264 : memref<1x1x128xi32, #tpu.memory_space<vmem>> -> memref<128xi32, #tpu.memory_space<vmem>>
    %dma_start3A_266 = arith.constant 0 : i32
    %dma_start3A_267 = arith.constant 0 : i32
    %dma_start3A_268 = tpu.memref_slice %arg13[%dma_start3A_266, %dma_start3A_267] : memref<65696x16xf32, #tpu.memory_space<vmem_shared>> -> memref<65696x16xf32, #tpu.memory_space<vmem_shared>>
    tpu.enqueue_indirect_dma source(%dma_start3A_262 : memref<128x16xf32, #tpu.memory_space<vmem>>) target(%dma_start3A_268 : memref<65696x16xf32, #tpu.memory_space<vmem_shared>>) offsets(%dma_start3A_265 : memref<128xi32, #tpu.memory_space<vmem>>) semaphore(%arg14 : memref<!tpu.dma_semaphore, #tpu.memory_space<semaphore_mem>>) {add = true}
    %dma_start3A_269 = arith.constant 1 : i32
    %dma_start3A_270 = arith.constant 1 : i32
    %dma_start3A_271 = arith.constant 1 : i32
    %dma_start3A_272 = arith.constant 128 : i32
    %dma_start3A_273 = arith.constant 0 : i32
    %dma_start3A_274 = tpu.memref_slice %arg8[%dma_start3A_269, %dma_start3A_272, %dma_start3A_273] : memref<2x512x16xf32, #tpu.memory_space<vmem>> -> memref<1x128x16xf32, #tpu.memory_space<vmem>>
    %dma_start3A_275 = tpu.memref_squeeze %dma_start3A_274 : memref<1x128x16xf32, #tpu.memory_space<vmem>> -> memref<128x16xf32, #tpu.memory_space<vmem>>
    %dma_start3A_276 = arith.constant 0 : i32
    %dma_start3A_277 = tpu.memref_slice %arg10[%dma_start3A_270, %dma_start3A_271, %dma_start3A_276] : memref<2x4x128xi32, #tpu.memory_space<vmem>> -> memref<1x1x128xi32, #tpu.memory_space<vmem>>
    %dma_start3A_278 = tpu.memref_squeeze %dma_start3A_277 : memref<1x1x128xi32, #tpu.memory_space<vmem>> -> memref<128xi32, #tpu.memory_space<vmem>>
    %dma_start3A_279 = arith.constant 0 : i32
    %dma_start3A_280 = arith.constant 0 : i32
    %dma_start3A_281 = tpu.memref_slice %arg13[%dma_start3A_279, %dma_start3A_280] : memref<65696x16xf32, #tpu.memory_space<vmem_shared>> -> memref<65696x16xf32, #tpu.memory_space<vmem_shared>>
    tpu.enqueue_indirect_dma source(%dma_start3A_275 : memref<128x16xf32, #tpu.memory_space<vmem>>) target(%dma_start3A_281 : memref<65696x16xf32, #tpu.memory_space<vmem_shared>>) offsets(%dma_start3A_278 : memref<128xi32, #tpu.memory_space<vmem>>) semaphore(%arg14 : memref<!tpu.dma_semaphore, #tpu.memory_space<semaphore_mem>>) {add = true}
    %dma_start3A_282 = arith.constant 1 : i32
    %dma_start3A_283 = arith.constant 1 : i32
    %dma_start3A_284 = arith.constant 1 : i32
    %dma_start3A_285 = arith.constant 128 : i32
    %dma_start3A_286 = arith.constant 0 : i32
    %dma_start3A_287 = tpu.memref_slice %arg9[%dma_start3A_282, %dma_start3A_285, %dma_start3A_286] : memref<2x512x16xf32, #tpu.memory_space<vmem>> -> memref<1x128x16xf32, #tpu.memory_space<vmem>>
    %dma_start3A_288 = tpu.memref_squeeze %dma_start3A_287 : memref<1x128x16xf32, #tpu.memory_space<vmem>> -> memref<128x16xf32, #tpu.memory_space<vmem>>
    %dma_start3A_289 = arith.constant 0 : i32
    %dma_start3A_290 = tpu.memref_slice %arg11[%dma_start3A_283, %dma_start3A_284, %dma_start3A_289] : memref<2x4x128xi32, #tpu.memory_space<vmem>> -> memref<1x1x128xi32, #tpu.memory_space<vmem>>
    %dma_start3A_291 = tpu.memref_squeeze %dma_start3A_290 : memref<1x1x128xi32, #tpu.memory_space<vmem>> -> memref<128xi32, #tpu.memory_space<vmem>>
    %dma_start3A_292 = arith.constant 0 : i32
    %dma_start3A_293 = arith.constant 0 : i32
    %dma_start3A_294 = tpu.memref_slice %arg13[%dma_start3A_292, %dma_start3A_293] : memref<65696x16xf32, #tpu.memory_space<vmem_shared>> -> memref<65696x16xf32, #tpu.memory_space<vmem_shared>>
    tpu.enqueue_indirect_dma source(%dma_start3A_288 : memref<128x16xf32, #tpu.memory_space<vmem>>) target(%dma_start3A_294 : memref<65696x16xf32, #tpu.memory_space<vmem_shared>>) offsets(%dma_start3A_291 : memref<128xi32, #tpu.memory_space<vmem>>) semaphore(%arg14 : memref<!tpu.dma_semaphore, #tpu.memory_space<semaphore_mem>>) {add = true}
    %dma_start3A_295 = arith.constant 1 : i32
    %dma_start3A_296 = arith.constant 1 : i32
    %dma_start3A_297 = arith.constant 2 : i32
    %dma_start3A_298 = arith.constant 256 : i32
    %dma_start3A_299 = arith.constant 0 : i32
    %dma_start3A_300 = tpu.memref_slice %arg8[%dma_start3A_295, %dma_start3A_298, %dma_start3A_299] : memref<2x512x16xf32, #tpu.memory_space<vmem>> -> memref<1x128x16xf32, #tpu.memory_space<vmem>>
    %dma_start3A_301 = tpu.memref_squeeze %dma_start3A_300 : memref<1x128x16xf32, #tpu.memory_space<vmem>> -> memref<128x16xf32, #tpu.memory_space<vmem>>
    %dma_start3A_302 = arith.constant 0 : i32
    %dma_start3A_303 = tpu.memref_slice %arg10[%dma_start3A_296, %dma_start3A_297, %dma_start3A_302] : memref<2x4x128xi32, #tpu.memory_space<vmem>> -> memref<1x1x128xi32, #tpu.memory_space<vmem>>
    %dma_start3A_304 = tpu.memref_squeeze %dma_start3A_303 : memref<1x1x128xi32, #tpu.memory_space<vmem>> -> memref<128xi32, #tpu.memory_space<vmem>>
    %dma_start3A_305 = arith.constant 0 : i32
    %dma_start3A_306 = arith.constant 0 : i32
    %dma_start3A_307 = tpu.memref_slice %arg13[%dma_start3A_305, %dma_start3A_306] : memref<65696x16xf32, #tpu.memory_space<vmem_shared>> -> memref<65696x16xf32, #tpu.memory_space<vmem_shared>>
    tpu.enqueue_indirect_dma source(%dma_start3A_301 : memref<128x16xf32, #tpu.memory_space<vmem>>) target(%dma_start3A_307 : memref<65696x16xf32, #tpu.memory_space<vmem_shared>>) offsets(%dma_start3A_304 : memref<128xi32, #tpu.memory_space<vmem>>) semaphore(%arg14 : memref<!tpu.dma_semaphore, #tpu.memory_space<semaphore_mem>>) {add = true}
    %dma_start3A_308 = arith.constant 1 : i32
    %dma_start3A_309 = arith.constant 1 : i32
    %dma_start3A_310 = arith.constant 2 : i32
    %dma_start3A_311 = arith.constant 256 : i32
    %dma_start3A_312 = arith.constant 0 : i32
    %dma_start3A_313 = tpu.memref_slice %arg9[%dma_start3A_308, %dma_start3A_311, %dma_start3A_312] : memref<2x512x16xf32, #tpu.memory_space<vmem>> -> memref<1x128x16xf32, #tpu.memory_space<vmem>>
    %dma_start3A_314 = tpu.memref_squeeze %dma_start3A_313 : memref<1x128x16xf32, #tpu.memory_space<vmem>> -> memref<128x16xf32, #tpu.memory_space<vmem>>
    %dma_start3A_315 = arith.constant 0 : i32
    %dma_start3A_316 = tpu.memref_slice %arg11[%dma_start3A_309, %dma_start3A_310, %dma_start3A_315] : memref<2x4x128xi32, #tpu.memory_space<vmem>> -> memref<1x1x128xi32, #tpu.memory_space<vmem>>
    %dma_start3A_317 = tpu.memref_squeeze %dma_start3A_316 : memref<1x1x128xi32, #tpu.memory_space<vmem>> -> memref<128xi32, #tpu.memory_space<vmem>>
    %dma_start3A_318 = arith.constant 0 : i32
    %dma_start3A_319 = arith.constant 0 : i32
    %dma_start3A_320 = tpu.memref_slice %arg13[%dma_start3A_318, %dma_start3A_319] : memref<65696x16xf32, #tpu.memory_space<vmem_shared>> -> memref<65696x16xf32, #tpu.memory_space<vmem_shared>>
    tpu.enqueue_indirect_dma source(%dma_start3A_314 : memref<128x16xf32, #tpu.memory_space<vmem>>) target(%dma_start3A_320 : memref<65696x16xf32, #tpu.memory_space<vmem_shared>>) offsets(%dma_start3A_317 : memref<128xi32, #tpu.memory_space<vmem>>) semaphore(%arg14 : memref<!tpu.dma_semaphore, #tpu.memory_space<semaphore_mem>>) {add = true}
    %dma_start3A_321 = arith.constant 1 : i32
    %dma_start3A_322 = arith.constant 1 : i32
    %dma_start3A_323 = arith.constant 3 : i32
    %dma_start3A_324 = arith.constant 384 : i32
    %dma_start3A_325 = arith.constant 0 : i32
    %dma_start3A_326 = tpu.memref_slice %arg8[%dma_start3A_321, %dma_start3A_324, %dma_start3A_325] : memref<2x512x16xf32, #tpu.memory_space<vmem>> -> memref<1x128x16xf32, #tpu.memory_space<vmem>>
    %dma_start3A_327 = tpu.memref_squeeze %dma_start3A_326 : memref<1x128x16xf32, #tpu.memory_space<vmem>> -> memref<128x16xf32, #tpu.memory_space<vmem>>
    %dma_start3A_328 = arith.constant 0 : i32
    %dma_start3A_329 = tpu.memref_slice %arg10[%dma_start3A_322, %dma_start3A_323, %dma_start3A_328] : memref<2x4x128xi32, #tpu.memory_space<vmem>> -> memref<1x1x128xi32, #tpu.memory_space<vmem>>
    %dma_start3A_330 = tpu.memref_squeeze %dma_start3A_329 : memref<1x1x128xi32, #tpu.memory_space<vmem>> -> memref<128xi32, #tpu.memory_space<vmem>>
    %dma_start3A_331 = arith.constant 0 : i32
    %dma_start3A_332 = arith.constant 0 : i32
    %dma_start3A_333 = tpu.memref_slice %arg13[%dma_start3A_331, %dma_start3A_332] : memref<65696x16xf32, #tpu.memory_space<vmem_shared>> -> memref<65696x16xf32, #tpu.memory_space<vmem_shared>>
    tpu.enqueue_indirect_dma source(%dma_start3A_327 : memref<128x16xf32, #tpu.memory_space<vmem>>) target(%dma_start3A_333 : memref<65696x16xf32, #tpu.memory_space<vmem_shared>>) offsets(%dma_start3A_330 : memref<128xi32, #tpu.memory_space<vmem>>) semaphore(%arg14 : memref<!tpu.dma_semaphore, #tpu.memory_space<semaphore_mem>>) {add = true}
    %dma_start3A_334 = arith.constant 1 : i32
    %dma_start3A_335 = arith.constant 1 : i32
    %dma_start3A_336 = arith.constant 3 : i32
    %dma_start3A_337 = arith.constant 384 : i32
    %dma_start3A_338 = arith.constant 0 : i32
    %dma_start3A_339 = tpu.memref_slice %arg9[%dma_start3A_334, %dma_start3A_337, %dma_start3A_338] : memref<2x512x16xf32, #tpu.memory_space<vmem>> -> memref<1x128x16xf32, #tpu.memory_space<vmem>>
    %dma_start3A_340 = tpu.memref_squeeze %dma_start3A_339 : memref<1x128x16xf32, #tpu.memory_space<vmem>> -> memref<128x16xf32, #tpu.memory_space<vmem>>
    %dma_start3A_341 = arith.constant 0 : i32
    %dma_start3A_342 = tpu.memref_slice %arg11[%dma_start3A_335, %dma_start3A_336, %dma_start3A_341] : memref<2x4x128xi32, #tpu.memory_space<vmem>> -> memref<1x1x128xi32, #tpu.memory_space<vmem>>
    %dma_start3A_343 = tpu.memref_squeeze %dma_start3A_342 : memref<1x1x128xi32, #tpu.memory_space<vmem>> -> memref<128xi32, #tpu.memory_space<vmem>>
    %dma_start3A_344 = arith.constant 0 : i32
    %dma_start3A_345 = arith.constant 0 : i32
    %dma_start3A_346 = tpu.memref_slice %arg13[%dma_start3A_344, %dma_start3A_345] : memref<65696x16xf32, #tpu.memory_space<vmem_shared>> -> memref<65696x16xf32, #tpu.memory_space<vmem_shared>>
    tpu.enqueue_indirect_dma source(%dma_start3A_340 : memref<128x16xf32, #tpu.memory_space<vmem>>) target(%dma_start3A_346 : memref<65696x16xf32, #tpu.memory_space<vmem_shared>>) offsets(%dma_start3A_343 : memref<128xi32, #tpu.memory_space<vmem>>) semaphore(%arg14 : memref<!tpu.dma_semaphore, #tpu.memory_space<semaphore_mem>>) {add = true}
    %dma_wait3A_347 = arith.constant 0 : i32
    %dma_wait3A_348 = arith.constant 0 : i32
    %dma_wait3A_349 = arith.constant 0 : i32
    %dma_wait3A_350 = arith.constant 0 : i32
    %dma_wait3A_351 = arith.constant 0 : i32
    %dma_wait3A_352 = tpu.memref_slice %arg8[%dma_wait3A_347, %dma_wait3A_350, %dma_wait3A_351] : memref<2x512x16xf32, #tpu.memory_space<vmem>> -> memref<1x128x16xf32, #tpu.memory_space<vmem>>
    %dma_wait3A_353 = tpu.memref_squeeze %dma_wait3A_352 : memref<1x128x16xf32, #tpu.memory_space<vmem>> -> memref<128x16xf32, #tpu.memory_space<vmem>>
    %dma_wait3A_354 = arith.constant 0 : i32
    %dma_wait3A_355 = tpu.memref_slice %arg10[%dma_wait3A_348, %dma_wait3A_349, %dma_wait3A_354] : memref<2x4x128xi32, #tpu.memory_space<vmem>> -> memref<1x1x128xi32, #tpu.memory_space<vmem>>
    %dma_wait3A_356 = tpu.memref_squeeze %dma_wait3A_355 : memref<1x1x128xi32, #tpu.memory_space<vmem>> -> memref<128xi32, #tpu.memory_space<vmem>>
    %dma_wait3A_357 = arith.constant 0 : i32
    %dma_wait3A_358 = arith.constant 0 : i32
    %dma_wait3A_359 = tpu.memref_slice %arg13[%dma_wait3A_357, %dma_wait3A_358] : memref<65696x16xf32, #tpu.memory_space<vmem_shared>> -> memref<65696x16xf32, #tpu.memory_space<vmem_shared>>
    tpu.wait_indirect_dma semaphore(%arg14 : memref<!tpu.dma_semaphore, #tpu.memory_space<semaphore_mem>>) src(%dma_wait3A_353 : memref<128x16xf32, #tpu.memory_space<vmem>>) dst(%dma_wait3A_359 : memref<65696x16xf32, #tpu.memory_space<vmem_shared>>)
    %dma_wait3A_360 = arith.constant 0 : i32
    %dma_wait3A_361 = arith.constant 0 : i32
    %dma_wait3A_362 = arith.constant 0 : i32
    %dma_wait3A_363 = arith.constant 0 : i32
    %dma_wait3A_364 = arith.constant 0 : i32
    %dma_wait3A_365 = tpu.memref_slice %arg9[%dma_wait3A_360, %dma_wait3A_363, %dma_wait3A_364] : memref<2x512x16xf32, #tpu.memory_space<vmem>> -> memref<1x128x16xf32, #tpu.memory_space<vmem>>
    %dma_wait3A_366 = tpu.memref_squeeze %dma_wait3A_365 : memref<1x128x16xf32, #tpu.memory_space<vmem>> -> memref<128x16xf32, #tpu.memory_space<vmem>>
    %dma_wait3A_367 = arith.constant 0 : i32
    %dma_wait3A_368 = tpu.memref_slice %arg11[%dma_wait3A_361, %dma_wait3A_362, %dma_wait3A_367] : memref<2x4x128xi32, #tpu.memory_space<vmem>> -> memref<1x1x128xi32, #tpu.memory_space<vmem>>
    %dma_wait3A_369 = tpu.memref_squeeze %dma_wait3A_368 : memref<1x1x128xi32, #tpu.memory_space<vmem>> -> memref<128xi32, #tpu.memory_space<vmem>>
    %dma_wait3A_370 = arith.constant 0 : i32
    %dma_wait3A_371 = arith.constant 0 : i32
    %dma_wait3A_372 = tpu.memref_slice %arg13[%dma_wait3A_370, %dma_wait3A_371] : memref<65696x16xf32, #tpu.memory_space<vmem_shared>> -> memref<65696x16xf32, #tpu.memory_space<vmem_shared>>
    tpu.wait_indirect_dma semaphore(%arg14 : memref<!tpu.dma_semaphore, #tpu.memory_space<semaphore_mem>>) src(%dma_wait3A_366 : memref<128x16xf32, #tpu.memory_space<vmem>>) dst(%dma_wait3A_372 : memref<65696x16xf32, #tpu.memory_space<vmem_shared>>)
    %dma_wait3A_373 = arith.constant 0 : i32
    %dma_wait3A_374 = arith.constant 0 : i32
    %dma_wait3A_375 = arith.constant 1 : i32
    %dma_wait3A_376 = arith.constant 128 : i32
    %dma_wait3A_377 = arith.constant 0 : i32
    %dma_wait3A_378 = tpu.memref_slice %arg8[%dma_wait3A_373, %dma_wait3A_376, %dma_wait3A_377] : memref<2x512x16xf32, #tpu.memory_space<vmem>> -> memref<1x128x16xf32, #tpu.memory_space<vmem>>
    %dma_wait3A_379 = tpu.memref_squeeze %dma_wait3A_378 : memref<1x128x16xf32, #tpu.memory_space<vmem>> -> memref<128x16xf32, #tpu.memory_space<vmem>>
    %dma_wait3A_380 = arith.constant 0 : i32
    %dma_wait3A_381 = tpu.memref_slice %arg10[%dma_wait3A_374, %dma_wait3A_375, %dma_wait3A_380] : memref<2x4x128xi32, #tpu.memory_space<vmem>> -> memref<1x1x128xi32, #tpu.memory_space<vmem>>
    %dma_wait3A_382 = tpu.memref_squeeze %dma_wait3A_381 : memref<1x1x128xi32, #tpu.memory_space<vmem>> -> memref<128xi32, #tpu.memory_space<vmem>>
    %dma_wait3A_383 = arith.constant 0 : i32
    %dma_wait3A_384 = arith.constant 0 : i32
    %dma_wait3A_385 = tpu.memref_slice %arg13[%dma_wait3A_383, %dma_wait3A_384] : memref<65696x16xf32, #tpu.memory_space<vmem_shared>> -> memref<65696x16xf32, #tpu.memory_space<vmem_shared>>
    tpu.wait_indirect_dma semaphore(%arg14 : memref<!tpu.dma_semaphore, #tpu.memory_space<semaphore_mem>>) src(%dma_wait3A_379 : memref<128x16xf32, #tpu.memory_space<vmem>>) dst(%dma_wait3A_385 : memref<65696x16xf32, #tpu.memory_space<vmem_shared>>)
    %dma_wait3A_386 = arith.constant 0 : i32
    %dma_wait3A_387 = arith.constant 0 : i32
    %dma_wait3A_388 = arith.constant 1 : i32
    %dma_wait3A_389 = arith.constant 128 : i32
    %dma_wait3A_390 = arith.constant 0 : i32
    %dma_wait3A_391 = tpu.memref_slice %arg9[%dma_wait3A_386, %dma_wait3A_389, %dma_wait3A_390] : memref<2x512x16xf32, #tpu.memory_space<vmem>> -> memref<1x128x16xf32, #tpu.memory_space<vmem>>
    %dma_wait3A_392 = tpu.memref_squeeze %dma_wait3A_391 : memref<1x128x16xf32, #tpu.memory_space<vmem>> -> memref<128x16xf32, #tpu.memory_space<vmem>>
    %dma_wait3A_393 = arith.constant 0 : i32
    %dma_wait3A_394 = tpu.memref_slice %arg11[%dma_wait3A_387, %dma_wait3A_388, %dma_wait3A_393] : memref<2x4x128xi32, #tpu.memory_space<vmem>> -> memref<1x1x128xi32, #tpu.memory_space<vmem>>
    %dma_wait3A_395 = tpu.memref_squeeze %dma_wait3A_394 : memref<1x1x128xi32, #tpu.memory_space<vmem>> -> memref<128xi32, #tpu.memory_space<vmem>>
    %dma_wait3A_396 = arith.constant 0 : i32
    %dma_wait3A_397 = arith.constant 0 : i32
    %dma_wait3A_398 = tpu.memref_slice %arg13[%dma_wait3A_396, %dma_wait3A_397] : memref<65696x16xf32, #tpu.memory_space<vmem_shared>> -> memref<65696x16xf32, #tpu.memory_space<vmem_shared>>
    tpu.wait_indirect_dma semaphore(%arg14 : memref<!tpu.dma_semaphore, #tpu.memory_space<semaphore_mem>>) src(%dma_wait3A_392 : memref<128x16xf32, #tpu.memory_space<vmem>>) dst(%dma_wait3A_398 : memref<65696x16xf32, #tpu.memory_space<vmem_shared>>)
    %dma_wait3A_399 = arith.constant 0 : i32
    %dma_wait3A_400 = arith.constant 0 : i32
    %dma_wait3A_401 = arith.constant 2 : i32
    %dma_wait3A_402 = arith.constant 256 : i32
    %dma_wait3A_403 = arith.constant 0 : i32
    %dma_wait3A_404 = tpu.memref_slice %arg8[%dma_wait3A_399, %dma_wait3A_402, %dma_wait3A_403] : memref<2x512x16xf32, #tpu.memory_space<vmem>> -> memref<1x128x16xf32, #tpu.memory_space<vmem>>
    %dma_wait3A_405 = tpu.memref_squeeze %dma_wait3A_404 : memref<1x128x16xf32, #tpu.memory_space<vmem>> -> memref<128x16xf32, #tpu.memory_space<vmem>>
    %dma_wait3A_406 = arith.constant 0 : i32
    %dma_wait3A_407 = tpu.memref_slice %arg10[%dma_wait3A_400, %dma_wait3A_401, %dma_wait3A_406] : memref<2x4x128xi32, #tpu.memory_space<vmem>> -> memref<1x1x128xi32, #tpu.memory_space<vmem>>
    %dma_wait3A_408 = tpu.memref_squeeze %dma_wait3A_407 : memref<1x1x128xi32, #tpu.memory_space<vmem>> -> memref<128xi32, #tpu.memory_space<vmem>>
    %dma_wait3A_409 = arith.constant 0 : i32
    %dma_wait3A_410 = arith.constant 0 : i32
    %dma_wait3A_411 = tpu.memref_slice %arg13[%dma_wait3A_409, %dma_wait3A_410] : memref<65696x16xf32, #tpu.memory_space<vmem_shared>> -> memref<65696x16xf32, #tpu.memory_space<vmem_shared>>
    tpu.wait_indirect_dma semaphore(%arg14 : memref<!tpu.dma_semaphore, #tpu.memory_space<semaphore_mem>>) src(%dma_wait3A_405 : memref<128x16xf32, #tpu.memory_space<vmem>>) dst(%dma_wait3A_411 : memref<65696x16xf32, #tpu.memory_space<vmem_shared>>)
    %dma_wait3A_412 = arith.constant 0 : i32
    %dma_wait3A_413 = arith.constant 0 : i32
    %dma_wait3A_414 = arith.constant 2 : i32
    %dma_wait3A_415 = arith.constant 256 : i32
    %dma_wait3A_416 = arith.constant 0 : i32
    %dma_wait3A_417 = tpu.memref_slice %arg9[%dma_wait3A_412, %dma_wait3A_415, %dma_wait3A_416] : memref<2x512x16xf32, #tpu.memory_space<vmem>> -> memref<1x128x16xf32, #tpu.memory_space<vmem>>
    %dma_wait3A_418 = tpu.memref_squeeze %dma_wait3A_417 : memref<1x128x16xf32, #tpu.memory_space<vmem>> -> memref<128x16xf32, #tpu.memory_space<vmem>>
    %dma_wait3A_419 = arith.constant 0 : i32
    %dma_wait3A_420 = tpu.memref_slice %arg11[%dma_wait3A_413, %dma_wait3A_414, %dma_wait3A_419] : memref<2x4x128xi32, #tpu.memory_space<vmem>> -> memref<1x1x128xi32, #tpu.memory_space<vmem>>
    %dma_wait3A_421 = tpu.memref_squeeze %dma_wait3A_420 : memref<1x1x128xi32, #tpu.memory_space<vmem>> -> memref<128xi32, #tpu.memory_space<vmem>>
    %dma_wait3A_422 = arith.constant 0 : i32
    %dma_wait3A_423 = arith.constant 0 : i32
    %dma_wait3A_424 = tpu.memref_slice %arg13[%dma_wait3A_422, %dma_wait3A_423] : memref<65696x16xf32, #tpu.memory_space<vmem_shared>> -> memref<65696x16xf32, #tpu.memory_space<vmem_shared>>
    tpu.wait_indirect_dma semaphore(%arg14 : memref<!tpu.dma_semaphore, #tpu.memory_space<semaphore_mem>>) src(%dma_wait3A_418 : memref<128x16xf32, #tpu.memory_space<vmem>>) dst(%dma_wait3A_424 : memref<65696x16xf32, #tpu.memory_space<vmem_shared>>)
    %dma_wait3A_425 = arith.constant 0 : i32
    %dma_wait3A_426 = arith.constant 0 : i32
    %dma_wait3A_427 = arith.constant 3 : i32
    %dma_wait3A_428 = arith.constant 384 : i32
    %dma_wait3A_429 = arith.constant 0 : i32
    %dma_wait3A_430 = tpu.memref_slice %arg8[%dma_wait3A_425, %dma_wait3A_428, %dma_wait3A_429] : memref<2x512x16xf32, #tpu.memory_space<vmem>> -> memref<1x128x16xf32, #tpu.memory_space<vmem>>
    %dma_wait3A_431 = tpu.memref_squeeze %dma_wait3A_430 : memref<1x128x16xf32, #tpu.memory_space<vmem>> -> memref<128x16xf32, #tpu.memory_space<vmem>>
    %dma_wait3A_432 = arith.constant 0 : i32
    %dma_wait3A_433 = tpu.memref_slice %arg10[%dma_wait3A_426, %dma_wait3A_427, %dma_wait3A_432] : memref<2x4x128xi32, #tpu.memory_space<vmem>> -> memref<1x1x128xi32, #tpu.memory_space<vmem>>
    %dma_wait3A_434 = tpu.memref_squeeze %dma_wait3A_433 : memref<1x1x128xi32, #tpu.memory_space<vmem>> -> memref<128xi32, #tpu.memory_space<vmem>>
    %dma_wait3A_435 = arith.constant 0 : i32
    %dma_wait3A_436 = arith.constant 0 : i32
    %dma_wait3A_437 = tpu.memref_slice %arg13[%dma_wait3A_435, %dma_wait3A_436] : memref<65696x16xf32, #tpu.memory_space<vmem_shared>> -> memref<65696x16xf32, #tpu.memory_space<vmem_shared>>
    tpu.wait_indirect_dma semaphore(%arg14 : memref<!tpu.dma_semaphore, #tpu.memory_space<semaphore_mem>>) src(%dma_wait3A_431 : memref<128x16xf32, #tpu.memory_space<vmem>>) dst(%dma_wait3A_437 : memref<65696x16xf32, #tpu.memory_space<vmem_shared>>)
    %dma_wait3A_438 = arith.constant 0 : i32
    %dma_wait3A_439 = arith.constant 0 : i32
    %dma_wait3A_440 = arith.constant 3 : i32
    %dma_wait3A_441 = arith.constant 384 : i32
    %dma_wait3A_442 = arith.constant 0 : i32
    %dma_wait3A_443 = tpu.memref_slice %arg9[%dma_wait3A_438, %dma_wait3A_441, %dma_wait3A_442] : memref<2x512x16xf32, #tpu.memory_space<vmem>> -> memref<1x128x16xf32, #tpu.memory_space<vmem>>
    %dma_wait3A_444 = tpu.memref_squeeze %dma_wait3A_443 : memref<1x128x16xf32, #tpu.memory_space<vmem>> -> memref<128x16xf32, #tpu.memory_space<vmem>>
    %dma_wait3A_445 = arith.constant 0 : i32
    %dma_wait3A_446 = tpu.memref_slice %arg11[%dma_wait3A_439, %dma_wait3A_440, %dma_wait3A_445] : memref<2x4x128xi32, #tpu.memory_space<vmem>> -> memref<1x1x128xi32, #tpu.memory_space<vmem>>
    %dma_wait3A_447 = tpu.memref_squeeze %dma_wait3A_446 : memref<1x1x128xi32, #tpu.memory_space<vmem>> -> memref<128xi32, #tpu.memory_space<vmem>>
    %dma_wait3A_448 = arith.constant 0 : i32
    %dma_wait3A_449 = arith.constant 0 : i32
    %dma_wait3A_450 = tpu.memref_slice %arg13[%dma_wait3A_448, %dma_wait3A_449] : memref<65696x16xf32, #tpu.memory_space<vmem_shared>> -> memref<65696x16xf32, #tpu.memory_space<vmem_shared>>
    tpu.wait_indirect_dma semaphore(%arg14 : memref<!tpu.dma_semaphore, #tpu.memory_space<semaphore_mem>>) src(%dma_wait3A_444 : memref<128x16xf32, #tpu.memory_space<vmem>>) dst(%dma_wait3A_450 : memref<65696x16xf32, #tpu.memory_space<vmem_shared>>)
    %scan3A_451 = arith.constant 0 : i32
    %scan3A_452 = arith.constant 0 : i32
    %scan3A_453 = arith.constant 512 : i32
    %scan3A_454 = arith.addi %scan3A_452, %scan3A_453 : i32
    %scan3A_455 = arith.constant 1 : i32
    %scan3A_456 = scf.for %scan3A_2019 = %scan3A_452 to %scan3A_454 step %scan3A_455 iter_args(%scan3A_2020 = %scan3A_451) -> (i32)  : i32 {
      %swap3A = arith.constant 0 : i32
      %swap3A_2021 = arith.index_cast %swap3A : i32 to index
      %swap3A_2022 = arith.index_cast %scan3A_2019 : i32 to index
      %swap3A_2023 = arith.constant 0 : index
      %swap3A_2024 = tpu.vector_load %arg8[%swap3A_2021, %swap3A_2022, %swap3A_2023] {strides = array<i32>} : memref<2x512x16xf32, #tpu.memory_space<vmem>>, vector<16xf32>,
      tpu.vector_store %arg8[%swap3A_2021, %swap3A_2022, %swap3A_2023], %broadcast_in_dim3A_3 {strides = array<i32>} : memref<2x512x16xf32, #tpu.memory_space<vmem>>, vector<16xf32>,
      %swap3A_2025 = arith.constant 0 : i32
      %swap3A_2026 = arith.index_cast %swap3A_2025 : i32 to index
      %swap3A_2027 = arith.index_cast %scan3A_2019 : i32 to index
      %swap3A_2028 = arith.constant 0 : index
      %swap3A_2029 = tpu.vector_load %arg9[%swap3A_2026, %swap3A_2027, %swap3A_2028] {strides = array<i32>} : memref<2x512x16xf32, #tpu.memory_space<vmem>>, vector<16xf32>,
      tpu.vector_store %arg9[%swap3A_2026, %swap3A_2027, %swap3A_2028], %broadcast_in_dim3A_3 {strides = array<i32>} : memref<2x512x16xf32, #tpu.memory_space<vmem>>, vector<16xf32>,
      %scan3A_2030 = arith.constant 0 : i32
      scf.yield %scan3A_2030 : i32
    }
    %scan3A_457 = arith.constant 512 : i32
    %scan3A_458 = arith.constant 0 : i32
    %scan3A_459 = arith.constant 0 : i32
    %scan3A_460 = arith.constant 32 : i32
    %scan3A_461 = arith.addi %scan3A_459, %scan3A_460 : i32
    %scan3A_462 = arith.constant 1 : i32
    %scan3A_463 = scf.for %scan3A_2019 = %scan3A_459 to %scan3A_461 step %scan3A_462 iter_args(%scan3A_2020 = %scan3A_458) -> (i32)  : i32 {
      %mul3A_2021 = arith.constant 16 : i32
      %mul3A_2022 = arith.muli %scan3A_2019, %mul3A_2021 : i32
      %add3A_2023 = arith.constant 1024 : i32
      %add3A_2024 = arith.addi %add3A_2023, %mul3A_2022 : i32
      %get3A = arith.index_cast %add3A_2024 : i32 to index
      %get3A_2025 = tpu.vector_load %arg6[%get3A] {strides = array<i32>} : memref<2048xi32, #tpu.memory_space<vmem>>, vector<16xi32>,
      %get3A_2026 = arith.index_cast %add3A_2024 : i32 to index
      %get3A_2027 = tpu.vector_load %arg7[%get3A_2026] {strides = array<i32>} : memref<2048xi32, #tpu.memory_space<vmem>>, vector<16xi32>,
      %ge3A = vector.broadcast %mul3A_14 : i32 to vector<16xi32>
      %ge3A_2028 = arith.cmpi sge, %get3A_2025, %ge3A : vector<16xi32>
      %add3A_2029 = arith.constant 512 : i32
      %add3A_2030 = arith.addi %mul3A_14, %add3A_2029 : i32
      %lt3A = vector.broadcast %add3A_2030 : i32 to vector<16xi32>
      %lt3A_2031 = arith.cmpi slt, %get3A_2025, %lt3A : vector<16xi32>
      %and3A = arith.andi %ge3A_2028, %lt3A_2031 : vector<16xi1>
      %ne3A = arith.cmpi ne, %get3A_2025, %get3A_2027 : vector<16xi32>
      %and3A_2032 = arith.andi %and3A, %ne3A : vector<16xi1>
      %sub3A = vector.broadcast %mul3A_14 : i32 to vector<16xi32>
      %sub3A_2033 = arith.subi %get3A_2025, %sub3A : vector<16xi32>
      %mul3A_2034 = arith.constant 128 : i32
      %mul3A_2035 = vector.broadcast %mul3A_2034 : i32 to vector<16xi32>
      %mul3A_2036 = arith.muli %sub3A_2033, %mul3A_2035 : vector<16xi32>
      %shift_right_logical3A = arith.constant 4 : i32
      %shift_right_logical3A_2037 = vector.broadcast %shift_right_logical3A : i32 to vector<16xi32>
      %shift_right_logical3A_2038 = arith.shrui %get3A_2027, %shift_right_logical3A_2037 : vector<16xi32>
      %add3A_2039 = arith.addi %mul3A_2036, %shift_right_logical3A_2038 : vector<16xi32>
      %add3A_2040 = arith.constant 65536 : i32
      %add3A_2041 = vector.broadcast %add3A_2040 : i32 to vector<16xi32>
      %add3A_2042 = arith.addi %add3A_2041, %iota3A : vector<16xi32>
      %jit3A = arith.constant 8 : i32
      %eq3A_2043 = arith.constant 0 : i32
      %eq3A_2044 = arith.cmpi eq, %jit3A, %eq3A_2043 : i32
      %jit3A_2045 = arith.constant 1 : i32
      %select_n3A = arith.select %eq3A_2044, %jit3A_2045, %jit3A : i32
      %rem3A = arith.remsi %scan3A_2019, %select_n3A : i32
      %ne3A_2046 = arith.constant 0 : i32
      %ne3A_2047 = arith.cmpi ne, %rem3A, %ne3A_2046 : i32
      %lt3A_2048 = arith.constant 0 : i32
      %lt3A_2049 = arith.cmpi slt, %rem3A, %lt3A_2048 : i32
      %lt3A_2050 = arith.constant 0 : i32
      %lt3A_2051 = arith.cmpi slt, %select_n3A, %lt3A_2050 : i32
      %ne3A_2052 = arith.xori %lt3A_2049, %lt3A_2051 : i1
      %and3A_2053 = arith.andi %ne3A_2052, %ne3A_2047 : i1
      %add3A_2054 = arith.addi %rem3A, %select_n3A : i32
      %select_n3A_2055 = arith.select %and3A_2053, %add3A_2054, %rem3A : i32
      %mul3A_2056 = arith.constant 16 : i32
      %mul3A_2057 = arith.muli %select_n3A_2055, %mul3A_2056 : i32
      %add3A_2058 = vector.broadcast %mul3A_2057 : i32 to vector<16xi32>
      %add3A_2059 = arith.addi %add3A_2042, %add3A_2058 : vector<16xi32>
      %select_n3A_2060 = arith.select %and3A_2032, %add3A_2039, %add3A_2059 : vector<16xi1>, vector<16xi32>
      %jit3A_2061 = arith.constant 8 : i32
      %div3A = arith.divsi %scan3A_2019, %jit3A_2061 : i32
      %sign3A = arith.constant 0 : i32
      %sign3A_2062 = arith.cmpi sgt, %scan3A_2019, %sign3A : i32
      %sign3A_2063 = arith.extui %sign3A_2062 : i1 to i32
      %sign3A_2064 = arith.constant 0 : i32
      %sign3A_2065 = arith.cmpi slt, %scan3A_2019, %sign3A_2064 : i32
      %sign3A_2066 = arith.extui %sign3A_2065 : i1 to i32
      %sign3A_2067 = arith.subi %sign3A_2063, %sign3A_2066 : i32
      %sign3A_2068 = arith.constant 0 : i32
      %sign3A_2069 = arith.cmpi sgt, %jit3A_2061, %sign3A_2068 : i32
      %sign3A_2070 = arith.extui %sign3A_2069 : i1 to i32
      %sign3A_2071 = arith.constant 0 : i32
      %sign3A_2072 = arith.cmpi slt, %jit3A_2061, %sign3A_2071 : i32
      %sign3A_2073 = arith.extui %sign3A_2072 : i1 to i32
      %sign3A_2074 = arith.subi %sign3A_2070, %sign3A_2073 : i32
      %ne3A_2075 = arith.cmpi ne, %sign3A_2067, %sign3A_2074 : i32
      %rem3A_2076 = arith.remsi %scan3A_2019, %jit3A_2061 : i32
      %ne3A_2077 = arith.constant 0 : i32
      %ne3A_2078 = arith.cmpi ne, %rem3A_2076, %ne3A_2077 : i32
      %and3A_2079 = arith.andi %ne3A_2075, %ne3A_2078 : i1
      %sub3A_2080 = arith.constant 1 : i32
      %sub3A_2081 = arith.subi %div3A, %sub3A_2080 : i32
      %select_n3A_2082 = arith.select %and3A_2079, %sub3A_2081, %div3A : i32
      %jit3A_2083 = arith.constant 8 : i32
      %eq3A_2084 = arith.constant 0 : i32
      %eq3A_2085 = arith.cmpi eq, %jit3A_2083, %eq3A_2084 : i32
      %jit3A_2086 = arith.constant 1 : i32
      %select_n3A_2087 = arith.select %eq3A_2085, %jit3A_2086, %jit3A_2083 : i32
      %rem3A_2088 = arith.remsi %scan3A_2019, %select_n3A_2087 : i32
      %ne3A_2089 = arith.constant 0 : i32
      %ne3A_2090 = arith.cmpi ne, %rem3A_2088, %ne3A_2089 : i32
      %lt3A_2091 = arith.constant 0 : i32
      %lt3A_2092 = arith.cmpi slt, %rem3A_2088, %lt3A_2091 : i32
      %lt3A_2093 = arith.constant 0 : i32
      %lt3A_2094 = arith.cmpi slt, %select_n3A_2087, %lt3A_2093 : i32
      %ne3A_2095 = arith.xori %lt3A_2092, %lt3A_2094 : i1
      %and3A_2096 = arith.andi %ne3A_2095, %ne3A_2090 : i1
      %add3A_2097 = arith.addi %rem3A_2088, %select_n3A_2087 : i32
      %select_n3A_2098 = arith.select %and3A_2096, %add3A_2097, %rem3A_2088 : i32
      %mul3A_2099 = arith.constant 16 : i32
      %mul3A_2100 = arith.muli %select_n3A_2098, %mul3A_2099 : i32
      %swap3A = arith.constant 0 : i32
      %swap3A_2101 = arith.index_cast %swap3A : i32 to index
      %swap3A_2102 = arith.index_cast %select_n3A_2082 : i32 to index
      %swap3A_2103 = arith.index_cast %mul3A_2100 : i32 to index
      %swap3A_2104 = tpu.vector_load %arg10[%swap3A_2101, %swap3A_2102, %swap3A_2103] {strides = array<i32>} : memref<2x4x128xi32, #tpu.memory_space<vmem>>, vector<16xi32>,
      tpu.vector_store %arg10[%swap3A_2101, %swap3A_2102, %swap3A_2103], %select_n3A_2060 {strides = array<i32>} : memref<2x4x128xi32, #tpu.memory_space<vmem>>, vector<16xi32>,
      %shift_right_logical3A_2105 = arith.constant 4 : i32
      %shift_right_logical3A_2106 = vector.broadcast %shift_right_logical3A_2105 : i32 to vector<16xi32>
      %shift_right_logical3A_2107 = arith.shrui %sub3A_2033, %shift_right_logical3A_2106 : vector<16xi32>
      %add3A_2108 = arith.constant 65664 : i32
      %add3A_2109 = vector.broadcast %add3A_2108 : i32 to vector<16xi32>
      %add3A_2110 = arith.addi %add3A_2109, %shift_right_logical3A_2107 : vector<16xi32>
      %select_n3A_2111 = arith.select %and3A_2032, %add3A_2110, %add3A_2059 : vector<16xi1>, vector<16xi32>
      %jit3A_2112 = arith.constant 8 : i32
      %div3A_2113 = arith.divsi %scan3A_2019, %jit3A_2112 : i32
      %sign3A_2114 = arith.constant 0 : i32
      %sign3A_2115 = arith.cmpi sgt, %scan3A_2019, %sign3A_2114 : i32
      %sign3A_2116 = arith.extui %sign3A_2115 : i1 to i32
      %sign3A_2117 = arith.constant 0 : i32
      %sign3A_2118 = arith.cmpi slt, %scan3A_2019, %sign3A_2117 : i32
      %sign3A_2119 = arith.extui %sign3A_2118 : i1 to i32
      %sign3A_2120 = arith.subi %sign3A_2116, %sign3A_2119 : i32
      %sign3A_2121 = arith.constant 0 : i32
      %sign3A_2122 = arith.cmpi sgt, %jit3A_2112, %sign3A_2121 : i32
      %sign3A_2123 = arith.extui %sign3A_2122 : i1 to i32
      %sign3A_2124 = arith.constant 0 : i32
      %sign3A_2125 = arith.cmpi slt, %jit3A_2112, %sign3A_2124 : i32
      %sign3A_2126 = arith.extui %sign3A_2125 : i1 to i32
      %sign3A_2127 = arith.subi %sign3A_2123, %sign3A_2126 : i32
      %ne3A_2128 = arith.cmpi ne, %sign3A_2120, %sign3A_2127 : i32
      %rem3A_2129 = arith.remsi %scan3A_2019, %jit3A_2112 : i32
      %ne3A_2130 = arith.constant 0 : i32
      %ne3A_2131 = arith.cmpi ne, %rem3A_2129, %ne3A_2130 : i32
      %and3A_2132 = arith.andi %ne3A_2128, %ne3A_2131 : i1
      %sub3A_2133 = arith.constant 1 : i32
      %sub3A_2134 = arith.subi %div3A_2113, %sub3A_2133 : i32
      %select_n3A_2135 = arith.select %and3A_2132, %sub3A_2134, %div3A_2113 : i32
      %jit3A_2136 = arith.constant 8 : i32
      %eq3A_2137 = arith.constant 0 : i32
      %eq3A_2138 = arith.cmpi eq, %jit3A_2136, %eq3A_2137 : i32
      %jit3A_2139 = arith.constant 1 : i32
      %select_n3A_2140 = arith.select %eq3A_2138, %jit3A_2139, %jit3A_2136 : i32
      %rem3A_2141 = arith.remsi %scan3A_2019, %select_n3A_2140 : i32
      %ne3A_2142 = arith.constant 0 : i32
      %ne3A_2143 = arith.cmpi ne, %rem3A_2141, %ne3A_2142 : i32
      %lt3A_2144 = arith.constant 0 : i32
      %lt3A_2145 = arith.cmpi slt, %rem3A_2141, %lt3A_2144 : i32
      %lt3A_2146 = arith.constant 0 : i32
      %lt3A_2147 = arith.cmpi slt, %select_n3A_2140, %lt3A_2146 : i32
      %ne3A_2148 = arith.xori %lt3A_2145, %lt3A_2147 : i1
      %and3A_2149 = arith.andi %ne3A_2148, %ne3A_2143 : i1
      %add3A_2150 = arith.addi %rem3A_2141, %select_n3A_2140 : i32
      %select_n3A_2151 = arith.select %and3A_2149, %add3A_2150, %rem3A_2141 : i32
      %mul3A_2152 = arith.constant 16 : i32
      %mul3A_2153 = arith.muli %select_n3A_2151, %mul3A_2152 : i32
      %swap3A_2154 = arith.constant 0 : i32
      %swap3A_2155 = arith.index_cast %swap3A_2154 : i32 to index
      %swap3A_2156 = arith.index_cast %select_n3A_2135 : i32 to index
      %swap3A_2157 = arith.index_cast %mul3A_2153 : i32 to index
      %swap3A_2158 = tpu.vector_load %arg11[%swap3A_2155, %swap3A_2156, %swap3A_2157] {strides = array<i32>} : memref<2x4x128xi32, #tpu.memory_space<vmem>>, vector<16xi32>,
      tpu.vector_store %arg11[%swap3A_2155, %swap3A_2156, %swap3A_2157], %select_n3A_2111 {strides = array<i32>} : memref<2x4x128xi32, #tpu.memory_space<vmem>>, vector<16xi32>,
      %mul3A_2159 = arith.constant 16 : i32
      %mul3A_2160 = arith.muli %scan3A_2019, %mul3A_2159 : i32
      %add3A_2161 = vector.broadcast %mul3A_2160 : i32 to vector<16xi32>
      %add3A_2162 = arith.addi %iota3A, %add3A_2161 : vector<16xi32>
      %and3A_2163 = arith.constant 15 : i32
      %and3A_2164 = vector.broadcast %and3A_2163 : i32 to vector<16xi32>
      %and3A_2165 = arith.andi %get3A_2027, %and3A_2164 : vector<16xi32>
      %scatter3A = arith.constant 0 : i32
      %scatter3A_2166 = arith.constant 0 : i32
      %scatter3A_2167 = arith.constant 0 : i32
      %scatter3A_2168 = tpu.memref_slice %arg8[%scatter3A, %scatter3A_2166, %scatter3A_2167] : memref<2x512x16xf32, #tpu.memory_space<vmem>> -> memref<1x512x16xf32, #tpu.memory_space<vmem>>
      %scatter3A_2169 = tpu.memref_squeeze %scatter3A_2168 : memref<1x512x16xf32, #tpu.memory_space<vmem>> -> memref<512x16xf32, #tpu.memory_space<vmem>>
      tpu.vector_store_idx %scatter3A_2169[%add3A_2162, %and3A_2165], %broadcast_in_dim3A_5 : memref<512x16xf32, #tpu.memory_space<vmem>>[vector<16xi32>, vector<16xi32>], vector<16xf32>,
      %and3A_2170 = arith.constant 15 : i32
      %and3A_2171 = vector.broadcast %and3A_2170 : i32 to vector<16xi32>
      %and3A_2172 = arith.andi %sub3A_2033, %and3A_2171 : vector<16xi32>
      %scatter3A_2173 = arith.constant 0 : i32
      %scatter3A_2174 = arith.constant 0 : i32
      %scatter3A_2175 = arith.constant 0 : i32
      %scatter3A_2176 = tpu.memref_slice %arg9[%scatter3A_2173, %scatter3A_2174, %scatter3A_2175] : memref<2x512x16xf32, #tpu.memory_space<vmem>> -> memref<1x512x16xf32, #tpu.memory_space<vmem>>
      %scatter3A_2177 = tpu.memref_squeeze %scatter3A_2176 : memref<1x512x16xf32, #tpu.memory_space<vmem>> -> memref<512x16xf32, #tpu.memory_space<vmem>>
      tpu.vector_store_idx %scatter3A_2177[%add3A_2162, %and3A_2172], %broadcast_in_dim3A_5 : memref<512x16xf32, #tpu.memory_space<vmem>>[vector<16xi32>, vector<16xi32>], vector<16xf32>,
      %scan3A_2178 = arith.constant 0 : i32
      scf.yield %scan3A_2178 : i32
    }
    %scan3A_464 = arith.constant 32 : i32
    %dma_start3A_465 = arith.constant 0 : i32
    %dma_start3A_466 = arith.constant 0 : i32
    %dma_start3A_467 = arith.constant 0 : i32
    %dma_start3A_468 = arith.constant 0 : i32
    %dma_start3A_469 = arith.constant 0 : i32
    %dma_start3A_470 = tpu.memref_slice %arg8[%dma_start3A_465, %dma_start3A_468, %dma_start3A_469] : memref<2x512x16xf32, #tpu.memory_space<vmem>> -> memref<1x128x16xf32, #tpu.memory_space<vmem>>
    %dma_start3A_471 = tpu.memref_squeeze %dma_start3A_470 : memref<1x128x16xf32, #tpu.memory_space<vmem>> -> memref<128x16xf32, #tpu.memory_space<vmem>>
    %dma_start3A_472 = arith.constant 0 : i32
    %dma_start3A_473 = tpu.memref_slice %arg10[%dma_start3A_466, %dma_start3A_467, %dma_start3A_472] : memref<2x4x128xi32, #tpu.memory_space<vmem>> -> memref<1x1x128xi32, #tpu.memory_space<vmem>>
    %dma_start3A_474 = tpu.memref_squeeze %dma_start3A_473 : memref<1x1x128xi32, #tpu.memory_space<vmem>> -> memref<128xi32, #tpu.memory_space<vmem>>
    %dma_start3A_475 = arith.constant 0 : i32
    %dma_start3A_476 = arith.constant 0 : i32
    %dma_start3A_477 = tpu.memref_slice %arg13[%dma_start3A_475, %dma_start3A_476] : memref<65696x16xf32, #tpu.memory_space<vmem_shared>> -> memref<65696x16xf32, #tpu.memory_space<vmem_shared>>
    tpu.enqueue_indirect_dma source(%dma_start3A_471 : memref<128x16xf32, #tpu.memory_space<vmem>>) target(%dma_start3A_477 : memref<65696x16xf32, #tpu.memory_space<vmem_shared>>) offsets(%dma_start3A_474 : memref<128xi32, #tpu.memory_space<vmem>>) semaphore(%arg14 : memref<!tpu.dma_semaphore, #tpu.memory_space<semaphore_mem>>) {add = true}
    %dma_start3A_478 = arith.constant 0 : i32
    %dma_start3A_479 = arith.constant 0 : i32
    %dma_start3A_480 = arith.constant 0 : i32
    %dma_start3A_481 = arith.constant 0 : i32
    %dma_start3A_482 = arith.constant 0 : i32
    %dma_start3A_483 = tpu.memref_slice %arg9[%dma_start3A_478, %dma_start3A_481, %dma_start3A_482] : memref<2x512x16xf32, #tpu.memory_space<vmem>> -> memref<1x128x16xf32, #tpu.memory_space<vmem>>
    %dma_start3A_484 = tpu.memref_squeeze %dma_start3A_483 : memref<1x128x16xf32, #tpu.memory_space<vmem>> -> memref<128x16xf32, #tpu.memory_space<vmem>>
    %dma_start3A_485 = arith.constant 0 : i32
    %dma_start3A_486 = tpu.memref_slice %arg11[%dma_start3A_479, %dma_start3A_480, %dma_start3A_485] : memref<2x4x128xi32, #tpu.memory_space<vmem>> -> memref<1x1x128xi32, #tpu.memory_space<vmem>>
    %dma_start3A_487 = tpu.memref_squeeze %dma_start3A_486 : memref<1x1x128xi32, #tpu.memory_space<vmem>> -> memref<128xi32, #tpu.memory_space<vmem>>
    %dma_start3A_488 = arith.constant 0 : i32
    %dma_start3A_489 = arith.constant 0 : i32
    %dma_start3A_490 = tpu.memref_slice %arg13[%dma_start3A_488, %dma_start3A_489] : memref<65696x16xf32, #tpu.memory_space<vmem_shared>> -> memref<65696x16xf32, #tpu.memory_space<vmem_shared>>
    tpu.enqueue_indirect_dma source(%dma_start3A_484 : memref<128x16xf32, #tpu.memory_space<vmem>>) target(%dma_start3A_490 : memref<65696x16xf32, #tpu.memory_space<vmem_shared>>) offsets(%dma_start3A_487 : memref<128xi32, #tpu.memory_space<vmem>>) semaphore(%arg14 : memref<!tpu.dma_semaphore, #tpu.memory_space<semaphore_mem>>) {add = true}
    %dma_start3A_491 = arith.constant 0 : i32
    %dma_start3A_492 = arith.constant 0 : i32
    %dma_start3A_493 = arith.constant 1 : i32
    %dma_start3A_494 = arith.constant 128 : i32
    %dma_start3A_495 = arith.constant 0 : i32
    %dma_start3A_496 = tpu.memref_slice %arg8[%dma_start3A_491, %dma_start3A_494, %dma_start3A_495] : memref<2x512x16xf32, #tpu.memory_space<vmem>> -> memref<1x128x16xf32, #tpu.memory_space<vmem>>
    %dma_start3A_497 = tpu.memref_squeeze %dma_start3A_496 : memref<1x128x16xf32, #tpu.memory_space<vmem>> -> memref<128x16xf32, #tpu.memory_space<vmem>>
    %dma_start3A_498 = arith.constant 0 : i32
    %dma_start3A_499 = tpu.memref_slice %arg10[%dma_start3A_492, %dma_start3A_493, %dma_start3A_498] : memref<2x4x128xi32, #tpu.memory_space<vmem>> -> memref<1x1x128xi32, #tpu.memory_space<vmem>>
    %dma_start3A_500 = tpu.memref_squeeze %dma_start3A_499 : memref<1x1x128xi32, #tpu.memory_space<vmem>> -> memref<128xi32, #tpu.memory_space<vmem>>
    %dma_start3A_501 = arith.constant 0 : i32
    %dma_start3A_502 = arith.constant 0 : i32
    %dma_start3A_503 = tpu.memref_slice %arg13[%dma_start3A_501, %dma_start3A_502] : memref<65696x16xf32, #tpu.memory_space<vmem_shared>> -> memref<65696x16xf32, #tpu.memory_space<vmem_shared>>
    tpu.enqueue_indirect_dma source(%dma_start3A_497 : memref<128x16xf32, #tpu.memory_space<vmem>>) target(%dma_start3A_503 : memref<65696x16xf32, #tpu.memory_space<vmem_shared>>) offsets(%dma_start3A_500 : memref<128xi32, #tpu.memory_space<vmem>>) semaphore(%arg14 : memref<!tpu.dma_semaphore, #tpu.memory_space<semaphore_mem>>) {add = true}
    %dma_start3A_504 = arith.constant 0 : i32
    %dma_start3A_505 = arith.constant 0 : i32
    %dma_start3A_506 = arith.constant 1 : i32
    %dma_start3A_507 = arith.constant 128 : i32
    %dma_start3A_508 = arith.constant 0 : i32
    %dma_start3A_509 = tpu.memref_slice %arg9[%dma_start3A_504, %dma_start3A_507, %dma_start3A_508] : memref<2x512x16xf32, #tpu.memory_space<vmem>> -> memref<1x128x16xf32, #tpu.memory_space<vmem>>
    %dma_start3A_510 = tpu.memref_squeeze %dma_start3A_509 : memref<1x128x16xf32, #tpu.memory_space<vmem>> -> memref<128x16xf32, #tpu.memory_space<vmem>>
    %dma_start3A_511 = arith.constant 0 : i32
    %dma_start3A_512 = tpu.memref_slice %arg11[%dma_start3A_505, %dma_start3A_506, %dma_start3A_511] : memref<2x4x128xi32, #tpu.memory_space<vmem>> -> memref<1x1x128xi32, #tpu.memory_space<vmem>>
    %dma_start3A_513 = tpu.memref_squeeze %dma_start3A_512 : memref<1x1x128xi32, #tpu.memory_space<vmem>> -> memref<128xi32, #tpu.memory_space<vmem>>
    %dma_start3A_514 = arith.constant 0 : i32
    %dma_start3A_515 = arith.constant 0 : i32
    %dma_start3A_516 = tpu.memref_slice %arg13[%dma_start3A_514, %dma_start3A_515] : memref<65696x16xf32, #tpu.memory_space<vmem_shared>> -> memref<65696x16xf32, #tpu.memory_space<vmem_shared>>
    tpu.enqueue_indirect_dma source(%dma_start3A_510 : memref<128x16xf32, #tpu.memory_space<vmem>>) target(%dma_start3A_516 : memref<65696x16xf32, #tpu.memory_space<vmem_shared>>) offsets(%dma_start3A_513 : memref<128xi32, #tpu.memory_space<vmem>>) semaphore(%arg14 : memref<!tpu.dma_semaphore, #tpu.memory_space<semaphore_mem>>) {add = true}
    %dma_start3A_517 = arith.constant 0 : i32
    %dma_start3A_518 = arith.constant 0 : i32
    %dma_start3A_519 = arith.constant 2 : i32
    %dma_start3A_520 = arith.constant 256 : i32
    %dma_start3A_521 = arith.constant 0 : i32
    %dma_start3A_522 = tpu.memref_slice %arg8[%dma_start3A_517, %dma_start3A_520, %dma_start3A_521] : memref<2x512x16xf32, #tpu.memory_space<vmem>> -> memref<1x128x16xf32, #tpu.memory_space<vmem>>
    %dma_start3A_523 = tpu.memref_squeeze %dma_start3A_522 : memref<1x128x16xf32, #tpu.memory_space<vmem>> -> memref<128x16xf32, #tpu.memory_space<vmem>>
    %dma_start3A_524 = arith.constant 0 : i32
    %dma_start3A_525 = tpu.memref_slice %arg10[%dma_start3A_518, %dma_start3A_519, %dma_start3A_524] : memref<2x4x128xi32, #tpu.memory_space<vmem>> -> memref<1x1x128xi32, #tpu.memory_space<vmem>>
    %dma_start3A_526 = tpu.memref_squeeze %dma_start3A_525 : memref<1x1x128xi32, #tpu.memory_space<vmem>> -> memref<128xi32, #tpu.memory_space<vmem>>
    %dma_start3A_527 = arith.constant 0 : i32
    %dma_start3A_528 = arith.constant 0 : i32
    %dma_start3A_529 = tpu.memref_slice %arg13[%dma_start3A_527, %dma_start3A_528] : memref<65696x16xf32, #tpu.memory_space<vmem_shared>> -> memref<65696x16xf32, #tpu.memory_space<vmem_shared>>
    tpu.enqueue_indirect_dma source(%dma_start3A_523 : memref<128x16xf32, #tpu.memory_space<vmem>>) target(%dma_start3A_529 : memref<65696x16xf32, #tpu.memory_space<vmem_shared>>) offsets(%dma_start3A_526 : memref<128xi32, #tpu.memory_space<vmem>>) semaphore(%arg14 : memref<!tpu.dma_semaphore, #tpu.memory_space<semaphore_mem>>) {add = true}
    %dma_start3A_530 = arith.constant 0 : i32
    %dma_start3A_531 = arith.constant 0 : i32
    %dma_start3A_532 = arith.constant 2 : i32
    %dma_start3A_533 = arith.constant 256 : i32
    %dma_start3A_534 = arith.constant 0 : i32
    %dma_start3A_535 = tpu.memref_slice %arg9[%dma_start3A_530, %dma_start3A_533, %dma_start3A_534] : memref<2x512x16xf32, #tpu.memory_space<vmem>> -> memref<1x128x16xf32, #tpu.memory_space<vmem>>
    %dma_start3A_536 = tpu.memref_squeeze %dma_start3A_535 : memref<1x128x16xf32, #tpu.memory_space<vmem>> -> memref<128x16xf32, #tpu.memory_space<vmem>>
    %dma_start3A_537 = arith.constant 0 : i32
    %dma_start3A_538 = tpu.memref_slice %arg11[%dma_start3A_531, %dma_start3A_532, %dma_start3A_537] : memref<2x4x128xi32, #tpu.memory_space<vmem>> -> memref<1x1x128xi32, #tpu.memory_space<vmem>>
    %dma_start3A_539 = tpu.memref_squeeze %dma_start3A_538 : memref<1x1x128xi32, #tpu.memory_space<vmem>> -> memref<128xi32, #tpu.memory_space<vmem>>
    %dma_start3A_540 = arith.constant 0 : i32
    %dma_start3A_541 = arith.constant 0 : i32
    %dma_start3A_542 = tpu.memref_slice %arg13[%dma_start3A_540, %dma_start3A_541] : memref<65696x16xf32, #tpu.memory_space<vmem_shared>> -> memref<65696x16xf32, #tpu.memory_space<vmem_shared>>
    tpu.enqueue_indirect_dma source(%dma_start3A_536 : memref<128x16xf32, #tpu.memory_space<vmem>>) target(%dma_start3A_542 : memref<65696x16xf32, #tpu.memory_space<vmem_shared>>) offsets(%dma_start3A_539 : memref<128xi32, #tpu.memory_space<vmem>>) semaphore(%arg14 : memref<!tpu.dma_semaphore, #tpu.memory_space<semaphore_mem>>) {add = true}
    %dma_start3A_543 = arith.constant 0 : i32
    %dma_start3A_544 = arith.constant 0 : i32
    %dma_start3A_545 = arith.constant 3 : i32
    %dma_start3A_546 = arith.constant 384 : i32
    %dma_start3A_547 = arith.constant 0 : i32
    %dma_start3A_548 = tpu.memref_slice %arg8[%dma_start3A_543, %dma_start3A_546, %dma_start3A_547] : memref<2x512x16xf32, #tpu.memory_space<vmem>> -> memref<1x128x16xf32, #tpu.memory_space<vmem>>
    %dma_start3A_549 = tpu.memref_squeeze %dma_start3A_548 : memref<1x128x16xf32, #tpu.memory_space<vmem>> -> memref<128x16xf32, #tpu.memory_space<vmem>>
    %dma_start3A_550 = arith.constant 0 : i32
    %dma_start3A_551 = tpu.memref_slice %arg10[%dma_start3A_544, %dma_start3A_545, %dma_start3A_550] : memref<2x4x128xi32, #tpu.memory_space<vmem>> -> memref<1x1x128xi32, #tpu.memory_space<vmem>>
    %dma_start3A_552 = tpu.memref_squeeze %dma_start3A_551 : memref<1x1x128xi32, #tpu.memory_space<vmem>> -> memref<128xi32, #tpu.memory_space<vmem>>
    %dma_start3A_553 = arith.constant 0 : i32
    %dma_start3A_554 = arith.constant 0 : i32
    %dma_start3A_555 = tpu.memref_slice %arg13[%dma_start3A_553, %dma_start3A_554] : memref<65696x16xf32, #tpu.memory_space<vmem_shared>> -> memref<65696x16xf32, #tpu.memory_space<vmem_shared>>
    tpu.enqueue_indirect_dma source(%dma_start3A_549 : memref<128x16xf32, #tpu.memory_space<vmem>>) target(%dma_start3A_555 : memref<65696x16xf32, #tpu.memory_space<vmem_shared>>) offsets(%dma_start3A_552 : memref<128xi32, #tpu.memory_space<vmem>>) semaphore(%arg14 : memref<!tpu.dma_semaphore, #tpu.memory_space<semaphore_mem>>) {add = true}
    %dma_start3A_556 = arith.constant 0 : i32
    %dma_start3A_557 = arith.constant 0 : i32
    %dma_start3A_558 = arith.constant 3 : i32
    %dma_start3A_559 = arith.constant 384 : i32
    %dma_start3A_560 = arith.constant 0 : i32
    %dma_start3A_561 = tpu.memref_slice %arg9[%dma_start3A_556, %dma_start3A_559, %dma_start3A_560] : memref<2x512x16xf32, #tpu.memory_space<vmem>> -> memref<1x128x16xf32, #tpu.memory_space<vmem>>
    %dma_start3A_562 = tpu.memref_squeeze %dma_start3A_561 : memref<1x128x16xf32, #tpu.memory_space<vmem>> -> memref<128x16xf32, #tpu.memory_space<vmem>>
    %dma_start3A_563 = arith.constant 0 : i32
    %dma_start3A_564 = tpu.memref_slice %arg11[%dma_start3A_557, %dma_start3A_558, %dma_start3A_563] : memref<2x4x128xi32, #tpu.memory_space<vmem>> -> memref<1x1x128xi32, #tpu.memory_space<vmem>>
    %dma_start3A_565 = tpu.memref_squeeze %dma_start3A_564 : memref<1x1x128xi32, #tpu.memory_space<vmem>> -> memref<128xi32, #tpu.memory_space<vmem>>
    %dma_start3A_566 = arith.constant 0 : i32
    %dma_start3A_567 = arith.constant 0 : i32
    %dma_start3A_568 = tpu.memref_slice %arg13[%dma_start3A_566, %dma_start3A_567] : memref<65696x16xf32, #tpu.memory_space<vmem_shared>> -> memref<65696x16xf32, #tpu.memory_space<vmem_shared>>
    tpu.enqueue_indirect_dma source(%dma_start3A_562 : memref<128x16xf32, #tpu.memory_space<vmem>>) target(%dma_start3A_568 : memref<65696x16xf32, #tpu.memory_space<vmem_shared>>) offsets(%dma_start3A_565 : memref<128xi32, #tpu.memory_space<vmem>>) semaphore(%arg14 : memref<!tpu.dma_semaphore, #tpu.memory_space<semaphore_mem>>) {add = true}
    %dma_wait3A_569 = arith.constant 1 : i32
    %dma_wait3A_570 = arith.constant 1 : i32
    %dma_wait3A_571 = arith.constant 0 : i32
    %dma_wait3A_572 = arith.constant 0 : i32
    %dma_wait3A_573 = arith.constant 0 : i32
    %dma_wait3A_574 = tpu.memref_slice %arg8[%dma_wait3A_569, %dma_wait3A_572, %dma_wait3A_573] : memref<2x512x16xf32, #tpu.memory_space<vmem>> -> memref<1x128x16xf32, #tpu.memory_space<vmem>>
    %dma_wait3A_575 = tpu.memref_squeeze %dma_wait3A_574 : memref<1x128x16xf32, #tpu.memory_space<vmem>> -> memref<128x16xf32, #tpu.memory_space<vmem>>
    %dma_wait3A_576 = arith.constant 0 : i32
    %dma_wait3A_577 = tpu.memref_slice %arg10[%dma_wait3A_570, %dma_wait3A_571, %dma_wait3A_576] : memref<2x4x128xi32, #tpu.memory_space<vmem>> -> memref<1x1x128xi32, #tpu.memory_space<vmem>>
    %dma_wait3A_578 = tpu.memref_squeeze %dma_wait3A_577 : memref<1x1x128xi32, #tpu.memory_space<vmem>> -> memref<128xi32, #tpu.memory_space<vmem>>
    %dma_wait3A_579 = arith.constant 0 : i32
    %dma_wait3A_580 = arith.constant 0 : i32
    %dma_wait3A_581 = tpu.memref_slice %arg13[%dma_wait3A_579, %dma_wait3A_580] : memref<65696x16xf32, #tpu.memory_space<vmem_shared>> -> memref<65696x16xf32, #tpu.memory_space<vmem_shared>>
    tpu.wait_indirect_dma semaphore(%arg14 : memref<!tpu.dma_semaphore, #tpu.memory_space<semaphore_mem>>) src(%dma_wait3A_575 : memref<128x16xf32, #tpu.memory_space<vmem>>) dst(%dma_wait3A_581 : memref<65696x16xf32, #tpu.memory_space<vmem_shared>>)
    %dma_wait3A_582 = arith.constant 1 : i32
    %dma_wait3A_583 = arith.constant 1 : i32
    %dma_wait3A_584 = arith.constant 0 : i32
    %dma_wait3A_585 = arith.constant 0 : i32
    %dma_wait3A_586 = arith.constant 0 : i32
    %dma_wait3A_587 = tpu.memref_slice %arg9[%dma_wait3A_582, %dma_wait3A_585, %dma_wait3A_586] : memref<2x512x16xf32, #tpu.memory_space<vmem>> -> memref<1x128x16xf32, #tpu.memory_space<vmem>>
    %dma_wait3A_588 = tpu.memref_squeeze %dma_wait3A_587 : memref<1x128x16xf32, #tpu.memory_space<vmem>> -> memref<128x16xf32, #tpu.memory_space<vmem>>
    %dma_wait3A_589 = arith.constant 0 : i32
    %dma_wait3A_590 = tpu.memref_slice %arg11[%dma_wait3A_583, %dma_wait3A_584, %dma_wait3A_589] : memref<2x4x128xi32, #tpu.memory_space<vmem>> -> memref<1x1x128xi32, #tpu.memory_space<vmem>>
    %dma_wait3A_591 = tpu.memref_squeeze %dma_wait3A_590 : memref<1x1x128xi32, #tpu.memory_space<vmem>> -> memref<128xi32, #tpu.memory_space<vmem>>
    %dma_wait3A_592 = arith.constant 0 : i32
    %dma_wait3A_593 = arith.constant 0 : i32
    %dma_wait3A_594 = tpu.memref_slice %arg13[%dma_wait3A_592, %dma_wait3A_593] : memref<65696x16xf32, #tpu.memory_space<vmem_shared>> -> memref<65696x16xf32, #tpu.memory_space<vmem_shared>>
    tpu.wait_indirect_dma semaphore(%arg14 : memref<!tpu.dma_semaphore, #tpu.memory_space<semaphore_mem>>) src(%dma_wait3A_588 : memref<128x16xf32, #tpu.memory_space<vmem>>) dst(%dma_wait3A_594 : memref<65696x16xf32, #tpu.memory_space<vmem_shared>>)
    %dma_wait3A_595 = arith.constant 1 : i32
    %dma_wait3A_596 = arith.constant 1 : i32
    %dma_wait3A_597 = arith.constant 1 : i32
    %dma_wait3A_598 = arith.constant 128 : i32
    %dma_wait3A_599 = arith.constant 0 : i32
    %dma_wait3A_600 = tpu.memref_slice %arg8[%dma_wait3A_595, %dma_wait3A_598, %dma_wait3A_599] : memref<2x512x16xf32, #tpu.memory_space<vmem>> -> memref<1x128x16xf32, #tpu.memory_space<vmem>>
    %dma_wait3A_601 = tpu.memref_squeeze %dma_wait3A_600 : memref<1x128x16xf32, #tpu.memory_space<vmem>> -> memref<128x16xf32, #tpu.memory_space<vmem>>
    %dma_wait3A_602 = arith.constant 0 : i32
    %dma_wait3A_603 = tpu.memref_slice %arg10[%dma_wait3A_596, %dma_wait3A_597, %dma_wait3A_602] : memref<2x4x128xi32, #tpu.memory_space<vmem>> -> memref<1x1x128xi32, #tpu.memory_space<vmem>>
    %dma_wait3A_604 = tpu.memref_squeeze %dma_wait3A_603 : memref<1x1x128xi32, #tpu.memory_space<vmem>> -> memref<128xi32, #tpu.memory_space<vmem>>
    %dma_wait3A_605 = arith.constant 0 : i32
    %dma_wait3A_606 = arith.constant 0 : i32
    %dma_wait3A_607 = tpu.memref_slice %arg13[%dma_wait3A_605, %dma_wait3A_606] : memref<65696x16xf32, #tpu.memory_space<vmem_shared>> -> memref<65696x16xf32, #tpu.memory_space<vmem_shared>>
    tpu.wait_indirect_dma semaphore(%arg14 : memref<!tpu.dma_semaphore, #tpu.memory_space<semaphore_mem>>) src(%dma_wait3A_601 : memref<128x16xf32, #tpu.memory_space<vmem>>) dst(%dma_wait3A_607 : memref<65696x16xf32, #tpu.memory_space<vmem_shared>>)
    %dma_wait3A_608 = arith.constant 1 : i32
    %dma_wait3A_609 = arith.constant 1 : i32
    %dma_wait3A_610 = arith.constant 1 : i32
    %dma_wait3A_611 = arith.constant 128 : i32
    %dma_wait3A_612 = arith.constant 0 : i32
    %dma_wait3A_613 = tpu.memref_slice %arg9[%dma_wait3A_608, %dma_wait3A_611, %dma_wait3A_612] : memref<2x512x16xf32, #tpu.memory_space<vmem>> -> memref<1x128x16xf32, #tpu.memory_space<vmem>>
    %dma_wait3A_614 = tpu.memref_squeeze %dma_wait3A_613 : memref<1x128x16xf32, #tpu.memory_space<vmem>> -> memref<128x16xf32, #tpu.memory_space<vmem>>
    %dma_wait3A_615 = arith.constant 0 : i32
    %dma_wait3A_616 = tpu.memref_slice %arg11[%dma_wait3A_609, %dma_wait3A_610, %dma_wait3A_615] : memref<2x4x128xi32, #tpu.memory_space<vmem>> -> memref<1x1x128xi32, #tpu.memory_space<vmem>>
    %dma_wait3A_617 = tpu.memref_squeeze %dma_wait3A_616 : memref<1x1x128xi32, #tpu.memory_space<vmem>> -> memref<128xi32, #tpu.memory_space<vmem>>
    %dma_wait3A_618 = arith.constant 0 : i32
    %dma_wait3A_619 = arith.constant 0 : i32
    %dma_wait3A_620 = tpu.memref_slice %arg13[%dma_wait3A_618, %dma_wait3A_619] : memref<65696x16xf32, #tpu.memory_space<vmem_shared>> -> memref<65696x16xf32, #tpu.memory_space<vmem_shared>>
    tpu.wait_indirect_dma semaphore(%arg14 : memref<!tpu.dma_semaphore, #tpu.memory_space<semaphore_mem>>) src(%dma_wait3A_614 : memref<128x16xf32, #tpu.memory_space<vmem>>) dst(%dma_wait3A_620 : memref<65696x16xf32, #tpu.memory_space<vmem_shared>>)
    %dma_wait3A_621 = arith.constant 1 : i32
    %dma_wait3A_622 = arith.constant 1 : i32
    %dma_wait3A_623 = arith.constant 2 : i32
    %dma_wait3A_624 = arith.constant 256 : i32
    %dma_wait3A_625 = arith.constant 0 : i32
    %dma_wait3A_626 = tpu.memref_slice %arg8[%dma_wait3A_621, %dma_wait3A_624, %dma_wait3A_625] : memref<2x512x16xf32, #tpu.memory_space<vmem>> -> memref<1x128x16xf32, #tpu.memory_space<vmem>>
    %dma_wait3A_627 = tpu.memref_squeeze %dma_wait3A_626 : memref<1x128x16xf32, #tpu.memory_space<vmem>> -> memref<128x16xf32, #tpu.memory_space<vmem>>
    %dma_wait3A_628 = arith.constant 0 : i32
    %dma_wait3A_629 = tpu.memref_slice %arg10[%dma_wait3A_622, %dma_wait3A_623, %dma_wait3A_628] : memref<2x4x128xi32, #tpu.memory_space<vmem>> -> memref<1x1x128xi32, #tpu.memory_space<vmem>>
    %dma_wait3A_630 = tpu.memref_squeeze %dma_wait3A_629 : memref<1x1x128xi32, #tpu.memory_space<vmem>> -> memref<128xi32, #tpu.memory_space<vmem>>
    %dma_wait3A_631 = arith.constant 0 : i32
    %dma_wait3A_632 = arith.constant 0 : i32
    %dma_wait3A_633 = tpu.memref_slice %arg13[%dma_wait3A_631, %dma_wait3A_632] : memref<65696x16xf32, #tpu.memory_space<vmem_shared>> -> memref<65696x16xf32, #tpu.memory_space<vmem_shared>>
    tpu.wait_indirect_dma semaphore(%arg14 : memref<!tpu.dma_semaphore, #tpu.memory_space<semaphore_mem>>) src(%dma_wait3A_627 : memref<128x16xf32, #tpu.memory_space<vmem>>) dst(%dma_wait3A_633 : memref<65696x16xf32, #tpu.memory_space<vmem_shared>>)
    %dma_wait3A_634 = arith.constant 1 : i32
    %dma_wait3A_635 = arith.constant 1 : i32
    %dma_wait3A_636 = arith.constant 2 : i32
    %dma_wait3A_637 = arith.constant 256 : i32
    %dma_wait3A_638 = arith.constant 0 : i32
    %dma_wait3A_639 = tpu.memref_slice %arg9[%dma_wait3A_634, %dma_wait3A_637, %dma_wait3A_638] : memref<2x512x16xf32, #tpu.memory_space<vmem>> -> memref<1x128x16xf32, #tpu.memory_space<vmem>>
    %dma_wait3A_640 = tpu.memref_squeeze %dma_wait3A_639 : memref<1x128x16xf32, #tpu.memory_space<vmem>> -> memref<128x16xf32, #tpu.memory_space<vmem>>
    %dma_wait3A_641 = arith.constant 0 : i32
    %dma_wait3A_642 = tpu.memref_slice %arg11[%dma_wait3A_635, %dma_wait3A_636, %dma_wait3A_641] : memref<2x4x128xi32, #tpu.memory_space<vmem>> -> memref<1x1x128xi32, #tpu.memory_space<vmem>>
    %dma_wait3A_643 = tpu.memref_squeeze %dma_wait3A_642 : memref<1x1x128xi32, #tpu.memory_space<vmem>> -> memref<128xi32, #tpu.memory_space<vmem>>
    %dma_wait3A_644 = arith.constant 0 : i32
    %dma_wait3A_645 = arith.constant 0 : i32
    %dma_wait3A_646 = tpu.memref_slice %arg13[%dma_wait3A_644, %dma_wait3A_645] : memref<65696x16xf32, #tpu.memory_space<vmem_shared>> -> memref<65696x16xf32, #tpu.memory_space<vmem_shared>>
    tpu.wait_indirect_dma semaphore(%arg14 : memref<!tpu.dma_semaphore, #tpu.memory_space<semaphore_mem>>) src(%dma_wait3A_640 : memref<128x16xf32, #tpu.memory_space<vmem>>) dst(%dma_wait3A_646 : memref<65696x16xf32, #tpu.memory_space<vmem_shared>>)
    %dma_wait3A_647 = arith.constant 1 : i32
    %dma_wait3A_648 = arith.constant 1 : i32
    %dma_wait3A_649 = arith.constant 3 : i32
    %dma_wait3A_650 = arith.constant 384 : i32
    %dma_wait3A_651 = arith.constant 0 : i32
    %dma_wait3A_652 = tpu.memref_slice %arg8[%dma_wait3A_647, %dma_wait3A_650, %dma_wait3A_651] : memref<2x512x16xf32, #tpu.memory_space<vmem>> -> memref<1x128x16xf32, #tpu.memory_space<vmem>>
    %dma_wait3A_653 = tpu.memref_squeeze %dma_wait3A_652 : memref<1x128x16xf32, #tpu.memory_space<vmem>> -> memref<128x16xf32, #tpu.memory_space<vmem>>
    %dma_wait3A_654 = arith.constant 0 : i32
    %dma_wait3A_655 = tpu.memref_slice %arg10[%dma_wait3A_648, %dma_wait3A_649, %dma_wait3A_654] : memref<2x4x128xi32, #tpu.memory_space<vmem>> -> memref<1x1x128xi32, #tpu.memory_space<vmem>>
    %dma_wait3A_656 = tpu.memref_squeeze %dma_wait3A_655 : memref<1x1x128xi32, #tpu.memory_space<vmem>> -> memref<128xi32, #tpu.memory_space<vmem>>
    %dma_wait3A_657 = arith.constant 0 : i32
    %dma_wait3A_658 = arith.constant 0 : i32
    %dma_wait3A_659 = tpu.memref_slice %arg13[%dma_wait3A_657, %dma_wait3A_658] : memref<65696x16xf32, #tpu.memory_space<vmem_shared>> -> memref<65696x16xf32, #tpu.memory_space<vmem_shared>>
    tpu.wait_indirect_dma semaphore(%arg14 : memref<!tpu.dma_semaphore, #tpu.memory_space<semaphore_mem>>) src(%dma_wait3A_653 : memref<128x16xf32, #tpu.memory_space<vmem>>) dst(%dma_wait3A_659 : memref<65696x16xf32, #tpu.memory_space<vmem_shared>>)
    %dma_wait3A_660 = arith.constant 1 : i32
    %dma_wait3A_661 = arith.constant 1 : i32
    %dma_wait3A_662 = arith.constant 3 : i32
    %dma_wait3A_663 = arith.constant 384 : i32
    %dma_wait3A_664 = arith.constant 0 : i32
    %dma_wait3A_665 = tpu.memref_slice %arg9[%dma_wait3A_660, %dma_wait3A_663, %dma_wait3A_664] : memref<2x512x16xf32, #tpu.memory_space<vmem>> -> memref<1x128x16xf32, #tpu.memory_space<vmem>>
    %dma_wait3A_666 = tpu.memref_squeeze %dma_wait3A_665 : memref<1x128x16xf32, #tpu.memory_space<vmem>> -> memref<128x16xf32, #tpu.memory_space<vmem>>
    %dma_wait3A_667 = arith.constant 0 : i32
    %dma_wait3A_668 = tpu.memref_slice %arg11[%dma_wait3A_661, %dma_wait3A_662, %dma_wait3A_667] : memref<2x4x128xi32, #tpu.memory_space<vmem>> -> memref<1x1x128xi32, #tpu.memory_space<vmem>>
    %dma_wait3A_669 = tpu.memref_squeeze %dma_wait3A_668 : memref<1x1x128xi32, #tpu.memory_space<vmem>> -> memref<128xi32, #tpu.memory_space<vmem>>
    %dma_wait3A_670 = arith.constant 0 : i32
    %dma_wait3A_671 = arith.constant 0 : i32
    %dma_wait3A_672 = tpu.memref_slice %arg13[%dma_wait3A_670, %dma_wait3A_671] : memref<65696x16xf32, #tpu.memory_space<vmem_shared>> -> memref<65696x16xf32, #tpu.memory_space<vmem_shared>>
    tpu.wait_indirect_dma semaphore(%arg14 : memref<!tpu.dma_semaphore, #tpu.memory_space<semaphore_mem>>) src(%dma_wait3A_666 : memref<128x16xf32, #tpu.memory_space<vmem>>) dst(%dma_wait3A_672 : memref<65696x16xf32, #tpu.memory_space<vmem_shared>>)
    %scan3A_673 = arith.constant 0 : i32
    %scan3A_674 = arith.constant 0 : i32
    %scan3A_675 = arith.constant 512 : i32
    %scan3A_676 = arith.addi %scan3A_674, %scan3A_675 : i32
    %scan3A_677 = arith.constant 1 : i32
    %scan3A_678 = scf.for %scan3A_2019 = %scan3A_674 to %scan3A_676 step %scan3A_677 iter_args(%scan3A_2020 = %scan3A_673) -> (i32)  : i32 {
      %swap3A = arith.constant 1 : i32
      %swap3A_2021 = arith.index_cast %swap3A : i32 to index
      %swap3A_2022 = arith.index_cast %scan3A_2019 : i32 to index
      %swap3A_2023 = arith.constant 0 : index
      %swap3A_2024 = tpu.vector_load %arg8[%swap3A_2021, %swap3A_2022, %swap3A_2023] {strides = array<i32>} : memref<2x512x16xf32, #tpu.memory_space<vmem>>, vector<16xf32>,
      tpu.vector_store %arg8[%swap3A_2021, %swap3A_2022, %swap3A_2023], %broadcast_in_dim3A_3 {strides = array<i32>} : memref<2x512x16xf32, #tpu.memory_space<vmem>>, vector<16xf32>,
      %swap3A_2025 = arith.constant 1 : i32
      %swap3A_2026 = arith.index_cast %swap3A_2025 : i32 to index
      %swap3A_2027 = arith.index_cast %scan3A_2019 : i32 to index
      %swap3A_2028 = arith.constant 0 : index
      %swap3A_2029 = tpu.vector_load %arg9[%swap3A_2026, %swap3A_2027, %swap3A_2028] {strides = array<i32>} : memref<2x512x16xf32, #tpu.memory_space<vmem>>, vector<16xf32>,
      tpu.vector_store %arg9[%swap3A_2026, %swap3A_2027, %swap3A_2028], %broadcast_in_dim3A_3 {strides = array<i32>} : memref<2x512x16xf32, #tpu.memory_space<vmem>>, vector<16xf32>,
      %scan3A_2030 = arith.constant 0 : i32
      scf.yield %scan3A_2030 : i32
    }
    %scan3A_679 = arith.constant 512 : i32
    %scan3A_680 = arith.constant 0 : i32
    %scan3A_681 = arith.constant 0 : i32
    %scan3A_682 = arith.constant 32 : i32
    %scan3A_683 = arith.addi %scan3A_681, %scan3A_682 : i32
    %scan3A_684 = arith.constant 1 : i32
    %scan3A_685 = scf.for %scan3A_2019 = %scan3A_681 to %scan3A_683 step %scan3A_684 iter_args(%scan3A_2020 = %scan3A_680) -> (i32)  : i32 {
      %mul3A_2021 = arith.constant 16 : i32
      %mul3A_2022 = arith.muli %scan3A_2019, %mul3A_2021 : i32
      %add3A_2023 = arith.constant 1536 : i32
      %add3A_2024 = arith.addi %add3A_2023, %mul3A_2022 : i32
      %get3A = arith.index_cast %add3A_2024 : i32 to index
      %get3A_2025 = tpu.vector_load %arg6[%get3A] {strides = array<i32>} : memref<2048xi32, #tpu.memory_space<vmem>>, vector<16xi32>,
      %get3A_2026 = arith.index_cast %add3A_2024 : i32 to index
      %get3A_2027 = tpu.vector_load %arg7[%get3A_2026] {strides = array<i32>} : memref<2048xi32, #tpu.memory_space<vmem>>, vector<16xi32>,
      %ge3A = vector.broadcast %mul3A_14 : i32 to vector<16xi32>
      %ge3A_2028 = arith.cmpi sge, %get3A_2025, %ge3A : vector<16xi32>
      %add3A_2029 = arith.constant 512 : i32
      %add3A_2030 = arith.addi %mul3A_14, %add3A_2029 : i32
      %lt3A = vector.broadcast %add3A_2030 : i32 to vector<16xi32>
      %lt3A_2031 = arith.cmpi slt, %get3A_2025, %lt3A : vector<16xi32>
      %and3A = arith.andi %ge3A_2028, %lt3A_2031 : vector<16xi1>
      %ne3A = arith.cmpi ne, %get3A_2025, %get3A_2027 : vector<16xi32>
      %and3A_2032 = arith.andi %and3A, %ne3A : vector<16xi1>
      %sub3A = vector.broadcast %mul3A_14 : i32 to vector<16xi32>
      %sub3A_2033 = arith.subi %get3A_2025, %sub3A : vector<16xi32>
      %mul3A_2034 = arith.constant 128 : i32
      %mul3A_2035 = vector.broadcast %mul3A_2034 : i32 to vector<16xi32>
      %mul3A_2036 = arith.muli %sub3A_2033, %mul3A_2035 : vector<16xi32>
      %shift_right_logical3A = arith.constant 4 : i32
      %shift_right_logical3A_2037 = vector.broadcast %shift_right_logical3A : i32 to vector<16xi32>
      %shift_right_logical3A_2038 = arith.shrui %get3A_2027, %shift_right_logical3A_2037 : vector<16xi32>
      %add3A_2039 = arith.addi %mul3A_2036, %shift_right_logical3A_2038 : vector<16xi32>
      %add3A_2040 = arith.constant 65536 : i32
      %add3A_2041 = vector.broadcast %add3A_2040 : i32 to vector<16xi32>
      %add3A_2042 = arith.addi %add3A_2041, %iota3A : vector<16xi32>
      %jit3A = arith.constant 8 : i32
      %eq3A_2043 = arith.constant 0 : i32
      %eq3A_2044 = arith.cmpi eq, %jit3A, %eq3A_2043 : i32
      %jit3A_2045 = arith.constant 1 : i32
      %select_n3A = arith.select %eq3A_2044, %jit3A_2045, %jit3A : i32
      %rem3A = arith.remsi %scan3A_2019, %select_n3A : i32
      %ne3A_2046 = arith.constant 0 : i32
      %ne3A_2047 = arith.cmpi ne, %rem3A, %ne3A_2046 : i32
      %lt3A_2048 = arith.constant 0 : i32
      %lt3A_2049 = arith.cmpi slt, %rem3A, %lt3A_2048 : i32
      %lt3A_2050 = arith.constant 0 : i32
      %lt3A_2051 = arith.cmpi slt, %select_n3A, %lt3A_2050 : i32
      %ne3A_2052 = arith.xori %lt3A_2049, %lt3A_2051 : i1
      %and3A_2053 = arith.andi %ne3A_2052, %ne3A_2047 : i1
      %add3A_2054 = arith.addi %rem3A, %select_n3A : i32
      %select_n3A_2055 = arith.select %and3A_2053, %add3A_2054, %rem3A : i32
      %mul3A_2056 = arith.constant 16 : i32
      %mul3A_2057 = arith.muli %select_n3A_2055, %mul3A_2056 : i32
      %add3A_2058 = vector.broadcast %mul3A_2057 : i32 to vector<16xi32>
      %add3A_2059 = arith.addi %add3A_2042, %add3A_2058 : vector<16xi32>
      %select_n3A_2060 = arith.select %and3A_2032, %add3A_2039, %add3A_2059 : vector<16xi1>, vector<16xi32>
      %jit3A_2061 = arith.constant 8 : i32
      %div3A = arith.divsi %scan3A_2019, %jit3A_2061 : i32
      %sign3A = arith.constant 0 : i32
      %sign3A_2062 = arith.cmpi sgt, %scan3A_2019, %sign3A : i32
      %sign3A_2063 = arith.extui %sign3A_2062 : i1 to i32
      %sign3A_2064 = arith.constant 0 : i32
      %sign3A_2065 = arith.cmpi slt, %scan3A_2019, %sign3A_2064 : i32
      %sign3A_2066 = arith.extui %sign3A_2065 : i1 to i32
      %sign3A_2067 = arith.subi %sign3A_2063, %sign3A_2066 : i32
      %sign3A_2068 = arith.constant 0 : i32
      %sign3A_2069 = arith.cmpi sgt, %jit3A_2061, %sign3A_2068 : i32
      %sign3A_2070 = arith.extui %sign3A_2069 : i1 to i32
      %sign3A_2071 = arith.constant 0 : i32
      %sign3A_2072 = arith.cmpi slt, %jit3A_2061, %sign3A_2071 : i32
      %sign3A_2073 = arith.extui %sign3A_2072 : i1 to i32
      %sign3A_2074 = arith.subi %sign3A_2070, %sign3A_2073 : i32
      %ne3A_2075 = arith.cmpi ne, %sign3A_2067, %sign3A_2074 : i32
      %rem3A_2076 = arith.remsi %scan3A_2019, %jit3A_2061 : i32
      %ne3A_2077 = arith.constant 0 : i32
      %ne3A_2078 = arith.cmpi ne, %rem3A_2076, %ne3A_2077 : i32
      %and3A_2079 = arith.andi %ne3A_2075, %ne3A_2078 : i1
      %sub3A_2080 = arith.constant 1 : i32
      %sub3A_2081 = arith.subi %div3A, %sub3A_2080 : i32
      %select_n3A_2082 = arith.select %and3A_2079, %sub3A_2081, %div3A : i32
      %jit3A_2083 = arith.constant 8 : i32
      %eq3A_2084 = arith.constant 0 : i32
      %eq3A_2085 = arith.cmpi eq, %jit3A_2083, %eq3A_2084 : i32
      %jit3A_2086 = arith.constant 1 : i32
      %select_n3A_2087 = arith.select %eq3A_2085, %jit3A_2086, %jit3A_2083 : i32
      %rem3A_2088 = arith.remsi %scan3A_2019, %select_n3A_2087 : i32
      %ne3A_2089 = arith.constant 0 : i32
      %ne3A_2090 = arith.cmpi ne, %rem3A_2088, %ne3A_2089 : i32
      %lt3A_2091 = arith.constant 0 : i32
      %lt3A_2092 = arith.cmpi slt, %rem3A_2088, %lt3A_2091 : i32
      %lt3A_2093 = arith.constant 0 : i32
      %lt3A_2094 = arith.cmpi slt, %select_n3A_2087, %lt3A_2093 : i32
      %ne3A_2095 = arith.xori %lt3A_2092, %lt3A_2094 : i1
      %and3A_2096 = arith.andi %ne3A_2095, %ne3A_2090 : i1
      %add3A_2097 = arith.addi %rem3A_2088, %select_n3A_2087 : i32
      %select_n3A_2098 = arith.select %and3A_2096, %add3A_2097, %rem3A_2088 : i32
      %mul3A_2099 = arith.constant 16 : i32
      %mul3A_2100 = arith.muli %select_n3A_2098, %mul3A_2099 : i32
      %swap3A = arith.constant 1 : i32
      %swap3A_2101 = arith.index_cast %swap3A : i32 to index
      %swap3A_2102 = arith.index_cast %select_n3A_2082 : i32 to index
      %swap3A_2103 = arith.index_cast %mul3A_2100 : i32 to index
      %swap3A_2104 = tpu.vector_load %arg10[%swap3A_2101, %swap3A_2102, %swap3A_2103] {strides = array<i32>} : memref<2x4x128xi32, #tpu.memory_space<vmem>>, vector<16xi32>,
      tpu.vector_store %arg10[%swap3A_2101, %swap3A_2102, %swap3A_2103], %select_n3A_2060 {strides = array<i32>} : memref<2x4x128xi32, #tpu.memory_space<vmem>>, vector<16xi32>,
      %shift_right_logical3A_2105 = arith.constant 4 : i32
      %shift_right_logical3A_2106 = vector.broadcast %shift_right_logical3A_2105 : i32 to vector<16xi32>
      %shift_right_logical3A_2107 = arith.shrui %sub3A_2033, %shift_right_logical3A_2106 : vector<16xi32>
      %add3A_2108 = arith.constant 65664 : i32
      %add3A_2109 = vector.broadcast %add3A_2108 : i32 to vector<16xi32>
      %add3A_2110 = arith.addi %add3A_2109, %shift_right_logical3A_2107 : vector<16xi32>
      %select_n3A_2111 = arith.select %and3A_2032, %add3A_2110, %add3A_2059 : vector<16xi1>, vector<16xi32>
      %jit3A_2112 = arith.constant 8 : i32
      %div3A_2113 = arith.divsi %scan3A_2019, %jit3A_2112 : i32
      %sign3A_2114 = arith.constant 0 : i32
      %sign3A_2115 = arith.cmpi sgt, %scan3A_2019, %sign3A_2114 : i32
      %sign3A_2116 = arith.extui %sign3A_2115 : i1 to i32
      %sign3A_2117 = arith.constant 0 : i32
      %sign3A_2118 = arith.cmpi slt, %scan3A_2019, %sign3A_2117 : i32
      %sign3A_2119 = arith.extui %sign3A_2118 : i1 to i32
      %sign3A_2120 = arith.subi %sign3A_2116, %sign3A_2119 : i32
      %sign3A_2121 = arith.constant 0 : i32
      %sign3A_2122 = arith.cmpi sgt, %jit3A_2112, %sign3A_2121 : i32
      %sign3A_2123 = arith.extui %sign3A_2122 : i1 to i32
      %sign3A_2124 = arith.constant 0 : i32
      %sign3A_2125 = arith.cmpi slt, %jit3A_2112, %sign3A_2124 : i32
      %sign3A_2126 = arith.extui %sign3A_2125 : i1 to i32
      %sign3A_2127 = arith.subi %sign3A_2123, %sign3A_2126 : i32
      %ne3A_2128 = arith.cmpi ne, %sign3A_2120, %sign3A_2127 : i32
      %rem3A_2129 = arith.remsi %scan3A_2019, %jit3A_2112 : i32
      %ne3A_2130 = arith.constant 0 : i32
      %ne3A_2131 = arith.cmpi ne, %rem3A_2129, %ne3A_2130 : i32
      %and3A_2132 = arith.andi %ne3A_2128, %ne3A_2131 : i1
      %sub3A_2133 = arith.constant 1 : i32
      %sub3A_2134 = arith.subi %div3A_2113, %sub3A_2133 : i32
      %select_n3A_2135 = arith.select %and3A_2132, %sub3A_2134, %div3A_2113 : i32
      %jit3A_2136 = arith.constant 8 : i32
      %eq3A_2137 = arith.constant 0 : i32
      %eq3A_2138 = arith.cmpi eq, %jit3A_2136, %eq3A_2137 : i32
      %jit3A_2139 = arith.constant 1 : i32
      %select_n3A_2140 = arith.select %eq3A_2138, %jit3A_2139, %jit3A_2136 : i32
      %rem3A_2141 = arith.remsi %scan3A_2019, %select_n3A_2140 : i32
      %ne3A_2142 = arith.constant 0 : i32
      %ne3A_2143 = arith.cmpi ne, %rem3A_2141, %ne3A_2142 : i32
      %lt3A_2144 = arith.constant 0 : i32
      %lt3A_2145 = arith.cmpi slt, %rem3A_2141, %lt3A_2144 : i32
      %lt3A_2146 = arith.constant 0 : i32
      %lt3A_2147 = arith.cmpi slt, %select_n3A_2140, %lt3A_2146 : i32
      %ne3A_2148 = arith.xori %lt3A_2145, %lt3A_2147 : i1
      %and3A_2149 = arith.andi %ne3A_2148, %ne3A_2143 : i1
      %add3A_2150 = arith.addi %rem3A_2141, %select_n3A_2140 : i32
      %select_n3A_2151 = arith.select %and3A_2149, %add3A_2150, %rem3A_2141 : i32
      %mul3A_2152 = arith.constant 16 : i32
      %mul3A_2153 = arith.muli %select_n3A_2151, %mul3A_2152 : i32
      %swap3A_2154 = arith.constant 1 : i32
      %swap3A_2155 = arith.index_cast %swap3A_2154 : i32 to index
      %swap3A_2156 = arith.index_cast %select_n3A_2135 : i32 to index
      %swap3A_2157 = arith.index_cast %mul3A_2153 : i32 to index
      %swap3A_2158 = tpu.vector_load %arg11[%swap3A_2155, %swap3A_2156, %swap3A_2157] {strides = array<i32>} : memref<2x4x128xi32, #tpu.memory_space<vmem>>, vector<16xi32>,
      tpu.vector_store %arg11[%swap3A_2155, %swap3A_2156, %swap3A_2157], %select_n3A_2111 {strides = array<i32>} : memref<2x4x128xi32, #tpu.memory_space<vmem>>, vector<16xi32>,
      %mul3A_2159 = arith.constant 16 : i32
      %mul3A_2160 = arith.muli %scan3A_2019, %mul3A_2159 : i32
      %add3A_2161 = vector.broadcast %mul3A_2160 : i32 to vector<16xi32>
      %add3A_2162 = arith.addi %iota3A, %add3A_2161 : vector<16xi32>
      %and3A_2163 = arith.constant 15 : i32
      %and3A_2164 = vector.broadcast %and3A_2163 : i32 to vector<16xi32>
      %and3A_2165 = arith.andi %get3A_2027, %and3A_2164 : vector<16xi32>
      %scatter3A = arith.constant 1 : i32
      %scatter3A_2166 = arith.constant 0 : i32
      %scatter3A_2167 = arith.constant 0 : i32
      %scatter3A_2168 = tpu.memref_slice %arg8[%scatter3A, %scatter3A_2166, %scatter3A_2167] : memref<2x512x16xf32, #tpu.memory_space<vmem>> -> memref<1x512x16xf32, #tpu.memory_space<vmem>>
      %scatter3A_2169 = tpu.memref_squeeze %scatter3A_2168 : memref<1x512x16xf32, #tpu.memory_space<vmem>> -> memref<512x16xf32, #tpu.memory_space<vmem>>
      tpu.vector_store_idx %scatter3A_2169[%add3A_2162, %and3A_2165], %broadcast_in_dim3A_5 : memref<512x16xf32, #tpu.memory_space<vmem>>[vector<16xi32>, vector<16xi32>], vector<16xf32>,
      %and3A_2170 = arith.constant 15 : i32
      %and3A_2171 = vector.broadcast %and3A_2170 : i32 to vector<16xi32>
      %and3A_2172 = arith.andi %sub3A_2033, %and3A_2171 : vector<16xi32>
      %scatter3A_2173 = arith.constant 1 : i32
      %scatter3A_2174 = arith.constant 0 : i32
      %scatter3A_2175 = arith.constant 0 : i32
      %scatter3A_2176 = tpu.memref_slice %arg9[%scatter3A_2173, %scatter3A_2174, %scatter3A_2175] : memref<2x512x16xf32, #tpu.memory_space<vmem>> -> memref<1x512x16xf32, #tpu.memory_space<vmem>>
      %scatter3A_2177 = tpu.memref_squeeze %scatter3A_2176 : memref<1x512x16xf32, #tpu.memory_space<vmem>> -> memref<512x16xf32, #tpu.memory_space<vmem>>
      tpu.vector_store_idx %scatter3A_2177[%add3A_2162, %and3A_2172], %broadcast_in_dim3A_5 : memref<512x16xf32, #tpu.memory_space<vmem>>[vector<16xi32>, vector<16xi32>], vector<16xf32>,
      %scan3A_2178 = arith.constant 0 : i32
      scf.yield %scan3A_2178 : i32
    }
    %scan3A_686 = arith.constant 32 : i32
    %dma_start3A_687 = arith.constant 1 : i32
    %dma_start3A_688 = arith.constant 1 : i32
    %dma_start3A_689 = arith.constant 0 : i32
    %dma_start3A_690 = arith.constant 0 : i32
    %dma_start3A_691 = arith.constant 0 : i32
    %dma_start3A_692 = tpu.memref_slice %arg8[%dma_start3A_687, %dma_start3A_690, %dma_start3A_691] : memref<2x512x16xf32, #tpu.memory_space<vmem>> -> memref<1x128x16xf32, #tpu.memory_space<vmem>>
    %dma_start3A_693 = tpu.memref_squeeze %dma_start3A_692 : memref<1x128x16xf32, #tpu.memory_space<vmem>> -> memref<128x16xf32, #tpu.memory_space<vmem>>
    %dma_start3A_694 = arith.constant 0 : i32
    %dma_start3A_695 = tpu.memref_slice %arg10[%dma_start3A_688, %dma_start3A_689, %dma_start3A_694] : memref<2x4x128xi32, #tpu.memory_space<vmem>> -> memref<1x1x128xi32, #tpu.memory_space<vmem>>
    %dma_start3A_696 = tpu.memref_squeeze %dma_start3A_695 : memref<1x1x128xi32, #tpu.memory_space<vmem>> -> memref<128xi32, #tpu.memory_space<vmem>>
    %dma_start3A_697 = arith.constant 0 : i32
    %dma_start3A_698 = arith.constant 0 : i32
    %dma_start3A_699 = tpu.memref_slice %arg13[%dma_start3A_697, %dma_start3A_698] : memref<65696x16xf32, #tpu.memory_space<vmem_shared>> -> memref<65696x16xf32, #tpu.memory_space<vmem_shared>>
    tpu.enqueue_indirect_dma source(%dma_start3A_693 : memref<128x16xf32, #tpu.memory_space<vmem>>) target(%dma_start3A_699 : memref<65696x16xf32, #tpu.memory_space<vmem_shared>>) offsets(%dma_start3A_696 : memref<128xi32, #tpu.memory_space<vmem>>) semaphore(%arg14 : memref<!tpu.dma_semaphore, #tpu.memory_space<semaphore_mem>>) {add = true}
    %dma_start3A_700 = arith.constant 1 : i32
    %dma_start3A_701 = arith.constant 1 : i32
    %dma_start3A_702 = arith.constant 0 : i32
    %dma_start3A_703 = arith.constant 0 : i32
    %dma_start3A_704 = arith.constant 0 : i32
    %dma_start3A_705 = tpu.memref_slice %arg9[%dma_start3A_700, %dma_start3A_703, %dma_start3A_704] : memref<2x512x16xf32, #tpu.memory_space<vmem>> -> memref<1x128x16xf32, #tpu.memory_space<vmem>>
    %dma_start3A_706 = tpu.memref_squeeze %dma_start3A_705 : memref<1x128x16xf32, #tpu.memory_space<vmem>> -> memref<128x16xf32, #tpu.memory_space<vmem>>
    %dma_start3A_707 = arith.constant 0 : i32
    %dma_start3A_708 = tpu.memref_slice %arg11[%dma_start3A_701, %dma_start3A_702, %dma_start3A_707] : memref<2x4x128xi32, #tpu.memory_space<vmem>> -> memref<1x1x128xi32, #tpu.memory_space<vmem>>
    %dma_start3A_709 = tpu.memref_squeeze %dma_start3A_708 : memref<1x1x128xi32, #tpu.memory_space<vmem>> -> memref<128xi32, #tpu.memory_space<vmem>>
    %dma_start3A_710 = arith.constant 0 : i32
    %dma_start3A_711 = arith.constant 0 : i32
    %dma_start3A_712 = tpu.memref_slice %arg13[%dma_start3A_710, %dma_start3A_711] : memref<65696x16xf32, #tpu.memory_space<vmem_shared>> -> memref<65696x16xf32, #tpu.memory_space<vmem_shared>>
    tpu.enqueue_indirect_dma source(%dma_start3A_706 : memref<128x16xf32, #tpu.memory_space<vmem>>) target(%dma_start3A_712 : memref<65696x16xf32, #tpu.memory_space<vmem_shared>>) offsets(%dma_start3A_709 : memref<128xi32, #tpu.memory_space<vmem>>) semaphore(%arg14 : memref<!tpu.dma_semaphore, #tpu.memory_space<semaphore_mem>>) {add = true}
    %dma_start3A_713 = arith.constant 1 : i32
    %dma_start3A_714 = arith.constant 1 : i32
    %dma_start3A_715 = arith.constant 1 : i32
    %dma_start3A_716 = arith.constant 128 : i32
    %dma_start3A_717 = arith.constant 0 : i32
    %dma_start3A_718 = tpu.memref_slice %arg8[%dma_start3A_713, %dma_start3A_716, %dma_start3A_717] : memref<2x512x16xf32, #tpu.memory_space<vmem>> -> memref<1x128x16xf32, #tpu.memory_space<vmem>>
    %dma_start3A_719 = tpu.memref_squeeze %dma_start3A_718 : memref<1x128x16xf32, #tpu.memory_space<vmem>> -> memref<128x16xf32, #tpu.memory_space<vmem>>
    %dma_start3A_720 = arith.constant 0 : i32
    %dma_start3A_721 = tpu.memref_slice %arg10[%dma_start3A_714, %dma_start3A_715, %dma_start3A_720] : memref<2x4x128xi32, #tpu.memory_space<vmem>> -> memref<1x1x128xi32, #tpu.memory_space<vmem>>
    %dma_start3A_722 = tpu.memref_squeeze %dma_start3A_721 : memref<1x1x128xi32, #tpu.memory_space<vmem>> -> memref<128xi32, #tpu.memory_space<vmem>>
    %dma_start3A_723 = arith.constant 0 : i32
    %dma_start3A_724 = arith.constant 0 : i32
    %dma_start3A_725 = tpu.memref_slice %arg13[%dma_start3A_723, %dma_start3A_724] : memref<65696x16xf32, #tpu.memory_space<vmem_shared>> -> memref<65696x16xf32, #tpu.memory_space<vmem_shared>>
    tpu.enqueue_indirect_dma source(%dma_start3A_719 : memref<128x16xf32, #tpu.memory_space<vmem>>) target(%dma_start3A_725 : memref<65696x16xf32, #tpu.memory_space<vmem_shared>>) offsets(%dma_start3A_722 : memref<128xi32, #tpu.memory_space<vmem>>) semaphore(%arg14 : memref<!tpu.dma_semaphore, #tpu.memory_space<semaphore_mem>>) {add = true}
    %dma_start3A_726 = arith.constant 1 : i32
    %dma_start3A_727 = arith.constant 1 : i32
    %dma_start3A_728 = arith.constant 1 : i32
    %dma_start3A_729 = arith.constant 128 : i32
    %dma_start3A_730 = arith.constant 0 : i32
    %dma_start3A_731 = tpu.memref_slice %arg9[%dma_start3A_726, %dma_start3A_729, %dma_start3A_730] : memref<2x512x16xf32, #tpu.memory_space<vmem>> -> memref<1x128x16xf32, #tpu.memory_space<vmem>>
    %dma_start3A_732 = tpu.memref_squeeze %dma_start3A_731 : memref<1x128x16xf32, #tpu.memory_space<vmem>> -> memref<128x16xf32, #tpu.memory_space<vmem>>
    %dma_start3A_733 = arith.constant 0 : i32
    %dma_start3A_734 = tpu.memref_slice %arg11[%dma_start3A_727, %dma_start3A_728, %dma_start3A_733] : memref<2x4x128xi32, #tpu.memory_space<vmem>> -> memref<1x1x128xi32, #tpu.memory_space<vmem>>
    %dma_start3A_735 = tpu.memref_squeeze %dma_start3A_734 : memref<1x1x128xi32, #tpu.memory_space<vmem>> -> memref<128xi32, #tpu.memory_space<vmem>>
    %dma_start3A_736 = arith.constant 0 : i32
    %dma_start3A_737 = arith.constant 0 : i32
    %dma_start3A_738 = tpu.memref_slice %arg13[%dma_start3A_736, %dma_start3A_737] : memref<65696x16xf32, #tpu.memory_space<vmem_shared>> -> memref<65696x16xf32, #tpu.memory_space<vmem_shared>>
    tpu.enqueue_indirect_dma source(%dma_start3A_732 : memref<128x16xf32, #tpu.memory_space<vmem>>) target(%dma_start3A_738 : memref<65696x16xf32, #tpu.memory_space<vmem_shared>>) offsets(%dma_start3A_735 : memref<128xi32, #tpu.memory_space<vmem>>) semaphore(%arg14 : memref<!tpu.dma_semaphore, #tpu.memory_space<semaphore_mem>>) {add = true}
    %dma_start3A_739 = arith.constant 1 : i32
    %dma_start3A_740 = arith.constant 1 : i32
    %dma_start3A_741 = arith.constant 2 : i32
    %dma_start3A_742 = arith.constant 256 : i32
    %dma_start3A_743 = arith.constant 0 : i32
    %dma_start3A_744 = tpu.memref_slice %arg8[%dma_start3A_739, %dma_start3A_742, %dma_start3A_743] : memref<2x512x16xf32, #tpu.memory_space<vmem>> -> memref<1x128x16xf32, #tpu.memory_space<vmem>>
    %dma_start3A_745 = tpu.memref_squeeze %dma_start3A_744 : memref<1x128x16xf32, #tpu.memory_space<vmem>> -> memref<128x16xf32, #tpu.memory_space<vmem>>
    %dma_start3A_746 = arith.constant 0 : i32
    %dma_start3A_747 = tpu.memref_slice %arg10[%dma_start3A_740, %dma_start3A_741, %dma_start3A_746] : memref<2x4x128xi32, #tpu.memory_space<vmem>> -> memref<1x1x128xi32, #tpu.memory_space<vmem>>
    %dma_start3A_748 = tpu.memref_squeeze %dma_start3A_747 : memref<1x1x128xi32, #tpu.memory_space<vmem>> -> memref<128xi32, #tpu.memory_space<vmem>>
    %dma_start3A_749 = arith.constant 0 : i32
    %dma_start3A_750 = arith.constant 0 : i32
    %dma_start3A_751 = tpu.memref_slice %arg13[%dma_start3A_749, %dma_start3A_750] : memref<65696x16xf32, #tpu.memory_space<vmem_shared>> -> memref<65696x16xf32, #tpu.memory_space<vmem_shared>>
    tpu.enqueue_indirect_dma source(%dma_start3A_745 : memref<128x16xf32, #tpu.memory_space<vmem>>) target(%dma_start3A_751 : memref<65696x16xf32, #tpu.memory_space<vmem_shared>>) offsets(%dma_start3A_748 : memref<128xi32, #tpu.memory_space<vmem>>) semaphore(%arg14 : memref<!tpu.dma_semaphore, #tpu.memory_space<semaphore_mem>>) {add = true}
    %dma_start3A_752 = arith.constant 1 : i32
    %dma_start3A_753 = arith.constant 1 : i32
    %dma_start3A_754 = arith.constant 2 : i32
    %dma_start3A_755 = arith.constant 256 : i32
    %dma_start3A_756 = arith.constant 0 : i32
    %dma_start3A_757 = tpu.memref_slice %arg9[%dma_start3A_752, %dma_start3A_755, %dma_start3A_756] : memref<2x512x16xf32, #tpu.memory_space<vmem>> -> memref<1x128x16xf32, #tpu.memory_space<vmem>>
    %dma_start3A_758 = tpu.memref_squeeze %dma_start3A_757 : memref<1x128x16xf32, #tpu.memory_space<vmem>> -> memref<128x16xf32, #tpu.memory_space<vmem>>
    %dma_start3A_759 = arith.constant 0 : i32
    %dma_start3A_760 = tpu.memref_slice %arg11[%dma_start3A_753, %dma_start3A_754, %dma_start3A_759] : memref<2x4x128xi32, #tpu.memory_space<vmem>> -> memref<1x1x128xi32, #tpu.memory_space<vmem>>
    %dma_start3A_761 = tpu.memref_squeeze %dma_start3A_760 : memref<1x1x128xi32, #tpu.memory_space<vmem>> -> memref<128xi32, #tpu.memory_space<vmem>>
    %dma_start3A_762 = arith.constant 0 : i32
    %dma_start3A_763 = arith.constant 0 : i32
    %dma_start3A_764 = tpu.memref_slice %arg13[%dma_start3A_762, %dma_start3A_763] : memref<65696x16xf32, #tpu.memory_space<vmem_shared>> -> memref<65696x16xf32, #tpu.memory_space<vmem_shared>>
    tpu.enqueue_indirect_dma source(%dma_start3A_758 : memref<128x16xf32, #tpu.memory_space<vmem>>) target(%dma_start3A_764 : memref<65696x16xf32, #tpu.memory_space<vmem_shared>>) offsets(%dma_start3A_761 : memref<128xi32, #tpu.memory_space<vmem>>) semaphore(%arg14 : memref<!tpu.dma_semaphore, #tpu.memory_space<semaphore_mem>>) {add = true}
    %dma_start3A_765 = arith.constant 1 : i32
    %dma_start3A_766 = arith.constant 1 : i32
    %dma_start3A_767 = arith.constant 3 : i32
    %dma_start3A_768 = arith.constant 384 : i32
    %dma_start3A_769 = arith.constant 0 : i32
    %dma_start3A_770 = tpu.memref_slice %arg8[%dma_start3A_765, %dma_start3A_768, %dma_start3A_769] : memref<2x512x16xf32, #tpu.memory_space<vmem>> -> memref<1x128x16xf32, #tpu.memory_space<vmem>>
    %dma_start3A_771 = tpu.memref_squeeze %dma_start3A_770 : memref<1x128x16xf32, #tpu.memory_space<vmem>> -> memref<128x16xf32, #tpu.memory_space<vmem>>
    %dma_start3A_772 = arith.constant 0 : i32
    %dma_start3A_773 = tpu.memref_slice %arg10[%dma_start3A_766, %dma_start3A_767, %dma_start3A_772] : memref<2x4x128xi32, #tpu.memory_space<vmem>> -> memref<1x1x128xi32, #tpu.memory_space<vmem>>
    %dma_start3A_774 = tpu.memref_squeeze %dma_start3A_773 : memref<1x1x128xi32, #tpu.memory_space<vmem>> -> memref<128xi32, #tpu.memory_space<vmem>>
    %dma_start3A_775 = arith.constant 0 : i32
    %dma_start3A_776 = arith.constant 0 : i32
    %dma_start3A_777 = tpu.memref_slice %arg13[%dma_start3A_775, %dma_start3A_776] : memref<65696x16xf32, #tpu.memory_space<vmem_shared>> -> memref<65696x16xf32, #tpu.memory_space<vmem_shared>>
    tpu.enqueue_indirect_dma source(%dma_start3A_771 : memref<128x16xf32, #tpu.memory_space<vmem>>) target(%dma_start3A_777 : memref<65696x16xf32, #tpu.memory_space<vmem_shared>>) offsets(%dma_start3A_774 : memref<128xi32, #tpu.memory_space<vmem>>) semaphore(%arg14 : memref<!tpu.dma_semaphore, #tpu.memory_space<semaphore_mem>>) {add = true}
    %dma_start3A_778 = arith.constant 1 : i32
    %dma_start3A_779 = arith.constant 1 : i32
    %dma_start3A_780 = arith.constant 3 : i32
    %dma_start3A_781 = arith.constant 384 : i32
    %dma_start3A_782 = arith.constant 0 : i32
    %dma_start3A_783 = tpu.memref_slice %arg9[%dma_start3A_778, %dma_start3A_781, %dma_start3A_782] : memref<2x512x16xf32, #tpu.memory_space<vmem>> -> memref<1x128x16xf32, #tpu.memory_space<vmem>>
    %dma_start3A_784 = tpu.memref_squeeze %dma_start3A_783 : memref<1x128x16xf32, #tpu.memory_space<vmem>> -> memref<128x16xf32, #tpu.memory_space<vmem>>
    %dma_start3A_785 = arith.constant 0 : i32
    %dma_start3A_786 = tpu.memref_slice %arg11[%dma_start3A_779, %dma_start3A_780, %dma_start3A_785] : memref<2x4x128xi32, #tpu.memory_space<vmem>> -> memref<1x1x128xi32, #tpu.memory_space<vmem>>
    %dma_start3A_787 = tpu.memref_squeeze %dma_start3A_786 : memref<1x1x128xi32, #tpu.memory_space<vmem>> -> memref<128xi32, #tpu.memory_space<vmem>>
    %dma_start3A_788 = arith.constant 0 : i32
    %dma_start3A_789 = arith.constant 0 : i32
    %dma_start3A_790 = tpu.memref_slice %arg13[%dma_start3A_788, %dma_start3A_789] : memref<65696x16xf32, #tpu.memory_space<vmem_shared>> -> memref<65696x16xf32, #tpu.memory_space<vmem_shared>>
    tpu.enqueue_indirect_dma source(%dma_start3A_784 : memref<128x16xf32, #tpu.memory_space<vmem>>) target(%dma_start3A_790 : memref<65696x16xf32, #tpu.memory_space<vmem_shared>>) offsets(%dma_start3A_787 : memref<128xi32, #tpu.memory_space<vmem>>) semaphore(%arg14 : memref<!tpu.dma_semaphore, #tpu.memory_space<semaphore_mem>>) {add = true}
    %dma_wait3A_791 = arith.constant 0 : i32
    %dma_wait3A_792 = arith.constant 0 : i32
    %dma_wait3A_793 = arith.constant 0 : i32
    %dma_wait3A_794 = arith.constant 0 : i32
    %dma_wait3A_795 = arith.constant 0 : i32
    %dma_wait3A_796 = tpu.memref_slice %arg8[%dma_wait3A_791, %dma_wait3A_794, %dma_wait3A_795] : memref<2x512x16xf32, #tpu.memory_space<vmem>> -> memref<1x128x16xf32, #tpu.memory_space<vmem>>
    %dma_wait3A_797 = tpu.memref_squeeze %dma_wait3A_796 : memref<1x128x16xf32, #tpu.memory_space<vmem>> -> memref<128x16xf32, #tpu.memory_space<vmem>>
    %dma_wait3A_798 = arith.constant 0 : i32
    %dma_wait3A_799 = tpu.memref_slice %arg10[%dma_wait3A_792, %dma_wait3A_793, %dma_wait3A_798] : memref<2x4x128xi32, #tpu.memory_space<vmem>> -> memref<1x1x128xi32, #tpu.memory_space<vmem>>
    %dma_wait3A_800 = tpu.memref_squeeze %dma_wait3A_799 : memref<1x1x128xi32, #tpu.memory_space<vmem>> -> memref<128xi32, #tpu.memory_space<vmem>>
    %dma_wait3A_801 = arith.constant 0 : i32
    %dma_wait3A_802 = arith.constant 0 : i32
    %dma_wait3A_803 = tpu.memref_slice %arg13[%dma_wait3A_801, %dma_wait3A_802] : memref<65696x16xf32, #tpu.memory_space<vmem_shared>> -> memref<65696x16xf32, #tpu.memory_space<vmem_shared>>
    tpu.wait_indirect_dma semaphore(%arg14 : memref<!tpu.dma_semaphore, #tpu.memory_space<semaphore_mem>>) src(%dma_wait3A_797 : memref<128x16xf32, #tpu.memory_space<vmem>>) dst(%dma_wait3A_803 : memref<65696x16xf32, #tpu.memory_space<vmem_shared>>)
    %dma_wait3A_804 = arith.constant 0 : i32
    %dma_wait3A_805 = arith.constant 0 : i32
    %dma_wait3A_806 = arith.constant 0 : i32
    %dma_wait3A_807 = arith.constant 0 : i32
    %dma_wait3A_808 = arith.constant 0 : i32
    %dma_wait3A_809 = tpu.memref_slice %arg9[%dma_wait3A_804, %dma_wait3A_807, %dma_wait3A_808] : memref<2x512x16xf32, #tpu.memory_space<vmem>> -> memref<1x128x16xf32, #tpu.memory_space<vmem>>
    %dma_wait3A_810 = tpu.memref_squeeze %dma_wait3A_809 : memref<1x128x16xf32, #tpu.memory_space<vmem>> -> memref<128x16xf32, #tpu.memory_space<vmem>>
    %dma_wait3A_811 = arith.constant 0 : i32
    %dma_wait3A_812 = tpu.memref_slice %arg11[%dma_wait3A_805, %dma_wait3A_806, %dma_wait3A_811] : memref<2x4x128xi32, #tpu.memory_space<vmem>> -> memref<1x1x128xi32, #tpu.memory_space<vmem>>
    %dma_wait3A_813 = tpu.memref_squeeze %dma_wait3A_812 : memref<1x1x128xi32, #tpu.memory_space<vmem>> -> memref<128xi32, #tpu.memory_space<vmem>>
    %dma_wait3A_814 = arith.constant 0 : i32
    %dma_wait3A_815 = arith.constant 0 : i32
    %dma_wait3A_816 = tpu.memref_slice %arg13[%dma_wait3A_814, %dma_wait3A_815] : memref<65696x16xf32, #tpu.memory_space<vmem_shared>> -> memref<65696x16xf32, #tpu.memory_space<vmem_shared>>
    tpu.wait_indirect_dma semaphore(%arg14 : memref<!tpu.dma_semaphore, #tpu.memory_space<semaphore_mem>>) src(%dma_wait3A_810 : memref<128x16xf32, #tpu.memory_space<vmem>>) dst(%dma_wait3A_816 : memref<65696x16xf32, #tpu.memory_space<vmem_shared>>)
    %dma_wait3A_817 = arith.constant 0 : i32
    %dma_wait3A_818 = arith.constant 0 : i32
    %dma_wait3A_819 = arith.constant 1 : i32
    %dma_wait3A_820 = arith.constant 128 : i32
    %dma_wait3A_821 = arith.constant 0 : i32
    %dma_wait3A_822 = tpu.memref_slice %arg8[%dma_wait3A_817, %dma_wait3A_820, %dma_wait3A_821] : memref<2x512x16xf32, #tpu.memory_space<vmem>> -> memref<1x128x16xf32, #tpu.memory_space<vmem>>
    %dma_wait3A_823 = tpu.memref_squeeze %dma_wait3A_822 : memref<1x128x16xf32, #tpu.memory_space<vmem>> -> memref<128x16xf32, #tpu.memory_space<vmem>>
    %dma_wait3A_824 = arith.constant 0 : i32
    %dma_wait3A_825 = tpu.memref_slice %arg10[%dma_wait3A_818, %dma_wait3A_819, %dma_wait3A_824] : memref<2x4x128xi32, #tpu.memory_space<vmem>> -> memref<1x1x128xi32, #tpu.memory_space<vmem>>
    %dma_wait3A_826 = tpu.memref_squeeze %dma_wait3A_825 : memref<1x1x128xi32, #tpu.memory_space<vmem>> -> memref<128xi32, #tpu.memory_space<vmem>>
    %dma_wait3A_827 = arith.constant 0 : i32
    %dma_wait3A_828 = arith.constant 0 : i32
    %dma_wait3A_829 = tpu.memref_slice %arg13[%dma_wait3A_827, %dma_wait3A_828] : memref<65696x16xf32, #tpu.memory_space<vmem_shared>> -> memref<65696x16xf32, #tpu.memory_space<vmem_shared>>
    tpu.wait_indirect_dma semaphore(%arg14 : memref<!tpu.dma_semaphore, #tpu.memory_space<semaphore_mem>>) src(%dma_wait3A_823 : memref<128x16xf32, #tpu.memory_space<vmem>>) dst(%dma_wait3A_829 : memref<65696x16xf32, #tpu.memory_space<vmem_shared>>)
    %dma_wait3A_830 = arith.constant 0 : i32
    %dma_wait3A_831 = arith.constant 0 : i32
    %dma_wait3A_832 = arith.constant 1 : i32
    %dma_wait3A_833 = arith.constant 128 : i32
    %dma_wait3A_834 = arith.constant 0 : i32
    %dma_wait3A_835 = tpu.memref_slice %arg9[%dma_wait3A_830, %dma_wait3A_833, %dma_wait3A_834] : memref<2x512x16xf32, #tpu.memory_space<vmem>> -> memref<1x128x16xf32, #tpu.memory_space<vmem>>
    %dma_wait3A_836 = tpu.memref_squeeze %dma_wait3A_835 : memref<1x128x16xf32, #tpu.memory_space<vmem>> -> memref<128x16xf32, #tpu.memory_space<vmem>>
    %dma_wait3A_837 = arith.constant 0 : i32
    %dma_wait3A_838 = tpu.memref_slice %arg11[%dma_wait3A_831, %dma_wait3A_832, %dma_wait3A_837] : memref<2x4x128xi32, #tpu.memory_space<vmem>> -> memref<1x1x128xi32, #tpu.memory_space<vmem>>
    %dma_wait3A_839 = tpu.memref_squeeze %dma_wait3A_838 : memref<1x1x128xi32, #tpu.memory_space<vmem>> -> memref<128xi32, #tpu.memory_space<vmem>>
    %dma_wait3A_840 = arith.constant 0 : i32
    %dma_wait3A_841 = arith.constant 0 : i32
    %dma_wait3A_842 = tpu.memref_slice %arg13[%dma_wait3A_840, %dma_wait3A_841] : memref<65696x16xf32, #tpu.memory_space<vmem_shared>> -> memref<65696x16xf32, #tpu.memory_space<vmem_shared>>
    tpu.wait_indirect_dma semaphore(%arg14 : memref<!tpu.dma_semaphore, #tpu.memory_space<semaphore_mem>>) src(%dma_wait3A_836 : memref<128x16xf32, #tpu.memory_space<vmem>>) dst(%dma_wait3A_842 : memref<65696x16xf32, #tpu.memory_space<vmem_shared>>)
    %dma_wait3A_843 = arith.constant 0 : i32
    %dma_wait3A_844 = arith.constant 0 : i32
    %dma_wait3A_845 = arith.constant 2 : i32
    %dma_wait3A_846 = arith.constant 256 : i32
    %dma_wait3A_847 = arith.constant 0 : i32
    %dma_wait3A_848 = tpu.memref_slice %arg8[%dma_wait3A_843, %dma_wait3A_846, %dma_wait3A_847] : memref<2x512x16xf32, #tpu.memory_space<vmem>> -> memref<1x128x16xf32, #tpu.memory_space<vmem>>
    %dma_wait3A_849 = tpu.memref_squeeze %dma_wait3A_848 : memref<1x128x16xf32, #tpu.memory_space<vmem>> -> memref<128x16xf32, #tpu.memory_space<vmem>>
    %dma_wait3A_850 = arith.constant 0 : i32
    %dma_wait3A_851 = tpu.memref_slice %arg10[%dma_wait3A_844, %dma_wait3A_845, %dma_wait3A_850] : memref<2x4x128xi32, #tpu.memory_space<vmem>> -> memref<1x1x128xi32, #tpu.memory_space<vmem>>
    %dma_wait3A_852 = tpu.memref_squeeze %dma_wait3A_851 : memref<1x1x128xi32, #tpu.memory_space<vmem>> -> memref<128xi32, #tpu.memory_space<vmem>>
    %dma_wait3A_853 = arith.constant 0 : i32
    %dma_wait3A_854 = arith.constant 0 : i32
    %dma_wait3A_855 = tpu.memref_slice %arg13[%dma_wait3A_853, %dma_wait3A_854] : memref<65696x16xf32, #tpu.memory_space<vmem_shared>> -> memref<65696x16xf32, #tpu.memory_space<vmem_shared>>
    tpu.wait_indirect_dma semaphore(%arg14 : memref<!tpu.dma_semaphore, #tpu.memory_space<semaphore_mem>>) src(%dma_wait3A_849 : memref<128x16xf32, #tpu.memory_space<vmem>>) dst(%dma_wait3A_855 : memref<65696x16xf32, #tpu.memory_space<vmem_shared>>)
    %dma_wait3A_856 = arith.constant 0 : i32
    %dma_wait3A_857 = arith.constant 0 : i32
    %dma_wait3A_858 = arith.constant 2 : i32
    %dma_wait3A_859 = arith.constant 256 : i32
    %dma_wait3A_860 = arith.constant 0 : i32
    %dma_wait3A_861 = tpu.memref_slice %arg9[%dma_wait3A_856, %dma_wait3A_859, %dma_wait3A_860] : memref<2x512x16xf32, #tpu.memory_space<vmem>> -> memref<1x128x16xf32, #tpu.memory_space<vmem>>
    %dma_wait3A_862 = tpu.memref_squeeze %dma_wait3A_861 : memref<1x128x16xf32, #tpu.memory_space<vmem>> -> memref<128x16xf32, #tpu.memory_space<vmem>>
    %dma_wait3A_863 = arith.constant 0 : i32
    %dma_wait3A_864 = tpu.memref_slice %arg11[%dma_wait3A_857, %dma_wait3A_858, %dma_wait3A_863] : memref<2x4x128xi32, #tpu.memory_space<vmem>> -> memref<1x1x128xi32, #tpu.memory_space<vmem>>
    %dma_wait3A_865 = tpu.memref_squeeze %dma_wait3A_864 : memref<1x1x128xi32, #tpu.memory_space<vmem>> -> memref<128xi32, #tpu.memory_space<vmem>>
    %dma_wait3A_866 = arith.constant 0 : i32
    %dma_wait3A_867 = arith.constant 0 : i32
    %dma_wait3A_868 = tpu.memref_slice %arg13[%dma_wait3A_866, %dma_wait3A_867] : memref<65696x16xf32, #tpu.memory_space<vmem_shared>> -> memref<65696x16xf32, #tpu.memory_space<vmem_shared>>
    tpu.wait_indirect_dma semaphore(%arg14 : memref<!tpu.dma_semaphore, #tpu.memory_space<semaphore_mem>>) src(%dma_wait3A_862 : memref<128x16xf32, #tpu.memory_space<vmem>>) dst(%dma_wait3A_868 : memref<65696x16xf32, #tpu.memory_space<vmem_shared>>)
    %dma_wait3A_869 = arith.constant 0 : i32
    %dma_wait3A_870 = arith.constant 0 : i32
    %dma_wait3A_871 = arith.constant 3 : i32
    %dma_wait3A_872 = arith.constant 384 : i32
    %dma_wait3A_873 = arith.constant 0 : i32
    %dma_wait3A_874 = tpu.memref_slice %arg8[%dma_wait3A_869, %dma_wait3A_872, %dma_wait3A_873] : memref<2x512x16xf32, #tpu.memory_space<vmem>> -> memref<1x128x16xf32, #tpu.memory_space<vmem>>
    %dma_wait3A_875 = tpu.memref_squeeze %dma_wait3A_874 : memref<1x128x16xf32, #tpu.memory_space<vmem>> -> memref<128x16xf32, #tpu.memory_space<vmem>>
    %dma_wait3A_876 = arith.constant 0 : i32
    %dma_wait3A_877 = tpu.memref_slice %arg10[%dma_wait3A_870, %dma_wait3A_871, %dma_wait3A_876] : memref<2x4x128xi32, #tpu.memory_space<vmem>> -> memref<1x1x128xi32, #tpu.memory_space<vmem>>
    %dma_wait3A_878 = tpu.memref_squeeze %dma_wait3A_877 : memref<1x1x128xi32, #tpu.memory_space<vmem>> -> memref<128xi32, #tpu.memory_space<vmem>>
    %dma_wait3A_879 = arith.constant 0 : i32
    %dma_wait3A_880 = arith.constant 0 : i32
    %dma_wait3A_881 = tpu.memref_slice %arg13[%dma_wait3A_879, %dma_wait3A_880] : memref<65696x16xf32, #tpu.memory_space<vmem_shared>> -> memref<65696x16xf32, #tpu.memory_space<vmem_shared>>
    tpu.wait_indirect_dma semaphore(%arg14 : memref<!tpu.dma_semaphore, #tpu.memory_space<semaphore_mem>>) src(%dma_wait3A_875 : memref<128x16xf32, #tpu.memory_space<vmem>>) dst(%dma_wait3A_881 : memref<65696x16xf32, #tpu.memory_space<vmem_shared>>)
    %dma_wait3A_882 = arith.constant 0 : i32
    %dma_wait3A_883 = arith.constant 0 : i32
    %dma_wait3A_884 = arith.constant 3 : i32
    %dma_wait3A_885 = arith.constant 384 : i32
    %dma_wait3A_886 = arith.constant 0 : i32
    %dma_wait3A_887 = tpu.memref_slice %arg9[%dma_wait3A_882, %dma_wait3A_885, %dma_wait3A_886] : memref<2x512x16xf32, #tpu.memory_space<vmem>> -> memref<1x128x16xf32, #tpu.memory_space<vmem>>
    %dma_wait3A_888 = tpu.memref_squeeze %dma_wait3A_887 : memref<1x128x16xf32, #tpu.memory_space<vmem>> -> memref<128x16xf32, #tpu.memory_space<vmem>>
    %dma_wait3A_889 = arith.constant 0 : i32
    %dma_wait3A_890 = tpu.memref_slice %arg11[%dma_wait3A_883, %dma_wait3A_884, %dma_wait3A_889] : memref<2x4x128xi32, #tpu.memory_space<vmem>> -> memref<1x1x128xi32, #tpu.memory_space<vmem>>
    %dma_wait3A_891 = tpu.memref_squeeze %dma_wait3A_890 : memref<1x1x128xi32, #tpu.memory_space<vmem>> -> memref<128xi32, #tpu.memory_space<vmem>>
    %dma_wait3A_892 = arith.constant 0 : i32
    %dma_wait3A_893 = arith.constant 0 : i32
    %dma_wait3A_894 = tpu.memref_slice %arg13[%dma_wait3A_892, %dma_wait3A_893] : memref<65696x16xf32, #tpu.memory_space<vmem_shared>> -> memref<65696x16xf32, #tpu.memory_space<vmem_shared>>
    tpu.wait_indirect_dma semaphore(%arg14 : memref<!tpu.dma_semaphore, #tpu.memory_space<semaphore_mem>>) src(%dma_wait3A_888 : memref<128x16xf32, #tpu.memory_space<vmem>>) dst(%dma_wait3A_894 : memref<65696x16xf32, #tpu.memory_space<vmem_shared>>)
    %dma_wait3A_895 = arith.constant 1 : i32
    %dma_wait3A_896 = arith.constant 1 : i32
    %dma_wait3A_897 = arith.constant 0 : i32
    %dma_wait3A_898 = arith.constant 0 : i32
    %dma_wait3A_899 = arith.constant 0 : i32
    %dma_wait3A_900 = tpu.memref_slice %arg8[%dma_wait3A_895, %dma_wait3A_898, %dma_wait3A_899] : memref<2x512x16xf32, #tpu.memory_space<vmem>> -> memref<1x128x16xf32, #tpu.memory_space<vmem>>
    %dma_wait3A_901 = tpu.memref_squeeze %dma_wait3A_900 : memref<1x128x16xf32, #tpu.memory_space<vmem>> -> memref<128x16xf32, #tpu.memory_space<vmem>>
    %dma_wait3A_902 = arith.constant 0 : i32
    %dma_wait3A_903 = tpu.memref_slice %arg10[%dma_wait3A_896, %dma_wait3A_897, %dma_wait3A_902] : memref<2x4x128xi32, #tpu.memory_space<vmem>> -> memref<1x1x128xi32, #tpu.memory_space<vmem>>
    %dma_wait3A_904 = tpu.memref_squeeze %dma_wait3A_903 : memref<1x1x128xi32, #tpu.memory_space<vmem>> -> memref<128xi32, #tpu.memory_space<vmem>>
    %dma_wait3A_905 = arith.constant 0 : i32
    %dma_wait3A_906 = arith.constant 0 : i32
    %dma_wait3A_907 = tpu.memref_slice %arg13[%dma_wait3A_905, %dma_wait3A_906] : memref<65696x16xf32, #tpu.memory_space<vmem_shared>> -> memref<65696x16xf32, #tpu.memory_space<vmem_shared>>
    tpu.wait_indirect_dma semaphore(%arg14 : memref<!tpu.dma_semaphore, #tpu.memory_space<semaphore_mem>>) src(%dma_wait3A_901 : memref<128x16xf32, #tpu.memory_space<vmem>>) dst(%dma_wait3A_907 : memref<65696x16xf32, #tpu.memory_space<vmem_shared>>)
    %dma_wait3A_908 = arith.constant 1 : i32
    %dma_wait3A_909 = arith.constant 1 : i32
    %dma_wait3A_910 = arith.constant 0 : i32
    %dma_wait3A_911 = arith.constant 0 : i32
    %dma_wait3A_912 = arith.constant 0 : i32
    %dma_wait3A_913 = tpu.memref_slice %arg9[%dma_wait3A_908, %dma_wait3A_911, %dma_wait3A_912] : memref<2x512x16xf32, #tpu.memory_space<vmem>> -> memref<1x128x16xf32, #tpu.memory_space<vmem>>
    %dma_wait3A_914 = tpu.memref_squeeze %dma_wait3A_913 : memref<1x128x16xf32, #tpu.memory_space<vmem>> -> memref<128x16xf32, #tpu.memory_space<vmem>>
    %dma_wait3A_915 = arith.constant 0 : i32
    %dma_wait3A_916 = tpu.memref_slice %arg11[%dma_wait3A_909, %dma_wait3A_910, %dma_wait3A_915] : memref<2x4x128xi32, #tpu.memory_space<vmem>> -> memref<1x1x128xi32, #tpu.memory_space<vmem>>
    %dma_wait3A_917 = tpu.memref_squeeze %dma_wait3A_916 : memref<1x1x128xi32, #tpu.memory_space<vmem>> -> memref<128xi32, #tpu.memory_space<vmem>>
    %dma_wait3A_918 = arith.constant 0 : i32
    %dma_wait3A_919 = arith.constant 0 : i32
    %dma_wait3A_920 = tpu.memref_slice %arg13[%dma_wait3A_918, %dma_wait3A_919] : memref<65696x16xf32, #tpu.memory_space<vmem_shared>> -> memref<65696x16xf32, #tpu.memory_space<vmem_shared>>
    tpu.wait_indirect_dma semaphore(%arg14 : memref<!tpu.dma_semaphore, #tpu.memory_space<semaphore_mem>>) src(%dma_wait3A_914 : memref<128x16xf32, #tpu.memory_space<vmem>>) dst(%dma_wait3A_920 : memref<65696x16xf32, #tpu.memory_space<vmem_shared>>)
    %dma_wait3A_921 = arith.constant 1 : i32
    %dma_wait3A_922 = arith.constant 1 : i32
    %dma_wait3A_923 = arith.constant 1 : i32
    %dma_wait3A_924 = arith.constant 128 : i32
    %dma_wait3A_925 = arith.constant 0 : i32
    %dma_wait3A_926 = tpu.memref_slice %arg8[%dma_wait3A_921, %dma_wait3A_924, %dma_wait3A_925] : memref<2x512x16xf32, #tpu.memory_space<vmem>> -> memref<1x128x16xf32, #tpu.memory_space<vmem>>
    %dma_wait3A_927 = tpu.memref_squeeze %dma_wait3A_926 : memref<1x128x16xf32, #tpu.memory_space<vmem>> -> memref<128x16xf32, #tpu.memory_space<vmem>>
    %dma_wait3A_928 = arith.constant 0 : i32
    %dma_wait3A_929 = tpu.memref_slice %arg10[%dma_wait3A_922, %dma_wait3A_923, %dma_wait3A_928] : memref<2x4x128xi32, #tpu.memory_space<vmem>> -> memref<1x1x128xi32, #tpu.memory_space<vmem>>
    %dma_wait3A_930 = tpu.memref_squeeze %dma_wait3A_929 : memref<1x1x128xi32, #tpu.memory_space<vmem>> -> memref<128xi32, #tpu.memory_space<vmem>>
    %dma_wait3A_931 = arith.constant 0 : i32
    %dma_wait3A_932 = arith.constant 0 : i32
    %dma_wait3A_933 = tpu.memref_slice %arg13[%dma_wait3A_931, %dma_wait3A_932] : memref<65696x16xf32, #tpu.memory_space<vmem_shared>> -> memref<65696x16xf32, #tpu.memory_space<vmem_shared>>
    tpu.wait_indirect_dma semaphore(%arg14 : memref<!tpu.dma_semaphore, #tpu.memory_space<semaphore_mem>>) src(%dma_wait3A_927 : memref<128x16xf32, #tpu.memory_space<vmem>>) dst(%dma_wait3A_933 : memref<65696x16xf32, #tpu.memory_space<vmem_shared>>)
    %dma_wait3A_934 = arith.constant 1 : i32
    %dma_wait3A_935 = arith.constant 1 : i32
    %dma_wait3A_936 = arith.constant 1 : i32
    %dma_wait3A_937 = arith.constant 128 : i32
    %dma_wait3A_938 = arith.constant 0 : i32
    %dma_wait3A_939 = tpu.memref_slice %arg9[%dma_wait3A_934, %dma_wait3A_937, %dma_wait3A_938] : memref<2x512x16xf32, #tpu.memory_space<vmem>> -> memref<1x128x16xf32, #tpu.memory_space<vmem>>
    %dma_wait3A_940 = tpu.memref_squeeze %dma_wait3A_939 : memref<1x128x16xf32, #tpu.memory_space<vmem>> -> memref<128x16xf32, #tpu.memory_space<vmem>>
    %dma_wait3A_941 = arith.constant 0 : i32
    %dma_wait3A_942 = tpu.memref_slice %arg11[%dma_wait3A_935, %dma_wait3A_936, %dma_wait3A_941] : memref<2x4x128xi32, #tpu.memory_space<vmem>> -> memref<1x1x128xi32, #tpu.memory_space<vmem>>
    %dma_wait3A_943 = tpu.memref_squeeze %dma_wait3A_942 : memref<1x1x128xi32, #tpu.memory_space<vmem>> -> memref<128xi32, #tpu.memory_space<vmem>>
    %dma_wait3A_944 = arith.constant 0 : i32
    %dma_wait3A_945 = arith.constant 0 : i32
    %dma_wait3A_946 = tpu.memref_slice %arg13[%dma_wait3A_944, %dma_wait3A_945] : memref<65696x16xf32, #tpu.memory_space<vmem_shared>> -> memref<65696x16xf32, #tpu.memory_space<vmem_shared>>
    tpu.wait_indirect_dma semaphore(%arg14 : memref<!tpu.dma_semaphore, #tpu.memory_space<semaphore_mem>>) src(%dma_wait3A_940 : memref<128x16xf32, #tpu.memory_space<vmem>>) dst(%dma_wait3A_946 : memref<65696x16xf32, #tpu.memory_space<vmem_shared>>)
    %dma_wait3A_947 = arith.constant 1 : i32
    %dma_wait3A_948 = arith.constant 1 : i32
    %dma_wait3A_949 = arith.constant 2 : i32
    %dma_wait3A_950 = arith.constant 256 : i32
    %dma_wait3A_951 = arith.constant 0 : i32
    %dma_wait3A_952 = tpu.memref_slice %arg8[%dma_wait3A_947, %dma_wait3A_950, %dma_wait3A_951] : memref<2x512x16xf32, #tpu.memory_space<vmem>> -> memref<1x128x16xf32, #tpu.memory_space<vmem>>
    %dma_wait3A_953 = tpu.memref_squeeze %dma_wait3A_952 : memref<1x128x16xf32, #tpu.memory_space<vmem>> -> memref<128x16xf32, #tpu.memory_space<vmem>>
    %dma_wait3A_954 = arith.constant 0 : i32
    %dma_wait3A_955 = tpu.memref_slice %arg10[%dma_wait3A_948, %dma_wait3A_949, %dma_wait3A_954] : memref<2x4x128xi32, #tpu.memory_space<vmem>> -> memref<1x1x128xi32, #tpu.memory_space<vmem>>
    %dma_wait3A_956 = tpu.memref_squeeze %dma_wait3A_955 : memref<1x1x128xi32, #tpu.memory_space<vmem>> -> memref<128xi32, #tpu.memory_space<vmem>>
    %dma_wait3A_957 = arith.constant 0 : i32
    %dma_wait3A_958 = arith.constant 0 : i32
    %dma_wait3A_959 = tpu.memref_slice %arg13[%dma_wait3A_957, %dma_wait3A_958] : memref<65696x16xf32, #tpu.memory_space<vmem_shared>> -> memref<65696x16xf32, #tpu.memory_space<vmem_shared>>
    tpu.wait_indirect_dma semaphore(%arg14 : memref<!tpu.dma_semaphore, #tpu.memory_space<semaphore_mem>>) src(%dma_wait3A_953 : memref<128x16xf32, #tpu.memory_space<vmem>>) dst(%dma_wait3A_959 : memref<65696x16xf32, #tpu.memory_space<vmem_shared>>)
    %dma_wait3A_960 = arith.constant 1 : i32
    %dma_wait3A_961 = arith.constant 1 : i32
    %dma_wait3A_962 = arith.constant 2 : i32
    %dma_wait3A_963 = arith.constant 256 : i32
    %dma_wait3A_964 = arith.constant 0 : i32
    %dma_wait3A_965 = tpu.memref_slice %arg9[%dma_wait3A_960, %dma_wait3A_963, %dma_wait3A_964] : memref<2x512x16xf32, #tpu.memory_space<vmem>> -> memref<1x128x16xf32, #tpu.memory_space<vmem>>
    %dma_wait3A_966 = tpu.memref_squeeze %dma_wait3A_965 : memref<1x128x16xf32, #tpu.memory_space<vmem>> -> memref<128x16xf32, #tpu.memory_space<vmem>>
    %dma_wait3A_967 = arith.constant 0 : i32
    %dma_wait3A_968 = tpu.memref_slice %arg11[%dma_wait3A_961, %dma_wait3A_962, %dma_wait3A_967] : memref<2x4x128xi32, #tpu.memory_space<vmem>> -> memref<1x1x128xi32, #tpu.memory_space<vmem>>
    %dma_wait3A_969 = tpu.memref_squeeze %dma_wait3A_968 : memref<1x1x128xi32, #tpu.memory_space<vmem>> -> memref<128xi32, #tpu.memory_space<vmem>>
    %dma_wait3A_970 = arith.constant 0 : i32
    %dma_wait3A_971 = arith.constant 0 : i32
    %dma_wait3A_972 = tpu.memref_slice %arg13[%dma_wait3A_970, %dma_wait3A_971] : memref<65696x16xf32, #tpu.memory_space<vmem_shared>> -> memref<65696x16xf32, #tpu.memory_space<vmem_shared>>
    tpu.wait_indirect_dma semaphore(%arg14 : memref<!tpu.dma_semaphore, #tpu.memory_space<semaphore_mem>>) src(%dma_wait3A_966 : memref<128x16xf32, #tpu.memory_space<vmem>>) dst(%dma_wait3A_972 : memref<65696x16xf32, #tpu.memory_space<vmem_shared>>)
    %dma_wait3A_973 = arith.constant 1 : i32
    %dma_wait3A_974 = arith.constant 1 : i32
    %dma_wait3A_975 = arith.constant 3 : i32
    %dma_wait3A_976 = arith.constant 384 : i32
    %dma_wait3A_977 = arith.constant 0 : i32
    %dma_wait3A_978 = tpu.memref_slice %arg8[%dma_wait3A_973, %dma_wait3A_976, %dma_wait3A_977] : memref<2x512x16xf32, #tpu.memory_space<vmem>> -> memref<1x128x16xf32, #tpu.memory_space<vmem>>
    %dma_wait3A_979 = tpu.memref_squeeze %dma_wait3A_978 : memref<1x128x16xf32, #tpu.memory_space<vmem>> -> memref<128x16xf32, #tpu.memory_space<vmem>>
    %dma_wait3A_980 = arith.constant 0 : i32
    %dma_wait3A_981 = tpu.memref_slice %arg10[%dma_wait3A_974, %dma_wait3A_975, %dma_wait3A_980] : memref<2x4x128xi32, #tpu.memory_space<vmem>> -> memref<1x1x128xi32, #tpu.memory_space<vmem>>
    %dma_wait3A_982 = tpu.memref_squeeze %dma_wait3A_981 : memref<1x1x128xi32, #tpu.memory_space<vmem>> -> memref<128xi32, #tpu.memory_space<vmem>>
    %dma_wait3A_983 = arith.constant 0 : i32
    %dma_wait3A_984 = arith.constant 0 : i32
    %dma_wait3A_985 = tpu.memref_slice %arg13[%dma_wait3A_983, %dma_wait3A_984] : memref<65696x16xf32, #tpu.memory_space<vmem_shared>> -> memref<65696x16xf32, #tpu.memory_space<vmem_shared>>
    tpu.wait_indirect_dma semaphore(%arg14 : memref<!tpu.dma_semaphore, #tpu.memory_space<semaphore_mem>>) src(%dma_wait3A_979 : memref<128x16xf32, #tpu.memory_space<vmem>>) dst(%dma_wait3A_985 : memref<65696x16xf32, #tpu.memory_space<vmem_shared>>)
    %dma_wait3A_986 = arith.constant 1 : i32
    %dma_wait3A_987 = arith.constant 1 : i32
    %dma_wait3A_988 = arith.constant 3 : i32
    %dma_wait3A_989 = arith.constant 384 : i32
    %dma_wait3A_990 = arith.constant 0 : i32
    %dma_wait3A_991 = tpu.memref_slice %arg9[%dma_wait3A_986, %dma_wait3A_989, %dma_wait3A_990] : memref<2x512x16xf32, #tpu.memory_space<vmem>> -> memref<1x128x16xf32, #tpu.memory_space<vmem>>
    %dma_wait3A_992 = tpu.memref_squeeze %dma_wait3A_991 : memref<1x128x16xf32, #tpu.memory_space<vmem>> -> memref<128x16xf32, #tpu.memory_space<vmem>>
    %dma_wait3A_993 = arith.constant 0 : i32
    %dma_wait3A_994 = tpu.memref_slice %arg11[%dma_wait3A_987, %dma_wait3A_988, %dma_wait3A_993] : memref<2x4x128xi32, #tpu.memory_space<vmem>> -> memref<1x1x128xi32, #tpu.memory_space<vmem>>
    %dma_wait3A_995 = tpu.memref_squeeze %dma_wait3A_994 : memref<1x1x128xi32, #tpu.memory_space<vmem>> -> memref<128xi32, #tpu.memory_space<vmem>>
    %dma_wait3A_996 = arith.constant 0 : i32
    %dma_wait3A_997 = arith.constant 0 : i32
    %dma_wait3A_998 = tpu.memref_slice %arg13[%dma_wait3A_996, %dma_wait3A_997] : memref<65696x16xf32, #tpu.memory_space<vmem_shared>> -> memref<65696x16xf32, #tpu.memory_space<vmem_shared>>
    tpu.wait_indirect_dma semaphore(%arg14 : memref<!tpu.dma_semaphore, #tpu.memory_space<semaphore_mem>>) src(%dma_wait3A_992 : memref<128x16xf32, #tpu.memory_space<vmem>>) dst(%dma_wait3A_998 : memref<65696x16xf32, #tpu.memory_space<vmem_shared>>)
    %barrier3A_999 = arith.constant 0 : index
    tpu.barrier barrier_id(%barrier3A_999)
    %mul3A_1000 = arith.constant 128 : i32
    %mul3A_1001 = arith.muli %mul3A_14, %mul3A_1000 : i32
    %mul3A_1002 = arith.constant 4096 : i32
    %mul3A_1003 = arith.muli %arg1, %mul3A_1002 : i32
    %add3A_1004 = arith.addi %mul3A_1001, %mul3A_1003 : i32
    %mul3A_1005 = arith.constant 4096 : i32
    %mul3A_1006 = arith.muli %arg1, %mul3A_1005 : i32
    "tpu.region"() ({
      %run_scoped3A = tpu.sem_alloc : memref<!tpu.dma_semaphore, #tpu.memory_space<semaphore_mem>>
      %dma_start3A_2019 = arith.constant 0 : i32
      %dma_start3A_2020 = tpu.memref_slice %arg4[%add3A_1004, %dma_start3A_2019] : memref<262144x16xf32, #tpu.memory_space<hbm>> -> memref<4096x16xf32, #tpu.memory_space<hbm>>
      %dma_start3A_2021 = arith.constant 0 : i32
      %dma_start3A_2022 = tpu.memref_slice %arg13[%mul3A_1006, %dma_start3A_2021] : memref<65696x16xf32, #tpu.memory_space<vmem_shared>> -> memref<4096x16xf32, #tpu.memory_space<vmem_shared>>
      tpu.enqueue_dma source(%dma_start3A_2022 : memref<4096x16xf32, #tpu.memory_space<vmem_shared>>) target(%dma_start3A_2020 : memref<4096x16xf32, #tpu.memory_space<hbm>>) target_semaphore(%run_scoped3A : memref<!tpu.dma_semaphore, #tpu.memory_space<semaphore_mem>>)
      %dma_wait3A_2023 = arith.constant 0 : i32
      %dma_wait3A_2024 = tpu.memref_slice %arg4[%add3A_1004, %dma_wait3A_2023] : memref<262144x16xf32, #tpu.memory_space<hbm>> -> memref<4096x16xf32, #tpu.memory_space<hbm>>
      %dma_wait3A_2025 = arith.constant 0 : i32
      %dma_wait3A_2026 = tpu.memref_slice %arg13[%mul3A_1006, %dma_wait3A_2025] : memref<65696x16xf32, #tpu.memory_space<vmem_shared>> -> memref<4096x16xf32, #tpu.memory_space<vmem_shared>>
      tpu.wait_dma2 semaphore(%run_scoped3A : memref<!tpu.dma_semaphore, #tpu.memory_space<semaphore_mem>>) src(%dma_wait3A_2026 : memref<4096x16xf32, #tpu.memory_space<vmem_shared>>) dst(%dma_wait3A_2024 : memref<4096x16xf32, #tpu.memory_space<hbm>>)
      tpu.yield
    }) : () -> ()
    %eq3A_1007 = arith.constant 0 : i32
    %eq3A_1008 = arith.cmpi eq, %arg1, %eq3A_1007 : i32
    %convert_element_type3A_1009 = arith.extui %eq3A_1008 : i1 to i32
    %cond3A_1010 = arith.constant 0 : i32
    %cond3A_1011 = arith.cmpi ne, %convert_element_type3A_1009, %cond3A_1010 : i32
    scf.if %cond3A_1011 {
      %add3A_2019 = arith.constant 0 : i32
      %add3A_2020 = arith.addi %add3A_2019, %arg0 : i32
      %mul3A_2021 = arith.constant 32 : i32
      %mul3A_2022 = arith.muli %add3A_2020, %mul3A_2021 : i32
      "tpu.region"() ({
        %run_scoped3A = tpu.sem_alloc : memref<!tpu.dma_semaphore, #tpu.memory_space<semaphore_mem>>
        %dma_start3A_2023 = arith.constant 0 : i32
        %dma_start3A_2024 = tpu.memref_slice %arg5[%mul3A_2022, %dma_start3A_2023] : memref<128x16xf32, #tpu.memory_space<hbm>> -> memref<32x16xf32, #tpu.memory_space<hbm>>
        %dma_start3A_2025 = arith.constant 65664 : i32
        %dma_start3A_2026 = arith.constant 0 : i32
        %dma_start3A_2027 = tpu.memref_slice %arg13[%dma_start3A_2025, %dma_start3A_2026] : memref<65696x16xf32, #tpu.memory_space<vmem_shared>> -> memref<32x16xf32, #tpu.memory_space<vmem_shared>>
        tpu.enqueue_dma source(%dma_start3A_2027 : memref<32x16xf32, #tpu.memory_space<vmem_shared>>) target(%dma_start3A_2024 : memref<32x16xf32, #tpu.memory_space<hbm>>) target_semaphore(%run_scoped3A : memref<!tpu.dma_semaphore, #tpu.memory_space<semaphore_mem>>)
        %dma_wait3A_2028 = arith.constant 0 : i32
        %dma_wait3A_2029 = tpu.memref_slice %arg5[%mul3A_2022, %dma_wait3A_2028] : memref<128x16xf32, #tpu.memory_space<hbm>> -> memref<32x16xf32, #tpu.memory_space<hbm>>
        %dma_wait3A_2030 = arith.constant 65664 : i32
        %dma_wait3A_2031 = arith.constant 0 : i32
        %dma_wait3A_2032 = tpu.memref_slice %arg13[%dma_wait3A_2030, %dma_wait3A_2031] : memref<65696x16xf32, #tpu.memory_space<vmem_shared>> -> memref<32x16xf32, #tpu.memory_space<vmem_shared>>
        tpu.wait_dma2 semaphore(%run_scoped3A : memref<!tpu.dma_semaphore, #tpu.memory_space<semaphore_mem>>) src(%dma_wait3A_2032 : memref<32x16xf32, #tpu.memory_space<vmem_shared>>) dst(%dma_wait3A_2029 : memref<32x16xf32, #tpu.memory_space<hbm>>)
        tpu.yield
      }) : () -> ()
    } else {
    }
    %add3A_1012 = arith.constant 2 : i32
    %add3A_1013 = arith.addi %add3A_1012, %arg0 : i32
    %mul3A_1014 = arith.constant 512 : i32
    %mul3A_1015 = arith.muli %add3A_1013, %mul3A_1014 : i32
    %mul3A_1016 = arith.constant 4096 : i32
    %mul3A_1017 = arith.muli %arg1, %mul3A_1016 : i32
    %add3A_1018 = arith.constant 0 : i32
    %add3A_1019 = arith.addi %mul3A_1017, %add3A_1018 : i32
    %dma_start3A_1020 = arith.constant 0 : i32
    %dma_start3A_1021 = tpu.memref_slice %arg13[%add3A_1019, %dma_start3A_1020] : memref<65696x16xf32, #tpu.memory_space<vmem_shared>> -> memref<512x16xf32, #tpu.memory_space<vmem_shared>>
    %dma_start3A_1022 = arith.constant 0 : i32
    %dma_start3A_1023 = tpu.memref_slice %arg13[%add3A_1019, %dma_start3A_1022] : memref<65696x16xf32, #tpu.memory_space<vmem_shared>> -> memref<512x16xf32, #tpu.memory_space<vmem_shared>>
    tpu.enqueue_dma source(%arg12 : memref<512x16xf32, #tpu.memory_space<vmem>>) target(%dma_start3A_1023 : memref<512x16xf32, #tpu.memory_space<vmem_shared>>) target_semaphore(%arg14 : memref<!tpu.dma_semaphore, #tpu.memory_space<semaphore_mem>>)
    %mul3A_1024 = arith.constant 4096 : i32
    %mul3A_1025 = arith.muli %arg1, %mul3A_1024 : i32
    %add3A_1026 = arith.constant 512 : i32
    %add3A_1027 = arith.addi %mul3A_1025, %add3A_1026 : i32
    %dma_start3A_1028 = arith.constant 0 : i32
    %dma_start3A_1029 = tpu.memref_slice %arg13[%add3A_1027, %dma_start3A_1028] : memref<65696x16xf32, #tpu.memory_space<vmem_shared>> -> memref<512x16xf32, #tpu.memory_space<vmem_shared>>
    %dma_start3A_1030 = arith.constant 0 : i32
    %dma_start3A_1031 = tpu.memref_slice %arg13[%add3A_1027, %dma_start3A_1030] : memref<65696x16xf32, #tpu.memory_space<vmem_shared>> -> memref<512x16xf32, #tpu.memory_space<vmem_shared>>
    tpu.enqueue_dma source(%arg12 : memref<512x16xf32, #tpu.memory_space<vmem>>) target(%dma_start3A_1031 : memref<512x16xf32, #tpu.memory_space<vmem_shared>>) target_semaphore(%arg14 : memref<!tpu.dma_semaphore, #tpu.memory_space<semaphore_mem>>)
    %mul3A_1032 = arith.constant 4096 : i32
    %mul3A_1033 = arith.muli %arg1, %mul3A_1032 : i32
    %add3A_1034 = arith.constant 1024 : i32
    %add3A_1035 = arith.addi %mul3A_1033, %add3A_1034 : i32
    %dma_start3A_1036 = arith.constant 0 : i32
    %dma_start3A_1037 = tpu.memref_slice %arg13[%add3A_1035, %dma_start3A_1036] : memref<65696x16xf32, #tpu.memory_space<vmem_shared>> -> memref<512x16xf32, #tpu.memory_space<vmem_shared>>
    %dma_start3A_1038 = arith.constant 0 : i32
    %dma_start3A_1039 = tpu.memref_slice %arg13[%add3A_1035, %dma_start3A_1038] : memref<65696x16xf32, #tpu.memory_space<vmem_shared>> -> memref<512x16xf32, #tpu.memory_space<vmem_shared>>
    tpu.enqueue_dma source(%arg12 : memref<512x16xf32, #tpu.memory_space<vmem>>) target(%dma_start3A_1039 : memref<512x16xf32, #tpu.memory_space<vmem_shared>>) target_semaphore(%arg14 : memref<!tpu.dma_semaphore, #tpu.memory_space<semaphore_mem>>)
    %mul3A_1040 = arith.constant 4096 : i32
    %mul3A_1041 = arith.muli %arg1, %mul3A_1040 : i32
    %add3A_1042 = arith.constant 1536 : i32
    %add3A_1043 = arith.addi %mul3A_1041, %add3A_1042 : i32
    %dma_start3A_1044 = arith.constant 0 : i32
    %dma_start3A_1045 = tpu.memref_slice %arg13[%add3A_1043, %dma_start3A_1044] : memref<65696x16xf32, #tpu.memory_space<vmem_shared>> -> memref<512x16xf32, #tpu.memory_space<vmem_shared>>
    %dma_start3A_1046 = arith.constant 0 : i32
    %dma_start3A_1047 = tpu.memref_slice %arg13[%add3A_1043, %dma_start3A_1046] : memref<65696x16xf32, #tpu.memory_space<vmem_shared>> -> memref<512x16xf32, #tpu.memory_space<vmem_shared>>
    tpu.enqueue_dma source(%arg12 : memref<512x16xf32, #tpu.memory_space<vmem>>) target(%dma_start3A_1047 : memref<512x16xf32, #tpu.memory_space<vmem_shared>>) target_semaphore(%arg14 : memref<!tpu.dma_semaphore, #tpu.memory_space<semaphore_mem>>)
    %mul3A_1048 = arith.constant 4096 : i32
    %mul3A_1049 = arith.muli %arg1, %mul3A_1048 : i32
    %add3A_1050 = arith.constant 2048 : i32
    %add3A_1051 = arith.addi %mul3A_1049, %add3A_1050 : i32
    %dma_start3A_1052 = arith.constant 0 : i32
    %dma_start3A_1053 = tpu.memref_slice %arg13[%add3A_1051, %dma_start3A_1052] : memref<65696x16xf32, #tpu.memory_space<vmem_shared>> -> memref<512x16xf32, #tpu.memory_space<vmem_shared>>
    %dma_start3A_1054 = arith.constant 0 : i32
    %dma_start3A_1055 = tpu.memref_slice %arg13[%add3A_1051, %dma_start3A_1054] : memref<65696x16xf32, #tpu.memory_space<vmem_shared>> -> memref<512x16xf32, #tpu.memory_space<vmem_shared>>
    tpu.enqueue_dma source(%arg12 : memref<512x16xf32, #tpu.memory_space<vmem>>) target(%dma_start3A_1055 : memref<512x16xf32, #tpu.memory_space<vmem_shared>>) target_semaphore(%arg14 : memref<!tpu.dma_semaphore, #tpu.memory_space<semaphore_mem>>)
    %mul3A_1056 = arith.constant 4096 : i32
    %mul3A_1057 = arith.muli %arg1, %mul3A_1056 : i32
    %add3A_1058 = arith.constant 2560 : i32
    %add3A_1059 = arith.addi %mul3A_1057, %add3A_1058 : i32
    %dma_start3A_1060 = arith.constant 0 : i32
    %dma_start3A_1061 = tpu.memref_slice %arg13[%add3A_1059, %dma_start3A_1060] : memref<65696x16xf32, #tpu.memory_space<vmem_shared>> -> memref<512x16xf32, #tpu.memory_space<vmem_shared>>
    %dma_start3A_1062 = arith.constant 0 : i32
    %dma_start3A_1063 = tpu.memref_slice %arg13[%add3A_1059, %dma_start3A_1062] : memref<65696x16xf32, #tpu.memory_space<vmem_shared>> -> memref<512x16xf32, #tpu.memory_space<vmem_shared>>
    tpu.enqueue_dma source(%arg12 : memref<512x16xf32, #tpu.memory_space<vmem>>) target(%dma_start3A_1063 : memref<512x16xf32, #tpu.memory_space<vmem_shared>>) target_semaphore(%arg14 : memref<!tpu.dma_semaphore, #tpu.memory_space<semaphore_mem>>)
    %mul3A_1064 = arith.constant 4096 : i32
    %mul3A_1065 = arith.muli %arg1, %mul3A_1064 : i32
    %add3A_1066 = arith.constant 3072 : i32
    %add3A_1067 = arith.addi %mul3A_1065, %add3A_1066 : i32
    %dma_start3A_1068 = arith.constant 0 : i32
    %dma_start3A_1069 = tpu.memref_slice %arg13[%add3A_1067, %dma_start3A_1068] : memref<65696x16xf32, #tpu.memory_space<vmem_shared>> -> memref<512x16xf32, #tpu.memory_space<vmem_shared>>
    %dma_start3A_1070 = arith.constant 0 : i32
    %dma_start3A_1071 = tpu.memref_slice %arg13[%add3A_1067, %dma_start3A_1070] : memref<65696x16xf32, #tpu.memory_space<vmem_shared>> -> memref<512x16xf32, #tpu.memory_space<vmem_shared>>
    tpu.enqueue_dma source(%arg12 : memref<512x16xf32, #tpu.memory_space<vmem>>) target(%dma_start3A_1071 : memref<512x16xf32, #tpu.memory_space<vmem_shared>>) target_semaphore(%arg14 : memref<!tpu.dma_semaphore, #tpu.memory_space<semaphore_mem>>)
    %mul3A_1072 = arith.constant 4096 : i32
    %mul3A_1073 = arith.muli %arg1, %mul3A_1072 : i32
    %add3A_1074 = arith.constant 3584 : i32
    %add3A_1075 = arith.addi %mul3A_1073, %add3A_1074 : i32
    %dma_start3A_1076 = arith.constant 0 : i32
    %dma_start3A_1077 = tpu.memref_slice %arg13[%add3A_1075, %dma_start3A_1076] : memref<65696x16xf32, #tpu.memory_space<vmem_shared>> -> memref<512x16xf32, #tpu.memory_space<vmem_shared>>
    %dma_start3A_1078 = arith.constant 0 : i32
    %dma_start3A_1079 = tpu.memref_slice %arg13[%add3A_1075, %dma_start3A_1078] : memref<65696x16xf32, #tpu.memory_space<vmem_shared>> -> memref<512x16xf32, #tpu.memory_space<vmem_shared>>
    tpu.enqueue_dma source(%arg12 : memref<512x16xf32, #tpu.memory_space<vmem>>) target(%dma_start3A_1079 : memref<512x16xf32, #tpu.memory_space<vmem_shared>>) target_semaphore(%arg14 : memref<!tpu.dma_semaphore, #tpu.memory_space<semaphore_mem>>)
    %dma_wait3A_1080 = arith.constant 0 : i32
    %dma_wait3A_1081 = tpu.memref_slice %arg13[%add3A_1019, %dma_wait3A_1080] : memref<65696x16xf32, #tpu.memory_space<vmem_shared>> -> memref<512x16xf32, #tpu.memory_space<vmem_shared>>
    %dma_wait3A_1082 = arith.constant 0 : i32
    %dma_wait3A_1083 = tpu.memref_slice %arg13[%add3A_1019, %dma_wait3A_1082] : memref<65696x16xf32, #tpu.memory_space<vmem_shared>> -> memref<512x16xf32, #tpu.memory_space<vmem_shared>>
    tpu.wait_dma2 semaphore(%arg14 : memref<!tpu.dma_semaphore, #tpu.memory_space<semaphore_mem>>) src(%arg12 : memref<512x16xf32, #tpu.memory_space<vmem>>) dst(%dma_wait3A_1083 : memref<512x16xf32, #tpu.memory_space<vmem_shared>>)
    %dma_wait3A_1084 = arith.constant 0 : i32
    %dma_wait3A_1085 = tpu.memref_slice %arg13[%add3A_1027, %dma_wait3A_1084] : memref<65696x16xf32, #tpu.memory_space<vmem_shared>> -> memref<512x16xf32, #tpu.memory_space<vmem_shared>>
    %dma_wait3A_1086 = arith.constant 0 : i32
    %dma_wait3A_1087 = tpu.memref_slice %arg13[%add3A_1027, %dma_wait3A_1086] : memref<65696x16xf32, #tpu.memory_space<vmem_shared>> -> memref<512x16xf32, #tpu.memory_space<vmem_shared>>
    tpu.wait_dma2 semaphore(%arg14 : memref<!tpu.dma_semaphore, #tpu.memory_space<semaphore_mem>>) src(%arg12 : memref<512x16xf32, #tpu.memory_space<vmem>>) dst(%dma_wait3A_1087 : memref<512x16xf32, #tpu.memory_space<vmem_shared>>)
    %dma_wait3A_1088 = arith.constant 0 : i32
    %dma_wait3A_1089 = tpu.memref_slice %arg13[%add3A_1035, %dma_wait3A_1088] : memref<65696x16xf32, #tpu.memory_space<vmem_shared>> -> memref<512x16xf32, #tpu.memory_space<vmem_shared>>
    %dma_wait3A_1090 = arith.constant 0 : i32
    %dma_wait3A_1091 = tpu.memref_slice %arg13[%add3A_1035, %dma_wait3A_1090] : memref<65696x16xf32, #tpu.memory_space<vmem_shared>> -> memref<512x16xf32, #tpu.memory_space<vmem_shared>>
    tpu.wait_dma2 semaphore(%arg14 : memref<!tpu.dma_semaphore, #tpu.memory_space<semaphore_mem>>) src(%arg12 : memref<512x16xf32, #tpu.memory_space<vmem>>) dst(%dma_wait3A_1091 : memref<512x16xf32, #tpu.memory_space<vmem_shared>>)
    %dma_wait3A_1092 = arith.constant 0 : i32
    %dma_wait3A_1093 = tpu.memref_slice %arg13[%add3A_1043, %dma_wait3A_1092] : memref<65696x16xf32, #tpu.memory_space<vmem_shared>> -> memref<512x16xf32, #tpu.memory_space<vmem_shared>>
    %dma_wait3A_1094 = arith.constant 0 : i32
    %dma_wait3A_1095 = tpu.memref_slice %arg13[%add3A_1043, %dma_wait3A_1094] : memref<65696x16xf32, #tpu.memory_space<vmem_shared>> -> memref<512x16xf32, #tpu.memory_space<vmem_shared>>
    tpu.wait_dma2 semaphore(%arg14 : memref<!tpu.dma_semaphore, #tpu.memory_space<semaphore_mem>>) src(%arg12 : memref<512x16xf32, #tpu.memory_space<vmem>>) dst(%dma_wait3A_1095 : memref<512x16xf32, #tpu.memory_space<vmem_shared>>)
    %dma_wait3A_1096 = arith.constant 0 : i32
    %dma_wait3A_1097 = tpu.memref_slice %arg13[%add3A_1051, %dma_wait3A_1096] : memref<65696x16xf32, #tpu.memory_space<vmem_shared>> -> memref<512x16xf32, #tpu.memory_space<vmem_shared>>
    %dma_wait3A_1098 = arith.constant 0 : i32
    %dma_wait3A_1099 = tpu.memref_slice %arg13[%add3A_1051, %dma_wait3A_1098] : memref<65696x16xf32, #tpu.memory_space<vmem_shared>> -> memref<512x16xf32, #tpu.memory_space<vmem_shared>>
    tpu.wait_dma2 semaphore(%arg14 : memref<!tpu.dma_semaphore, #tpu.memory_space<semaphore_mem>>) src(%arg12 : memref<512x16xf32, #tpu.memory_space<vmem>>) dst(%dma_wait3A_1099 : memref<512x16xf32, #tpu.memory_space<vmem_shared>>)
    %dma_wait3A_1100 = arith.constant 0 : i32
    %dma_wait3A_1101 = tpu.memref_slice %arg13[%add3A_1059, %dma_wait3A_1100] : memref<65696x16xf32, #tpu.memory_space<vmem_shared>> -> memref<512x16xf32, #tpu.memory_space<vmem_shared>>
    %dma_wait3A_1102 = arith.constant 0 : i32
    %dma_wait3A_1103 = tpu.memref_slice %arg13[%add3A_1059, %dma_wait3A_1102] : memref<65696x16xf32, #tpu.memory_space<vmem_shared>> -> memref<512x16xf32, #tpu.memory_space<vmem_shared>>
    tpu.wait_dma2 semaphore(%arg14 : memref<!tpu.dma_semaphore, #tpu.memory_space<semaphore_mem>>) src(%arg12 : memref<512x16xf32, #tpu.memory_space<vmem>>) dst(%dma_wait3A_1103 : memref<512x16xf32, #tpu.memory_space<vmem_shared>>)
    %dma_wait3A_1104 = arith.constant 0 : i32
    %dma_wait3A_1105 = tpu.memref_slice %arg13[%add3A_1067, %dma_wait3A_1104] : memref<65696x16xf32, #tpu.memory_space<vmem_shared>> -> memref<512x16xf32, #tpu.memory_space<vmem_shared>>
    %dma_wait3A_1106 = arith.constant 0 : i32
    %dma_wait3A_1107 = tpu.memref_slice %arg13[%add3A_1067, %dma_wait3A_1106] : memref<65696x16xf32, #tpu.memory_space<vmem_shared>> -> memref<512x16xf32, #tpu.memory_space<vmem_shared>>
    tpu.wait_dma2 semaphore(%arg14 : memref<!tpu.dma_semaphore, #tpu.memory_space<semaphore_mem>>) src(%arg12 : memref<512x16xf32, #tpu.memory_space<vmem>>) dst(%dma_wait3A_1107 : memref<512x16xf32, #tpu.memory_space<vmem_shared>>)
    %dma_wait3A_1108 = arith.constant 0 : i32
    %dma_wait3A_1109 = tpu.memref_slice %arg13[%add3A_1075, %dma_wait3A_1108] : memref<65696x16xf32, #tpu.memory_space<vmem_shared>> -> memref<512x16xf32, #tpu.memory_space<vmem_shared>>
    %dma_wait3A_1110 = arith.constant 0 : i32
    %dma_wait3A_1111 = tpu.memref_slice %arg13[%add3A_1075, %dma_wait3A_1110] : memref<65696x16xf32, #tpu.memory_space<vmem_shared>> -> memref<512x16xf32, #tpu.memory_space<vmem_shared>>
    tpu.wait_dma2 semaphore(%arg14 : memref<!tpu.dma_semaphore, #tpu.memory_space<semaphore_mem>>) src(%arg12 : memref<512x16xf32, #tpu.memory_space<vmem>>) dst(%dma_wait3A_1111 : memref<512x16xf32, #tpu.memory_space<vmem_shared>>)
    %eq3A_1112 = arith.constant 0 : i32
    %eq3A_1113 = arith.cmpi eq, %arg1, %eq3A_1112 : i32
    %convert_element_type3A_1114 = arith.extui %eq3A_1113 : i1 to i32
    %cond3A_1115 = arith.constant 0 : i32
    %cond3A_1116 = arith.cmpi ne, %convert_element_type3A_1114, %cond3A_1115 : i32
    scf.if %cond3A_1116 {
      "tpu.region"() ({
        %run_scoped3A = tpu.sem_alloc : memref<!tpu.dma_semaphore, #tpu.memory_space<semaphore_mem>>
        %dma_start3A_2019 = arith.constant 0 : i32
        %dma_start3A_2020 = arith.constant 0 : i32
        %dma_start3A_2021 = tpu.memref_slice %arg12[%dma_start3A_2019, %dma_start3A_2020] : memref<512x16xf32, #tpu.memory_space<vmem>> -> memref<32x16xf32, #tpu.memory_space<vmem>>
        %dma_start3A_2022 = arith.constant 65664 : i32
        %dma_start3A_2023 = arith.constant 0 : i32
        %dma_start3A_2024 = tpu.memref_slice %arg13[%dma_start3A_2022, %dma_start3A_2023] : memref<65696x16xf32, #tpu.memory_space<vmem_shared>> -> memref<32x16xf32, #tpu.memory_space<vmem_shared>>
        %dma_start3A_2025 = arith.constant 65664 : i32
        %dma_start3A_2026 = arith.constant 0 : i32
        %dma_start3A_2027 = tpu.memref_slice %arg13[%dma_start3A_2025, %dma_start3A_2026] : memref<65696x16xf32, #tpu.memory_space<vmem_shared>> -> memref<32x16xf32, #tpu.memory_space<vmem_shared>>
        %dma_start3A_2028 = arith.constant 0 : i32
        %dma_start3A_2029 = arith.constant 0 : i32
        %dma_start3A_2030 = tpu.memref_slice %arg12[%dma_start3A_2028, %dma_start3A_2029] : memref<512x16xf32, #tpu.memory_space<vmem>> -> memref<32x16xf32, #tpu.memory_space<vmem>>
        tpu.enqueue_dma source(%dma_start3A_2030 : memref<32x16xf32, #tpu.memory_space<vmem>>) target(%dma_start3A_2027 : memref<32x16xf32, #tpu.memory_space<vmem_shared>>) target_semaphore(%run_scoped3A : memref<!tpu.dma_semaphore, #tpu.memory_space<semaphore_mem>>)
        %dma_wait3A_2031 = arith.constant 0 : i32
        %dma_wait3A_2032 = arith.constant 0 : i32
        %dma_wait3A_2033 = tpu.memref_slice %arg12[%dma_wait3A_2031, %dma_wait3A_2032] : memref<512x16xf32, #tpu.memory_space<vmem>> -> memref<32x16xf32, #tpu.memory_space<vmem>>
        %dma_wait3A_2034 = arith.constant 65664 : i32
        %dma_wait3A_2035 = arith.constant 0 : i32
        %dma_wait3A_2036 = tpu.memref_slice %arg13[%dma_wait3A_2034, %dma_wait3A_2035] : memref<65696x16xf32, #tpu.memory_space<vmem_shared>> -> memref<32x16xf32, #tpu.memory_space<vmem_shared>>
        %dma_wait3A_2037 = arith.constant 65664 : i32
        %dma_wait3A_2038 = arith.constant 0 : i32
        %dma_wait3A_2039 = tpu.memref_slice %arg13[%dma_wait3A_2037, %dma_wait3A_2038] : memref<65696x16xf32, #tpu.memory_space<vmem_shared>> -> memref<32x16xf32, #tpu.memory_space<vmem_shared>>
        %dma_wait3A_2040 = arith.constant 0 : i32
        %dma_wait3A_2041 = arith.constant 0 : i32
        %dma_wait3A_2042 = tpu.memref_slice %arg12[%dma_wait3A_2040, %dma_wait3A_2041] : memref<512x16xf32, #tpu.memory_space<vmem>> -> memref<32x16xf32, #tpu.memory_space<vmem>>
        tpu.wait_dma2 semaphore(%run_scoped3A : memref<!tpu.dma_semaphore, #tpu.memory_space<semaphore_mem>>) src(%dma_wait3A_2042 : memref<32x16xf32, #tpu.memory_space<vmem>>) dst(%dma_wait3A_2039 : memref<32x16xf32, #tpu.memory_space<vmem_shared>>)
        tpu.yield
      }) : () -> ()
    } else {
    }
    %barrier3A_1117 = arith.constant 0 : index
    tpu.barrier barrier_id(%barrier3A_1117)
    %scan3A_1118 = arith.constant 0 : i32
    %scan3A_1119 = arith.constant 0 : i32
    %scan3A_1120 = arith.constant 512 : i32
    %scan3A_1121 = arith.addi %scan3A_1119, %scan3A_1120 : i32
    %scan3A_1122 = arith.constant 1 : i32
    %scan3A_1123 = scf.for %scan3A_2019 = %scan3A_1119 to %scan3A_1121 step %scan3A_1122 iter_args(%scan3A_2020 = %scan3A_1118) -> (i32)  : i32 {
      %swap3A = arith.constant 0 : i32
      %swap3A_2021 = arith.index_cast %swap3A : i32 to index
      %swap3A_2022 = arith.index_cast %scan3A_2019 : i32 to index
      %swap3A_2023 = arith.constant 0 : index
      %swap3A_2024 = tpu.vector_load %arg8[%swap3A_2021, %swap3A_2022, %swap3A_2023] {strides = array<i32>} : memref<2x512x16xf32, #tpu.memory_space<vmem>>, vector<16xf32>,
      tpu.vector_store %arg8[%swap3A_2021, %swap3A_2022, %swap3A_2023], %broadcast_in_dim3A_3 {strides = array<i32>} : memref<2x512x16xf32, #tpu.memory_space<vmem>>, vector<16xf32>,
      %swap3A_2025 = arith.constant 0 : i32
      %swap3A_2026 = arith.index_cast %swap3A_2025 : i32 to index
      %swap3A_2027 = arith.index_cast %scan3A_2019 : i32 to index
      %swap3A_2028 = arith.constant 0 : index
      %swap3A_2029 = tpu.vector_load %arg9[%swap3A_2026, %swap3A_2027, %swap3A_2028] {strides = array<i32>} : memref<2x512x16xf32, #tpu.memory_space<vmem>>, vector<16xf32>,
      tpu.vector_store %arg9[%swap3A_2026, %swap3A_2027, %swap3A_2028], %broadcast_in_dim3A_3 {strides = array<i32>} : memref<2x512x16xf32, #tpu.memory_space<vmem>>, vector<16xf32>,
      %scan3A_2030 = arith.constant 0 : i32
      scf.yield %scan3A_2030 : i32
    }
    %scan3A_1124 = arith.constant 512 : i32
    %scan3A_1125 = arith.constant 0 : i32
    %scan3A_1126 = arith.constant 0 : i32
    %scan3A_1127 = arith.constant 32 : i32
    %scan3A_1128 = arith.addi %scan3A_1126, %scan3A_1127 : i32
    %scan3A_1129 = arith.constant 1 : i32
    %scan3A_1130 = scf.for %scan3A_2019 = %scan3A_1126 to %scan3A_1128 step %scan3A_1129 iter_args(%scan3A_2020 = %scan3A_1125) -> (i32)  : i32 {
      %mul3A_2021 = arith.constant 16 : i32
      %mul3A_2022 = arith.muli %scan3A_2019, %mul3A_2021 : i32
      %add3A_2023 = arith.constant 0 : i32
      %add3A_2024 = arith.addi %add3A_2023, %mul3A_2022 : i32
      %get3A = arith.index_cast %add3A_2024 : i32 to index
      %get3A_2025 = tpu.vector_load %arg6[%get3A] {strides = array<i32>} : memref<2048xi32, #tpu.memory_space<vmem>>, vector<16xi32>,
      %get3A_2026 = arith.index_cast %add3A_2024 : i32 to index
      %get3A_2027 = tpu.vector_load %arg7[%get3A_2026] {strides = array<i32>} : memref<2048xi32, #tpu.memory_space<vmem>>, vector<16xi32>,
      %ge3A = vector.broadcast %mul3A_1015 : i32 to vector<16xi32>
      %ge3A_2028 = arith.cmpi sge, %get3A_2025, %ge3A : vector<16xi32>
      %add3A_2029 = arith.constant 512 : i32
      %add3A_2030 = arith.addi %mul3A_1015, %add3A_2029 : i32
      %lt3A = vector.broadcast %add3A_2030 : i32 to vector<16xi32>
      %lt3A_2031 = arith.cmpi slt, %get3A_2025, %lt3A : vector<16xi32>
      %and3A = arith.andi %ge3A_2028, %lt3A_2031 : vector<16xi1>
      %ne3A = arith.cmpi ne, %get3A_2025, %get3A_2027 : vector<16xi32>
      %and3A_2032 = arith.andi %and3A, %ne3A : vector<16xi1>
      %sub3A = vector.broadcast %mul3A_1015 : i32 to vector<16xi32>
      %sub3A_2033 = arith.subi %get3A_2025, %sub3A : vector<16xi32>
      %mul3A_2034 = arith.constant 128 : i32
      %mul3A_2035 = vector.broadcast %mul3A_2034 : i32 to vector<16xi32>
      %mul3A_2036 = arith.muli %sub3A_2033, %mul3A_2035 : vector<16xi32>
      %shift_right_logical3A = arith.constant 4 : i32
      %shift_right_logical3A_2037 = vector.broadcast %shift_right_logical3A : i32 to vector<16xi32>
      %shift_right_logical3A_2038 = arith.shrui %get3A_2027, %shift_right_logical3A_2037 : vector<16xi32>
      %add3A_2039 = arith.addi %mul3A_2036, %shift_right_logical3A_2038 : vector<16xi32>
      %add3A_2040 = arith.constant 65536 : i32
      %add3A_2041 = vector.broadcast %add3A_2040 : i32 to vector<16xi32>
      %add3A_2042 = arith.addi %add3A_2041, %iota3A : vector<16xi32>
      %jit3A = arith.constant 8 : i32
      %eq3A_2043 = arith.constant 0 : i32
      %eq3A_2044 = arith.cmpi eq, %jit3A, %eq3A_2043 : i32
      %jit3A_2045 = arith.constant 1 : i32
      %select_n3A = arith.select %eq3A_2044, %jit3A_2045, %jit3A : i32
      %rem3A = arith.remsi %scan3A_2019, %select_n3A : i32
      %ne3A_2046 = arith.constant 0 : i32
      %ne3A_2047 = arith.cmpi ne, %rem3A, %ne3A_2046 : i32
      %lt3A_2048 = arith.constant 0 : i32
      %lt3A_2049 = arith.cmpi slt, %rem3A, %lt3A_2048 : i32
      %lt3A_2050 = arith.constant 0 : i32
      %lt3A_2051 = arith.cmpi slt, %select_n3A, %lt3A_2050 : i32
      %ne3A_2052 = arith.xori %lt3A_2049, %lt3A_2051 : i1
      %and3A_2053 = arith.andi %ne3A_2052, %ne3A_2047 : i1
      %add3A_2054 = arith.addi %rem3A, %select_n3A : i32
      %select_n3A_2055 = arith.select %and3A_2053, %add3A_2054, %rem3A : i32
      %mul3A_2056 = arith.constant 16 : i32
      %mul3A_2057 = arith.muli %select_n3A_2055, %mul3A_2056 : i32
      %add3A_2058 = vector.broadcast %mul3A_2057 : i32 to vector<16xi32>
      %add3A_2059 = arith.addi %add3A_2042, %add3A_2058 : vector<16xi32>
      %select_n3A_2060 = arith.select %and3A_2032, %add3A_2039, %add3A_2059 : vector<16xi1>, vector<16xi32>
      %jit3A_2061 = arith.constant 8 : i32
      %div3A = arith.divsi %scan3A_2019, %jit3A_2061 : i32
      %sign3A = arith.constant 0 : i32
      %sign3A_2062 = arith.cmpi sgt, %scan3A_2019, %sign3A : i32
      %sign3A_2063 = arith.extui %sign3A_2062 : i1 to i32
      %sign3A_2064 = arith.constant 0 : i32
      %sign3A_2065 = arith.cmpi slt, %scan3A_2019, %sign3A_2064 : i32
      %sign3A_2066 = arith.extui %sign3A_2065 : i1 to i32
      %sign3A_2067 = arith.subi %sign3A_2063, %sign3A_2066 : i32
      %sign3A_2068 = arith.constant 0 : i32
      %sign3A_2069 = arith.cmpi sgt, %jit3A_2061, %sign3A_2068 : i32
      %sign3A_2070 = arith.extui %sign3A_2069 : i1 to i32
      %sign3A_2071 = arith.constant 0 : i32
      %sign3A_2072 = arith.cmpi slt, %jit3A_2061, %sign3A_2071 : i32
      %sign3A_2073 = arith.extui %sign3A_2072 : i1 to i32
      %sign3A_2074 = arith.subi %sign3A_2070, %sign3A_2073 : i32
      %ne3A_2075 = arith.cmpi ne, %sign3A_2067, %sign3A_2074 : i32
      %rem3A_2076 = arith.remsi %scan3A_2019, %jit3A_2061 : i32
      %ne3A_2077 = arith.constant 0 : i32
      %ne3A_2078 = arith.cmpi ne, %rem3A_2076, %ne3A_2077 : i32
      %and3A_2079 = arith.andi %ne3A_2075, %ne3A_2078 : i1
      %sub3A_2080 = arith.constant 1 : i32
      %sub3A_2081 = arith.subi %div3A, %sub3A_2080 : i32
      %select_n3A_2082 = arith.select %and3A_2079, %sub3A_2081, %div3A : i32
      %jit3A_2083 = arith.constant 8 : i32
      %eq3A_2084 = arith.constant 0 : i32
      %eq3A_2085 = arith.cmpi eq, %jit3A_2083, %eq3A_2084 : i32
      %jit3A_2086 = arith.constant 1 : i32
      %select_n3A_2087 = arith.select %eq3A_2085, %jit3A_2086, %jit3A_2083 : i32
      %rem3A_2088 = arith.remsi %scan3A_2019, %select_n3A_2087 : i32
      %ne3A_2089 = arith.constant 0 : i32
      %ne3A_2090 = arith.cmpi ne, %rem3A_2088, %ne3A_2089 : i32
      %lt3A_2091 = arith.constant 0 : i32
      %lt3A_2092 = arith.cmpi slt, %rem3A_2088, %lt3A_2091 : i32
      %lt3A_2093 = arith.constant 0 : i32
      %lt3A_2094 = arith.cmpi slt, %select_n3A_2087, %lt3A_2093 : i32
      %ne3A_2095 = arith.xori %lt3A_2092, %lt3A_2094 : i1
      %and3A_2096 = arith.andi %ne3A_2095, %ne3A_2090 : i1
      %add3A_2097 = arith.addi %rem3A_2088, %select_n3A_2087 : i32
      %select_n3A_2098 = arith.select %and3A_2096, %add3A_2097, %rem3A_2088 : i32
      %mul3A_2099 = arith.constant 16 : i32
      %mul3A_2100 = arith.muli %select_n3A_2098, %mul3A_2099 : i32
      %swap3A = arith.constant 0 : i32
      %swap3A_2101 = arith.index_cast %swap3A : i32 to index
      %swap3A_2102 = arith.index_cast %select_n3A_2082 : i32 to index
      %swap3A_2103 = arith.index_cast %mul3A_2100 : i32 to index
      %swap3A_2104 = tpu.vector_load %arg10[%swap3A_2101, %swap3A_2102, %swap3A_2103] {strides = array<i32>} : memref<2x4x128xi32, #tpu.memory_space<vmem>>, vector<16xi32>,
      tpu.vector_store %arg10[%swap3A_2101, %swap3A_2102, %swap3A_2103], %select_n3A_2060 {strides = array<i32>} : memref<2x4x128xi32, #tpu.memory_space<vmem>>, vector<16xi32>,
      %shift_right_logical3A_2105 = arith.constant 4 : i32
      %shift_right_logical3A_2106 = vector.broadcast %shift_right_logical3A_2105 : i32 to vector<16xi32>
      %shift_right_logical3A_2107 = arith.shrui %sub3A_2033, %shift_right_logical3A_2106 : vector<16xi32>
      %add3A_2108 = arith.constant 65664 : i32
      %add3A_2109 = vector.broadcast %add3A_2108 : i32 to vector<16xi32>
      %add3A_2110 = arith.addi %add3A_2109, %shift_right_logical3A_2107 : vector<16xi32>
      %select_n3A_2111 = arith.select %and3A_2032, %add3A_2110, %add3A_2059 : vector<16xi1>, vector<16xi32>
      %jit3A_2112 = arith.constant 8 : i32
      %div3A_2113 = arith.divsi %scan3A_2019, %jit3A_2112 : i32
      %sign3A_2114 = arith.constant 0 : i32
      %sign3A_2115 = arith.cmpi sgt, %scan3A_2019, %sign3A_2114 : i32
      %sign3A_2116 = arith.extui %sign3A_2115 : i1 to i32
      %sign3A_2117 = arith.constant 0 : i32
      %sign3A_2118 = arith.cmpi slt, %scan3A_2019, %sign3A_2117 : i32
      %sign3A_2119 = arith.extui %sign3A_2118 : i1 to i32
      %sign3A_2120 = arith.subi %sign3A_2116, %sign3A_2119 : i32
      %sign3A_2121 = arith.constant 0 : i32
      %sign3A_2122 = arith.cmpi sgt, %jit3A_2112, %sign3A_2121 : i32
      %sign3A_2123 = arith.extui %sign3A_2122 : i1 to i32
      %sign3A_2124 = arith.constant 0 : i32
      %sign3A_2125 = arith.cmpi slt, %jit3A_2112, %sign3A_2124 : i32
      %sign3A_2126 = arith.extui %sign3A_2125 : i1 to i32
      %sign3A_2127 = arith.subi %sign3A_2123, %sign3A_2126 : i32
      %ne3A_2128 = arith.cmpi ne, %sign3A_2120, %sign3A_2127 : i32
      %rem3A_2129 = arith.remsi %scan3A_2019, %jit3A_2112 : i32
      %ne3A_2130 = arith.constant 0 : i32
      %ne3A_2131 = arith.cmpi ne, %rem3A_2129, %ne3A_2130 : i32
      %and3A_2132 = arith.andi %ne3A_2128, %ne3A_2131 : i1
      %sub3A_2133 = arith.constant 1 : i32
      %sub3A_2134 = arith.subi %div3A_2113, %sub3A_2133 : i32
      %select_n3A_2135 = arith.select %and3A_2132, %sub3A_2134, %div3A_2113 : i32
      %jit3A_2136 = arith.constant 8 : i32
      %eq3A_2137 = arith.constant 0 : i32
      %eq3A_2138 = arith.cmpi eq, %jit3A_2136, %eq3A_2137 : i32
      %jit3A_2139 = arith.constant 1 : i32
      %select_n3A_2140 = arith.select %eq3A_2138, %jit3A_2139, %jit3A_2136 : i32
      %rem3A_2141 = arith.remsi %scan3A_2019, %select_n3A_2140 : i32
      %ne3A_2142 = arith.constant 0 : i32
      %ne3A_2143 = arith.cmpi ne, %rem3A_2141, %ne3A_2142 : i32
      %lt3A_2144 = arith.constant 0 : i32
      %lt3A_2145 = arith.cmpi slt, %rem3A_2141, %lt3A_2144 : i32
      %lt3A_2146 = arith.constant 0 : i32
      %lt3A_2147 = arith.cmpi slt, %select_n3A_2140, %lt3A_2146 : i32
      %ne3A_2148 = arith.xori %lt3A_2145, %lt3A_2147 : i1
      %and3A_2149 = arith.andi %ne3A_2148, %ne3A_2143 : i1
      %add3A_2150 = arith.addi %rem3A_2141, %select_n3A_2140 : i32
      %select_n3A_2151 = arith.select %and3A_2149, %add3A_2150, %rem3A_2141 : i32
      %mul3A_2152 = arith.constant 16 : i32
      %mul3A_2153 = arith.muli %select_n3A_2151, %mul3A_2152 : i32
      %swap3A_2154 = arith.constant 0 : i32
      %swap3A_2155 = arith.index_cast %swap3A_2154 : i32 to index
      %swap3A_2156 = arith.index_cast %select_n3A_2135 : i32 to index
      %swap3A_2157 = arith.index_cast %mul3A_2153 : i32 to index
      %swap3A_2158 = tpu.vector_load %arg11[%swap3A_2155, %swap3A_2156, %swap3A_2157] {strides = array<i32>} : memref<2x4x128xi32, #tpu.memory_space<vmem>>, vector<16xi32>,
      tpu.vector_store %arg11[%swap3A_2155, %swap3A_2156, %swap3A_2157], %select_n3A_2111 {strides = array<i32>} : memref<2x4x128xi32, #tpu.memory_space<vmem>>, vector<16xi32>,
      %mul3A_2159 = arith.constant 16 : i32
      %mul3A_2160 = arith.muli %scan3A_2019, %mul3A_2159 : i32
      %add3A_2161 = vector.broadcast %mul3A_2160 : i32 to vector<16xi32>
      %add3A_2162 = arith.addi %iota3A, %add3A_2161 : vector<16xi32>
      %and3A_2163 = arith.constant 15 : i32
      %and3A_2164 = vector.broadcast %and3A_2163 : i32 to vector<16xi32>
      %and3A_2165 = arith.andi %get3A_2027, %and3A_2164 : vector<16xi32>
      %scatter3A = arith.constant 0 : i32
      %scatter3A_2166 = arith.constant 0 : i32
      %scatter3A_2167 = arith.constant 0 : i32
      %scatter3A_2168 = tpu.memref_slice %arg8[%scatter3A, %scatter3A_2166, %scatter3A_2167] : memref<2x512x16xf32, #tpu.memory_space<vmem>> -> memref<1x512x16xf32, #tpu.memory_space<vmem>>
      %scatter3A_2169 = tpu.memref_squeeze %scatter3A_2168 : memref<1x512x16xf32, #tpu.memory_space<vmem>> -> memref<512x16xf32, #tpu.memory_space<vmem>>
      tpu.vector_store_idx %scatter3A_2169[%add3A_2162, %and3A_2165], %broadcast_in_dim3A_5 : memref<512x16xf32, #tpu.memory_space<vmem>>[vector<16xi32>, vector<16xi32>], vector<16xf32>,
      %and3A_2170 = arith.constant 15 : i32
      %and3A_2171 = vector.broadcast %and3A_2170 : i32 to vector<16xi32>
      %and3A_2172 = arith.andi %sub3A_2033, %and3A_2171 : vector<16xi32>
      %scatter3A_2173 = arith.constant 0 : i32
      %scatter3A_2174 = arith.constant 0 : i32
      %scatter3A_2175 = arith.constant 0 : i32
      %scatter3A_2176 = tpu.memref_slice %arg9[%scatter3A_2173, %scatter3A_2174, %scatter3A_2175] : memref<2x512x16xf32, #tpu.memory_space<vmem>> -> memref<1x512x16xf32, #tpu.memory_space<vmem>>
      %scatter3A_2177 = tpu.memref_squeeze %scatter3A_2176 : memref<1x512x16xf32, #tpu.memory_space<vmem>> -> memref<512x16xf32, #tpu.memory_space<vmem>>
      tpu.vector_store_idx %scatter3A_2177[%add3A_2162, %and3A_2172], %broadcast_in_dim3A_5 : memref<512x16xf32, #tpu.memory_space<vmem>>[vector<16xi32>, vector<16xi32>], vector<16xf32>,
      %scan3A_2178 = arith.constant 0 : i32
      scf.yield %scan3A_2178 : i32
    }
    %scan3A_1131 = arith.constant 32 : i32
    %dma_start3A_1132 = arith.constant 0 : i32
    %dma_start3A_1133 = arith.constant 0 : i32
    %dma_start3A_1134 = arith.constant 0 : i32
    %dma_start3A_1135 = arith.constant 0 : i32
    %dma_start3A_1136 = arith.constant 0 : i32
    %dma_start3A_1137 = tpu.memref_slice %arg8[%dma_start3A_1132, %dma_start3A_1135, %dma_start3A_1136] : memref<2x512x16xf32, #tpu.memory_space<vmem>> -> memref<1x128x16xf32, #tpu.memory_space<vmem>>
    %dma_start3A_1138 = tpu.memref_squeeze %dma_start3A_1137 : memref<1x128x16xf32, #tpu.memory_space<vmem>> -> memref<128x16xf32, #tpu.memory_space<vmem>>
    %dma_start3A_1139 = arith.constant 0 : i32
    %dma_start3A_1140 = tpu.memref_slice %arg10[%dma_start3A_1133, %dma_start3A_1134, %dma_start3A_1139] : memref<2x4x128xi32, #tpu.memory_space<vmem>> -> memref<1x1x128xi32, #tpu.memory_space<vmem>>
    %dma_start3A_1141 = tpu.memref_squeeze %dma_start3A_1140 : memref<1x1x128xi32, #tpu.memory_space<vmem>> -> memref<128xi32, #tpu.memory_space<vmem>>
    %dma_start3A_1142 = arith.constant 0 : i32
    %dma_start3A_1143 = arith.constant 0 : i32
    %dma_start3A_1144 = tpu.memref_slice %arg13[%dma_start3A_1142, %dma_start3A_1143] : memref<65696x16xf32, #tpu.memory_space<vmem_shared>> -> memref<65696x16xf32, #tpu.memory_space<vmem_shared>>
    tpu.enqueue_indirect_dma source(%dma_start3A_1138 : memref<128x16xf32, #tpu.memory_space<vmem>>) target(%dma_start3A_1144 : memref<65696x16xf32, #tpu.memory_space<vmem_shared>>) offsets(%dma_start3A_1141 : memref<128xi32, #tpu.memory_space<vmem>>) semaphore(%arg14 : memref<!tpu.dma_semaphore, #tpu.memory_space<semaphore_mem>>) {add = true}
    %dma_start3A_1145 = arith.constant 0 : i32
    %dma_start3A_1146 = arith.constant 0 : i32
    %dma_start3A_1147 = arith.constant 0 : i32
    %dma_start3A_1148 = arith.constant 0 : i32
    %dma_start3A_1149 = arith.constant 0 : i32
    %dma_start3A_1150 = tpu.memref_slice %arg9[%dma_start3A_1145, %dma_start3A_1148, %dma_start3A_1149] : memref<2x512x16xf32, #tpu.memory_space<vmem>> -> memref<1x128x16xf32, #tpu.memory_space<vmem>>
    %dma_start3A_1151 = tpu.memref_squeeze %dma_start3A_1150 : memref<1x128x16xf32, #tpu.memory_space<vmem>> -> memref<128x16xf32, #tpu.memory_space<vmem>>
    %dma_start3A_1152 = arith.constant 0 : i32
    %dma_start3A_1153 = tpu.memref_slice %arg11[%dma_start3A_1146, %dma_start3A_1147, %dma_start3A_1152] : memref<2x4x128xi32, #tpu.memory_space<vmem>> -> memref<1x1x128xi32, #tpu.memory_space<vmem>>
    %dma_start3A_1154 = tpu.memref_squeeze %dma_start3A_1153 : memref<1x1x128xi32, #tpu.memory_space<vmem>> -> memref<128xi32, #tpu.memory_space<vmem>>
    %dma_start3A_1155 = arith.constant 0 : i32
    %dma_start3A_1156 = arith.constant 0 : i32
    %dma_start3A_1157 = tpu.memref_slice %arg13[%dma_start3A_1155, %dma_start3A_1156] : memref<65696x16xf32, #tpu.memory_space<vmem_shared>> -> memref<65696x16xf32, #tpu.memory_space<vmem_shared>>
    tpu.enqueue_indirect_dma source(%dma_start3A_1151 : memref<128x16xf32, #tpu.memory_space<vmem>>) target(%dma_start3A_1157 : memref<65696x16xf32, #tpu.memory_space<vmem_shared>>) offsets(%dma_start3A_1154 : memref<128xi32, #tpu.memory_space<vmem>>) semaphore(%arg14 : memref<!tpu.dma_semaphore, #tpu.memory_space<semaphore_mem>>) {add = true}
    %dma_start3A_1158 = arith.constant 0 : i32
    %dma_start3A_1159 = arith.constant 0 : i32
    %dma_start3A_1160 = arith.constant 1 : i32
    %dma_start3A_1161 = arith.constant 128 : i32
    %dma_start3A_1162 = arith.constant 0 : i32
    %dma_start3A_1163 = tpu.memref_slice %arg8[%dma_start3A_1158, %dma_start3A_1161, %dma_start3A_1162] : memref<2x512x16xf32, #tpu.memory_space<vmem>> -> memref<1x128x16xf32, #tpu.memory_space<vmem>>
    %dma_start3A_1164 = tpu.memref_squeeze %dma_start3A_1163 : memref<1x128x16xf32, #tpu.memory_space<vmem>> -> memref<128x16xf32, #tpu.memory_space<vmem>>
    %dma_start3A_1165 = arith.constant 0 : i32
    %dma_start3A_1166 = tpu.memref_slice %arg10[%dma_start3A_1159, %dma_start3A_1160, %dma_start3A_1165] : memref<2x4x128xi32, #tpu.memory_space<vmem>> -> memref<1x1x128xi32, #tpu.memory_space<vmem>>
    %dma_start3A_1167 = tpu.memref_squeeze %dma_start3A_1166 : memref<1x1x128xi32, #tpu.memory_space<vmem>> -> memref<128xi32, #tpu.memory_space<vmem>>
    %dma_start3A_1168 = arith.constant 0 : i32
    %dma_start3A_1169 = arith.constant 0 : i32
    %dma_start3A_1170 = tpu.memref_slice %arg13[%dma_start3A_1168, %dma_start3A_1169] : memref<65696x16xf32, #tpu.memory_space<vmem_shared>> -> memref<65696x16xf32, #tpu.memory_space<vmem_shared>>
    tpu.enqueue_indirect_dma source(%dma_start3A_1164 : memref<128x16xf32, #tpu.memory_space<vmem>>) target(%dma_start3A_1170 : memref<65696x16xf32, #tpu.memory_space<vmem_shared>>) offsets(%dma_start3A_1167 : memref<128xi32, #tpu.memory_space<vmem>>) semaphore(%arg14 : memref<!tpu.dma_semaphore, #tpu.memory_space<semaphore_mem>>) {add = true}
    %dma_start3A_1171 = arith.constant 0 : i32
    %dma_start3A_1172 = arith.constant 0 : i32
    %dma_start3A_1173 = arith.constant 1 : i32
    %dma_start3A_1174 = arith.constant 128 : i32
    %dma_start3A_1175 = arith.constant 0 : i32
    %dma_start3A_1176 = tpu.memref_slice %arg9[%dma_start3A_1171, %dma_start3A_1174, %dma_start3A_1175] : memref<2x512x16xf32, #tpu.memory_space<vmem>> -> memref<1x128x16xf32, #tpu.memory_space<vmem>>
    %dma_start3A_1177 = tpu.memref_squeeze %dma_start3A_1176 : memref<1x128x16xf32, #tpu.memory_space<vmem>> -> memref<128x16xf32, #tpu.memory_space<vmem>>
    %dma_start3A_1178 = arith.constant 0 : i32
    %dma_start3A_1179 = tpu.memref_slice %arg11[%dma_start3A_1172, %dma_start3A_1173, %dma_start3A_1178] : memref<2x4x128xi32, #tpu.memory_space<vmem>> -> memref<1x1x128xi32, #tpu.memory_space<vmem>>
    %dma_start3A_1180 = tpu.memref_squeeze %dma_start3A_1179 : memref<1x1x128xi32, #tpu.memory_space<vmem>> -> memref<128xi32, #tpu.memory_space<vmem>>
    %dma_start3A_1181 = arith.constant 0 : i32
    %dma_start3A_1182 = arith.constant 0 : i32
    %dma_start3A_1183 = tpu.memref_slice %arg13[%dma_start3A_1181, %dma_start3A_1182] : memref<65696x16xf32, #tpu.memory_space<vmem_shared>> -> memref<65696x16xf32, #tpu.memory_space<vmem_shared>>
    tpu.enqueue_indirect_dma source(%dma_start3A_1177 : memref<128x16xf32, #tpu.memory_space<vmem>>) target(%dma_start3A_1183 : memref<65696x16xf32, #tpu.memory_space<vmem_shared>>) offsets(%dma_start3A_1180 : memref<128xi32, #tpu.memory_space<vmem>>) semaphore(%arg14 : memref<!tpu.dma_semaphore, #tpu.memory_space<semaphore_mem>>) {add = true}
    %dma_start3A_1184 = arith.constant 0 : i32
    %dma_start3A_1185 = arith.constant 0 : i32
    %dma_start3A_1186 = arith.constant 2 : i32
    %dma_start3A_1187 = arith.constant 256 : i32
    %dma_start3A_1188 = arith.constant 0 : i32
    %dma_start3A_1189 = tpu.memref_slice %arg8[%dma_start3A_1184, %dma_start3A_1187, %dma_start3A_1188] : memref<2x512x16xf32, #tpu.memory_space<vmem>> -> memref<1x128x16xf32, #tpu.memory_space<vmem>>
    %dma_start3A_1190 = tpu.memref_squeeze %dma_start3A_1189 : memref<1x128x16xf32, #tpu.memory_space<vmem>> -> memref<128x16xf32, #tpu.memory_space<vmem>>
    %dma_start3A_1191 = arith.constant 0 : i32
    %dma_start3A_1192 = tpu.memref_slice %arg10[%dma_start3A_1185, %dma_start3A_1186, %dma_start3A_1191] : memref<2x4x128xi32, #tpu.memory_space<vmem>> -> memref<1x1x128xi32, #tpu.memory_space<vmem>>
    %dma_start3A_1193 = tpu.memref_squeeze %dma_start3A_1192 : memref<1x1x128xi32, #tpu.memory_space<vmem>> -> memref<128xi32, #tpu.memory_space<vmem>>
    %dma_start3A_1194 = arith.constant 0 : i32
    %dma_start3A_1195 = arith.constant 0 : i32
    %dma_start3A_1196 = tpu.memref_slice %arg13[%dma_start3A_1194, %dma_start3A_1195] : memref<65696x16xf32, #tpu.memory_space<vmem_shared>> -> memref<65696x16xf32, #tpu.memory_space<vmem_shared>>
    tpu.enqueue_indirect_dma source(%dma_start3A_1190 : memref<128x16xf32, #tpu.memory_space<vmem>>) target(%dma_start3A_1196 : memref<65696x16xf32, #tpu.memory_space<vmem_shared>>) offsets(%dma_start3A_1193 : memref<128xi32, #tpu.memory_space<vmem>>) semaphore(%arg14 : memref<!tpu.dma_semaphore, #tpu.memory_space<semaphore_mem>>) {add = true}
    %dma_start3A_1197 = arith.constant 0 : i32
    %dma_start3A_1198 = arith.constant 0 : i32
    %dma_start3A_1199 = arith.constant 2 : i32
    %dma_start3A_1200 = arith.constant 256 : i32
    %dma_start3A_1201 = arith.constant 0 : i32
    %dma_start3A_1202 = tpu.memref_slice %arg9[%dma_start3A_1197, %dma_start3A_1200, %dma_start3A_1201] : memref<2x512x16xf32, #tpu.memory_space<vmem>> -> memref<1x128x16xf32, #tpu.memory_space<vmem>>
    %dma_start3A_1203 = tpu.memref_squeeze %dma_start3A_1202 : memref<1x128x16xf32, #tpu.memory_space<vmem>> -> memref<128x16xf32, #tpu.memory_space<vmem>>
    %dma_start3A_1204 = arith.constant 0 : i32
    %dma_start3A_1205 = tpu.memref_slice %arg11[%dma_start3A_1198, %dma_start3A_1199, %dma_start3A_1204] : memref<2x4x128xi32, #tpu.memory_space<vmem>> -> memref<1x1x128xi32, #tpu.memory_space<vmem>>
    %dma_start3A_1206 = tpu.memref_squeeze %dma_start3A_1205 : memref<1x1x128xi32, #tpu.memory_space<vmem>> -> memref<128xi32, #tpu.memory_space<vmem>>
    %dma_start3A_1207 = arith.constant 0 : i32
    %dma_start3A_1208 = arith.constant 0 : i32
    %dma_start3A_1209 = tpu.memref_slice %arg13[%dma_start3A_1207, %dma_start3A_1208] : memref<65696x16xf32, #tpu.memory_space<vmem_shared>> -> memref<65696x16xf32, #tpu.memory_space<vmem_shared>>
    tpu.enqueue_indirect_dma source(%dma_start3A_1203 : memref<128x16xf32, #tpu.memory_space<vmem>>) target(%dma_start3A_1209 : memref<65696x16xf32, #tpu.memory_space<vmem_shared>>) offsets(%dma_start3A_1206 : memref<128xi32, #tpu.memory_space<vmem>>) semaphore(%arg14 : memref<!tpu.dma_semaphore, #tpu.memory_space<semaphore_mem>>) {add = true}
    %dma_start3A_1210 = arith.constant 0 : i32
    %dma_start3A_1211 = arith.constant 0 : i32
    %dma_start3A_1212 = arith.constant 3 : i32
    %dma_start3A_1213 = arith.constant 384 : i32
    %dma_start3A_1214 = arith.constant 0 : i32
    %dma_start3A_1215 = tpu.memref_slice %arg8[%dma_start3A_1210, %dma_start3A_1213, %dma_start3A_1214] : memref<2x512x16xf32, #tpu.memory_space<vmem>> -> memref<1x128x16xf32, #tpu.memory_space<vmem>>
    %dma_start3A_1216 = tpu.memref_squeeze %dma_start3A_1215 : memref<1x128x16xf32, #tpu.memory_space<vmem>> -> memref<128x16xf32, #tpu.memory_space<vmem>>
    %dma_start3A_1217 = arith.constant 0 : i32
    %dma_start3A_1218 = tpu.memref_slice %arg10[%dma_start3A_1211, %dma_start3A_1212, %dma_start3A_1217] : memref<2x4x128xi32, #tpu.memory_space<vmem>> -> memref<1x1x128xi32, #tpu.memory_space<vmem>>
    %dma_start3A_1219 = tpu.memref_squeeze %dma_start3A_1218 : memref<1x1x128xi32, #tpu.memory_space<vmem>> -> memref<128xi32, #tpu.memory_space<vmem>>
    %dma_start3A_1220 = arith.constant 0 : i32
    %dma_start3A_1221 = arith.constant 0 : i32
    %dma_start3A_1222 = tpu.memref_slice %arg13[%dma_start3A_1220, %dma_start3A_1221] : memref<65696x16xf32, #tpu.memory_space<vmem_shared>> -> memref<65696x16xf32, #tpu.memory_space<vmem_shared>>
    tpu.enqueue_indirect_dma source(%dma_start3A_1216 : memref<128x16xf32, #tpu.memory_space<vmem>>) target(%dma_start3A_1222 : memref<65696x16xf32, #tpu.memory_space<vmem_shared>>) offsets(%dma_start3A_1219 : memref<128xi32, #tpu.memory_space<vmem>>) semaphore(%arg14 : memref<!tpu.dma_semaphore, #tpu.memory_space<semaphore_mem>>) {add = true}
    %dma_start3A_1223 = arith.constant 0 : i32
    %dma_start3A_1224 = arith.constant 0 : i32
    %dma_start3A_1225 = arith.constant 3 : i32
    %dma_start3A_1226 = arith.constant 384 : i32
    %dma_start3A_1227 = arith.constant 0 : i32
    %dma_start3A_1228 = tpu.memref_slice %arg9[%dma_start3A_1223, %dma_start3A_1226, %dma_start3A_1227] : memref<2x512x16xf32, #tpu.memory_space<vmem>> -> memref<1x128x16xf32, #tpu.memory_space<vmem>>
    %dma_start3A_1229 = tpu.memref_squeeze %dma_start3A_1228 : memref<1x128x16xf32, #tpu.memory_space<vmem>> -> memref<128x16xf32, #tpu.memory_space<vmem>>
    %dma_start3A_1230 = arith.constant 0 : i32
    %dma_start3A_1231 = tpu.memref_slice %arg11[%dma_start3A_1224, %dma_start3A_1225, %dma_start3A_1230] : memref<2x4x128xi32, #tpu.memory_space<vmem>> -> memref<1x1x128xi32, #tpu.memory_space<vmem>>
    %dma_start3A_1232 = tpu.memref_squeeze %dma_start3A_1231 : memref<1x1x128xi32, #tpu.memory_space<vmem>> -> memref<128xi32, #tpu.memory_space<vmem>>
    %dma_start3A_1233 = arith.constant 0 : i32
    %dma_start3A_1234 = arith.constant 0 : i32
    %dma_start3A_1235 = tpu.memref_slice %arg13[%dma_start3A_1233, %dma_start3A_1234] : memref<65696x16xf32, #tpu.memory_space<vmem_shared>> -> memref<65696x16xf32, #tpu.memory_space<vmem_shared>>
    tpu.enqueue_indirect_dma source(%dma_start3A_1229 : memref<128x16xf32, #tpu.memory_space<vmem>>) target(%dma_start3A_1235 : memref<65696x16xf32, #tpu.memory_space<vmem_shared>>) offsets(%dma_start3A_1232 : memref<128xi32, #tpu.memory_space<vmem>>) semaphore(%arg14 : memref<!tpu.dma_semaphore, #tpu.memory_space<semaphore_mem>>) {add = true}
    %scan3A_1236 = arith.constant 0 : i32
    %scan3A_1237 = arith.constant 0 : i32
    %scan3A_1238 = arith.constant 512 : i32
    %scan3A_1239 = arith.addi %scan3A_1237, %scan3A_1238 : i32
    %scan3A_1240 = arith.constant 1 : i32
    %scan3A_1241 = scf.for %scan3A_2019 = %scan3A_1237 to %scan3A_1239 step %scan3A_1240 iter_args(%scan3A_2020 = %scan3A_1236) -> (i32)  : i32 {
      %swap3A = arith.constant 1 : i32
      %swap3A_2021 = arith.index_cast %swap3A : i32 to index
      %swap3A_2022 = arith.index_cast %scan3A_2019 : i32 to index
      %swap3A_2023 = arith.constant 0 : index
      %swap3A_2024 = tpu.vector_load %arg8[%swap3A_2021, %swap3A_2022, %swap3A_2023] {strides = array<i32>} : memref<2x512x16xf32, #tpu.memory_space<vmem>>, vector<16xf32>,
      tpu.vector_store %arg8[%swap3A_2021, %swap3A_2022, %swap3A_2023], %broadcast_in_dim3A_3 {strides = array<i32>} : memref<2x512x16xf32, #tpu.memory_space<vmem>>, vector<16xf32>,
      %swap3A_2025 = arith.constant 1 : i32
      %swap3A_2026 = arith.index_cast %swap3A_2025 : i32 to index
      %swap3A_2027 = arith.index_cast %scan3A_2019 : i32 to index
      %swap3A_2028 = arith.constant 0 : index
      %swap3A_2029 = tpu.vector_load %arg9[%swap3A_2026, %swap3A_2027, %swap3A_2028] {strides = array<i32>} : memref<2x512x16xf32, #tpu.memory_space<vmem>>, vector<16xf32>,
      tpu.vector_store %arg9[%swap3A_2026, %swap3A_2027, %swap3A_2028], %broadcast_in_dim3A_3 {strides = array<i32>} : memref<2x512x16xf32, #tpu.memory_space<vmem>>, vector<16xf32>,
      %scan3A_2030 = arith.constant 0 : i32
      scf.yield %scan3A_2030 : i32
    }
    %scan3A_1242 = arith.constant 512 : i32
    %scan3A_1243 = arith.constant 0 : i32
    %scan3A_1244 = arith.constant 0 : i32
    %scan3A_1245 = arith.constant 32 : i32
    %scan3A_1246 = arith.addi %scan3A_1244, %scan3A_1245 : i32
    %scan3A_1247 = arith.constant 1 : i32
    %scan3A_1248 = scf.for %scan3A_2019 = %scan3A_1244 to %scan3A_1246 step %scan3A_1247 iter_args(%scan3A_2020 = %scan3A_1243) -> (i32)  : i32 {
      %mul3A_2021 = arith.constant 16 : i32
      %mul3A_2022 = arith.muli %scan3A_2019, %mul3A_2021 : i32
      %add3A_2023 = arith.constant 512 : i32
      %add3A_2024 = arith.addi %add3A_2023, %mul3A_2022 : i32
      %get3A = arith.index_cast %add3A_2024 : i32 to index
      %get3A_2025 = tpu.vector_load %arg6[%get3A] {strides = array<i32>} : memref<2048xi32, #tpu.memory_space<vmem>>, vector<16xi32>,
      %get3A_2026 = arith.index_cast %add3A_2024 : i32 to index
      %get3A_2027 = tpu.vector_load %arg7[%get3A_2026] {strides = array<i32>} : memref<2048xi32, #tpu.memory_space<vmem>>, vector<16xi32>,
      %ge3A = vector.broadcast %mul3A_1015 : i32 to vector<16xi32>
      %ge3A_2028 = arith.cmpi sge, %get3A_2025, %ge3A : vector<16xi32>
      %add3A_2029 = arith.constant 512 : i32
      %add3A_2030 = arith.addi %mul3A_1015, %add3A_2029 : i32
      %lt3A = vector.broadcast %add3A_2030 : i32 to vector<16xi32>
      %lt3A_2031 = arith.cmpi slt, %get3A_2025, %lt3A : vector<16xi32>
      %and3A = arith.andi %ge3A_2028, %lt3A_2031 : vector<16xi1>
      %ne3A = arith.cmpi ne, %get3A_2025, %get3A_2027 : vector<16xi32>
      %and3A_2032 = arith.andi %and3A, %ne3A : vector<16xi1>
      %sub3A = vector.broadcast %mul3A_1015 : i32 to vector<16xi32>
      %sub3A_2033 = arith.subi %get3A_2025, %sub3A : vector<16xi32>
      %mul3A_2034 = arith.constant 128 : i32
      %mul3A_2035 = vector.broadcast %mul3A_2034 : i32 to vector<16xi32>
      %mul3A_2036 = arith.muli %sub3A_2033, %mul3A_2035 : vector<16xi32>
      %shift_right_logical3A = arith.constant 4 : i32
      %shift_right_logical3A_2037 = vector.broadcast %shift_right_logical3A : i32 to vector<16xi32>
      %shift_right_logical3A_2038 = arith.shrui %get3A_2027, %shift_right_logical3A_2037 : vector<16xi32>
      %add3A_2039 = arith.addi %mul3A_2036, %shift_right_logical3A_2038 : vector<16xi32>
      %add3A_2040 = arith.constant 65536 : i32
      %add3A_2041 = vector.broadcast %add3A_2040 : i32 to vector<16xi32>
      %add3A_2042 = arith.addi %add3A_2041, %iota3A : vector<16xi32>
      %jit3A = arith.constant 8 : i32
      %eq3A_2043 = arith.constant 0 : i32
      %eq3A_2044 = arith.cmpi eq, %jit3A, %eq3A_2043 : i32
      %jit3A_2045 = arith.constant 1 : i32
      %select_n3A = arith.select %eq3A_2044, %jit3A_2045, %jit3A : i32
      %rem3A = arith.remsi %scan3A_2019, %select_n3A : i32
      %ne3A_2046 = arith.constant 0 : i32
      %ne3A_2047 = arith.cmpi ne, %rem3A, %ne3A_2046 : i32
      %lt3A_2048 = arith.constant 0 : i32
      %lt3A_2049 = arith.cmpi slt, %rem3A, %lt3A_2048 : i32
      %lt3A_2050 = arith.constant 0 : i32
      %lt3A_2051 = arith.cmpi slt, %select_n3A, %lt3A_2050 : i32
      %ne3A_2052 = arith.xori %lt3A_2049, %lt3A_2051 : i1
      %and3A_2053 = arith.andi %ne3A_2052, %ne3A_2047 : i1
      %add3A_2054 = arith.addi %rem3A, %select_n3A : i32
      %select_n3A_2055 = arith.select %and3A_2053, %add3A_2054, %rem3A : i32
      %mul3A_2056 = arith.constant 16 : i32
      %mul3A_2057 = arith.muli %select_n3A_2055, %mul3A_2056 : i32
      %add3A_2058 = vector.broadcast %mul3A_2057 : i32 to vector<16xi32>
      %add3A_2059 = arith.addi %add3A_2042, %add3A_2058 : vector<16xi32>
      %select_n3A_2060 = arith.select %and3A_2032, %add3A_2039, %add3A_2059 : vector<16xi1>, vector<16xi32>
      %jit3A_2061 = arith.constant 8 : i32
      %div3A = arith.divsi %scan3A_2019, %jit3A_2061 : i32
      %sign3A = arith.constant 0 : i32
      %sign3A_2062 = arith.cmpi sgt, %scan3A_2019, %sign3A : i32
      %sign3A_2063 = arith.extui %sign3A_2062 : i1 to i32
      %sign3A_2064 = arith.constant 0 : i32
      %sign3A_2065 = arith.cmpi slt, %scan3A_2019, %sign3A_2064 : i32
      %sign3A_2066 = arith.extui %sign3A_2065 : i1 to i32
      %sign3A_2067 = arith.subi %sign3A_2063, %sign3A_2066 : i32
      %sign3A_2068 = arith.constant 0 : i32
      %sign3A_2069 = arith.cmpi sgt, %jit3A_2061, %sign3A_2068 : i32
      %sign3A_2070 = arith.extui %sign3A_2069 : i1 to i32
      %sign3A_2071 = arith.constant 0 : i32
      %sign3A_2072 = arith.cmpi slt, %jit3A_2061, %sign3A_2071 : i32
      %sign3A_2073 = arith.extui %sign3A_2072 : i1 to i32
      %sign3A_2074 = arith.subi %sign3A_2070, %sign3A_2073 : i32
      %ne3A_2075 = arith.cmpi ne, %sign3A_2067, %sign3A_2074 : i32
      %rem3A_2076 = arith.remsi %scan3A_2019, %jit3A_2061 : i32
      %ne3A_2077 = arith.constant 0 : i32
      %ne3A_2078 = arith.cmpi ne, %rem3A_2076, %ne3A_2077 : i32
      %and3A_2079 = arith.andi %ne3A_2075, %ne3A_2078 : i1
      %sub3A_2080 = arith.constant 1 : i32
      %sub3A_2081 = arith.subi %div3A, %sub3A_2080 : i32
      %select_n3A_2082 = arith.select %and3A_2079, %sub3A_2081, %div3A : i32
      %jit3A_2083 = arith.constant 8 : i32
      %eq3A_2084 = arith.constant 0 : i32
      %eq3A_2085 = arith.cmpi eq, %jit3A_2083, %eq3A_2084 : i32
      %jit3A_2086 = arith.constant 1 : i32
      %select_n3A_2087 = arith.select %eq3A_2085, %jit3A_2086, %jit3A_2083 : i32
      %rem3A_2088 = arith.remsi %scan3A_2019, %select_n3A_2087 : i32
      %ne3A_2089 = arith.constant 0 : i32
      %ne3A_2090 = arith.cmpi ne, %rem3A_2088, %ne3A_2089 : i32
      %lt3A_2091 = arith.constant 0 : i32
      %lt3A_2092 = arith.cmpi slt, %rem3A_2088, %lt3A_2091 : i32
      %lt3A_2093 = arith.constant 0 : i32
      %lt3A_2094 = arith.cmpi slt, %select_n3A_2087, %lt3A_2093 : i32
      %ne3A_2095 = arith.xori %lt3A_2092, %lt3A_2094 : i1
      %and3A_2096 = arith.andi %ne3A_2095, %ne3A_2090 : i1
      %add3A_2097 = arith.addi %rem3A_2088, %select_n3A_2087 : i32
      %select_n3A_2098 = arith.select %and3A_2096, %add3A_2097, %rem3A_2088 : i32
      %mul3A_2099 = arith.constant 16 : i32
      %mul3A_2100 = arith.muli %select_n3A_2098, %mul3A_2099 : i32
      %swap3A = arith.constant 1 : i32
      %swap3A_2101 = arith.index_cast %swap3A : i32 to index
      %swap3A_2102 = arith.index_cast %select_n3A_2082 : i32 to index
      %swap3A_2103 = arith.index_cast %mul3A_2100 : i32 to index
      %swap3A_2104 = tpu.vector_load %arg10[%swap3A_2101, %swap3A_2102, %swap3A_2103] {strides = array<i32>} : memref<2x4x128xi32, #tpu.memory_space<vmem>>, vector<16xi32>,
      tpu.vector_store %arg10[%swap3A_2101, %swap3A_2102, %swap3A_2103], %select_n3A_2060 {strides = array<i32>} : memref<2x4x128xi32, #tpu.memory_space<vmem>>, vector<16xi32>,
      %shift_right_logical3A_2105 = arith.constant 4 : i32
      %shift_right_logical3A_2106 = vector.broadcast %shift_right_logical3A_2105 : i32 to vector<16xi32>
      %shift_right_logical3A_2107 = arith.shrui %sub3A_2033, %shift_right_logical3A_2106 : vector<16xi32>
      %add3A_2108 = arith.constant 65664 : i32
      %add3A_2109 = vector.broadcast %add3A_2108 : i32 to vector<16xi32>
      %add3A_2110 = arith.addi %add3A_2109, %shift_right_logical3A_2107 : vector<16xi32>
      %select_n3A_2111 = arith.select %and3A_2032, %add3A_2110, %add3A_2059 : vector<16xi1>, vector<16xi32>
      %jit3A_2112 = arith.constant 8 : i32
      %div3A_2113 = arith.divsi %scan3A_2019, %jit3A_2112 : i32
      %sign3A_2114 = arith.constant 0 : i32
      %sign3A_2115 = arith.cmpi sgt, %scan3A_2019, %sign3A_2114 : i32
      %sign3A_2116 = arith.extui %sign3A_2115 : i1 to i32
      %sign3A_2117 = arith.constant 0 : i32
      %sign3A_2118 = arith.cmpi slt, %scan3A_2019, %sign3A_2117 : i32
      %sign3A_2119 = arith.extui %sign3A_2118 : i1 to i32
      %sign3A_2120 = arith.subi %sign3A_2116, %sign3A_2119 : i32
      %sign3A_2121 = arith.constant 0 : i32
      %sign3A_2122 = arith.cmpi sgt, %jit3A_2112, %sign3A_2121 : i32
      %sign3A_2123 = arith.extui %sign3A_2122 : i1 to i32
      %sign3A_2124 = arith.constant 0 : i32
      %sign3A_2125 = arith.cmpi slt, %jit3A_2112, %sign3A_2124 : i32
      %sign3A_2126 = arith.extui %sign3A_2125 : i1 to i32
      %sign3A_2127 = arith.subi %sign3A_2123, %sign3A_2126 : i32
      %ne3A_2128 = arith.cmpi ne, %sign3A_2120, %sign3A_2127 : i32
      %rem3A_2129 = arith.remsi %scan3A_2019, %jit3A_2112 : i32
      %ne3A_2130 = arith.constant 0 : i32
      %ne3A_2131 = arith.cmpi ne, %rem3A_2129, %ne3A_2130 : i32
      %and3A_2132 = arith.andi %ne3A_2128, %ne3A_2131 : i1
      %sub3A_2133 = arith.constant 1 : i32
      %sub3A_2134 = arith.subi %div3A_2113, %sub3A_2133 : i32
      %select_n3A_2135 = arith.select %and3A_2132, %sub3A_2134, %div3A_2113 : i32
      %jit3A_2136 = arith.constant 8 : i32
      %eq3A_2137 = arith.constant 0 : i32
      %eq3A_2138 = arith.cmpi eq, %jit3A_2136, %eq3A_2137 : i32
      %jit3A_2139 = arith.constant 1 : i32
      %select_n3A_2140 = arith.select %eq3A_2138, %jit3A_2139, %jit3A_2136 : i32
      %rem3A_2141 = arith.remsi %scan3A_2019, %select_n3A_2140 : i32
      %ne3A_2142 = arith.constant 0 : i32
      %ne3A_2143 = arith.cmpi ne, %rem3A_2141, %ne3A_2142 : i32
      %lt3A_2144 = arith.constant 0 : i32
      %lt3A_2145 = arith.cmpi slt, %rem3A_2141, %lt3A_2144 : i32
      %lt3A_2146 = arith.constant 0 : i32
      %lt3A_2147 = arith.cmpi slt, %select_n3A_2140, %lt3A_2146 : i32
      %ne3A_2148 = arith.xori %lt3A_2145, %lt3A_2147 : i1
      %and3A_2149 = arith.andi %ne3A_2148, %ne3A_2143 : i1
      %add3A_2150 = arith.addi %rem3A_2141, %select_n3A_2140 : i32
      %select_n3A_2151 = arith.select %and3A_2149, %add3A_2150, %rem3A_2141 : i32
      %mul3A_2152 = arith.constant 16 : i32
      %mul3A_2153 = arith.muli %select_n3A_2151, %mul3A_2152 : i32
      %swap3A_2154 = arith.constant 1 : i32
      %swap3A_2155 = arith.index_cast %swap3A_2154 : i32 to index
      %swap3A_2156 = arith.index_cast %select_n3A_2135 : i32 to index
      %swap3A_2157 = arith.index_cast %mul3A_2153 : i32 to index
      %swap3A_2158 = tpu.vector_load %arg11[%swap3A_2155, %swap3A_2156, %swap3A_2157] {strides = array<i32>} : memref<2x4x128xi32, #tpu.memory_space<vmem>>, vector<16xi32>,
      tpu.vector_store %arg11[%swap3A_2155, %swap3A_2156, %swap3A_2157], %select_n3A_2111 {strides = array<i32>} : memref<2x4x128xi32, #tpu.memory_space<vmem>>, vector<16xi32>,
      %mul3A_2159 = arith.constant 16 : i32
      %mul3A_2160 = arith.muli %scan3A_2019, %mul3A_2159 : i32
      %add3A_2161 = vector.broadcast %mul3A_2160 : i32 to vector<16xi32>
      %add3A_2162 = arith.addi %iota3A, %add3A_2161 : vector<16xi32>
      %and3A_2163 = arith.constant 15 : i32
      %and3A_2164 = vector.broadcast %and3A_2163 : i32 to vector<16xi32>
      %and3A_2165 = arith.andi %get3A_2027, %and3A_2164 : vector<16xi32>
      %scatter3A = arith.constant 1 : i32
      %scatter3A_2166 = arith.constant 0 : i32
      %scatter3A_2167 = arith.constant 0 : i32
      %scatter3A_2168 = tpu.memref_slice %arg8[%scatter3A, %scatter3A_2166, %scatter3A_2167] : memref<2x512x16xf32, #tpu.memory_space<vmem>> -> memref<1x512x16xf32, #tpu.memory_space<vmem>>
      %scatter3A_2169 = tpu.memref_squeeze %scatter3A_2168 : memref<1x512x16xf32, #tpu.memory_space<vmem>> -> memref<512x16xf32, #tpu.memory_space<vmem>>
      tpu.vector_store_idx %scatter3A_2169[%add3A_2162, %and3A_2165], %broadcast_in_dim3A_5 : memref<512x16xf32, #tpu.memory_space<vmem>>[vector<16xi32>, vector<16xi32>], vector<16xf32>,
      %and3A_2170 = arith.constant 15 : i32
      %and3A_2171 = vector.broadcast %and3A_2170 : i32 to vector<16xi32>
      %and3A_2172 = arith.andi %sub3A_2033, %and3A_2171 : vector<16xi32>
      %scatter3A_2173 = arith.constant 1 : i32
      %scatter3A_2174 = arith.constant 0 : i32
      %scatter3A_2175 = arith.constant 0 : i32
      %scatter3A_2176 = tpu.memref_slice %arg9[%scatter3A_2173, %scatter3A_2174, %scatter3A_2175] : memref<2x512x16xf32, #tpu.memory_space<vmem>> -> memref<1x512x16xf32, #tpu.memory_space<vmem>>
      %scatter3A_2177 = tpu.memref_squeeze %scatter3A_2176 : memref<1x512x16xf32, #tpu.memory_space<vmem>> -> memref<512x16xf32, #tpu.memory_space<vmem>>
      tpu.vector_store_idx %scatter3A_2177[%add3A_2162, %and3A_2172], %broadcast_in_dim3A_5 : memref<512x16xf32, #tpu.memory_space<vmem>>[vector<16xi32>, vector<16xi32>], vector<16xf32>,
      %scan3A_2178 = arith.constant 0 : i32
      scf.yield %scan3A_2178 : i32
    }
    %scan3A_1249 = arith.constant 32 : i32
    %dma_start3A_1250 = arith.constant 1 : i32
    %dma_start3A_1251 = arith.constant 1 : i32
    %dma_start3A_1252 = arith.constant 0 : i32
    %dma_start3A_1253 = arith.constant 0 : i32
    %dma_start3A_1254 = arith.constant 0 : i32
    %dma_start3A_1255 = tpu.memref_slice %arg8[%dma_start3A_1250, %dma_start3A_1253, %dma_start3A_1254] : memref<2x512x16xf32, #tpu.memory_space<vmem>> -> memref<1x128x16xf32, #tpu.memory_space<vmem>>
    %dma_start3A_1256 = tpu.memref_squeeze %dma_start3A_1255 : memref<1x128x16xf32, #tpu.memory_space<vmem>> -> memref<128x16xf32, #tpu.memory_space<vmem>>
    %dma_start3A_1257 = arith.constant 0 : i32
    %dma_start3A_1258 = tpu.memref_slice %arg10[%dma_start3A_1251, %dma_start3A_1252, %dma_start3A_1257] : memref<2x4x128xi32, #tpu.memory_space<vmem>> -> memref<1x1x128xi32, #tpu.memory_space<vmem>>
    %dma_start3A_1259 = tpu.memref_squeeze %dma_start3A_1258 : memref<1x1x128xi32, #tpu.memory_space<vmem>> -> memref<128xi32, #tpu.memory_space<vmem>>
    %dma_start3A_1260 = arith.constant 0 : i32
    %dma_start3A_1261 = arith.constant 0 : i32
    %dma_start3A_1262 = tpu.memref_slice %arg13[%dma_start3A_1260, %dma_start3A_1261] : memref<65696x16xf32, #tpu.memory_space<vmem_shared>> -> memref<65696x16xf32, #tpu.memory_space<vmem_shared>>
    tpu.enqueue_indirect_dma source(%dma_start3A_1256 : memref<128x16xf32, #tpu.memory_space<vmem>>) target(%dma_start3A_1262 : memref<65696x16xf32, #tpu.memory_space<vmem_shared>>) offsets(%dma_start3A_1259 : memref<128xi32, #tpu.memory_space<vmem>>) semaphore(%arg14 : memref<!tpu.dma_semaphore, #tpu.memory_space<semaphore_mem>>) {add = true}
    %dma_start3A_1263 = arith.constant 1 : i32
    %dma_start3A_1264 = arith.constant 1 : i32
    %dma_start3A_1265 = arith.constant 0 : i32
    %dma_start3A_1266 = arith.constant 0 : i32
    %dma_start3A_1267 = arith.constant 0 : i32
    %dma_start3A_1268 = tpu.memref_slice %arg9[%dma_start3A_1263, %dma_start3A_1266, %dma_start3A_1267] : memref<2x512x16xf32, #tpu.memory_space<vmem>> -> memref<1x128x16xf32, #tpu.memory_space<vmem>>
    %dma_start3A_1269 = tpu.memref_squeeze %dma_start3A_1268 : memref<1x128x16xf32, #tpu.memory_space<vmem>> -> memref<128x16xf32, #tpu.memory_space<vmem>>
    %dma_start3A_1270 = arith.constant 0 : i32
    %dma_start3A_1271 = tpu.memref_slice %arg11[%dma_start3A_1264, %dma_start3A_1265, %dma_start3A_1270] : memref<2x4x128xi32, #tpu.memory_space<vmem>> -> memref<1x1x128xi32, #tpu.memory_space<vmem>>
    %dma_start3A_1272 = tpu.memref_squeeze %dma_start3A_1271 : memref<1x1x128xi32, #tpu.memory_space<vmem>> -> memref<128xi32, #tpu.memory_space<vmem>>
    %dma_start3A_1273 = arith.constant 0 : i32
    %dma_start3A_1274 = arith.constant 0 : i32
    %dma_start3A_1275 = tpu.memref_slice %arg13[%dma_start3A_1273, %dma_start3A_1274] : memref<65696x16xf32, #tpu.memory_space<vmem_shared>> -> memref<65696x16xf32, #tpu.memory_space<vmem_shared>>
    tpu.enqueue_indirect_dma source(%dma_start3A_1269 : memref<128x16xf32, #tpu.memory_space<vmem>>) target(%dma_start3A_1275 : memref<65696x16xf32, #tpu.memory_space<vmem_shared>>) offsets(%dma_start3A_1272 : memref<128xi32, #tpu.memory_space<vmem>>) semaphore(%arg14 : memref<!tpu.dma_semaphore, #tpu.memory_space<semaphore_mem>>) {add = true}
    %dma_start3A_1276 = arith.constant 1 : i32
    %dma_start3A_1277 = arith.constant 1 : i32
    %dma_start3A_1278 = arith.constant 1 : i32
    %dma_start3A_1279 = arith.constant 128 : i32
    %dma_start3A_1280 = arith.constant 0 : i32
    %dma_start3A_1281 = tpu.memref_slice %arg8[%dma_start3A_1276, %dma_start3A_1279, %dma_start3A_1280] : memref<2x512x16xf32, #tpu.memory_space<vmem>> -> memref<1x128x16xf32, #tpu.memory_space<vmem>>
    %dma_start3A_1282 = tpu.memref_squeeze %dma_start3A_1281 : memref<1x128x16xf32, #tpu.memory_space<vmem>> -> memref<128x16xf32, #tpu.memory_space<vmem>>
    %dma_start3A_1283 = arith.constant 0 : i32
    %dma_start3A_1284 = tpu.memref_slice %arg10[%dma_start3A_1277, %dma_start3A_1278, %dma_start3A_1283] : memref<2x4x128xi32, #tpu.memory_space<vmem>> -> memref<1x1x128xi32, #tpu.memory_space<vmem>>
    %dma_start3A_1285 = tpu.memref_squeeze %dma_start3A_1284 : memref<1x1x128xi32, #tpu.memory_space<vmem>> -> memref<128xi32, #tpu.memory_space<vmem>>
    %dma_start3A_1286 = arith.constant 0 : i32
    %dma_start3A_1287 = arith.constant 0 : i32
    %dma_start3A_1288 = tpu.memref_slice %arg13[%dma_start3A_1286, %dma_start3A_1287] : memref<65696x16xf32, #tpu.memory_space<vmem_shared>> -> memref<65696x16xf32, #tpu.memory_space<vmem_shared>>
    tpu.enqueue_indirect_dma source(%dma_start3A_1282 : memref<128x16xf32, #tpu.memory_space<vmem>>) target(%dma_start3A_1288 : memref<65696x16xf32, #tpu.memory_space<vmem_shared>>) offsets(%dma_start3A_1285 : memref<128xi32, #tpu.memory_space<vmem>>) semaphore(%arg14 : memref<!tpu.dma_semaphore, #tpu.memory_space<semaphore_mem>>) {add = true}
    %dma_start3A_1289 = arith.constant 1 : i32
    %dma_start3A_1290 = arith.constant 1 : i32
    %dma_start3A_1291 = arith.constant 1 : i32
    %dma_start3A_1292 = arith.constant 128 : i32
    %dma_start3A_1293 = arith.constant 0 : i32
    %dma_start3A_1294 = tpu.memref_slice %arg9[%dma_start3A_1289, %dma_start3A_1292, %dma_start3A_1293] : memref<2x512x16xf32, #tpu.memory_space<vmem>> -> memref<1x128x16xf32, #tpu.memory_space<vmem>>
    %dma_start3A_1295 = tpu.memref_squeeze %dma_start3A_1294 : memref<1x128x16xf32, #tpu.memory_space<vmem>> -> memref<128x16xf32, #tpu.memory_space<vmem>>
    %dma_start3A_1296 = arith.constant 0 : i32
    %dma_start3A_1297 = tpu.memref_slice %arg11[%dma_start3A_1290, %dma_start3A_1291, %dma_start3A_1296] : memref<2x4x128xi32, #tpu.memory_space<vmem>> -> memref<1x1x128xi32, #tpu.memory_space<vmem>>
    %dma_start3A_1298 = tpu.memref_squeeze %dma_start3A_1297 : memref<1x1x128xi32, #tpu.memory_space<vmem>> -> memref<128xi32, #tpu.memory_space<vmem>>
    %dma_start3A_1299 = arith.constant 0 : i32
    %dma_start3A_1300 = arith.constant 0 : i32
    %dma_start3A_1301 = tpu.memref_slice %arg13[%dma_start3A_1299, %dma_start3A_1300] : memref<65696x16xf32, #tpu.memory_space<vmem_shared>> -> memref<65696x16xf32, #tpu.memory_space<vmem_shared>>
    tpu.enqueue_indirect_dma source(%dma_start3A_1295 : memref<128x16xf32, #tpu.memory_space<vmem>>) target(%dma_start3A_1301 : memref<65696x16xf32, #tpu.memory_space<vmem_shared>>) offsets(%dma_start3A_1298 : memref<128xi32, #tpu.memory_space<vmem>>) semaphore(%arg14 : memref<!tpu.dma_semaphore, #tpu.memory_space<semaphore_mem>>) {add = true}
    %dma_start3A_1302 = arith.constant 1 : i32
    %dma_start3A_1303 = arith.constant 1 : i32
    %dma_start3A_1304 = arith.constant 2 : i32
    %dma_start3A_1305 = arith.constant 256 : i32
    %dma_start3A_1306 = arith.constant 0 : i32
    %dma_start3A_1307 = tpu.memref_slice %arg8[%dma_start3A_1302, %dma_start3A_1305, %dma_start3A_1306] : memref<2x512x16xf32, #tpu.memory_space<vmem>> -> memref<1x128x16xf32, #tpu.memory_space<vmem>>
    %dma_start3A_1308 = tpu.memref_squeeze %dma_start3A_1307 : memref<1x128x16xf32, #tpu.memory_space<vmem>> -> memref<128x16xf32, #tpu.memory_space<vmem>>
    %dma_start3A_1309 = arith.constant 0 : i32
    %dma_start3A_1310 = tpu.memref_slice %arg10[%dma_start3A_1303, %dma_start3A_1304, %dma_start3A_1309] : memref<2x4x128xi32, #tpu.memory_space<vmem>> -> memref<1x1x128xi32, #tpu.memory_space<vmem>>
    %dma_start3A_1311 = tpu.memref_squeeze %dma_start3A_1310 : memref<1x1x128xi32, #tpu.memory_space<vmem>> -> memref<128xi32, #tpu.memory_space<vmem>>
    %dma_start3A_1312 = arith.constant 0 : i32
    %dma_start3A_1313 = arith.constant 0 : i32
    %dma_start3A_1314 = tpu.memref_slice %arg13[%dma_start3A_1312, %dma_start3A_1313] : memref<65696x16xf32, #tpu.memory_space<vmem_shared>> -> memref<65696x16xf32, #tpu.memory_space<vmem_shared>>
    tpu.enqueue_indirect_dma source(%dma_start3A_1308 : memref<128x16xf32, #tpu.memory_space<vmem>>) target(%dma_start3A_1314 : memref<65696x16xf32, #tpu.memory_space<vmem_shared>>) offsets(%dma_start3A_1311 : memref<128xi32, #tpu.memory_space<vmem>>) semaphore(%arg14 : memref<!tpu.dma_semaphore, #tpu.memory_space<semaphore_mem>>) {add = true}
    %dma_start3A_1315 = arith.constant 1 : i32
    %dma_start3A_1316 = arith.constant 1 : i32
    %dma_start3A_1317 = arith.constant 2 : i32
    %dma_start3A_1318 = arith.constant 256 : i32
    %dma_start3A_1319 = arith.constant 0 : i32
    %dma_start3A_1320 = tpu.memref_slice %arg9[%dma_start3A_1315, %dma_start3A_1318, %dma_start3A_1319] : memref<2x512x16xf32, #tpu.memory_space<vmem>> -> memref<1x128x16xf32, #tpu.memory_space<vmem>>
    %dma_start3A_1321 = tpu.memref_squeeze %dma_start3A_1320 : memref<1x128x16xf32, #tpu.memory_space<vmem>> -> memref<128x16xf32, #tpu.memory_space<vmem>>
    %dma_start3A_1322 = arith.constant 0 : i32
    %dma_start3A_1323 = tpu.memref_slice %arg11[%dma_start3A_1316, %dma_start3A_1317, %dma_start3A_1322] : memref<2x4x128xi32, #tpu.memory_space<vmem>> -> memref<1x1x128xi32, #tpu.memory_space<vmem>>
    %dma_start3A_1324 = tpu.memref_squeeze %dma_start3A_1323 : memref<1x1x128xi32, #tpu.memory_space<vmem>> -> memref<128xi32, #tpu.memory_space<vmem>>
    %dma_start3A_1325 = arith.constant 0 : i32
    %dma_start3A_1326 = arith.constant 0 : i32
    %dma_start3A_1327 = tpu.memref_slice %arg13[%dma_start3A_1325, %dma_start3A_1326] : memref<65696x16xf32, #tpu.memory_space<vmem_shared>> -> memref<65696x16xf32, #tpu.memory_space<vmem_shared>>
    tpu.enqueue_indirect_dma source(%dma_start3A_1321 : memref<128x16xf32, #tpu.memory_space<vmem>>) target(%dma_start3A_1327 : memref<65696x16xf32, #tpu.memory_space<vmem_shared>>) offsets(%dma_start3A_1324 : memref<128xi32, #tpu.memory_space<vmem>>) semaphore(%arg14 : memref<!tpu.dma_semaphore, #tpu.memory_space<semaphore_mem>>) {add = true}
    %dma_start3A_1328 = arith.constant 1 : i32
    %dma_start3A_1329 = arith.constant 1 : i32
    %dma_start3A_1330 = arith.constant 3 : i32
    %dma_start3A_1331 = arith.constant 384 : i32
    %dma_start3A_1332 = arith.constant 0 : i32
    %dma_start3A_1333 = tpu.memref_slice %arg8[%dma_start3A_1328, %dma_start3A_1331, %dma_start3A_1332] : memref<2x512x16xf32, #tpu.memory_space<vmem>> -> memref<1x128x16xf32, #tpu.memory_space<vmem>>
    %dma_start3A_1334 = tpu.memref_squeeze %dma_start3A_1333 : memref<1x128x16xf32, #tpu.memory_space<vmem>> -> memref<128x16xf32, #tpu.memory_space<vmem>>
    %dma_start3A_1335 = arith.constant 0 : i32
    %dma_start3A_1336 = tpu.memref_slice %arg10[%dma_start3A_1329, %dma_start3A_1330, %dma_start3A_1335] : memref<2x4x128xi32, #tpu.memory_space<vmem>> -> memref<1x1x128xi32, #tpu.memory_space<vmem>>
    %dma_start3A_1337 = tpu.memref_squeeze %dma_start3A_1336 : memref<1x1x128xi32, #tpu.memory_space<vmem>> -> memref<128xi32, #tpu.memory_space<vmem>>
    %dma_start3A_1338 = arith.constant 0 : i32
    %dma_start3A_1339 = arith.constant 0 : i32
    %dma_start3A_1340 = tpu.memref_slice %arg13[%dma_start3A_1338, %dma_start3A_1339] : memref<65696x16xf32, #tpu.memory_space<vmem_shared>> -> memref<65696x16xf32, #tpu.memory_space<vmem_shared>>
    tpu.enqueue_indirect_dma source(%dma_start3A_1334 : memref<128x16xf32, #tpu.memory_space<vmem>>) target(%dma_start3A_1340 : memref<65696x16xf32, #tpu.memory_space<vmem_shared>>) offsets(%dma_start3A_1337 : memref<128xi32, #tpu.memory_space<vmem>>) semaphore(%arg14 : memref<!tpu.dma_semaphore, #tpu.memory_space<semaphore_mem>>) {add = true}
    %dma_start3A_1341 = arith.constant 1 : i32
    %dma_start3A_1342 = arith.constant 1 : i32
    %dma_start3A_1343 = arith.constant 3 : i32
    %dma_start3A_1344 = arith.constant 384 : i32
    %dma_start3A_1345 = arith.constant 0 : i32
    %dma_start3A_1346 = tpu.memref_slice %arg9[%dma_start3A_1341, %dma_start3A_1344, %dma_start3A_1345] : memref<2x512x16xf32, #tpu.memory_space<vmem>> -> memref<1x128x16xf32, #tpu.memory_space<vmem>>
    %dma_start3A_1347 = tpu.memref_squeeze %dma_start3A_1346 : memref<1x128x16xf32, #tpu.memory_space<vmem>> -> memref<128x16xf32, #tpu.memory_space<vmem>>
    %dma_start3A_1348 = arith.constant 0 : i32
    %dma_start3A_1349 = tpu.memref_slice %arg11[%dma_start3A_1342, %dma_start3A_1343, %dma_start3A_1348] : memref<2x4x128xi32, #tpu.memory_space<vmem>> -> memref<1x1x128xi32, #tpu.memory_space<vmem>>
    %dma_start3A_1350 = tpu.memref_squeeze %dma_start3A_1349 : memref<1x1x128xi32, #tpu.memory_space<vmem>> -> memref<128xi32, #tpu.memory_space<vmem>>
    %dma_start3A_1351 = arith.constant 0 : i32
    %dma_start3A_1352 = arith.constant 0 : i32
    %dma_start3A_1353 = tpu.memref_slice %arg13[%dma_start3A_1351, %dma_start3A_1352] : memref<65696x16xf32, #tpu.memory_space<vmem_shared>> -> memref<65696x16xf32, #tpu.memory_space<vmem_shared>>
    tpu.enqueue_indirect_dma source(%dma_start3A_1347 : memref<128x16xf32, #tpu.memory_space<vmem>>) target(%dma_start3A_1353 : memref<65696x16xf32, #tpu.memory_space<vmem_shared>>) offsets(%dma_start3A_1350 : memref<128xi32, #tpu.memory_space<vmem>>) semaphore(%arg14 : memref<!tpu.dma_semaphore, #tpu.memory_space<semaphore_mem>>) {add = true}
    %dma_wait3A_1354 = arith.constant 0 : i32
    %dma_wait3A_1355 = arith.constant 0 : i32
    %dma_wait3A_1356 = arith.constant 0 : i32
    %dma_wait3A_1357 = arith.constant 0 : i32
    %dma_wait3A_1358 = arith.constant 0 : i32
    %dma_wait3A_1359 = tpu.memref_slice %arg8[%dma_wait3A_1354, %dma_wait3A_1357, %dma_wait3A_1358] : memref<2x512x16xf32, #tpu.memory_space<vmem>> -> memref<1x128x16xf32, #tpu.memory_space<vmem>>
    %dma_wait3A_1360 = tpu.memref_squeeze %dma_wait3A_1359 : memref<1x128x16xf32, #tpu.memory_space<vmem>> -> memref<128x16xf32, #tpu.memory_space<vmem>>
    %dma_wait3A_1361 = arith.constant 0 : i32
    %dma_wait3A_1362 = tpu.memref_slice %arg10[%dma_wait3A_1355, %dma_wait3A_1356, %dma_wait3A_1361] : memref<2x4x128xi32, #tpu.memory_space<vmem>> -> memref<1x1x128xi32, #tpu.memory_space<vmem>>
    %dma_wait3A_1363 = tpu.memref_squeeze %dma_wait3A_1362 : memref<1x1x128xi32, #tpu.memory_space<vmem>> -> memref<128xi32, #tpu.memory_space<vmem>>
    %dma_wait3A_1364 = arith.constant 0 : i32
    %dma_wait3A_1365 = arith.constant 0 : i32
    %dma_wait3A_1366 = tpu.memref_slice %arg13[%dma_wait3A_1364, %dma_wait3A_1365] : memref<65696x16xf32, #tpu.memory_space<vmem_shared>> -> memref<65696x16xf32, #tpu.memory_space<vmem_shared>>
    tpu.wait_indirect_dma semaphore(%arg14 : memref<!tpu.dma_semaphore, #tpu.memory_space<semaphore_mem>>) src(%dma_wait3A_1360 : memref<128x16xf32, #tpu.memory_space<vmem>>) dst(%dma_wait3A_1366 : memref<65696x16xf32, #tpu.memory_space<vmem_shared>>)
    %dma_wait3A_1367 = arith.constant 0 : i32
    %dma_wait3A_1368 = arith.constant 0 : i32
    %dma_wait3A_1369 = arith.constant 0 : i32
    %dma_wait3A_1370 = arith.constant 0 : i32
    %dma_wait3A_1371 = arith.constant 0 : i32
    %dma_wait3A_1372 = tpu.memref_slice %arg9[%dma_wait3A_1367, %dma_wait3A_1370, %dma_wait3A_1371] : memref<2x512x16xf32, #tpu.memory_space<vmem>> -> memref<1x128x16xf32, #tpu.memory_space<vmem>>
    %dma_wait3A_1373 = tpu.memref_squeeze %dma_wait3A_1372 : memref<1x128x16xf32, #tpu.memory_space<vmem>> -> memref<128x16xf32, #tpu.memory_space<vmem>>
    %dma_wait3A_1374 = arith.constant 0 : i32
    %dma_wait3A_1375 = tpu.memref_slice %arg11[%dma_wait3A_1368, %dma_wait3A_1369, %dma_wait3A_1374] : memref<2x4x128xi32, #tpu.memory_space<vmem>> -> memref<1x1x128xi32, #tpu.memory_space<vmem>>
    %dma_wait3A_1376 = tpu.memref_squeeze %dma_wait3A_1375 : memref<1x1x128xi32, #tpu.memory_space<vmem>> -> memref<128xi32, #tpu.memory_space<vmem>>
    %dma_wait3A_1377 = arith.constant 0 : i32
    %dma_wait3A_1378 = arith.constant 0 : i32
    %dma_wait3A_1379 = tpu.memref_slice %arg13[%dma_wait3A_1377, %dma_wait3A_1378] : memref<65696x16xf32, #tpu.memory_space<vmem_shared>> -> memref<65696x16xf32, #tpu.memory_space<vmem_shared>>
    tpu.wait_indirect_dma semaphore(%arg14 : memref<!tpu.dma_semaphore, #tpu.memory_space<semaphore_mem>>) src(%dma_wait3A_1373 : memref<128x16xf32, #tpu.memory_space<vmem>>) dst(%dma_wait3A_1379 : memref<65696x16xf32, #tpu.memory_space<vmem_shared>>)
    %dma_wait3A_1380 = arith.constant 0 : i32
    %dma_wait3A_1381 = arith.constant 0 : i32
    %dma_wait3A_1382 = arith.constant 1 : i32
    %dma_wait3A_1383 = arith.constant 128 : i32
    %dma_wait3A_1384 = arith.constant 0 : i32
    %dma_wait3A_1385 = tpu.memref_slice %arg8[%dma_wait3A_1380, %dma_wait3A_1383, %dma_wait3A_1384] : memref<2x512x16xf32, #tpu.memory_space<vmem>> -> memref<1x128x16xf32, #tpu.memory_space<vmem>>
    %dma_wait3A_1386 = tpu.memref_squeeze %dma_wait3A_1385 : memref<1x128x16xf32, #tpu.memory_space<vmem>> -> memref<128x16xf32, #tpu.memory_space<vmem>>
    %dma_wait3A_1387 = arith.constant 0 : i32
    %dma_wait3A_1388 = tpu.memref_slice %arg10[%dma_wait3A_1381, %dma_wait3A_1382, %dma_wait3A_1387] : memref<2x4x128xi32, #tpu.memory_space<vmem>> -> memref<1x1x128xi32, #tpu.memory_space<vmem>>
    %dma_wait3A_1389 = tpu.memref_squeeze %dma_wait3A_1388 : memref<1x1x128xi32, #tpu.memory_space<vmem>> -> memref<128xi32, #tpu.memory_space<vmem>>
    %dma_wait3A_1390 = arith.constant 0 : i32
    %dma_wait3A_1391 = arith.constant 0 : i32
    %dma_wait3A_1392 = tpu.memref_slice %arg13[%dma_wait3A_1390, %dma_wait3A_1391] : memref<65696x16xf32, #tpu.memory_space<vmem_shared>> -> memref<65696x16xf32, #tpu.memory_space<vmem_shared>>
    tpu.wait_indirect_dma semaphore(%arg14 : memref<!tpu.dma_semaphore, #tpu.memory_space<semaphore_mem>>) src(%dma_wait3A_1386 : memref<128x16xf32, #tpu.memory_space<vmem>>) dst(%dma_wait3A_1392 : memref<65696x16xf32, #tpu.memory_space<vmem_shared>>)
    %dma_wait3A_1393 = arith.constant 0 : i32
    %dma_wait3A_1394 = arith.constant 0 : i32
    %dma_wait3A_1395 = arith.constant 1 : i32
    %dma_wait3A_1396 = arith.constant 128 : i32
    %dma_wait3A_1397 = arith.constant 0 : i32
    %dma_wait3A_1398 = tpu.memref_slice %arg9[%dma_wait3A_1393, %dma_wait3A_1396, %dma_wait3A_1397] : memref<2x512x16xf32, #tpu.memory_space<vmem>> -> memref<1x128x16xf32, #tpu.memory_space<vmem>>
    %dma_wait3A_1399 = tpu.memref_squeeze %dma_wait3A_1398 : memref<1x128x16xf32, #tpu.memory_space<vmem>> -> memref<128x16xf32, #tpu.memory_space<vmem>>
    %dma_wait3A_1400 = arith.constant 0 : i32
    %dma_wait3A_1401 = tpu.memref_slice %arg11[%dma_wait3A_1394, %dma_wait3A_1395, %dma_wait3A_1400] : memref<2x4x128xi32, #tpu.memory_space<vmem>> -> memref<1x1x128xi32, #tpu.memory_space<vmem>>
    %dma_wait3A_1402 = tpu.memref_squeeze %dma_wait3A_1401 : memref<1x1x128xi32, #tpu.memory_space<vmem>> -> memref<128xi32, #tpu.memory_space<vmem>>
    %dma_wait3A_1403 = arith.constant 0 : i32
    %dma_wait3A_1404 = arith.constant 0 : i32
    %dma_wait3A_1405 = tpu.memref_slice %arg13[%dma_wait3A_1403, %dma_wait3A_1404] : memref<65696x16xf32, #tpu.memory_space<vmem_shared>> -> memref<65696x16xf32, #tpu.memory_space<vmem_shared>>
    tpu.wait_indirect_dma semaphore(%arg14 : memref<!tpu.dma_semaphore, #tpu.memory_space<semaphore_mem>>) src(%dma_wait3A_1399 : memref<128x16xf32, #tpu.memory_space<vmem>>) dst(%dma_wait3A_1405 : memref<65696x16xf32, #tpu.memory_space<vmem_shared>>)
    %dma_wait3A_1406 = arith.constant 0 : i32
    %dma_wait3A_1407 = arith.constant 0 : i32
    %dma_wait3A_1408 = arith.constant 2 : i32
    %dma_wait3A_1409 = arith.constant 256 : i32
    %dma_wait3A_1410 = arith.constant 0 : i32
    %dma_wait3A_1411 = tpu.memref_slice %arg8[%dma_wait3A_1406, %dma_wait3A_1409, %dma_wait3A_1410] : memref<2x512x16xf32, #tpu.memory_space<vmem>> -> memref<1x128x16xf32, #tpu.memory_space<vmem>>
    %dma_wait3A_1412 = tpu.memref_squeeze %dma_wait3A_1411 : memref<1x128x16xf32, #tpu.memory_space<vmem>> -> memref<128x16xf32, #tpu.memory_space<vmem>>
    %dma_wait3A_1413 = arith.constant 0 : i32
    %dma_wait3A_1414 = tpu.memref_slice %arg10[%dma_wait3A_1407, %dma_wait3A_1408, %dma_wait3A_1413] : memref<2x4x128xi32, #tpu.memory_space<vmem>> -> memref<1x1x128xi32, #tpu.memory_space<vmem>>
    %dma_wait3A_1415 = tpu.memref_squeeze %dma_wait3A_1414 : memref<1x1x128xi32, #tpu.memory_space<vmem>> -> memref<128xi32, #tpu.memory_space<vmem>>
    %dma_wait3A_1416 = arith.constant 0 : i32
    %dma_wait3A_1417 = arith.constant 0 : i32
    %dma_wait3A_1418 = tpu.memref_slice %arg13[%dma_wait3A_1416, %dma_wait3A_1417] : memref<65696x16xf32, #tpu.memory_space<vmem_shared>> -> memref<65696x16xf32, #tpu.memory_space<vmem_shared>>
    tpu.wait_indirect_dma semaphore(%arg14 : memref<!tpu.dma_semaphore, #tpu.memory_space<semaphore_mem>>) src(%dma_wait3A_1412 : memref<128x16xf32, #tpu.memory_space<vmem>>) dst(%dma_wait3A_1418 : memref<65696x16xf32, #tpu.memory_space<vmem_shared>>)
    %dma_wait3A_1419 = arith.constant 0 : i32
    %dma_wait3A_1420 = arith.constant 0 : i32
    %dma_wait3A_1421 = arith.constant 2 : i32
    %dma_wait3A_1422 = arith.constant 256 : i32
    %dma_wait3A_1423 = arith.constant 0 : i32
    %dma_wait3A_1424 = tpu.memref_slice %arg9[%dma_wait3A_1419, %dma_wait3A_1422, %dma_wait3A_1423] : memref<2x512x16xf32, #tpu.memory_space<vmem>> -> memref<1x128x16xf32, #tpu.memory_space<vmem>>
    %dma_wait3A_1425 = tpu.memref_squeeze %dma_wait3A_1424 : memref<1x128x16xf32, #tpu.memory_space<vmem>> -> memref<128x16xf32, #tpu.memory_space<vmem>>
    %dma_wait3A_1426 = arith.constant 0 : i32
    %dma_wait3A_1427 = tpu.memref_slice %arg11[%dma_wait3A_1420, %dma_wait3A_1421, %dma_wait3A_1426] : memref<2x4x128xi32, #tpu.memory_space<vmem>> -> memref<1x1x128xi32, #tpu.memory_space<vmem>>
    %dma_wait3A_1428 = tpu.memref_squeeze %dma_wait3A_1427 : memref<1x1x128xi32, #tpu.memory_space<vmem>> -> memref<128xi32, #tpu.memory_space<vmem>>
    %dma_wait3A_1429 = arith.constant 0 : i32
    %dma_wait3A_1430 = arith.constant 0 : i32
    %dma_wait3A_1431 = tpu.memref_slice %arg13[%dma_wait3A_1429, %dma_wait3A_1430] : memref<65696x16xf32, #tpu.memory_space<vmem_shared>> -> memref<65696x16xf32, #tpu.memory_space<vmem_shared>>
    tpu.wait_indirect_dma semaphore(%arg14 : memref<!tpu.dma_semaphore, #tpu.memory_space<semaphore_mem>>) src(%dma_wait3A_1425 : memref<128x16xf32, #tpu.memory_space<vmem>>) dst(%dma_wait3A_1431 : memref<65696x16xf32, #tpu.memory_space<vmem_shared>>)
    %dma_wait3A_1432 = arith.constant 0 : i32
    %dma_wait3A_1433 = arith.constant 0 : i32
    %dma_wait3A_1434 = arith.constant 3 : i32
    %dma_wait3A_1435 = arith.constant 384 : i32
    %dma_wait3A_1436 = arith.constant 0 : i32
    %dma_wait3A_1437 = tpu.memref_slice %arg8[%dma_wait3A_1432, %dma_wait3A_1435, %dma_wait3A_1436] : memref<2x512x16xf32, #tpu.memory_space<vmem>> -> memref<1x128x16xf32, #tpu.memory_space<vmem>>
    %dma_wait3A_1438 = tpu.memref_squeeze %dma_wait3A_1437 : memref<1x128x16xf32, #tpu.memory_space<vmem>> -> memref<128x16xf32, #tpu.memory_space<vmem>>
    %dma_wait3A_1439 = arith.constant 0 : i32
    %dma_wait3A_1440 = tpu.memref_slice %arg10[%dma_wait3A_1433, %dma_wait3A_1434, %dma_wait3A_1439] : memref<2x4x128xi32, #tpu.memory_space<vmem>> -> memref<1x1x128xi32, #tpu.memory_space<vmem>>
    %dma_wait3A_1441 = tpu.memref_squeeze %dma_wait3A_1440 : memref<1x1x128xi32, #tpu.memory_space<vmem>> -> memref<128xi32, #tpu.memory_space<vmem>>
    %dma_wait3A_1442 = arith.constant 0 : i32
    %dma_wait3A_1443 = arith.constant 0 : i32
    %dma_wait3A_1444 = tpu.memref_slice %arg13[%dma_wait3A_1442, %dma_wait3A_1443] : memref<65696x16xf32, #tpu.memory_space<vmem_shared>> -> memref<65696x16xf32, #tpu.memory_space<vmem_shared>>
    tpu.wait_indirect_dma semaphore(%arg14 : memref<!tpu.dma_semaphore, #tpu.memory_space<semaphore_mem>>) src(%dma_wait3A_1438 : memref<128x16xf32, #tpu.memory_space<vmem>>) dst(%dma_wait3A_1444 : memref<65696x16xf32, #tpu.memory_space<vmem_shared>>)
    %dma_wait3A_1445 = arith.constant 0 : i32
    %dma_wait3A_1446 = arith.constant 0 : i32
    %dma_wait3A_1447 = arith.constant 3 : i32
    %dma_wait3A_1448 = arith.constant 384 : i32
    %dma_wait3A_1449 = arith.constant 0 : i32
    %dma_wait3A_1450 = tpu.memref_slice %arg9[%dma_wait3A_1445, %dma_wait3A_1448, %dma_wait3A_1449] : memref<2x512x16xf32, #tpu.memory_space<vmem>> -> memref<1x128x16xf32, #tpu.memory_space<vmem>>
    %dma_wait3A_1451 = tpu.memref_squeeze %dma_wait3A_1450 : memref<1x128x16xf32, #tpu.memory_space<vmem>> -> memref<128x16xf32, #tpu.memory_space<vmem>>
    %dma_wait3A_1452 = arith.constant 0 : i32
    %dma_wait3A_1453 = tpu.memref_slice %arg11[%dma_wait3A_1446, %dma_wait3A_1447, %dma_wait3A_1452] : memref<2x4x128xi32, #tpu.memory_space<vmem>> -> memref<1x1x128xi32, #tpu.memory_space<vmem>>
    %dma_wait3A_1454 = tpu.memref_squeeze %dma_wait3A_1453 : memref<1x1x128xi32, #tpu.memory_space<vmem>> -> memref<128xi32, #tpu.memory_space<vmem>>
    %dma_wait3A_1455 = arith.constant 0 : i32
    %dma_wait3A_1456 = arith.constant 0 : i32
    %dma_wait3A_1457 = tpu.memref_slice %arg13[%dma_wait3A_1455, %dma_wait3A_1456] : memref<65696x16xf32, #tpu.memory_space<vmem_shared>> -> memref<65696x16xf32, #tpu.memory_space<vmem_shared>>
    tpu.wait_indirect_dma semaphore(%arg14 : memref<!tpu.dma_semaphore, #tpu.memory_space<semaphore_mem>>) src(%dma_wait3A_1451 : memref<128x16xf32, #tpu.memory_space<vmem>>) dst(%dma_wait3A_1457 : memref<65696x16xf32, #tpu.memory_space<vmem_shared>>)
    %scan3A_1458 = arith.constant 0 : i32
    %scan3A_1459 = arith.constant 0 : i32
    %scan3A_1460 = arith.constant 512 : i32
    %scan3A_1461 = arith.addi %scan3A_1459, %scan3A_1460 : i32
    %scan3A_1462 = arith.constant 1 : i32
    %scan3A_1463 = scf.for %scan3A_2019 = %scan3A_1459 to %scan3A_1461 step %scan3A_1462 iter_args(%scan3A_2020 = %scan3A_1458) -> (i32)  : i32 {
      %swap3A = arith.constant 0 : i32
      %swap3A_2021 = arith.index_cast %swap3A : i32 to index
      %swap3A_2022 = arith.index_cast %scan3A_2019 : i32 to index
      %swap3A_2023 = arith.constant 0 : index
      %swap3A_2024 = tpu.vector_load %arg8[%swap3A_2021, %swap3A_2022, %swap3A_2023] {strides = array<i32>} : memref<2x512x16xf32, #tpu.memory_space<vmem>>, vector<16xf32>,
      tpu.vector_store %arg8[%swap3A_2021, %swap3A_2022, %swap3A_2023], %broadcast_in_dim3A_3 {strides = array<i32>} : memref<2x512x16xf32, #tpu.memory_space<vmem>>, vector<16xf32>,
      %swap3A_2025 = arith.constant 0 : i32
      %swap3A_2026 = arith.index_cast %swap3A_2025 : i32 to index
      %swap3A_2027 = arith.index_cast %scan3A_2019 : i32 to index
      %swap3A_2028 = arith.constant 0 : index
      %swap3A_2029 = tpu.vector_load %arg9[%swap3A_2026, %swap3A_2027, %swap3A_2028] {strides = array<i32>} : memref<2x512x16xf32, #tpu.memory_space<vmem>>, vector<16xf32>,
      tpu.vector_store %arg9[%swap3A_2026, %swap3A_2027, %swap3A_2028], %broadcast_in_dim3A_3 {strides = array<i32>} : memref<2x512x16xf32, #tpu.memory_space<vmem>>, vector<16xf32>,
      %scan3A_2030 = arith.constant 0 : i32
      scf.yield %scan3A_2030 : i32
    }
    %scan3A_1464 = arith.constant 512 : i32
    %scan3A_1465 = arith.constant 0 : i32
    %scan3A_1466 = arith.constant 0 : i32
    %scan3A_1467 = arith.constant 32 : i32
    %scan3A_1468 = arith.addi %scan3A_1466, %scan3A_1467 : i32
    %scan3A_1469 = arith.constant 1 : i32
    %scan3A_1470 = scf.for %scan3A_2019 = %scan3A_1466 to %scan3A_1468 step %scan3A_1469 iter_args(%scan3A_2020 = %scan3A_1465) -> (i32)  : i32 {
      %mul3A_2021 = arith.constant 16 : i32
      %mul3A_2022 = arith.muli %scan3A_2019, %mul3A_2021 : i32
      %add3A_2023 = arith.constant 1024 : i32
      %add3A_2024 = arith.addi %add3A_2023, %mul3A_2022 : i32
      %get3A = arith.index_cast %add3A_2024 : i32 to index
      %get3A_2025 = tpu.vector_load %arg6[%get3A] {strides = array<i32>} : memref<2048xi32, #tpu.memory_space<vmem>>, vector<16xi32>,
      %get3A_2026 = arith.index_cast %add3A_2024 : i32 to index
      %get3A_2027 = tpu.vector_load %arg7[%get3A_2026] {strides = array<i32>} : memref<2048xi32, #tpu.memory_space<vmem>>, vector<16xi32>,
      %ge3A = vector.broadcast %mul3A_1015 : i32 to vector<16xi32>
      %ge3A_2028 = arith.cmpi sge, %get3A_2025, %ge3A : vector<16xi32>
      %add3A_2029 = arith.constant 512 : i32
      %add3A_2030 = arith.addi %mul3A_1015, %add3A_2029 : i32
      %lt3A = vector.broadcast %add3A_2030 : i32 to vector<16xi32>
      %lt3A_2031 = arith.cmpi slt, %get3A_2025, %lt3A : vector<16xi32>
      %and3A = arith.andi %ge3A_2028, %lt3A_2031 : vector<16xi1>
      %ne3A = arith.cmpi ne, %get3A_2025, %get3A_2027 : vector<16xi32>
      %and3A_2032 = arith.andi %and3A, %ne3A : vector<16xi1>
      %sub3A = vector.broadcast %mul3A_1015 : i32 to vector<16xi32>
      %sub3A_2033 = arith.subi %get3A_2025, %sub3A : vector<16xi32>
      %mul3A_2034 = arith.constant 128 : i32
      %mul3A_2035 = vector.broadcast %mul3A_2034 : i32 to vector<16xi32>
      %mul3A_2036 = arith.muli %sub3A_2033, %mul3A_2035 : vector<16xi32>
      %shift_right_logical3A = arith.constant 4 : i32
      %shift_right_logical3A_2037 = vector.broadcast %shift_right_logical3A : i32 to vector<16xi32>
      %shift_right_logical3A_2038 = arith.shrui %get3A_2027, %shift_right_logical3A_2037 : vector<16xi32>
      %add3A_2039 = arith.addi %mul3A_2036, %shift_right_logical3A_2038 : vector<16xi32>
      %add3A_2040 = arith.constant 65536 : i32
      %add3A_2041 = vector.broadcast %add3A_2040 : i32 to vector<16xi32>
      %add3A_2042 = arith.addi %add3A_2041, %iota3A : vector<16xi32>
      %jit3A = arith.constant 8 : i32
      %eq3A_2043 = arith.constant 0 : i32
      %eq3A_2044 = arith.cmpi eq, %jit3A, %eq3A_2043 : i32
      %jit3A_2045 = arith.constant 1 : i32
      %select_n3A = arith.select %eq3A_2044, %jit3A_2045, %jit3A : i32
      %rem3A = arith.remsi %scan3A_2019, %select_n3A : i32
      %ne3A_2046 = arith.constant 0 : i32
      %ne3A_2047 = arith.cmpi ne, %rem3A, %ne3A_2046 : i32
      %lt3A_2048 = arith.constant 0 : i32
      %lt3A_2049 = arith.cmpi slt, %rem3A, %lt3A_2048 : i32
      %lt3A_2050 = arith.constant 0 : i32
      %lt3A_2051 = arith.cmpi slt, %select_n3A, %lt3A_2050 : i32
      %ne3A_2052 = arith.xori %lt3A_2049, %lt3A_2051 : i1
      %and3A_2053 = arith.andi %ne3A_2052, %ne3A_2047 : i1
      %add3A_2054 = arith.addi %rem3A, %select_n3A : i32
      %select_n3A_2055 = arith.select %and3A_2053, %add3A_2054, %rem3A : i32
      %mul3A_2056 = arith.constant 16 : i32
      %mul3A_2057 = arith.muli %select_n3A_2055, %mul3A_2056 : i32
      %add3A_2058 = vector.broadcast %mul3A_2057 : i32 to vector<16xi32>
      %add3A_2059 = arith.addi %add3A_2042, %add3A_2058 : vector<16xi32>
      %select_n3A_2060 = arith.select %and3A_2032, %add3A_2039, %add3A_2059 : vector<16xi1>, vector<16xi32>
      %jit3A_2061 = arith.constant 8 : i32
      %div3A = arith.divsi %scan3A_2019, %jit3A_2061 : i32
      %sign3A = arith.constant 0 : i32
      %sign3A_2062 = arith.cmpi sgt, %scan3A_2019, %sign3A : i32
      %sign3A_2063 = arith.extui %sign3A_2062 : i1 to i32
      %sign3A_2064 = arith.constant 0 : i32
      %sign3A_2065 = arith.cmpi slt, %scan3A_2019, %sign3A_2064 : i32
      %sign3A_2066 = arith.extui %sign3A_2065 : i1 to i32
      %sign3A_2067 = arith.subi %sign3A_2063, %sign3A_2066 : i32
      %sign3A_2068 = arith.constant 0 : i32
      %sign3A_2069 = arith.cmpi sgt, %jit3A_2061, %sign3A_2068 : i32
      %sign3A_2070 = arith.extui %sign3A_2069 : i1 to i32
      %sign3A_2071 = arith.constant 0 : i32
      %sign3A_2072 = arith.cmpi slt, %jit3A_2061, %sign3A_2071 : i32
      %sign3A_2073 = arith.extui %sign3A_2072 : i1 to i32
      %sign3A_2074 = arith.subi %sign3A_2070, %sign3A_2073 : i32
      %ne3A_2075 = arith.cmpi ne, %sign3A_2067, %sign3A_2074 : i32
      %rem3A_2076 = arith.remsi %scan3A_2019, %jit3A_2061 : i32
      %ne3A_2077 = arith.constant 0 : i32
      %ne3A_2078 = arith.cmpi ne, %rem3A_2076, %ne3A_2077 : i32
      %and3A_2079 = arith.andi %ne3A_2075, %ne3A_2078 : i1
      %sub3A_2080 = arith.constant 1 : i32
      %sub3A_2081 = arith.subi %div3A, %sub3A_2080 : i32
      %select_n3A_2082 = arith.select %and3A_2079, %sub3A_2081, %div3A : i32
      %jit3A_2083 = arith.constant 8 : i32
      %eq3A_2084 = arith.constant 0 : i32
      %eq3A_2085 = arith.cmpi eq, %jit3A_2083, %eq3A_2084 : i32
      %jit3A_2086 = arith.constant 1 : i32
      %select_n3A_2087 = arith.select %eq3A_2085, %jit3A_2086, %jit3A_2083 : i32
      %rem3A_2088 = arith.remsi %scan3A_2019, %select_n3A_2087 : i32
      %ne3A_2089 = arith.constant 0 : i32
      %ne3A_2090 = arith.cmpi ne, %rem3A_2088, %ne3A_2089 : i32
      %lt3A_2091 = arith.constant 0 : i32
      %lt3A_2092 = arith.cmpi slt, %rem3A_2088, %lt3A_2091 : i32
      %lt3A_2093 = arith.constant 0 : i32
      %lt3A_2094 = arith.cmpi slt, %select_n3A_2087, %lt3A_2093 : i32
      %ne3A_2095 = arith.xori %lt3A_2092, %lt3A_2094 : i1
      %and3A_2096 = arith.andi %ne3A_2095, %ne3A_2090 : i1
      %add3A_2097 = arith.addi %rem3A_2088, %select_n3A_2087 : i32
      %select_n3A_2098 = arith.select %and3A_2096, %add3A_2097, %rem3A_2088 : i32
      %mul3A_2099 = arith.constant 16 : i32
      %mul3A_2100 = arith.muli %select_n3A_2098, %mul3A_2099 : i32
      %swap3A = arith.constant 0 : i32
      %swap3A_2101 = arith.index_cast %swap3A : i32 to index
      %swap3A_2102 = arith.index_cast %select_n3A_2082 : i32 to index
      %swap3A_2103 = arith.index_cast %mul3A_2100 : i32 to index
      %swap3A_2104 = tpu.vector_load %arg10[%swap3A_2101, %swap3A_2102, %swap3A_2103] {strides = array<i32>} : memref<2x4x128xi32, #tpu.memory_space<vmem>>, vector<16xi32>,
      tpu.vector_store %arg10[%swap3A_2101, %swap3A_2102, %swap3A_2103], %select_n3A_2060 {strides = array<i32>} : memref<2x4x128xi32, #tpu.memory_space<vmem>>, vector<16xi32>,
      %shift_right_logical3A_2105 = arith.constant 4 : i32
      %shift_right_logical3A_2106 = vector.broadcast %shift_right_logical3A_2105 : i32 to vector<16xi32>
      %shift_right_logical3A_2107 = arith.shrui %sub3A_2033, %shift_right_logical3A_2106 : vector<16xi32>
      %add3A_2108 = arith.constant 65664 : i32
      %add3A_2109 = vector.broadcast %add3A_2108 : i32 to vector<16xi32>
      %add3A_2110 = arith.addi %add3A_2109, %shift_right_logical3A_2107 : vector<16xi32>
      %select_n3A_2111 = arith.select %and3A_2032, %add3A_2110, %add3A_2059 : vector<16xi1>, vector<16xi32>
      %jit3A_2112 = arith.constant 8 : i32
      %div3A_2113 = arith.divsi %scan3A_2019, %jit3A_2112 : i32
      %sign3A_2114 = arith.constant 0 : i32
      %sign3A_2115 = arith.cmpi sgt, %scan3A_2019, %sign3A_2114 : i32
      %sign3A_2116 = arith.extui %sign3A_2115 : i1 to i32
      %sign3A_2117 = arith.constant 0 : i32
      %sign3A_2118 = arith.cmpi slt, %scan3A_2019, %sign3A_2117 : i32
      %sign3A_2119 = arith.extui %sign3A_2118 : i1 to i32
      %sign3A_2120 = arith.subi %sign3A_2116, %sign3A_2119 : i32
      %sign3A_2121 = arith.constant 0 : i32
      %sign3A_2122 = arith.cmpi sgt, %jit3A_2112, %sign3A_2121 : i32
      %sign3A_2123 = arith.extui %sign3A_2122 : i1 to i32
      %sign3A_2124 = arith.constant 0 : i32
      %sign3A_2125 = arith.cmpi slt, %jit3A_2112, %sign3A_2124 : i32
      %sign3A_2126 = arith.extui %sign3A_2125 : i1 to i32
      %sign3A_2127 = arith.subi %sign3A_2123, %sign3A_2126 : i32
      %ne3A_2128 = arith.cmpi ne, %sign3A_2120, %sign3A_2127 : i32
      %rem3A_2129 = arith.remsi %scan3A_2019, %jit3A_2112 : i32
      %ne3A_2130 = arith.constant 0 : i32
      %ne3A_2131 = arith.cmpi ne, %rem3A_2129, %ne3A_2130 : i32
      %and3A_2132 = arith.andi %ne3A_2128, %ne3A_2131 : i1
      %sub3A_2133 = arith.constant 1 : i32
      %sub3A_2134 = arith.subi %div3A_2113, %sub3A_2133 : i32
      %select_n3A_2135 = arith.select %and3A_2132, %sub3A_2134, %div3A_2113 : i32
      %jit3A_2136 = arith.constant 8 : i32
      %eq3A_2137 = arith.constant 0 : i32
      %eq3A_2138 = arith.cmpi eq, %jit3A_2136, %eq3A_2137 : i32
      %jit3A_2139 = arith.constant 1 : i32
      %select_n3A_2140 = arith.select %eq3A_2138, %jit3A_2139, %jit3A_2136 : i32
      %rem3A_2141 = arith.remsi %scan3A_2019, %select_n3A_2140 : i32
      %ne3A_2142 = arith.constant 0 : i32
      %ne3A_2143 = arith.cmpi ne, %rem3A_2141, %ne3A_2142 : i32
      %lt3A_2144 = arith.constant 0 : i32
      %lt3A_2145 = arith.cmpi slt, %rem3A_2141, %lt3A_2144 : i32
      %lt3A_2146 = arith.constant 0 : i32
      %lt3A_2147 = arith.cmpi slt, %select_n3A_2140, %lt3A_2146 : i32
      %ne3A_2148 = arith.xori %lt3A_2145, %lt3A_2147 : i1
      %and3A_2149 = arith.andi %ne3A_2148, %ne3A_2143 : i1
      %add3A_2150 = arith.addi %rem3A_2141, %select_n3A_2140 : i32
      %select_n3A_2151 = arith.select %and3A_2149, %add3A_2150, %rem3A_2141 : i32
      %mul3A_2152 = arith.constant 16 : i32
      %mul3A_2153 = arith.muli %select_n3A_2151, %mul3A_2152 : i32
      %swap3A_2154 = arith.constant 0 : i32
      %swap3A_2155 = arith.index_cast %swap3A_2154 : i32 to index
      %swap3A_2156 = arith.index_cast %select_n3A_2135 : i32 to index
      %swap3A_2157 = arith.index_cast %mul3A_2153 : i32 to index
      %swap3A_2158 = tpu.vector_load %arg11[%swap3A_2155, %swap3A_2156, %swap3A_2157] {strides = array<i32>} : memref<2x4x128xi32, #tpu.memory_space<vmem>>, vector<16xi32>,
      tpu.vector_store %arg11[%swap3A_2155, %swap3A_2156, %swap3A_2157], %select_n3A_2111 {strides = array<i32>} : memref<2x4x128xi32, #tpu.memory_space<vmem>>, vector<16xi32>,
      %mul3A_2159 = arith.constant 16 : i32
      %mul3A_2160 = arith.muli %scan3A_2019, %mul3A_2159 : i32
      %add3A_2161 = vector.broadcast %mul3A_2160 : i32 to vector<16xi32>
      %add3A_2162 = arith.addi %iota3A, %add3A_2161 : vector<16xi32>
      %and3A_2163 = arith.constant 15 : i32
      %and3A_2164 = vector.broadcast %and3A_2163 : i32 to vector<16xi32>
      %and3A_2165 = arith.andi %get3A_2027, %and3A_2164 : vector<16xi32>
      %scatter3A = arith.constant 0 : i32
      %scatter3A_2166 = arith.constant 0 : i32
      %scatter3A_2167 = arith.constant 0 : i32
      %scatter3A_2168 = tpu.memref_slice %arg8[%scatter3A, %scatter3A_2166, %scatter3A_2167] : memref<2x512x16xf32, #tpu.memory_space<vmem>> -> memref<1x512x16xf32, #tpu.memory_space<vmem>>
      %scatter3A_2169 = tpu.memref_squeeze %scatter3A_2168 : memref<1x512x16xf32, #tpu.memory_space<vmem>> -> memref<512x16xf32, #tpu.memory_space<vmem>>
      tpu.vector_store_idx %scatter3A_2169[%add3A_2162, %and3A_2165], %broadcast_in_dim3A_5 : memref<512x16xf32, #tpu.memory_space<vmem>>[vector<16xi32>, vector<16xi32>], vector<16xf32>,
      %and3A_2170 = arith.constant 15 : i32
      %and3A_2171 = vector.broadcast %and3A_2170 : i32 to vector<16xi32>
      %and3A_2172 = arith.andi %sub3A_2033, %and3A_2171 : vector<16xi32>
      %scatter3A_2173 = arith.constant 0 : i32
      %scatter3A_2174 = arith.constant 0 : i32
      %scatter3A_2175 = arith.constant 0 : i32
      %scatter3A_2176 = tpu.memref_slice %arg9[%scatter3A_2173, %scatter3A_2174, %scatter3A_2175] : memref<2x512x16xf32, #tpu.memory_space<vmem>> -> memref<1x512x16xf32, #tpu.memory_space<vmem>>
      %scatter3A_2177 = tpu.memref_squeeze %scatter3A_2176 : memref<1x512x16xf32, #tpu.memory_space<vmem>> -> memref<512x16xf32, #tpu.memory_space<vmem>>
      tpu.vector_store_idx %scatter3A_2177[%add3A_2162, %and3A_2172], %broadcast_in_dim3A_5 : memref<512x16xf32, #tpu.memory_space<vmem>>[vector<16xi32>, vector<16xi32>], vector<16xf32>,
      %scan3A_2178 = arith.constant 0 : i32
      scf.yield %scan3A_2178 : i32
    }
    %scan3A_1471 = arith.constant 32 : i32
    %dma_start3A_1472 = arith.constant 0 : i32
    %dma_start3A_1473 = arith.constant 0 : i32
    %dma_start3A_1474 = arith.constant 0 : i32
    %dma_start3A_1475 = arith.constant 0 : i32
    %dma_start3A_1476 = arith.constant 0 : i32
    %dma_start3A_1477 = tpu.memref_slice %arg8[%dma_start3A_1472, %dma_start3A_1475, %dma_start3A_1476] : memref<2x512x16xf32, #tpu.memory_space<vmem>> -> memref<1x128x16xf32, #tpu.memory_space<vmem>>
    %dma_start3A_1478 = tpu.memref_squeeze %dma_start3A_1477 : memref<1x128x16xf32, #tpu.memory_space<vmem>> -> memref<128x16xf32, #tpu.memory_space<vmem>>
    %dma_start3A_1479 = arith.constant 0 : i32
    %dma_start3A_1480 = tpu.memref_slice %arg10[%dma_start3A_1473, %dma_start3A_1474, %dma_start3A_1479] : memref<2x4x128xi32, #tpu.memory_space<vmem>> -> memref<1x1x128xi32, #tpu.memory_space<vmem>>
    %dma_start3A_1481 = tpu.memref_squeeze %dma_start3A_1480 : memref<1x1x128xi32, #tpu.memory_space<vmem>> -> memref<128xi32, #tpu.memory_space<vmem>>
    %dma_start3A_1482 = arith.constant 0 : i32
    %dma_start3A_1483 = arith.constant 0 : i32
    %dma_start3A_1484 = tpu.memref_slice %arg13[%dma_start3A_1482, %dma_start3A_1483] : memref<65696x16xf32, #tpu.memory_space<vmem_shared>> -> memref<65696x16xf32, #tpu.memory_space<vmem_shared>>
    tpu.enqueue_indirect_dma source(%dma_start3A_1478 : memref<128x16xf32, #tpu.memory_space<vmem>>) target(%dma_start3A_1484 : memref<65696x16xf32, #tpu.memory_space<vmem_shared>>) offsets(%dma_start3A_1481 : memref<128xi32, #tpu.memory_space<vmem>>) semaphore(%arg14 : memref<!tpu.dma_semaphore, #tpu.memory_space<semaphore_mem>>) {add = true}
    %dma_start3A_1485 = arith.constant 0 : i32
    %dma_start3A_1486 = arith.constant 0 : i32
    %dma_start3A_1487 = arith.constant 0 : i32
    %dma_start3A_1488 = arith.constant 0 : i32
    %dma_start3A_1489 = arith.constant 0 : i32
    %dma_start3A_1490 = tpu.memref_slice %arg9[%dma_start3A_1485, %dma_start3A_1488, %dma_start3A_1489] : memref<2x512x16xf32, #tpu.memory_space<vmem>> -> memref<1x128x16xf32, #tpu.memory_space<vmem>>
    %dma_start3A_1491 = tpu.memref_squeeze %dma_start3A_1490 : memref<1x128x16xf32, #tpu.memory_space<vmem>> -> memref<128x16xf32, #tpu.memory_space<vmem>>
    %dma_start3A_1492 = arith.constant 0 : i32
    %dma_start3A_1493 = tpu.memref_slice %arg11[%dma_start3A_1486, %dma_start3A_1487, %dma_start3A_1492] : memref<2x4x128xi32, #tpu.memory_space<vmem>> -> memref<1x1x128xi32, #tpu.memory_space<vmem>>
    %dma_start3A_1494 = tpu.memref_squeeze %dma_start3A_1493 : memref<1x1x128xi32, #tpu.memory_space<vmem>> -> memref<128xi32, #tpu.memory_space<vmem>>
    %dma_start3A_1495 = arith.constant 0 : i32
    %dma_start3A_1496 = arith.constant 0 : i32
    %dma_start3A_1497 = tpu.memref_slice %arg13[%dma_start3A_1495, %dma_start3A_1496] : memref<65696x16xf32, #tpu.memory_space<vmem_shared>> -> memref<65696x16xf32, #tpu.memory_space<vmem_shared>>
    tpu.enqueue_indirect_dma source(%dma_start3A_1491 : memref<128x16xf32, #tpu.memory_space<vmem>>) target(%dma_start3A_1497 : memref<65696x16xf32, #tpu.memory_space<vmem_shared>>) offsets(%dma_start3A_1494 : memref<128xi32, #tpu.memory_space<vmem>>) semaphore(%arg14 : memref<!tpu.dma_semaphore, #tpu.memory_space<semaphore_mem>>) {add = true}
    %dma_start3A_1498 = arith.constant 0 : i32
    %dma_start3A_1499 = arith.constant 0 : i32
    %dma_start3A_1500 = arith.constant 1 : i32
    %dma_start3A_1501 = arith.constant 128 : i32
    %dma_start3A_1502 = arith.constant 0 : i32
    %dma_start3A_1503 = tpu.memref_slice %arg8[%dma_start3A_1498, %dma_start3A_1501, %dma_start3A_1502] : memref<2x512x16xf32, #tpu.memory_space<vmem>> -> memref<1x128x16xf32, #tpu.memory_space<vmem>>
    %dma_start3A_1504 = tpu.memref_squeeze %dma_start3A_1503 : memref<1x128x16xf32, #tpu.memory_space<vmem>> -> memref<128x16xf32, #tpu.memory_space<vmem>>
    %dma_start3A_1505 = arith.constant 0 : i32
    %dma_start3A_1506 = tpu.memref_slice %arg10[%dma_start3A_1499, %dma_start3A_1500, %dma_start3A_1505] : memref<2x4x128xi32, #tpu.memory_space<vmem>> -> memref<1x1x128xi32, #tpu.memory_space<vmem>>
    %dma_start3A_1507 = tpu.memref_squeeze %dma_start3A_1506 : memref<1x1x128xi32, #tpu.memory_space<vmem>> -> memref<128xi32, #tpu.memory_space<vmem>>
    %dma_start3A_1508 = arith.constant 0 : i32
    %dma_start3A_1509 = arith.constant 0 : i32
    %dma_start3A_1510 = tpu.memref_slice %arg13[%dma_start3A_1508, %dma_start3A_1509] : memref<65696x16xf32, #tpu.memory_space<vmem_shared>> -> memref<65696x16xf32, #tpu.memory_space<vmem_shared>>
    tpu.enqueue_indirect_dma source(%dma_start3A_1504 : memref<128x16xf32, #tpu.memory_space<vmem>>) target(%dma_start3A_1510 : memref<65696x16xf32, #tpu.memory_space<vmem_shared>>) offsets(%dma_start3A_1507 : memref<128xi32, #tpu.memory_space<vmem>>) semaphore(%arg14 : memref<!tpu.dma_semaphore, #tpu.memory_space<semaphore_mem>>) {add = true}
    %dma_start3A_1511 = arith.constant 0 : i32
    %dma_start3A_1512 = arith.constant 0 : i32
    %dma_start3A_1513 = arith.constant 1 : i32
    %dma_start3A_1514 = arith.constant 128 : i32
    %dma_start3A_1515 = arith.constant 0 : i32
    %dma_start3A_1516 = tpu.memref_slice %arg9[%dma_start3A_1511, %dma_start3A_1514, %dma_start3A_1515] : memref<2x512x16xf32, #tpu.memory_space<vmem>> -> memref<1x128x16xf32, #tpu.memory_space<vmem>>
    %dma_start3A_1517 = tpu.memref_squeeze %dma_start3A_1516 : memref<1x128x16xf32, #tpu.memory_space<vmem>> -> memref<128x16xf32, #tpu.memory_space<vmem>>
    %dma_start3A_1518 = arith.constant 0 : i32
    %dma_start3A_1519 = tpu.memref_slice %arg11[%dma_start3A_1512, %dma_start3A_1513, %dma_start3A_1518] : memref<2x4x128xi32, #tpu.memory_space<vmem>> -> memref<1x1x128xi32, #tpu.memory_space<vmem>>
    %dma_start3A_1520 = tpu.memref_squeeze %dma_start3A_1519 : memref<1x1x128xi32, #tpu.memory_space<vmem>> -> memref<128xi32, #tpu.memory_space<vmem>>
    %dma_start3A_1521 = arith.constant 0 : i32
    %dma_start3A_1522 = arith.constant 0 : i32
    %dma_start3A_1523 = tpu.memref_slice %arg13[%dma_start3A_1521, %dma_start3A_1522] : memref<65696x16xf32, #tpu.memory_space<vmem_shared>> -> memref<65696x16xf32, #tpu.memory_space<vmem_shared>>
    tpu.enqueue_indirect_dma source(%dma_start3A_1517 : memref<128x16xf32, #tpu.memory_space<vmem>>) target(%dma_start3A_1523 : memref<65696x16xf32, #tpu.memory_space<vmem_shared>>) offsets(%dma_start3A_1520 : memref<128xi32, #tpu.memory_space<vmem>>) semaphore(%arg14 : memref<!tpu.dma_semaphore, #tpu.memory_space<semaphore_mem>>) {add = true}
    %dma_start3A_1524 = arith.constant 0 : i32
    %dma_start3A_1525 = arith.constant 0 : i32
    %dma_start3A_1526 = arith.constant 2 : i32
    %dma_start3A_1527 = arith.constant 256 : i32
    %dma_start3A_1528 = arith.constant 0 : i32
    %dma_start3A_1529 = tpu.memref_slice %arg8[%dma_start3A_1524, %dma_start3A_1527, %dma_start3A_1528] : memref<2x512x16xf32, #tpu.memory_space<vmem>> -> memref<1x128x16xf32, #tpu.memory_space<vmem>>
    %dma_start3A_1530 = tpu.memref_squeeze %dma_start3A_1529 : memref<1x128x16xf32, #tpu.memory_space<vmem>> -> memref<128x16xf32, #tpu.memory_space<vmem>>
    %dma_start3A_1531 = arith.constant 0 : i32
    %dma_start3A_1532 = tpu.memref_slice %arg10[%dma_start3A_1525, %dma_start3A_1526, %dma_start3A_1531] : memref<2x4x128xi32, #tpu.memory_space<vmem>> -> memref<1x1x128xi32, #tpu.memory_space<vmem>>
    %dma_start3A_1533 = tpu.memref_squeeze %dma_start3A_1532 : memref<1x1x128xi32, #tpu.memory_space<vmem>> -> memref<128xi32, #tpu.memory_space<vmem>>
    %dma_start3A_1534 = arith.constant 0 : i32
    %dma_start3A_1535 = arith.constant 0 : i32
    %dma_start3A_1536 = tpu.memref_slice %arg13[%dma_start3A_1534, %dma_start3A_1535] : memref<65696x16xf32, #tpu.memory_space<vmem_shared>> -> memref<65696x16xf32, #tpu.memory_space<vmem_shared>>
    tpu.enqueue_indirect_dma source(%dma_start3A_1530 : memref<128x16xf32, #tpu.memory_space<vmem>>) target(%dma_start3A_1536 : memref<65696x16xf32, #tpu.memory_space<vmem_shared>>) offsets(%dma_start3A_1533 : memref<128xi32, #tpu.memory_space<vmem>>) semaphore(%arg14 : memref<!tpu.dma_semaphore, #tpu.memory_space<semaphore_mem>>) {add = true}
    %dma_start3A_1537 = arith.constant 0 : i32
    %dma_start3A_1538 = arith.constant 0 : i32
    %dma_start3A_1539 = arith.constant 2 : i32
    %dma_start3A_1540 = arith.constant 256 : i32
    %dma_start3A_1541 = arith.constant 0 : i32
    %dma_start3A_1542 = tpu.memref_slice %arg9[%dma_start3A_1537, %dma_start3A_1540, %dma_start3A_1541] : memref<2x512x16xf32, #tpu.memory_space<vmem>> -> memref<1x128x16xf32, #tpu.memory_space<vmem>>
    %dma_start3A_1543 = tpu.memref_squeeze %dma_start3A_1542 : memref<1x128x16xf32, #tpu.memory_space<vmem>> -> memref<128x16xf32, #tpu.memory_space<vmem>>
    %dma_start3A_1544 = arith.constant 0 : i32
    %dma_start3A_1545 = tpu.memref_slice %arg11[%dma_start3A_1538, %dma_start3A_1539, %dma_start3A_1544] : memref<2x4x128xi32, #tpu.memory_space<vmem>> -> memref<1x1x128xi32, #tpu.memory_space<vmem>>
    %dma_start3A_1546 = tpu.memref_squeeze %dma_start3A_1545 : memref<1x1x128xi32, #tpu.memory_space<vmem>> -> memref<128xi32, #tpu.memory_space<vmem>>
    %dma_start3A_1547 = arith.constant 0 : i32
    %dma_start3A_1548 = arith.constant 0 : i32
    %dma_start3A_1549 = tpu.memref_slice %arg13[%dma_start3A_1547, %dma_start3A_1548] : memref<65696x16xf32, #tpu.memory_space<vmem_shared>> -> memref<65696x16xf32, #tpu.memory_space<vmem_shared>>
    tpu.enqueue_indirect_dma source(%dma_start3A_1543 : memref<128x16xf32, #tpu.memory_space<vmem>>) target(%dma_start3A_1549 : memref<65696x16xf32, #tpu.memory_space<vmem_shared>>) offsets(%dma_start3A_1546 : memref<128xi32, #tpu.memory_space<vmem>>) semaphore(%arg14 : memref<!tpu.dma_semaphore, #tpu.memory_space<semaphore_mem>>) {add = true}
    %dma_start3A_1550 = arith.constant 0 : i32
    %dma_start3A_1551 = arith.constant 0 : i32
    %dma_start3A_1552 = arith.constant 3 : i32
    %dma_start3A_1553 = arith.constant 384 : i32
    %dma_start3A_1554 = arith.constant 0 : i32
    %dma_start3A_1555 = tpu.memref_slice %arg8[%dma_start3A_1550, %dma_start3A_1553, %dma_start3A_1554] : memref<2x512x16xf32, #tpu.memory_space<vmem>> -> memref<1x128x16xf32, #tpu.memory_space<vmem>>
    %dma_start3A_1556 = tpu.memref_squeeze %dma_start3A_1555 : memref<1x128x16xf32, #tpu.memory_space<vmem>> -> memref<128x16xf32, #tpu.memory_space<vmem>>
    %dma_start3A_1557 = arith.constant 0 : i32
    %dma_start3A_1558 = tpu.memref_slice %arg10[%dma_start3A_1551, %dma_start3A_1552, %dma_start3A_1557] : memref<2x4x128xi32, #tpu.memory_space<vmem>> -> memref<1x1x128xi32, #tpu.memory_space<vmem>>
    %dma_start3A_1559 = tpu.memref_squeeze %dma_start3A_1558 : memref<1x1x128xi32, #tpu.memory_space<vmem>> -> memref<128xi32, #tpu.memory_space<vmem>>
    %dma_start3A_1560 = arith.constant 0 : i32
    %dma_start3A_1561 = arith.constant 0 : i32
    %dma_start3A_1562 = tpu.memref_slice %arg13[%dma_start3A_1560, %dma_start3A_1561] : memref<65696x16xf32, #tpu.memory_space<vmem_shared>> -> memref<65696x16xf32, #tpu.memory_space<vmem_shared>>
    tpu.enqueue_indirect_dma source(%dma_start3A_1556 : memref<128x16xf32, #tpu.memory_space<vmem>>) target(%dma_start3A_1562 : memref<65696x16xf32, #tpu.memory_space<vmem_shared>>) offsets(%dma_start3A_1559 : memref<128xi32, #tpu.memory_space<vmem>>) semaphore(%arg14 : memref<!tpu.dma_semaphore, #tpu.memory_space<semaphore_mem>>) {add = true}
    %dma_start3A_1563 = arith.constant 0 : i32
    %dma_start3A_1564 = arith.constant 0 : i32
    %dma_start3A_1565 = arith.constant 3 : i32
    %dma_start3A_1566 = arith.constant 384 : i32
    %dma_start3A_1567 = arith.constant 0 : i32
    %dma_start3A_1568 = tpu.memref_slice %arg9[%dma_start3A_1563, %dma_start3A_1566, %dma_start3A_1567] : memref<2x512x16xf32, #tpu.memory_space<vmem>> -> memref<1x128x16xf32, #tpu.memory_space<vmem>>
    %dma_start3A_1569 = tpu.memref_squeeze %dma_start3A_1568 : memref<1x128x16xf32, #tpu.memory_space<vmem>> -> memref<128x16xf32, #tpu.memory_space<vmem>>
    %dma_start3A_1570 = arith.constant 0 : i32
    %dma_start3A_1571 = tpu.memref_slice %arg11[%dma_start3A_1564, %dma_start3A_1565, %dma_start3A_1570] : memref<2x4x128xi32, #tpu.memory_space<vmem>> -> memref<1x1x128xi32, #tpu.memory_space<vmem>>
    %dma_start3A_1572 = tpu.memref_squeeze %dma_start3A_1571 : memref<1x1x128xi32, #tpu.memory_space<vmem>> -> memref<128xi32, #tpu.memory_space<vmem>>
    %dma_start3A_1573 = arith.constant 0 : i32
    %dma_start3A_1574 = arith.constant 0 : i32
    %dma_start3A_1575 = tpu.memref_slice %arg13[%dma_start3A_1573, %dma_start3A_1574] : memref<65696x16xf32, #tpu.memory_space<vmem_shared>> -> memref<65696x16xf32, #tpu.memory_space<vmem_shared>>
    tpu.enqueue_indirect_dma source(%dma_start3A_1569 : memref<128x16xf32, #tpu.memory_space<vmem>>) target(%dma_start3A_1575 : memref<65696x16xf32, #tpu.memory_space<vmem_shared>>) offsets(%dma_start3A_1572 : memref<128xi32, #tpu.memory_space<vmem>>) semaphore(%arg14 : memref<!tpu.dma_semaphore, #tpu.memory_space<semaphore_mem>>) {add = true}
    %dma_wait3A_1576 = arith.constant 1 : i32
    %dma_wait3A_1577 = arith.constant 1 : i32
    %dma_wait3A_1578 = arith.constant 0 : i32
    %dma_wait3A_1579 = arith.constant 0 : i32
    %dma_wait3A_1580 = arith.constant 0 : i32
    %dma_wait3A_1581 = tpu.memref_slice %arg8[%dma_wait3A_1576, %dma_wait3A_1579, %dma_wait3A_1580] : memref<2x512x16xf32, #tpu.memory_space<vmem>> -> memref<1x128x16xf32, #tpu.memory_space<vmem>>
    %dma_wait3A_1582 = tpu.memref_squeeze %dma_wait3A_1581 : memref<1x128x16xf32, #tpu.memory_space<vmem>> -> memref<128x16xf32, #tpu.memory_space<vmem>>
    %dma_wait3A_1583 = arith.constant 0 : i32
    %dma_wait3A_1584 = tpu.memref_slice %arg10[%dma_wait3A_1577, %dma_wait3A_1578, %dma_wait3A_1583] : memref<2x4x128xi32, #tpu.memory_space<vmem>> -> memref<1x1x128xi32, #tpu.memory_space<vmem>>
    %dma_wait3A_1585 = tpu.memref_squeeze %dma_wait3A_1584 : memref<1x1x128xi32, #tpu.memory_space<vmem>> -> memref<128xi32, #tpu.memory_space<vmem>>
    %dma_wait3A_1586 = arith.constant 0 : i32
    %dma_wait3A_1587 = arith.constant 0 : i32
    %dma_wait3A_1588 = tpu.memref_slice %arg13[%dma_wait3A_1586, %dma_wait3A_1587] : memref<65696x16xf32, #tpu.memory_space<vmem_shared>> -> memref<65696x16xf32, #tpu.memory_space<vmem_shared>>
    tpu.wait_indirect_dma semaphore(%arg14 : memref<!tpu.dma_semaphore, #tpu.memory_space<semaphore_mem>>) src(%dma_wait3A_1582 : memref<128x16xf32, #tpu.memory_space<vmem>>) dst(%dma_wait3A_1588 : memref<65696x16xf32, #tpu.memory_space<vmem_shared>>)
    %dma_wait3A_1589 = arith.constant 1 : i32
    %dma_wait3A_1590 = arith.constant 1 : i32
    %dma_wait3A_1591 = arith.constant 0 : i32
    %dma_wait3A_1592 = arith.constant 0 : i32
    %dma_wait3A_1593 = arith.constant 0 : i32
    %dma_wait3A_1594 = tpu.memref_slice %arg9[%dma_wait3A_1589, %dma_wait3A_1592, %dma_wait3A_1593] : memref<2x512x16xf32, #tpu.memory_space<vmem>> -> memref<1x128x16xf32, #tpu.memory_space<vmem>>
    %dma_wait3A_1595 = tpu.memref_squeeze %dma_wait3A_1594 : memref<1x128x16xf32, #tpu.memory_space<vmem>> -> memref<128x16xf32, #tpu.memory_space<vmem>>
    %dma_wait3A_1596 = arith.constant 0 : i32
    %dma_wait3A_1597 = tpu.memref_slice %arg11[%dma_wait3A_1590, %dma_wait3A_1591, %dma_wait3A_1596] : memref<2x4x128xi32, #tpu.memory_space<vmem>> -> memref<1x1x128xi32, #tpu.memory_space<vmem>>
    %dma_wait3A_1598 = tpu.memref_squeeze %dma_wait3A_1597 : memref<1x1x128xi32, #tpu.memory_space<vmem>> -> memref<128xi32, #tpu.memory_space<vmem>>
    %dma_wait3A_1599 = arith.constant 0 : i32
    %dma_wait3A_1600 = arith.constant 0 : i32
    %dma_wait3A_1601 = tpu.memref_slice %arg13[%dma_wait3A_1599, %dma_wait3A_1600] : memref<65696x16xf32, #tpu.memory_space<vmem_shared>> -> memref<65696x16xf32, #tpu.memory_space<vmem_shared>>
    tpu.wait_indirect_dma semaphore(%arg14 : memref<!tpu.dma_semaphore, #tpu.memory_space<semaphore_mem>>) src(%dma_wait3A_1595 : memref<128x16xf32, #tpu.memory_space<vmem>>) dst(%dma_wait3A_1601 : memref<65696x16xf32, #tpu.memory_space<vmem_shared>>)
    %dma_wait3A_1602 = arith.constant 1 : i32
    %dma_wait3A_1603 = arith.constant 1 : i32
    %dma_wait3A_1604 = arith.constant 1 : i32
    %dma_wait3A_1605 = arith.constant 128 : i32
    %dma_wait3A_1606 = arith.constant 0 : i32
    %dma_wait3A_1607 = tpu.memref_slice %arg8[%dma_wait3A_1602, %dma_wait3A_1605, %dma_wait3A_1606] : memref<2x512x16xf32, #tpu.memory_space<vmem>> -> memref<1x128x16xf32, #tpu.memory_space<vmem>>
    %dma_wait3A_1608 = tpu.memref_squeeze %dma_wait3A_1607 : memref<1x128x16xf32, #tpu.memory_space<vmem>> -> memref<128x16xf32, #tpu.memory_space<vmem>>
    %dma_wait3A_1609 = arith.constant 0 : i32
    %dma_wait3A_1610 = tpu.memref_slice %arg10[%dma_wait3A_1603, %dma_wait3A_1604, %dma_wait3A_1609] : memref<2x4x128xi32, #tpu.memory_space<vmem>> -> memref<1x1x128xi32, #tpu.memory_space<vmem>>
    %dma_wait3A_1611 = tpu.memref_squeeze %dma_wait3A_1610 : memref<1x1x128xi32, #tpu.memory_space<vmem>> -> memref<128xi32, #tpu.memory_space<vmem>>
    %dma_wait3A_1612 = arith.constant 0 : i32
    %dma_wait3A_1613 = arith.constant 0 : i32
    %dma_wait3A_1614 = tpu.memref_slice %arg13[%dma_wait3A_1612, %dma_wait3A_1613] : memref<65696x16xf32, #tpu.memory_space<vmem_shared>> -> memref<65696x16xf32, #tpu.memory_space<vmem_shared>>
    tpu.wait_indirect_dma semaphore(%arg14 : memref<!tpu.dma_semaphore, #tpu.memory_space<semaphore_mem>>) src(%dma_wait3A_1608 : memref<128x16xf32, #tpu.memory_space<vmem>>) dst(%dma_wait3A_1614 : memref<65696x16xf32, #tpu.memory_space<vmem_shared>>)
    %dma_wait3A_1615 = arith.constant 1 : i32
    %dma_wait3A_1616 = arith.constant 1 : i32
    %dma_wait3A_1617 = arith.constant 1 : i32
    %dma_wait3A_1618 = arith.constant 128 : i32
    %dma_wait3A_1619 = arith.constant 0 : i32
    %dma_wait3A_1620 = tpu.memref_slice %arg9[%dma_wait3A_1615, %dma_wait3A_1618, %dma_wait3A_1619] : memref<2x512x16xf32, #tpu.memory_space<vmem>> -> memref<1x128x16xf32, #tpu.memory_space<vmem>>
    %dma_wait3A_1621 = tpu.memref_squeeze %dma_wait3A_1620 : memref<1x128x16xf32, #tpu.memory_space<vmem>> -> memref<128x16xf32, #tpu.memory_space<vmem>>
    %dma_wait3A_1622 = arith.constant 0 : i32
    %dma_wait3A_1623 = tpu.memref_slice %arg11[%dma_wait3A_1616, %dma_wait3A_1617, %dma_wait3A_1622] : memref<2x4x128xi32, #tpu.memory_space<vmem>> -> memref<1x1x128xi32, #tpu.memory_space<vmem>>
    %dma_wait3A_1624 = tpu.memref_squeeze %dma_wait3A_1623 : memref<1x1x128xi32, #tpu.memory_space<vmem>> -> memref<128xi32, #tpu.memory_space<vmem>>
    %dma_wait3A_1625 = arith.constant 0 : i32
    %dma_wait3A_1626 = arith.constant 0 : i32
    %dma_wait3A_1627 = tpu.memref_slice %arg13[%dma_wait3A_1625, %dma_wait3A_1626] : memref<65696x16xf32, #tpu.memory_space<vmem_shared>> -> memref<65696x16xf32, #tpu.memory_space<vmem_shared>>
    tpu.wait_indirect_dma semaphore(%arg14 : memref<!tpu.dma_semaphore, #tpu.memory_space<semaphore_mem>>) src(%dma_wait3A_1621 : memref<128x16xf32, #tpu.memory_space<vmem>>) dst(%dma_wait3A_1627 : memref<65696x16xf32, #tpu.memory_space<vmem_shared>>)
    %dma_wait3A_1628 = arith.constant 1 : i32
    %dma_wait3A_1629 = arith.constant 1 : i32
    %dma_wait3A_1630 = arith.constant 2 : i32
    %dma_wait3A_1631 = arith.constant 256 : i32
    %dma_wait3A_1632 = arith.constant 0 : i32
    %dma_wait3A_1633 = tpu.memref_slice %arg8[%dma_wait3A_1628, %dma_wait3A_1631, %dma_wait3A_1632] : memref<2x512x16xf32, #tpu.memory_space<vmem>> -> memref<1x128x16xf32, #tpu.memory_space<vmem>>
    %dma_wait3A_1634 = tpu.memref_squeeze %dma_wait3A_1633 : memref<1x128x16xf32, #tpu.memory_space<vmem>> -> memref<128x16xf32, #tpu.memory_space<vmem>>
    %dma_wait3A_1635 = arith.constant 0 : i32
    %dma_wait3A_1636 = tpu.memref_slice %arg10[%dma_wait3A_1629, %dma_wait3A_1630, %dma_wait3A_1635] : memref<2x4x128xi32, #tpu.memory_space<vmem>> -> memref<1x1x128xi32, #tpu.memory_space<vmem>>
    %dma_wait3A_1637 = tpu.memref_squeeze %dma_wait3A_1636 : memref<1x1x128xi32, #tpu.memory_space<vmem>> -> memref<128xi32, #tpu.memory_space<vmem>>
    %dma_wait3A_1638 = arith.constant 0 : i32
    %dma_wait3A_1639 = arith.constant 0 : i32
    %dma_wait3A_1640 = tpu.memref_slice %arg13[%dma_wait3A_1638, %dma_wait3A_1639] : memref<65696x16xf32, #tpu.memory_space<vmem_shared>> -> memref<65696x16xf32, #tpu.memory_space<vmem_shared>>
    tpu.wait_indirect_dma semaphore(%arg14 : memref<!tpu.dma_semaphore, #tpu.memory_space<semaphore_mem>>) src(%dma_wait3A_1634 : memref<128x16xf32, #tpu.memory_space<vmem>>) dst(%dma_wait3A_1640 : memref<65696x16xf32, #tpu.memory_space<vmem_shared>>)
    %dma_wait3A_1641 = arith.constant 1 : i32
    %dma_wait3A_1642 = arith.constant 1 : i32
    %dma_wait3A_1643 = arith.constant 2 : i32
    %dma_wait3A_1644 = arith.constant 256 : i32
    %dma_wait3A_1645 = arith.constant 0 : i32
    %dma_wait3A_1646 = tpu.memref_slice %arg9[%dma_wait3A_1641, %dma_wait3A_1644, %dma_wait3A_1645] : memref<2x512x16xf32, #tpu.memory_space<vmem>> -> memref<1x128x16xf32, #tpu.memory_space<vmem>>
    %dma_wait3A_1647 = tpu.memref_squeeze %dma_wait3A_1646 : memref<1x128x16xf32, #tpu.memory_space<vmem>> -> memref<128x16xf32, #tpu.memory_space<vmem>>
    %dma_wait3A_1648 = arith.constant 0 : i32
    %dma_wait3A_1649 = tpu.memref_slice %arg11[%dma_wait3A_1642, %dma_wait3A_1643, %dma_wait3A_1648] : memref<2x4x128xi32, #tpu.memory_space<vmem>> -> memref<1x1x128xi32, #tpu.memory_space<vmem>>
    %dma_wait3A_1650 = tpu.memref_squeeze %dma_wait3A_1649 : memref<1x1x128xi32, #tpu.memory_space<vmem>> -> memref<128xi32, #tpu.memory_space<vmem>>
    %dma_wait3A_1651 = arith.constant 0 : i32
    %dma_wait3A_1652 = arith.constant 0 : i32
    %dma_wait3A_1653 = tpu.memref_slice %arg13[%dma_wait3A_1651, %dma_wait3A_1652] : memref<65696x16xf32, #tpu.memory_space<vmem_shared>> -> memref<65696x16xf32, #tpu.memory_space<vmem_shared>>
    tpu.wait_indirect_dma semaphore(%arg14 : memref<!tpu.dma_semaphore, #tpu.memory_space<semaphore_mem>>) src(%dma_wait3A_1647 : memref<128x16xf32, #tpu.memory_space<vmem>>) dst(%dma_wait3A_1653 : memref<65696x16xf32, #tpu.memory_space<vmem_shared>>)
    %dma_wait3A_1654 = arith.constant 1 : i32
    %dma_wait3A_1655 = arith.constant 1 : i32
    %dma_wait3A_1656 = arith.constant 3 : i32
    %dma_wait3A_1657 = arith.constant 384 : i32
    %dma_wait3A_1658 = arith.constant 0 : i32
    %dma_wait3A_1659 = tpu.memref_slice %arg8[%dma_wait3A_1654, %dma_wait3A_1657, %dma_wait3A_1658] : memref<2x512x16xf32, #tpu.memory_space<vmem>> -> memref<1x128x16xf32, #tpu.memory_space<vmem>>
    %dma_wait3A_1660 = tpu.memref_squeeze %dma_wait3A_1659 : memref<1x128x16xf32, #tpu.memory_space<vmem>> -> memref<128x16xf32, #tpu.memory_space<vmem>>
    %dma_wait3A_1661 = arith.constant 0 : i32
    %dma_wait3A_1662 = tpu.memref_slice %arg10[%dma_wait3A_1655, %dma_wait3A_1656, %dma_wait3A_1661] : memref<2x4x128xi32, #tpu.memory_space<vmem>> -> memref<1x1x128xi32, #tpu.memory_space<vmem>>
    %dma_wait3A_1663 = tpu.memref_squeeze %dma_wait3A_1662 : memref<1x1x128xi32, #tpu.memory_space<vmem>> -> memref<128xi32, #tpu.memory_space<vmem>>
    %dma_wait3A_1664 = arith.constant 0 : i32
    %dma_wait3A_1665 = arith.constant 0 : i32
    %dma_wait3A_1666 = tpu.memref_slice %arg13[%dma_wait3A_1664, %dma_wait3A_1665] : memref<65696x16xf32, #tpu.memory_space<vmem_shared>> -> memref<65696x16xf32, #tpu.memory_space<vmem_shared>>
    tpu.wait_indirect_dma semaphore(%arg14 : memref<!tpu.dma_semaphore, #tpu.memory_space<semaphore_mem>>) src(%dma_wait3A_1660 : memref<128x16xf32, #tpu.memory_space<vmem>>) dst(%dma_wait3A_1666 : memref<65696x16xf32, #tpu.memory_space<vmem_shared>>)
    %dma_wait3A_1667 = arith.constant 1 : i32
    %dma_wait3A_1668 = arith.constant 1 : i32
    %dma_wait3A_1669 = arith.constant 3 : i32
    %dma_wait3A_1670 = arith.constant 384 : i32
    %dma_wait3A_1671 = arith.constant 0 : i32
    %dma_wait3A_1672 = tpu.memref_slice %arg9[%dma_wait3A_1667, %dma_wait3A_1670, %dma_wait3A_1671] : memref<2x512x16xf32, #tpu.memory_space<vmem>> -> memref<1x128x16xf32, #tpu.memory_space<vmem>>
    %dma_wait3A_1673 = tpu.memref_squeeze %dma_wait3A_1672 : memref<1x128x16xf32, #tpu.memory_space<vmem>> -> memref<128x16xf32, #tpu.memory_space<vmem>>
    %dma_wait3A_1674 = arith.constant 0 : i32
    %dma_wait3A_1675 = tpu.memref_slice %arg11[%dma_wait3A_1668, %dma_wait3A_1669, %dma_wait3A_1674] : memref<2x4x128xi32, #tpu.memory_space<vmem>> -> memref<1x1x128xi32, #tpu.memory_space<vmem>>
    %dma_wait3A_1676 = tpu.memref_squeeze %dma_wait3A_1675 : memref<1x1x128xi32, #tpu.memory_space<vmem>> -> memref<128xi32, #tpu.memory_space<vmem>>
    %dma_wait3A_1677 = arith.constant 0 : i32
    %dma_wait3A_1678 = arith.constant 0 : i32
    %dma_wait3A_1679 = tpu.memref_slice %arg13[%dma_wait3A_1677, %dma_wait3A_1678] : memref<65696x16xf32, #tpu.memory_space<vmem_shared>> -> memref<65696x16xf32, #tpu.memory_space<vmem_shared>>
    tpu.wait_indirect_dma semaphore(%arg14 : memref<!tpu.dma_semaphore, #tpu.memory_space<semaphore_mem>>) src(%dma_wait3A_1673 : memref<128x16xf32, #tpu.memory_space<vmem>>) dst(%dma_wait3A_1679 : memref<65696x16xf32, #tpu.memory_space<vmem_shared>>)
    %scan3A_1680 = arith.constant 0 : i32
    %scan3A_1681 = arith.constant 0 : i32
    %scan3A_1682 = arith.constant 512 : i32
    %scan3A_1683 = arith.addi %scan3A_1681, %scan3A_1682 : i32
    %scan3A_1684 = arith.constant 1 : i32
    %scan3A_1685 = scf.for %scan3A_2019 = %scan3A_1681 to %scan3A_1683 step %scan3A_1684 iter_args(%scan3A_2020 = %scan3A_1680) -> (i32)  : i32 {
      %swap3A = arith.constant 1 : i32
      %swap3A_2021 = arith.index_cast %swap3A : i32 to index
      %swap3A_2022 = arith.index_cast %scan3A_2019 : i32 to index
      %swap3A_2023 = arith.constant 0 : index
      %swap3A_2024 = tpu.vector_load %arg8[%swap3A_2021, %swap3A_2022, %swap3A_2023] {strides = array<i32>} : memref<2x512x16xf32, #tpu.memory_space<vmem>>, vector<16xf32>,
      tpu.vector_store %arg8[%swap3A_2021, %swap3A_2022, %swap3A_2023], %broadcast_in_dim3A_3 {strides = array<i32>} : memref<2x512x16xf32, #tpu.memory_space<vmem>>, vector<16xf32>,
      %swap3A_2025 = arith.constant 1 : i32
      %swap3A_2026 = arith.index_cast %swap3A_2025 : i32 to index
      %swap3A_2027 = arith.index_cast %scan3A_2019 : i32 to index
      %swap3A_2028 = arith.constant 0 : index
      %swap3A_2029 = tpu.vector_load %arg9[%swap3A_2026, %swap3A_2027, %swap3A_2028] {strides = array<i32>} : memref<2x512x16xf32, #tpu.memory_space<vmem>>, vector<16xf32>,
      tpu.vector_store %arg9[%swap3A_2026, %swap3A_2027, %swap3A_2028], %broadcast_in_dim3A_3 {strides = array<i32>} : memref<2x512x16xf32, #tpu.memory_space<vmem>>, vector<16xf32>,
      %scan3A_2030 = arith.constant 0 : i32
      scf.yield %scan3A_2030 : i32
    }
    %scan3A_1686 = arith.constant 512 : i32
    %scan3A_1687 = arith.constant 0 : i32
    %scan3A_1688 = arith.constant 0 : i32
    %scan3A_1689 = arith.constant 32 : i32
    %scan3A_1690 = arith.addi %scan3A_1688, %scan3A_1689 : i32
    %scan3A_1691 = arith.constant 1 : i32
    %scan3A_1692 = scf.for %scan3A_2019 = %scan3A_1688 to %scan3A_1690 step %scan3A_1691 iter_args(%scan3A_2020 = %scan3A_1687) -> (i32)  : i32 {
      %mul3A_2021 = arith.constant 16 : i32
      %mul3A_2022 = arith.muli %scan3A_2019, %mul3A_2021 : i32
      %add3A_2023 = arith.constant 1536 : i32
      %add3A_2024 = arith.addi %add3A_2023, %mul3A_2022 : i32
      %get3A = arith.index_cast %add3A_2024 : i32 to index
      %get3A_2025 = tpu.vector_load %arg6[%get3A] {strides = array<i32>} : memref<2048xi32, #tpu.memory_space<vmem>>, vector<16xi32>,
      %get3A_2026 = arith.index_cast %add3A_2024 : i32 to index
      %get3A_2027 = tpu.vector_load %arg7[%get3A_2026] {strides = array<i32>} : memref<2048xi32, #tpu.memory_space<vmem>>, vector<16xi32>,
      %ge3A = vector.broadcast %mul3A_1015 : i32 to vector<16xi32>
      %ge3A_2028 = arith.cmpi sge, %get3A_2025, %ge3A : vector<16xi32>
      %add3A_2029 = arith.constant 512 : i32
      %add3A_2030 = arith.addi %mul3A_1015, %add3A_2029 : i32
      %lt3A = vector.broadcast %add3A_2030 : i32 to vector<16xi32>
      %lt3A_2031 = arith.cmpi slt, %get3A_2025, %lt3A : vector<16xi32>
      %and3A = arith.andi %ge3A_2028, %lt3A_2031 : vector<16xi1>
      %ne3A = arith.cmpi ne, %get3A_2025, %get3A_2027 : vector<16xi32>
      %and3A_2032 = arith.andi %and3A, %ne3A : vector<16xi1>
      %sub3A = vector.broadcast %mul3A_1015 : i32 to vector<16xi32>
      %sub3A_2033 = arith.subi %get3A_2025, %sub3A : vector<16xi32>
      %mul3A_2034 = arith.constant 128 : i32
      %mul3A_2035 = vector.broadcast %mul3A_2034 : i32 to vector<16xi32>
      %mul3A_2036 = arith.muli %sub3A_2033, %mul3A_2035 : vector<16xi32>
      %shift_right_logical3A = arith.constant 4 : i32
      %shift_right_logical3A_2037 = vector.broadcast %shift_right_logical3A : i32 to vector<16xi32>
      %shift_right_logical3A_2038 = arith.shrui %get3A_2027, %shift_right_logical3A_2037 : vector<16xi32>
      %add3A_2039 = arith.addi %mul3A_2036, %shift_right_logical3A_2038 : vector<16xi32>
      %add3A_2040 = arith.constant 65536 : i32
      %add3A_2041 = vector.broadcast %add3A_2040 : i32 to vector<16xi32>
      %add3A_2042 = arith.addi %add3A_2041, %iota3A : vector<16xi32>
      %jit3A = arith.constant 8 : i32
      %eq3A_2043 = arith.constant 0 : i32
      %eq3A_2044 = arith.cmpi eq, %jit3A, %eq3A_2043 : i32
      %jit3A_2045 = arith.constant 1 : i32
      %select_n3A = arith.select %eq3A_2044, %jit3A_2045, %jit3A : i32
      %rem3A = arith.remsi %scan3A_2019, %select_n3A : i32
      %ne3A_2046 = arith.constant 0 : i32
      %ne3A_2047 = arith.cmpi ne, %rem3A, %ne3A_2046 : i32
      %lt3A_2048 = arith.constant 0 : i32
      %lt3A_2049 = arith.cmpi slt, %rem3A, %lt3A_2048 : i32
      %lt3A_2050 = arith.constant 0 : i32
      %lt3A_2051 = arith.cmpi slt, %select_n3A, %lt3A_2050 : i32
      %ne3A_2052 = arith.xori %lt3A_2049, %lt3A_2051 : i1
      %and3A_2053 = arith.andi %ne3A_2052, %ne3A_2047 : i1
      %add3A_2054 = arith.addi %rem3A, %select_n3A : i32
      %select_n3A_2055 = arith.select %and3A_2053, %add3A_2054, %rem3A : i32
      %mul3A_2056 = arith.constant 16 : i32
      %mul3A_2057 = arith.muli %select_n3A_2055, %mul3A_2056 : i32
      %add3A_2058 = vector.broadcast %mul3A_2057 : i32 to vector<16xi32>
      %add3A_2059 = arith.addi %add3A_2042, %add3A_2058 : vector<16xi32>
      %select_n3A_2060 = arith.select %and3A_2032, %add3A_2039, %add3A_2059 : vector<16xi1>, vector<16xi32>
      %jit3A_2061 = arith.constant 8 : i32
      %div3A = arith.divsi %scan3A_2019, %jit3A_2061 : i32
      %sign3A = arith.constant 0 : i32
      %sign3A_2062 = arith.cmpi sgt, %scan3A_2019, %sign3A : i32
      %sign3A_2063 = arith.extui %sign3A_2062 : i1 to i32
      %sign3A_2064 = arith.constant 0 : i32
      %sign3A_2065 = arith.cmpi slt, %scan3A_2019, %sign3A_2064 : i32
      %sign3A_2066 = arith.extui %sign3A_2065 : i1 to i32
      %sign3A_2067 = arith.subi %sign3A_2063, %sign3A_2066 : i32
      %sign3A_2068 = arith.constant 0 : i32
      %sign3A_2069 = arith.cmpi sgt, %jit3A_2061, %sign3A_2068 : i32
      %sign3A_2070 = arith.extui %sign3A_2069 : i1 to i32
      %sign3A_2071 = arith.constant 0 : i32
      %sign3A_2072 = arith.cmpi slt, %jit3A_2061, %sign3A_2071 : i32
      %sign3A_2073 = arith.extui %sign3A_2072 : i1 to i32
      %sign3A_2074 = arith.subi %sign3A_2070, %sign3A_2073 : i32
      %ne3A_2075 = arith.cmpi ne, %sign3A_2067, %sign3A_2074 : i32
      %rem3A_2076 = arith.remsi %scan3A_2019, %jit3A_2061 : i32
      %ne3A_2077 = arith.constant 0 : i32
      %ne3A_2078 = arith.cmpi ne, %rem3A_2076, %ne3A_2077 : i32
      %and3A_2079 = arith.andi %ne3A_2075, %ne3A_2078 : i1
      %sub3A_2080 = arith.constant 1 : i32
      %sub3A_2081 = arith.subi %div3A, %sub3A_2080 : i32
      %select_n3A_2082 = arith.select %and3A_2079, %sub3A_2081, %div3A : i32
      %jit3A_2083 = arith.constant 8 : i32
      %eq3A_2084 = arith.constant 0 : i32
      %eq3A_2085 = arith.cmpi eq, %jit3A_2083, %eq3A_2084 : i32
      %jit3A_2086 = arith.constant 1 : i32
      %select_n3A_2087 = arith.select %eq3A_2085, %jit3A_2086, %jit3A_2083 : i32
      %rem3A_2088 = arith.remsi %scan3A_2019, %select_n3A_2087 : i32
      %ne3A_2089 = arith.constant 0 : i32
      %ne3A_2090 = arith.cmpi ne, %rem3A_2088, %ne3A_2089 : i32
      %lt3A_2091 = arith.constant 0 : i32
      %lt3A_2092 = arith.cmpi slt, %rem3A_2088, %lt3A_2091 : i32
      %lt3A_2093 = arith.constant 0 : i32
      %lt3A_2094 = arith.cmpi slt, %select_n3A_2087, %lt3A_2093 : i32
      %ne3A_2095 = arith.xori %lt3A_2092, %lt3A_2094 : i1
      %and3A_2096 = arith.andi %ne3A_2095, %ne3A_2090 : i1
      %add3A_2097 = arith.addi %rem3A_2088, %select_n3A_2087 : i32
      %select_n3A_2098 = arith.select %and3A_2096, %add3A_2097, %rem3A_2088 : i32
      %mul3A_2099 = arith.constant 16 : i32
      %mul3A_2100 = arith.muli %select_n3A_2098, %mul3A_2099 : i32
      %swap3A = arith.constant 1 : i32
      %swap3A_2101 = arith.index_cast %swap3A : i32 to index
      %swap3A_2102 = arith.index_cast %select_n3A_2082 : i32 to index
      %swap3A_2103 = arith.index_cast %mul3A_2100 : i32 to index
      %swap3A_2104 = tpu.vector_load %arg10[%swap3A_2101, %swap3A_2102, %swap3A_2103] {strides = array<i32>} : memref<2x4x128xi32, #tpu.memory_space<vmem>>, vector<16xi32>,
      tpu.vector_store %arg10[%swap3A_2101, %swap3A_2102, %swap3A_2103], %select_n3A_2060 {strides = array<i32>} : memref<2x4x128xi32, #tpu.memory_space<vmem>>, vector<16xi32>,
      %shift_right_logical3A_2105 = arith.constant 4 : i32
      %shift_right_logical3A_2106 = vector.broadcast %shift_right_logical3A_2105 : i32 to vector<16xi32>
      %shift_right_logical3A_2107 = arith.shrui %sub3A_2033, %shift_right_logical3A_2106 : vector<16xi32>
      %add3A_2108 = arith.constant 65664 : i32
      %add3A_2109 = vector.broadcast %add3A_2108 : i32 to vector<16xi32>
      %add3A_2110 = arith.addi %add3A_2109, %shift_right_logical3A_2107 : vector<16xi32>
      %select_n3A_2111 = arith.select %and3A_2032, %add3A_2110, %add3A_2059 : vector<16xi1>, vector<16xi32>
      %jit3A_2112 = arith.constant 8 : i32
      %div3A_2113 = arith.divsi %scan3A_2019, %jit3A_2112 : i32
      %sign3A_2114 = arith.constant 0 : i32
      %sign3A_2115 = arith.cmpi sgt, %scan3A_2019, %sign3A_2114 : i32
      %sign3A_2116 = arith.extui %sign3A_2115 : i1 to i32
      %sign3A_2117 = arith.constant 0 : i32
      %sign3A_2118 = arith.cmpi slt, %scan3A_2019, %sign3A_2117 : i32
      %sign3A_2119 = arith.extui %sign3A_2118 : i1 to i32
      %sign3A_2120 = arith.subi %sign3A_2116, %sign3A_2119 : i32
      %sign3A_2121 = arith.constant 0 : i32
      %sign3A_2122 = arith.cmpi sgt, %jit3A_2112, %sign3A_2121 : i32
      %sign3A_2123 = arith.extui %sign3A_2122 : i1 to i32
      %sign3A_2124 = arith.constant 0 : i32
      %sign3A_2125 = arith.cmpi slt, %jit3A_2112, %sign3A_2124 : i32
      %sign3A_2126 = arith.extui %sign3A_2125 : i1 to i32
      %sign3A_2127 = arith.subi %sign3A_2123, %sign3A_2126 : i32
      %ne3A_2128 = arith.cmpi ne, %sign3A_2120, %sign3A_2127 : i32
      %rem3A_2129 = arith.remsi %scan3A_2019, %jit3A_2112 : i32
      %ne3A_2130 = arith.constant 0 : i32
      %ne3A_2131 = arith.cmpi ne, %rem3A_2129, %ne3A_2130 : i32
      %and3A_2132 = arith.andi %ne3A_2128, %ne3A_2131 : i1
      %sub3A_2133 = arith.constant 1 : i32
      %sub3A_2134 = arith.subi %div3A_2113, %sub3A_2133 : i32
      %select_n3A_2135 = arith.select %and3A_2132, %sub3A_2134, %div3A_2113 : i32
      %jit3A_2136 = arith.constant 8 : i32
      %eq3A_2137 = arith.constant 0 : i32
      %eq3A_2138 = arith.cmpi eq, %jit3A_2136, %eq3A_2137 : i32
      %jit3A_2139 = arith.constant 1 : i32
      %select_n3A_2140 = arith.select %eq3A_2138, %jit3A_2139, %jit3A_2136 : i32
      %rem3A_2141 = arith.remsi %scan3A_2019, %select_n3A_2140 : i32
      %ne3A_2142 = arith.constant 0 : i32
      %ne3A_2143 = arith.cmpi ne, %rem3A_2141, %ne3A_2142 : i32
      %lt3A_2144 = arith.constant 0 : i32
      %lt3A_2145 = arith.cmpi slt, %rem3A_2141, %lt3A_2144 : i32
      %lt3A_2146 = arith.constant 0 : i32
      %lt3A_2147 = arith.cmpi slt, %select_n3A_2140, %lt3A_2146 : i32
      %ne3A_2148 = arith.xori %lt3A_2145, %lt3A_2147 : i1
      %and3A_2149 = arith.andi %ne3A_2148, %ne3A_2143 : i1
      %add3A_2150 = arith.addi %rem3A_2141, %select_n3A_2140 : i32
      %select_n3A_2151 = arith.select %and3A_2149, %add3A_2150, %rem3A_2141 : i32
      %mul3A_2152 = arith.constant 16 : i32
      %mul3A_2153 = arith.muli %select_n3A_2151, %mul3A_2152 : i32
      %swap3A_2154 = arith.constant 1 : i32
      %swap3A_2155 = arith.index_cast %swap3A_2154 : i32 to index
      %swap3A_2156 = arith.index_cast %select_n3A_2135 : i32 to index
      %swap3A_2157 = arith.index_cast %mul3A_2153 : i32 to index
      %swap3A_2158 = tpu.vector_load %arg11[%swap3A_2155, %swap3A_2156, %swap3A_2157] {strides = array<i32>} : memref<2x4x128xi32, #tpu.memory_space<vmem>>, vector<16xi32>,
      tpu.vector_store %arg11[%swap3A_2155, %swap3A_2156, %swap3A_2157], %select_n3A_2111 {strides = array<i32>} : memref<2x4x128xi32, #tpu.memory_space<vmem>>, vector<16xi32>,
      %mul3A_2159 = arith.constant 16 : i32
      %mul3A_2160 = arith.muli %scan3A_2019, %mul3A_2159 : i32
      %add3A_2161 = vector.broadcast %mul3A_2160 : i32 to vector<16xi32>
      %add3A_2162 = arith.addi %iota3A, %add3A_2161 : vector<16xi32>
      %and3A_2163 = arith.constant 15 : i32
      %and3A_2164 = vector.broadcast %and3A_2163 : i32 to vector<16xi32>
      %and3A_2165 = arith.andi %get3A_2027, %and3A_2164 : vector<16xi32>
      %scatter3A = arith.constant 1 : i32
      %scatter3A_2166 = arith.constant 0 : i32
      %scatter3A_2167 = arith.constant 0 : i32
      %scatter3A_2168 = tpu.memref_slice %arg8[%scatter3A, %scatter3A_2166, %scatter3A_2167] : memref<2x512x16xf32, #tpu.memory_space<vmem>> -> memref<1x512x16xf32, #tpu.memory_space<vmem>>
      %scatter3A_2169 = tpu.memref_squeeze %scatter3A_2168 : memref<1x512x16xf32, #tpu.memory_space<vmem>> -> memref<512x16xf32, #tpu.memory_space<vmem>>
      tpu.vector_store_idx %scatter3A_2169[%add3A_2162, %and3A_2165], %broadcast_in_dim3A_5 : memref<512x16xf32, #tpu.memory_space<vmem>>[vector<16xi32>, vector<16xi32>], vector<16xf32>,
      %and3A_2170 = arith.constant 15 : i32
      %and3A_2171 = vector.broadcast %and3A_2170 : i32 to vector<16xi32>
      %and3A_2172 = arith.andi %sub3A_2033, %and3A_2171 : vector<16xi32>
      %scatter3A_2173 = arith.constant 1 : i32
      %scatter3A_2174 = arith.constant 0 : i32
      %scatter3A_2175 = arith.constant 0 : i32
      %scatter3A_2176 = tpu.memref_slice %arg9[%scatter3A_2173, %scatter3A_2174, %scatter3A_2175] : memref<2x512x16xf32, #tpu.memory_space<vmem>> -> memref<1x512x16xf32, #tpu.memory_space<vmem>>
      %scatter3A_2177 = tpu.memref_squeeze %scatter3A_2176 : memref<1x512x16xf32, #tpu.memory_space<vmem>> -> memref<512x16xf32, #tpu.memory_space<vmem>>
      tpu.vector_store_idx %scatter3A_2177[%add3A_2162, %and3A_2172], %broadcast_in_dim3A_5 : memref<512x16xf32, #tpu.memory_space<vmem>>[vector<16xi32>, vector<16xi32>], vector<16xf32>,
      %scan3A_2178 = arith.constant 0 : i32
      scf.yield %scan3A_2178 : i32
    }
    %scan3A_1693 = arith.constant 32 : i32
    %dma_start3A_1694 = arith.constant 1 : i32
    %dma_start3A_1695 = arith.constant 1 : i32
    %dma_start3A_1696 = arith.constant 0 : i32
    %dma_start3A_1697 = arith.constant 0 : i32
    %dma_start3A_1698 = arith.constant 0 : i32
    %dma_start3A_1699 = tpu.memref_slice %arg8[%dma_start3A_1694, %dma_start3A_1697, %dma_start3A_1698] : memref<2x512x16xf32, #tpu.memory_space<vmem>> -> memref<1x128x16xf32, #tpu.memory_space<vmem>>
    %dma_start3A_1700 = tpu.memref_squeeze %dma_start3A_1699 : memref<1x128x16xf32, #tpu.memory_space<vmem>> -> memref<128x16xf32, #tpu.memory_space<vmem>>
    %dma_start3A_1701 = arith.constant 0 : i32
    %dma_start3A_1702 = tpu.memref_slice %arg10[%dma_start3A_1695, %dma_start3A_1696, %dma_start3A_1701] : memref<2x4x128xi32, #tpu.memory_space<vmem>> -> memref<1x1x128xi32, #tpu.memory_space<vmem>>
    %dma_start3A_1703 = tpu.memref_squeeze %dma_start3A_1702 : memref<1x1x128xi32, #tpu.memory_space<vmem>> -> memref<128xi32, #tpu.memory_space<vmem>>
    %dma_start3A_1704 = arith.constant 0 : i32
    %dma_start3A_1705 = arith.constant 0 : i32
    %dma_start3A_1706 = tpu.memref_slice %arg13[%dma_start3A_1704, %dma_start3A_1705] : memref<65696x16xf32, #tpu.memory_space<vmem_shared>> -> memref<65696x16xf32, #tpu.memory_space<vmem_shared>>
    tpu.enqueue_indirect_dma source(%dma_start3A_1700 : memref<128x16xf32, #tpu.memory_space<vmem>>) target(%dma_start3A_1706 : memref<65696x16xf32, #tpu.memory_space<vmem_shared>>) offsets(%dma_start3A_1703 : memref<128xi32, #tpu.memory_space<vmem>>) semaphore(%arg14 : memref<!tpu.dma_semaphore, #tpu.memory_space<semaphore_mem>>) {add = true}
    %dma_start3A_1707 = arith.constant 1 : i32
    %dma_start3A_1708 = arith.constant 1 : i32
    %dma_start3A_1709 = arith.constant 0 : i32
    %dma_start3A_1710 = arith.constant 0 : i32
    %dma_start3A_1711 = arith.constant 0 : i32
    %dma_start3A_1712 = tpu.memref_slice %arg9[%dma_start3A_1707, %dma_start3A_1710, %dma_start3A_1711] : memref<2x512x16xf32, #tpu.memory_space<vmem>> -> memref<1x128x16xf32, #tpu.memory_space<vmem>>
    %dma_start3A_1713 = tpu.memref_squeeze %dma_start3A_1712 : memref<1x128x16xf32, #tpu.memory_space<vmem>> -> memref<128x16xf32, #tpu.memory_space<vmem>>
    %dma_start3A_1714 = arith.constant 0 : i32
    %dma_start3A_1715 = tpu.memref_slice %arg11[%dma_start3A_1708, %dma_start3A_1709, %dma_start3A_1714] : memref<2x4x128xi32, #tpu.memory_space<vmem>> -> memref<1x1x128xi32, #tpu.memory_space<vmem>>
    %dma_start3A_1716 = tpu.memref_squeeze %dma_start3A_1715 : memref<1x1x128xi32, #tpu.memory_space<vmem>> -> memref<128xi32, #tpu.memory_space<vmem>>
    %dma_start3A_1717 = arith.constant 0 : i32
    %dma_start3A_1718 = arith.constant 0 : i32
    %dma_start3A_1719 = tpu.memref_slice %arg13[%dma_start3A_1717, %dma_start3A_1718] : memref<65696x16xf32, #tpu.memory_space<vmem_shared>> -> memref<65696x16xf32, #tpu.memory_space<vmem_shared>>
    tpu.enqueue_indirect_dma source(%dma_start3A_1713 : memref<128x16xf32, #tpu.memory_space<vmem>>) target(%dma_start3A_1719 : memref<65696x16xf32, #tpu.memory_space<vmem_shared>>) offsets(%dma_start3A_1716 : memref<128xi32, #tpu.memory_space<vmem>>) semaphore(%arg14 : memref<!tpu.dma_semaphore, #tpu.memory_space<semaphore_mem>>) {add = true}
    %dma_start3A_1720 = arith.constant 1 : i32
    %dma_start3A_1721 = arith.constant 1 : i32
    %dma_start3A_1722 = arith.constant 1 : i32
    %dma_start3A_1723 = arith.constant 128 : i32
    %dma_start3A_1724 = arith.constant 0 : i32
    %dma_start3A_1725 = tpu.memref_slice %arg8[%dma_start3A_1720, %dma_start3A_1723, %dma_start3A_1724] : memref<2x512x16xf32, #tpu.memory_space<vmem>> -> memref<1x128x16xf32, #tpu.memory_space<vmem>>
    %dma_start3A_1726 = tpu.memref_squeeze %dma_start3A_1725 : memref<1x128x16xf32, #tpu.memory_space<vmem>> -> memref<128x16xf32, #tpu.memory_space<vmem>>
    %dma_start3A_1727 = arith.constant 0 : i32
    %dma_start3A_1728 = tpu.memref_slice %arg10[%dma_start3A_1721, %dma_start3A_1722, %dma_start3A_1727] : memref<2x4x128xi32, #tpu.memory_space<vmem>> -> memref<1x1x128xi32, #tpu.memory_space<vmem>>
    %dma_start3A_1729 = tpu.memref_squeeze %dma_start3A_1728 : memref<1x1x128xi32, #tpu.memory_space<vmem>> -> memref<128xi32, #tpu.memory_space<vmem>>
    %dma_start3A_1730 = arith.constant 0 : i32
    %dma_start3A_1731 = arith.constant 0 : i32
    %dma_start3A_1732 = tpu.memref_slice %arg13[%dma_start3A_1730, %dma_start3A_1731] : memref<65696x16xf32, #tpu.memory_space<vmem_shared>> -> memref<65696x16xf32, #tpu.memory_space<vmem_shared>>
    tpu.enqueue_indirect_dma source(%dma_start3A_1726 : memref<128x16xf32, #tpu.memory_space<vmem>>) target(%dma_start3A_1732 : memref<65696x16xf32, #tpu.memory_space<vmem_shared>>) offsets(%dma_start3A_1729 : memref<128xi32, #tpu.memory_space<vmem>>) semaphore(%arg14 : memref<!tpu.dma_semaphore, #tpu.memory_space<semaphore_mem>>) {add = true}
    %dma_start3A_1733 = arith.constant 1 : i32
    %dma_start3A_1734 = arith.constant 1 : i32
    %dma_start3A_1735 = arith.constant 1 : i32
    %dma_start3A_1736 = arith.constant 128 : i32
    %dma_start3A_1737 = arith.constant 0 : i32
    %dma_start3A_1738 = tpu.memref_slice %arg9[%dma_start3A_1733, %dma_start3A_1736, %dma_start3A_1737] : memref<2x512x16xf32, #tpu.memory_space<vmem>> -> memref<1x128x16xf32, #tpu.memory_space<vmem>>
    %dma_start3A_1739 = tpu.memref_squeeze %dma_start3A_1738 : memref<1x128x16xf32, #tpu.memory_space<vmem>> -> memref<128x16xf32, #tpu.memory_space<vmem>>
    %dma_start3A_1740 = arith.constant 0 : i32
    %dma_start3A_1741 = tpu.memref_slice %arg11[%dma_start3A_1734, %dma_start3A_1735, %dma_start3A_1740] : memref<2x4x128xi32, #tpu.memory_space<vmem>> -> memref<1x1x128xi32, #tpu.memory_space<vmem>>
    %dma_start3A_1742 = tpu.memref_squeeze %dma_start3A_1741 : memref<1x1x128xi32, #tpu.memory_space<vmem>> -> memref<128xi32, #tpu.memory_space<vmem>>
    %dma_start3A_1743 = arith.constant 0 : i32
    %dma_start3A_1744 = arith.constant 0 : i32
    %dma_start3A_1745 = tpu.memref_slice %arg13[%dma_start3A_1743, %dma_start3A_1744] : memref<65696x16xf32, #tpu.memory_space<vmem_shared>> -> memref<65696x16xf32, #tpu.memory_space<vmem_shared>>
    tpu.enqueue_indirect_dma source(%dma_start3A_1739 : memref<128x16xf32, #tpu.memory_space<vmem>>) target(%dma_start3A_1745 : memref<65696x16xf32, #tpu.memory_space<vmem_shared>>) offsets(%dma_start3A_1742 : memref<128xi32, #tpu.memory_space<vmem>>) semaphore(%arg14 : memref<!tpu.dma_semaphore, #tpu.memory_space<semaphore_mem>>) {add = true}
    %dma_start3A_1746 = arith.constant 1 : i32
    %dma_start3A_1747 = arith.constant 1 : i32
    %dma_start3A_1748 = arith.constant 2 : i32
    %dma_start3A_1749 = arith.constant 256 : i32
    %dma_start3A_1750 = arith.constant 0 : i32
    %dma_start3A_1751 = tpu.memref_slice %arg8[%dma_start3A_1746, %dma_start3A_1749, %dma_start3A_1750] : memref<2x512x16xf32, #tpu.memory_space<vmem>> -> memref<1x128x16xf32, #tpu.memory_space<vmem>>
    %dma_start3A_1752 = tpu.memref_squeeze %dma_start3A_1751 : memref<1x128x16xf32, #tpu.memory_space<vmem>> -> memref<128x16xf32, #tpu.memory_space<vmem>>
    %dma_start3A_1753 = arith.constant 0 : i32
    %dma_start3A_1754 = tpu.memref_slice %arg10[%dma_start3A_1747, %dma_start3A_1748, %dma_start3A_1753] : memref<2x4x128xi32, #tpu.memory_space<vmem>> -> memref<1x1x128xi32, #tpu.memory_space<vmem>>
    %dma_start3A_1755 = tpu.memref_squeeze %dma_start3A_1754 : memref<1x1x128xi32, #tpu.memory_space<vmem>> -> memref<128xi32, #tpu.memory_space<vmem>>
    %dma_start3A_1756 = arith.constant 0 : i32
    %dma_start3A_1757 = arith.constant 0 : i32
    %dma_start3A_1758 = tpu.memref_slice %arg13[%dma_start3A_1756, %dma_start3A_1757] : memref<65696x16xf32, #tpu.memory_space<vmem_shared>> -> memref<65696x16xf32, #tpu.memory_space<vmem_shared>>
    tpu.enqueue_indirect_dma source(%dma_start3A_1752 : memref<128x16xf32, #tpu.memory_space<vmem>>) target(%dma_start3A_1758 : memref<65696x16xf32, #tpu.memory_space<vmem_shared>>) offsets(%dma_start3A_1755 : memref<128xi32, #tpu.memory_space<vmem>>) semaphore(%arg14 : memref<!tpu.dma_semaphore, #tpu.memory_space<semaphore_mem>>) {add = true}
    %dma_start3A_1759 = arith.constant 1 : i32
    %dma_start3A_1760 = arith.constant 1 : i32
    %dma_start3A_1761 = arith.constant 2 : i32
    %dma_start3A_1762 = arith.constant 256 : i32
    %dma_start3A_1763 = arith.constant 0 : i32
    %dma_start3A_1764 = tpu.memref_slice %arg9[%dma_start3A_1759, %dma_start3A_1762, %dma_start3A_1763] : memref<2x512x16xf32, #tpu.memory_space<vmem>> -> memref<1x128x16xf32, #tpu.memory_space<vmem>>
    %dma_start3A_1765 = tpu.memref_squeeze %dma_start3A_1764 : memref<1x128x16xf32, #tpu.memory_space<vmem>> -> memref<128x16xf32, #tpu.memory_space<vmem>>
    %dma_start3A_1766 = arith.constant 0 : i32
    %dma_start3A_1767 = tpu.memref_slice %arg11[%dma_start3A_1760, %dma_start3A_1761, %dma_start3A_1766] : memref<2x4x128xi32, #tpu.memory_space<vmem>> -> memref<1x1x128xi32, #tpu.memory_space<vmem>>
    %dma_start3A_1768 = tpu.memref_squeeze %dma_start3A_1767 : memref<1x1x128xi32, #tpu.memory_space<vmem>> -> memref<128xi32, #tpu.memory_space<vmem>>
    %dma_start3A_1769 = arith.constant 0 : i32
    %dma_start3A_1770 = arith.constant 0 : i32
    %dma_start3A_1771 = tpu.memref_slice %arg13[%dma_start3A_1769, %dma_start3A_1770] : memref<65696x16xf32, #tpu.memory_space<vmem_shared>> -> memref<65696x16xf32, #tpu.memory_space<vmem_shared>>
    tpu.enqueue_indirect_dma source(%dma_start3A_1765 : memref<128x16xf32, #tpu.memory_space<vmem>>) target(%dma_start3A_1771 : memref<65696x16xf32, #tpu.memory_space<vmem_shared>>) offsets(%dma_start3A_1768 : memref<128xi32, #tpu.memory_space<vmem>>) semaphore(%arg14 : memref<!tpu.dma_semaphore, #tpu.memory_space<semaphore_mem>>) {add = true}
    %dma_start3A_1772 = arith.constant 1 : i32
    %dma_start3A_1773 = arith.constant 1 : i32
    %dma_start3A_1774 = arith.constant 3 : i32
    %dma_start3A_1775 = arith.constant 384 : i32
    %dma_start3A_1776 = arith.constant 0 : i32
    %dma_start3A_1777 = tpu.memref_slice %arg8[%dma_start3A_1772, %dma_start3A_1775, %dma_start3A_1776] : memref<2x512x16xf32, #tpu.memory_space<vmem>> -> memref<1x128x16xf32, #tpu.memory_space<vmem>>
    %dma_start3A_1778 = tpu.memref_squeeze %dma_start3A_1777 : memref<1x128x16xf32, #tpu.memory_space<vmem>> -> memref<128x16xf32, #tpu.memory_space<vmem>>
    %dma_start3A_1779 = arith.constant 0 : i32
    %dma_start3A_1780 = tpu.memref_slice %arg10[%dma_start3A_1773, %dma_start3A_1774, %dma_start3A_1779] : memref<2x4x128xi32, #tpu.memory_space<vmem>> -> memref<1x1x128xi32, #tpu.memory_space<vmem>>
    %dma_start3A_1781 = tpu.memref_squeeze %dma_start3A_1780 : memref<1x1x128xi32, #tpu.memory_space<vmem>> -> memref<128xi32, #tpu.memory_space<vmem>>
    %dma_start3A_1782 = arith.constant 0 : i32
    %dma_start3A_1783 = arith.constant 0 : i32
    %dma_start3A_1784 = tpu.memref_slice %arg13[%dma_start3A_1782, %dma_start3A_1783] : memref<65696x16xf32, #tpu.memory_space<vmem_shared>> -> memref<65696x16xf32, #tpu.memory_space<vmem_shared>>
    tpu.enqueue_indirect_dma source(%dma_start3A_1778 : memref<128x16xf32, #tpu.memory_space<vmem>>) target(%dma_start3A_1784 : memref<65696x16xf32, #tpu.memory_space<vmem_shared>>) offsets(%dma_start3A_1781 : memref<128xi32, #tpu.memory_space<vmem>>) semaphore(%arg14 : memref<!tpu.dma_semaphore, #tpu.memory_space<semaphore_mem>>) {add = true}
    %dma_start3A_1785 = arith.constant 1 : i32
    %dma_start3A_1786 = arith.constant 1 : i32
    %dma_start3A_1787 = arith.constant 3 : i32
    %dma_start3A_1788 = arith.constant 384 : i32
    %dma_start3A_1789 = arith.constant 0 : i32
    %dma_start3A_1790 = tpu.memref_slice %arg9[%dma_start3A_1785, %dma_start3A_1788, %dma_start3A_1789] : memref<2x512x16xf32, #tpu.memory_space<vmem>> -> memref<1x128x16xf32, #tpu.memory_space<vmem>>
    %dma_start3A_1791 = tpu.memref_squeeze %dma_start3A_1790 : memref<1x128x16xf32, #tpu.memory_space<vmem>> -> memref<128x16xf32, #tpu.memory_space<vmem>>
    %dma_start3A_1792 = arith.constant 0 : i32
    %dma_start3A_1793 = tpu.memref_slice %arg11[%dma_start3A_1786, %dma_start3A_1787, %dma_start3A_1792] : memref<2x4x128xi32, #tpu.memory_space<vmem>> -> memref<1x1x128xi32, #tpu.memory_space<vmem>>
    %dma_start3A_1794 = tpu.memref_squeeze %dma_start3A_1793 : memref<1x1x128xi32, #tpu.memory_space<vmem>> -> memref<128xi32, #tpu.memory_space<vmem>>
    %dma_start3A_1795 = arith.constant 0 : i32
    %dma_start3A_1796 = arith.constant 0 : i32
    %dma_start3A_1797 = tpu.memref_slice %arg13[%dma_start3A_1795, %dma_start3A_1796] : memref<65696x16xf32, #tpu.memory_space<vmem_shared>> -> memref<65696x16xf32, #tpu.memory_space<vmem_shared>>
    tpu.enqueue_indirect_dma source(%dma_start3A_1791 : memref<128x16xf32, #tpu.memory_space<vmem>>) target(%dma_start3A_1797 : memref<65696x16xf32, #tpu.memory_space<vmem_shared>>) offsets(%dma_start3A_1794 : memref<128xi32, #tpu.memory_space<vmem>>) semaphore(%arg14 : memref<!tpu.dma_semaphore, #tpu.memory_space<semaphore_mem>>) {add = true}
    %dma_wait3A_1798 = arith.constant 0 : i32
    %dma_wait3A_1799 = arith.constant 0 : i32
    %dma_wait3A_1800 = arith.constant 0 : i32
    %dma_wait3A_1801 = arith.constant 0 : i32
    %dma_wait3A_1802 = arith.constant 0 : i32
    %dma_wait3A_1803 = tpu.memref_slice %arg8[%dma_wait3A_1798, %dma_wait3A_1801, %dma_wait3A_1802] : memref<2x512x16xf32, #tpu.memory_space<vmem>> -> memref<1x128x16xf32, #tpu.memory_space<vmem>>
    %dma_wait3A_1804 = tpu.memref_squeeze %dma_wait3A_1803 : memref<1x128x16xf32, #tpu.memory_space<vmem>> -> memref<128x16xf32, #tpu.memory_space<vmem>>
    %dma_wait3A_1805 = arith.constant 0 : i32
    %dma_wait3A_1806 = tpu.memref_slice %arg10[%dma_wait3A_1799, %dma_wait3A_1800, %dma_wait3A_1805] : memref<2x4x128xi32, #tpu.memory_space<vmem>> -> memref<1x1x128xi32, #tpu.memory_space<vmem>>
    %dma_wait3A_1807 = tpu.memref_squeeze %dma_wait3A_1806 : memref<1x1x128xi32, #tpu.memory_space<vmem>> -> memref<128xi32, #tpu.memory_space<vmem>>
    %dma_wait3A_1808 = arith.constant 0 : i32
    %dma_wait3A_1809 = arith.constant 0 : i32
    %dma_wait3A_1810 = tpu.memref_slice %arg13[%dma_wait3A_1808, %dma_wait3A_1809] : memref<65696x16xf32, #tpu.memory_space<vmem_shared>> -> memref<65696x16xf32, #tpu.memory_space<vmem_shared>>
    tpu.wait_indirect_dma semaphore(%arg14 : memref<!tpu.dma_semaphore, #tpu.memory_space<semaphore_mem>>) src(%dma_wait3A_1804 : memref<128x16xf32, #tpu.memory_space<vmem>>) dst(%dma_wait3A_1810 : memref<65696x16xf32, #tpu.memory_space<vmem_shared>>)
    %dma_wait3A_1811 = arith.constant 0 : i32
    %dma_wait3A_1812 = arith.constant 0 : i32
    %dma_wait3A_1813 = arith.constant 0 : i32
    %dma_wait3A_1814 = arith.constant 0 : i32
    %dma_wait3A_1815 = arith.constant 0 : i32
    %dma_wait3A_1816 = tpu.memref_slice %arg9[%dma_wait3A_1811, %dma_wait3A_1814, %dma_wait3A_1815] : memref<2x512x16xf32, #tpu.memory_space<vmem>> -> memref<1x128x16xf32, #tpu.memory_space<vmem>>
    %dma_wait3A_1817 = tpu.memref_squeeze %dma_wait3A_1816 : memref<1x128x16xf32, #tpu.memory_space<vmem>> -> memref<128x16xf32, #tpu.memory_space<vmem>>
    %dma_wait3A_1818 = arith.constant 0 : i32
    %dma_wait3A_1819 = tpu.memref_slice %arg11[%dma_wait3A_1812, %dma_wait3A_1813, %dma_wait3A_1818] : memref<2x4x128xi32, #tpu.memory_space<vmem>> -> memref<1x1x128xi32, #tpu.memory_space<vmem>>
    %dma_wait3A_1820 = tpu.memref_squeeze %dma_wait3A_1819 : memref<1x1x128xi32, #tpu.memory_space<vmem>> -> memref<128xi32, #tpu.memory_space<vmem>>
    %dma_wait3A_1821 = arith.constant 0 : i32
    %dma_wait3A_1822 = arith.constant 0 : i32
    %dma_wait3A_1823 = tpu.memref_slice %arg13[%dma_wait3A_1821, %dma_wait3A_1822] : memref<65696x16xf32, #tpu.memory_space<vmem_shared>> -> memref<65696x16xf32, #tpu.memory_space<vmem_shared>>
    tpu.wait_indirect_dma semaphore(%arg14 : memref<!tpu.dma_semaphore, #tpu.memory_space<semaphore_mem>>) src(%dma_wait3A_1817 : memref<128x16xf32, #tpu.memory_space<vmem>>) dst(%dma_wait3A_1823 : memref<65696x16xf32, #tpu.memory_space<vmem_shared>>)
    %dma_wait3A_1824 = arith.constant 0 : i32
    %dma_wait3A_1825 = arith.constant 0 : i32
    %dma_wait3A_1826 = arith.constant 1 : i32
    %dma_wait3A_1827 = arith.constant 128 : i32
    %dma_wait3A_1828 = arith.constant 0 : i32
    %dma_wait3A_1829 = tpu.memref_slice %arg8[%dma_wait3A_1824, %dma_wait3A_1827, %dma_wait3A_1828] : memref<2x512x16xf32, #tpu.memory_space<vmem>> -> memref<1x128x16xf32, #tpu.memory_space<vmem>>
    %dma_wait3A_1830 = tpu.memref_squeeze %dma_wait3A_1829 : memref<1x128x16xf32, #tpu.memory_space<vmem>> -> memref<128x16xf32, #tpu.memory_space<vmem>>
    %dma_wait3A_1831 = arith.constant 0 : i32
    %dma_wait3A_1832 = tpu.memref_slice %arg10[%dma_wait3A_1825, %dma_wait3A_1826, %dma_wait3A_1831] : memref<2x4x128xi32, #tpu.memory_space<vmem>> -> memref<1x1x128xi32, #tpu.memory_space<vmem>>
    %dma_wait3A_1833 = tpu.memref_squeeze %dma_wait3A_1832 : memref<1x1x128xi32, #tpu.memory_space<vmem>> -> memref<128xi32, #tpu.memory_space<vmem>>
    %dma_wait3A_1834 = arith.constant 0 : i32
    %dma_wait3A_1835 = arith.constant 0 : i32
    %dma_wait3A_1836 = tpu.memref_slice %arg13[%dma_wait3A_1834, %dma_wait3A_1835] : memref<65696x16xf32, #tpu.memory_space<vmem_shared>> -> memref<65696x16xf32, #tpu.memory_space<vmem_shared>>
    tpu.wait_indirect_dma semaphore(%arg14 : memref<!tpu.dma_semaphore, #tpu.memory_space<semaphore_mem>>) src(%dma_wait3A_1830 : memref<128x16xf32, #tpu.memory_space<vmem>>) dst(%dma_wait3A_1836 : memref<65696x16xf32, #tpu.memory_space<vmem_shared>>)
    %dma_wait3A_1837 = arith.constant 0 : i32
    %dma_wait3A_1838 = arith.constant 0 : i32
    %dma_wait3A_1839 = arith.constant 1 : i32
    %dma_wait3A_1840 = arith.constant 128 : i32
    %dma_wait3A_1841 = arith.constant 0 : i32
    %dma_wait3A_1842 = tpu.memref_slice %arg9[%dma_wait3A_1837, %dma_wait3A_1840, %dma_wait3A_1841] : memref<2x512x16xf32, #tpu.memory_space<vmem>> -> memref<1x128x16xf32, #tpu.memory_space<vmem>>
    %dma_wait3A_1843 = tpu.memref_squeeze %dma_wait3A_1842 : memref<1x128x16xf32, #tpu.memory_space<vmem>> -> memref<128x16xf32, #tpu.memory_space<vmem>>
    %dma_wait3A_1844 = arith.constant 0 : i32
    %dma_wait3A_1845 = tpu.memref_slice %arg11[%dma_wait3A_1838, %dma_wait3A_1839, %dma_wait3A_1844] : memref<2x4x128xi32, #tpu.memory_space<vmem>> -> memref<1x1x128xi32, #tpu.memory_space<vmem>>
    %dma_wait3A_1846 = tpu.memref_squeeze %dma_wait3A_1845 : memref<1x1x128xi32, #tpu.memory_space<vmem>> -> memref<128xi32, #tpu.memory_space<vmem>>
    %dma_wait3A_1847 = arith.constant 0 : i32
    %dma_wait3A_1848 = arith.constant 0 : i32
    %dma_wait3A_1849 = tpu.memref_slice %arg13[%dma_wait3A_1847, %dma_wait3A_1848] : memref<65696x16xf32, #tpu.memory_space<vmem_shared>> -> memref<65696x16xf32, #tpu.memory_space<vmem_shared>>
    tpu.wait_indirect_dma semaphore(%arg14 : memref<!tpu.dma_semaphore, #tpu.memory_space<semaphore_mem>>) src(%dma_wait3A_1843 : memref<128x16xf32, #tpu.memory_space<vmem>>) dst(%dma_wait3A_1849 : memref<65696x16xf32, #tpu.memory_space<vmem_shared>>)
    %dma_wait3A_1850 = arith.constant 0 : i32
    %dma_wait3A_1851 = arith.constant 0 : i32
    %dma_wait3A_1852 = arith.constant 2 : i32
    %dma_wait3A_1853 = arith.constant 256 : i32
    %dma_wait3A_1854 = arith.constant 0 : i32
    %dma_wait3A_1855 = tpu.memref_slice %arg8[%dma_wait3A_1850, %dma_wait3A_1853, %dma_wait3A_1854] : memref<2x512x16xf32, #tpu.memory_space<vmem>> -> memref<1x128x16xf32, #tpu.memory_space<vmem>>
    %dma_wait3A_1856 = tpu.memref_squeeze %dma_wait3A_1855 : memref<1x128x16xf32, #tpu.memory_space<vmem>> -> memref<128x16xf32, #tpu.memory_space<vmem>>
    %dma_wait3A_1857 = arith.constant 0 : i32
    %dma_wait3A_1858 = tpu.memref_slice %arg10[%dma_wait3A_1851, %dma_wait3A_1852, %dma_wait3A_1857] : memref<2x4x128xi32, #tpu.memory_space<vmem>> -> memref<1x1x128xi32, #tpu.memory_space<vmem>>
    %dma_wait3A_1859 = tpu.memref_squeeze %dma_wait3A_1858 : memref<1x1x128xi32, #tpu.memory_space<vmem>> -> memref<128xi32, #tpu.memory_space<vmem>>
    %dma_wait3A_1860 = arith.constant 0 : i32
    %dma_wait3A_1861 = arith.constant 0 : i32
    %dma_wait3A_1862 = tpu.memref_slice %arg13[%dma_wait3A_1860, %dma_wait3A_1861] : memref<65696x16xf32, #tpu.memory_space<vmem_shared>> -> memref<65696x16xf32, #tpu.memory_space<vmem_shared>>
    tpu.wait_indirect_dma semaphore(%arg14 : memref<!tpu.dma_semaphore, #tpu.memory_space<semaphore_mem>>) src(%dma_wait3A_1856 : memref<128x16xf32, #tpu.memory_space<vmem>>) dst(%dma_wait3A_1862 : memref<65696x16xf32, #tpu.memory_space<vmem_shared>>)
    %dma_wait3A_1863 = arith.constant 0 : i32
    %dma_wait3A_1864 = arith.constant 0 : i32
    %dma_wait3A_1865 = arith.constant 2 : i32
    %dma_wait3A_1866 = arith.constant 256 : i32
    %dma_wait3A_1867 = arith.constant 0 : i32
    %dma_wait3A_1868 = tpu.memref_slice %arg9[%dma_wait3A_1863, %dma_wait3A_1866, %dma_wait3A_1867] : memref<2x512x16xf32, #tpu.memory_space<vmem>> -> memref<1x128x16xf32, #tpu.memory_space<vmem>>
    %dma_wait3A_1869 = tpu.memref_squeeze %dma_wait3A_1868 : memref<1x128x16xf32, #tpu.memory_space<vmem>> -> memref<128x16xf32, #tpu.memory_space<vmem>>
    %dma_wait3A_1870 = arith.constant 0 : i32
    %dma_wait3A_1871 = tpu.memref_slice %arg11[%dma_wait3A_1864, %dma_wait3A_1865, %dma_wait3A_1870] : memref<2x4x128xi32, #tpu.memory_space<vmem>> -> memref<1x1x128xi32, #tpu.memory_space<vmem>>
    %dma_wait3A_1872 = tpu.memref_squeeze %dma_wait3A_1871 : memref<1x1x128xi32, #tpu.memory_space<vmem>> -> memref<128xi32, #tpu.memory_space<vmem>>
    %dma_wait3A_1873 = arith.constant 0 : i32
    %dma_wait3A_1874 = arith.constant 0 : i32
    %dma_wait3A_1875 = tpu.memref_slice %arg13[%dma_wait3A_1873, %dma_wait3A_1874] : memref<65696x16xf32, #tpu.memory_space<vmem_shared>> -> memref<65696x16xf32, #tpu.memory_space<vmem_shared>>
    tpu.wait_indirect_dma semaphore(%arg14 : memref<!tpu.dma_semaphore, #tpu.memory_space<semaphore_mem>>) src(%dma_wait3A_1869 : memref<128x16xf32, #tpu.memory_space<vmem>>) dst(%dma_wait3A_1875 : memref<65696x16xf32, #tpu.memory_space<vmem_shared>>)
    %dma_wait3A_1876 = arith.constant 0 : i32
    %dma_wait3A_1877 = arith.constant 0 : i32
    %dma_wait3A_1878 = arith.constant 3 : i32
    %dma_wait3A_1879 = arith.constant 384 : i32
    %dma_wait3A_1880 = arith.constant 0 : i32
    %dma_wait3A_1881 = tpu.memref_slice %arg8[%dma_wait3A_1876, %dma_wait3A_1879, %dma_wait3A_1880] : memref<2x512x16xf32, #tpu.memory_space<vmem>> -> memref<1x128x16xf32, #tpu.memory_space<vmem>>
    %dma_wait3A_1882 = tpu.memref_squeeze %dma_wait3A_1881 : memref<1x128x16xf32, #tpu.memory_space<vmem>> -> memref<128x16xf32, #tpu.memory_space<vmem>>
    %dma_wait3A_1883 = arith.constant 0 : i32
    %dma_wait3A_1884 = tpu.memref_slice %arg10[%dma_wait3A_1877, %dma_wait3A_1878, %dma_wait3A_1883] : memref<2x4x128xi32, #tpu.memory_space<vmem>> -> memref<1x1x128xi32, #tpu.memory_space<vmem>>
    %dma_wait3A_1885 = tpu.memref_squeeze %dma_wait3A_1884 : memref<1x1x128xi32, #tpu.memory_space<vmem>> -> memref<128xi32, #tpu.memory_space<vmem>>
    %dma_wait3A_1886 = arith.constant 0 : i32
    %dma_wait3A_1887 = arith.constant 0 : i32
    %dma_wait3A_1888 = tpu.memref_slice %arg13[%dma_wait3A_1886, %dma_wait3A_1887] : memref<65696x16xf32, #tpu.memory_space<vmem_shared>> -> memref<65696x16xf32, #tpu.memory_space<vmem_shared>>
    tpu.wait_indirect_dma semaphore(%arg14 : memref<!tpu.dma_semaphore, #tpu.memory_space<semaphore_mem>>) src(%dma_wait3A_1882 : memref<128x16xf32, #tpu.memory_space<vmem>>) dst(%dma_wait3A_1888 : memref<65696x16xf32, #tpu.memory_space<vmem_shared>>)
    %dma_wait3A_1889 = arith.constant 0 : i32
    %dma_wait3A_1890 = arith.constant 0 : i32
    %dma_wait3A_1891 = arith.constant 3 : i32
    %dma_wait3A_1892 = arith.constant 384 : i32
    %dma_wait3A_1893 = arith.constant 0 : i32
    %dma_wait3A_1894 = tpu.memref_slice %arg9[%dma_wait3A_1889, %dma_wait3A_1892, %dma_wait3A_1893] : memref<2x512x16xf32, #tpu.memory_space<vmem>> -> memref<1x128x16xf32, #tpu.memory_space<vmem>>
    %dma_wait3A_1895 = tpu.memref_squeeze %dma_wait3A_1894 : memref<1x128x16xf32, #tpu.memory_space<vmem>> -> memref<128x16xf32, #tpu.memory_space<vmem>>
    %dma_wait3A_1896 = arith.constant 0 : i32
    %dma_wait3A_1897 = tpu.memref_slice %arg11[%dma_wait3A_1890, %dma_wait3A_1891, %dma_wait3A_1896] : memref<2x4x128xi32, #tpu.memory_space<vmem>> -> memref<1x1x128xi32, #tpu.memory_space<vmem>>
    %dma_wait3A_1898 = tpu.memref_squeeze %dma_wait3A_1897 : memref<1x1x128xi32, #tpu.memory_space<vmem>> -> memref<128xi32, #tpu.memory_space<vmem>>
    %dma_wait3A_1899 = arith.constant 0 : i32
    %dma_wait3A_1900 = arith.constant 0 : i32
    %dma_wait3A_1901 = tpu.memref_slice %arg13[%dma_wait3A_1899, %dma_wait3A_1900] : memref<65696x16xf32, #tpu.memory_space<vmem_shared>> -> memref<65696x16xf32, #tpu.memory_space<vmem_shared>>
    tpu.wait_indirect_dma semaphore(%arg14 : memref<!tpu.dma_semaphore, #tpu.memory_space<semaphore_mem>>) src(%dma_wait3A_1895 : memref<128x16xf32, #tpu.memory_space<vmem>>) dst(%dma_wait3A_1901 : memref<65696x16xf32, #tpu.memory_space<vmem_shared>>)
    %dma_wait3A_1902 = arith.constant 1 : i32
    %dma_wait3A_1903 = arith.constant 1 : i32
    %dma_wait3A_1904 = arith.constant 0 : i32
    %dma_wait3A_1905 = arith.constant 0 : i32
    %dma_wait3A_1906 = arith.constant 0 : i32
    %dma_wait3A_1907 = tpu.memref_slice %arg8[%dma_wait3A_1902, %dma_wait3A_1905, %dma_wait3A_1906] : memref<2x512x16xf32, #tpu.memory_space<vmem>> -> memref<1x128x16xf32, #tpu.memory_space<vmem>>
    %dma_wait3A_1908 = tpu.memref_squeeze %dma_wait3A_1907 : memref<1x128x16xf32, #tpu.memory_space<vmem>> -> memref<128x16xf32, #tpu.memory_space<vmem>>
    %dma_wait3A_1909 = arith.constant 0 : i32
    %dma_wait3A_1910 = tpu.memref_slice %arg10[%dma_wait3A_1903, %dma_wait3A_1904, %dma_wait3A_1909] : memref<2x4x128xi32, #tpu.memory_space<vmem>> -> memref<1x1x128xi32, #tpu.memory_space<vmem>>
    %dma_wait3A_1911 = tpu.memref_squeeze %dma_wait3A_1910 : memref<1x1x128xi32, #tpu.memory_space<vmem>> -> memref<128xi32, #tpu.memory_space<vmem>>
    %dma_wait3A_1912 = arith.constant 0 : i32
    %dma_wait3A_1913 = arith.constant 0 : i32
    %dma_wait3A_1914 = tpu.memref_slice %arg13[%dma_wait3A_1912, %dma_wait3A_1913] : memref<65696x16xf32, #tpu.memory_space<vmem_shared>> -> memref<65696x16xf32, #tpu.memory_space<vmem_shared>>
    tpu.wait_indirect_dma semaphore(%arg14 : memref<!tpu.dma_semaphore, #tpu.memory_space<semaphore_mem>>) src(%dma_wait3A_1908 : memref<128x16xf32, #tpu.memory_space<vmem>>) dst(%dma_wait3A_1914 : memref<65696x16xf32, #tpu.memory_space<vmem_shared>>)
    %dma_wait3A_1915 = arith.constant 1 : i32
    %dma_wait3A_1916 = arith.constant 1 : i32
    %dma_wait3A_1917 = arith.constant 0 : i32
    %dma_wait3A_1918 = arith.constant 0 : i32
    %dma_wait3A_1919 = arith.constant 0 : i32
    %dma_wait3A_1920 = tpu.memref_slice %arg9[%dma_wait3A_1915, %dma_wait3A_1918, %dma_wait3A_1919] : memref<2x512x16xf32, #tpu.memory_space<vmem>> -> memref<1x128x16xf32, #tpu.memory_space<vmem>>
    %dma_wait3A_1921 = tpu.memref_squeeze %dma_wait3A_1920 : memref<1x128x16xf32, #tpu.memory_space<vmem>> -> memref<128x16xf32, #tpu.memory_space<vmem>>
    %dma_wait3A_1922 = arith.constant 0 : i32
    %dma_wait3A_1923 = tpu.memref_slice %arg11[%dma_wait3A_1916, %dma_wait3A_1917, %dma_wait3A_1922] : memref<2x4x128xi32, #tpu.memory_space<vmem>> -> memref<1x1x128xi32, #tpu.memory_space<vmem>>
    %dma_wait3A_1924 = tpu.memref_squeeze %dma_wait3A_1923 : memref<1x1x128xi32, #tpu.memory_space<vmem>> -> memref<128xi32, #tpu.memory_space<vmem>>
    %dma_wait3A_1925 = arith.constant 0 : i32
    %dma_wait3A_1926 = arith.constant 0 : i32
    %dma_wait3A_1927 = tpu.memref_slice %arg13[%dma_wait3A_1925, %dma_wait3A_1926] : memref<65696x16xf32, #tpu.memory_space<vmem_shared>> -> memref<65696x16xf32, #tpu.memory_space<vmem_shared>>
    tpu.wait_indirect_dma semaphore(%arg14 : memref<!tpu.dma_semaphore, #tpu.memory_space<semaphore_mem>>) src(%dma_wait3A_1921 : memref<128x16xf32, #tpu.memory_space<vmem>>) dst(%dma_wait3A_1927 : memref<65696x16xf32, #tpu.memory_space<vmem_shared>>)
    %dma_wait3A_1928 = arith.constant 1 : i32
    %dma_wait3A_1929 = arith.constant 1 : i32
    %dma_wait3A_1930 = arith.constant 1 : i32
    %dma_wait3A_1931 = arith.constant 128 : i32
    %dma_wait3A_1932 = arith.constant 0 : i32
    %dma_wait3A_1933 = tpu.memref_slice %arg8[%dma_wait3A_1928, %dma_wait3A_1931, %dma_wait3A_1932] : memref<2x512x16xf32, #tpu.memory_space<vmem>> -> memref<1x128x16xf32, #tpu.memory_space<vmem>>
    %dma_wait3A_1934 = tpu.memref_squeeze %dma_wait3A_1933 : memref<1x128x16xf32, #tpu.memory_space<vmem>> -> memref<128x16xf32, #tpu.memory_space<vmem>>
    %dma_wait3A_1935 = arith.constant 0 : i32
    %dma_wait3A_1936 = tpu.memref_slice %arg10[%dma_wait3A_1929, %dma_wait3A_1930, %dma_wait3A_1935] : memref<2x4x128xi32, #tpu.memory_space<vmem>> -> memref<1x1x128xi32, #tpu.memory_space<vmem>>
    %dma_wait3A_1937 = tpu.memref_squeeze %dma_wait3A_1936 : memref<1x1x128xi32, #tpu.memory_space<vmem>> -> memref<128xi32, #tpu.memory_space<vmem>>
    %dma_wait3A_1938 = arith.constant 0 : i32
    %dma_wait3A_1939 = arith.constant 0 : i32
    %dma_wait3A_1940 = tpu.memref_slice %arg13[%dma_wait3A_1938, %dma_wait3A_1939] : memref<65696x16xf32, #tpu.memory_space<vmem_shared>> -> memref<65696x16xf32, #tpu.memory_space<vmem_shared>>
    tpu.wait_indirect_dma semaphore(%arg14 : memref<!tpu.dma_semaphore, #tpu.memory_space<semaphore_mem>>) src(%dma_wait3A_1934 : memref<128x16xf32, #tpu.memory_space<vmem>>) dst(%dma_wait3A_1940 : memref<65696x16xf32, #tpu.memory_space<vmem_shared>>)
    %dma_wait3A_1941 = arith.constant 1 : i32
    %dma_wait3A_1942 = arith.constant 1 : i32
    %dma_wait3A_1943 = arith.constant 1 : i32
    %dma_wait3A_1944 = arith.constant 128 : i32
    %dma_wait3A_1945 = arith.constant 0 : i32
    %dma_wait3A_1946 = tpu.memref_slice %arg9[%dma_wait3A_1941, %dma_wait3A_1944, %dma_wait3A_1945] : memref<2x512x16xf32, #tpu.memory_space<vmem>> -> memref<1x128x16xf32, #tpu.memory_space<vmem>>
    %dma_wait3A_1947 = tpu.memref_squeeze %dma_wait3A_1946 : memref<1x128x16xf32, #tpu.memory_space<vmem>> -> memref<128x16xf32, #tpu.memory_space<vmem>>
    %dma_wait3A_1948 = arith.constant 0 : i32
    %dma_wait3A_1949 = tpu.memref_slice %arg11[%dma_wait3A_1942, %dma_wait3A_1943, %dma_wait3A_1948] : memref<2x4x128xi32, #tpu.memory_space<vmem>> -> memref<1x1x128xi32, #tpu.memory_space<vmem>>
    %dma_wait3A_1950 = tpu.memref_squeeze %dma_wait3A_1949 : memref<1x1x128xi32, #tpu.memory_space<vmem>> -> memref<128xi32, #tpu.memory_space<vmem>>
    %dma_wait3A_1951 = arith.constant 0 : i32
    %dma_wait3A_1952 = arith.constant 0 : i32
    %dma_wait3A_1953 = tpu.memref_slice %arg13[%dma_wait3A_1951, %dma_wait3A_1952] : memref<65696x16xf32, #tpu.memory_space<vmem_shared>> -> memref<65696x16xf32, #tpu.memory_space<vmem_shared>>
    tpu.wait_indirect_dma semaphore(%arg14 : memref<!tpu.dma_semaphore, #tpu.memory_space<semaphore_mem>>) src(%dma_wait3A_1947 : memref<128x16xf32, #tpu.memory_space<vmem>>) dst(%dma_wait3A_1953 : memref<65696x16xf32, #tpu.memory_space<vmem_shared>>)
    %dma_wait3A_1954 = arith.constant 1 : i32
    %dma_wait3A_1955 = arith.constant 1 : i32
    %dma_wait3A_1956 = arith.constant 2 : i32
    %dma_wait3A_1957 = arith.constant 256 : i32
    %dma_wait3A_1958 = arith.constant 0 : i32
    %dma_wait3A_1959 = tpu.memref_slice %arg8[%dma_wait3A_1954, %dma_wait3A_1957, %dma_wait3A_1958] : memref<2x512x16xf32, #tpu.memory_space<vmem>> -> memref<1x128x16xf32, #tpu.memory_space<vmem>>
    %dma_wait3A_1960 = tpu.memref_squeeze %dma_wait3A_1959 : memref<1x128x16xf32, #tpu.memory_space<vmem>> -> memref<128x16xf32, #tpu.memory_space<vmem>>
    %dma_wait3A_1961 = arith.constant 0 : i32
    %dma_wait3A_1962 = tpu.memref_slice %arg10[%dma_wait3A_1955, %dma_wait3A_1956, %dma_wait3A_1961] : memref<2x4x128xi32, #tpu.memory_space<vmem>> -> memref<1x1x128xi32, #tpu.memory_space<vmem>>
    %dma_wait3A_1963 = tpu.memref_squeeze %dma_wait3A_1962 : memref<1x1x128xi32, #tpu.memory_space<vmem>> -> memref<128xi32, #tpu.memory_space<vmem>>
    %dma_wait3A_1964 = arith.constant 0 : i32
    %dma_wait3A_1965 = arith.constant 0 : i32
    %dma_wait3A_1966 = tpu.memref_slice %arg13[%dma_wait3A_1964, %dma_wait3A_1965] : memref<65696x16xf32, #tpu.memory_space<vmem_shared>> -> memref<65696x16xf32, #tpu.memory_space<vmem_shared>>
    tpu.wait_indirect_dma semaphore(%arg14 : memref<!tpu.dma_semaphore, #tpu.memory_space<semaphore_mem>>) src(%dma_wait3A_1960 : memref<128x16xf32, #tpu.memory_space<vmem>>) dst(%dma_wait3A_1966 : memref<65696x16xf32, #tpu.memory_space<vmem_shared>>)
    %dma_wait3A_1967 = arith.constant 1 : i32
    %dma_wait3A_1968 = arith.constant 1 : i32
    %dma_wait3A_1969 = arith.constant 2 : i32
    %dma_wait3A_1970 = arith.constant 256 : i32
    %dma_wait3A_1971 = arith.constant 0 : i32
    %dma_wait3A_1972 = tpu.memref_slice %arg9[%dma_wait3A_1967, %dma_wait3A_1970, %dma_wait3A_1971] : memref<2x512x16xf32, #tpu.memory_space<vmem>> -> memref<1x128x16xf32, #tpu.memory_space<vmem>>
    %dma_wait3A_1973 = tpu.memref_squeeze %dma_wait3A_1972 : memref<1x128x16xf32, #tpu.memory_space<vmem>> -> memref<128x16xf32, #tpu.memory_space<vmem>>
    %dma_wait3A_1974 = arith.constant 0 : i32
    %dma_wait3A_1975 = tpu.memref_slice %arg11[%dma_wait3A_1968, %dma_wait3A_1969, %dma_wait3A_1974] : memref<2x4x128xi32, #tpu.memory_space<vmem>> -> memref<1x1x128xi32, #tpu.memory_space<vmem>>
    %dma_wait3A_1976 = tpu.memref_squeeze %dma_wait3A_1975 : memref<1x1x128xi32, #tpu.memory_space<vmem>> -> memref<128xi32, #tpu.memory_space<vmem>>
    %dma_wait3A_1977 = arith.constant 0 : i32
    %dma_wait3A_1978 = arith.constant 0 : i32
    %dma_wait3A_1979 = tpu.memref_slice %arg13[%dma_wait3A_1977, %dma_wait3A_1978] : memref<65696x16xf32, #tpu.memory_space<vmem_shared>> -> memref<65696x16xf32, #tpu.memory_space<vmem_shared>>
    tpu.wait_indirect_dma semaphore(%arg14 : memref<!tpu.dma_semaphore, #tpu.memory_space<semaphore_mem>>) src(%dma_wait3A_1973 : memref<128x16xf32, #tpu.memory_space<vmem>>) dst(%dma_wait3A_1979 : memref<65696x16xf32, #tpu.memory_space<vmem_shared>>)
    %dma_wait3A_1980 = arith.constant 1 : i32
    %dma_wait3A_1981 = arith.constant 1 : i32
    %dma_wait3A_1982 = arith.constant 3 : i32
    %dma_wait3A_1983 = arith.constant 384 : i32
    %dma_wait3A_1984 = arith.constant 0 : i32
    %dma_wait3A_1985 = tpu.memref_slice %arg8[%dma_wait3A_1980, %dma_wait3A_1983, %dma_wait3A_1984] : memref<2x512x16xf32, #tpu.memory_space<vmem>> -> memref<1x128x16xf32, #tpu.memory_space<vmem>>
    %dma_wait3A_1986 = tpu.memref_squeeze %dma_wait3A_1985 : memref<1x128x16xf32, #tpu.memory_space<vmem>> -> memref<128x16xf32, #tpu.memory_space<vmem>>
    %dma_wait3A_1987 = arith.constant 0 : i32
    %dma_wait3A_1988 = tpu.memref_slice %arg10[%dma_wait3A_1981, %dma_wait3A_1982, %dma_wait3A_1987] : memref<2x4x128xi32, #tpu.memory_space<vmem>> -> memref<1x1x128xi32, #tpu.memory_space<vmem>>
    %dma_wait3A_1989 = tpu.memref_squeeze %dma_wait3A_1988 : memref<1x1x128xi32, #tpu.memory_space<vmem>> -> memref<128xi32, #tpu.memory_space<vmem>>
    %dma_wait3A_1990 = arith.constant 0 : i32
    %dma_wait3A_1991 = arith.constant 0 : i32
    %dma_wait3A_1992 = tpu.memref_slice %arg13[%dma_wait3A_1990, %dma_wait3A_1991] : memref<65696x16xf32, #tpu.memory_space<vmem_shared>> -> memref<65696x16xf32, #tpu.memory_space<vmem_shared>>
    tpu.wait_indirect_dma semaphore(%arg14 : memref<!tpu.dma_semaphore, #tpu.memory_space<semaphore_mem>>) src(%dma_wait3A_1986 : memref<128x16xf32, #tpu.memory_space<vmem>>) dst(%dma_wait3A_1992 : memref<65696x16xf32, #tpu.memory_space<vmem_shared>>)
    %dma_wait3A_1993 = arith.constant 1 : i32
    %dma_wait3A_1994 = arith.constant 1 : i32
    %dma_wait3A_1995 = arith.constant 3 : i32
    %dma_wait3A_1996 = arith.constant 384 : i32
    %dma_wait3A_1997 = arith.constant 0 : i32
    %dma_wait3A_1998 = tpu.memref_slice %arg9[%dma_wait3A_1993, %dma_wait3A_1996, %dma_wait3A_1997] : memref<2x512x16xf32, #tpu.memory_space<vmem>> -> memref<1x128x16xf32, #tpu.memory_space<vmem>>
    %dma_wait3A_1999 = tpu.memref_squeeze %dma_wait3A_1998 : memref<1x128x16xf32, #tpu.memory_space<vmem>> -> memref<128x16xf32, #tpu.memory_space<vmem>>
    %dma_wait3A_2000 = arith.constant 0 : i32
    %dma_wait3A_2001 = tpu.memref_slice %arg11[%dma_wait3A_1994, %dma_wait3A_1995, %dma_wait3A_2000] : memref<2x4x128xi32, #tpu.memory_space<vmem>> -> memref<1x1x128xi32, #tpu.memory_space<vmem>>
    %dma_wait3A_2002 = tpu.memref_squeeze %dma_wait3A_2001 : memref<1x1x128xi32, #tpu.memory_space<vmem>> -> memref<128xi32, #tpu.memory_space<vmem>>
    %dma_wait3A_2003 = arith.constant 0 : i32
    %dma_wait3A_2004 = arith.constant 0 : i32
    %dma_wait3A_2005 = tpu.memref_slice %arg13[%dma_wait3A_2003, %dma_wait3A_2004] : memref<65696x16xf32, #tpu.memory_space<vmem_shared>> -> memref<65696x16xf32, #tpu.memory_space<vmem_shared>>
    tpu.wait_indirect_dma semaphore(%arg14 : memref<!tpu.dma_semaphore, #tpu.memory_space<semaphore_mem>>) src(%dma_wait3A_1999 : memref<128x16xf32, #tpu.memory_space<vmem>>) dst(%dma_wait3A_2005 : memref<65696x16xf32, #tpu.memory_space<vmem_shared>>)
    %barrier3A_2006 = arith.constant 0 : index
    tpu.barrier barrier_id(%barrier3A_2006)
    %mul3A_2007 = arith.constant 128 : i32
    %mul3A_2008 = arith.muli %mul3A_1015, %mul3A_2007 : i32
    %mul3A_2009 = arith.constant 4096 : i32
    %mul3A_2010 = arith.muli %arg1, %mul3A_2009 : i32
    %add3A_2011 = arith.addi %mul3A_2008, %mul3A_2010 : i32
    %mul3A_2012 = arith.constant 4096 : i32
    %mul3A_2013 = arith.muli %arg1, %mul3A_2012 : i32
    "tpu.region"() ({
      %run_scoped3A = tpu.sem_alloc : memref<!tpu.dma_semaphore, #tpu.memory_space<semaphore_mem>>
      %dma_start3A_2019 = arith.constant 0 : i32
      %dma_start3A_2020 = tpu.memref_slice %arg4[%add3A_2011, %dma_start3A_2019] : memref<262144x16xf32, #tpu.memory_space<hbm>> -> memref<4096x16xf32, #tpu.memory_space<hbm>>
      %dma_start3A_2021 = arith.constant 0 : i32
      %dma_start3A_2022 = tpu.memref_slice %arg13[%mul3A_2013, %dma_start3A_2021] : memref<65696x16xf32, #tpu.memory_space<vmem_shared>> -> memref<4096x16xf32, #tpu.memory_space<vmem_shared>>
      tpu.enqueue_dma source(%dma_start3A_2022 : memref<4096x16xf32, #tpu.memory_space<vmem_shared>>) target(%dma_start3A_2020 : memref<4096x16xf32, #tpu.memory_space<hbm>>) target_semaphore(%run_scoped3A : memref<!tpu.dma_semaphore, #tpu.memory_space<semaphore_mem>>)
      %dma_wait3A_2023 = arith.constant 0 : i32
      %dma_wait3A_2024 = tpu.memref_slice %arg4[%add3A_2011, %dma_wait3A_2023] : memref<262144x16xf32, #tpu.memory_space<hbm>> -> memref<4096x16xf32, #tpu.memory_space<hbm>>
      %dma_wait3A_2025 = arith.constant 0 : i32
      %dma_wait3A_2026 = tpu.memref_slice %arg13[%mul3A_2013, %dma_wait3A_2025] : memref<65696x16xf32, #tpu.memory_space<vmem_shared>> -> memref<4096x16xf32, #tpu.memory_space<vmem_shared>>
      tpu.wait_dma2 semaphore(%run_scoped3A : memref<!tpu.dma_semaphore, #tpu.memory_space<semaphore_mem>>) src(%dma_wait3A_2026 : memref<4096x16xf32, #tpu.memory_space<vmem_shared>>) dst(%dma_wait3A_2024 : memref<4096x16xf32, #tpu.memory_space<hbm>>)
      tpu.yield
    }) : () -> ()
    %eq3A_2014 = arith.constant 0 : i32
    %eq3A_2015 = arith.cmpi eq, %arg1, %eq3A_2014 : i32
    %convert_element_type3A_2016 = arith.extui %eq3A_2015 : i1 to i32
    %cond3A_2017 = arith.constant 0 : i32
    %cond3A_2018 = arith.cmpi ne, %convert_element_type3A_2016, %cond3A_2017 : i32
    scf.if %cond3A_2018 {
      %add3A_2019 = arith.constant 2 : i32
      %add3A_2020 = arith.addi %add3A_2019, %arg0 : i32
      %mul3A_2021 = arith.constant 32 : i32
      %mul3A_2022 = arith.muli %add3A_2020, %mul3A_2021 : i32
      "tpu.region"() ({
        %run_scoped3A = tpu.sem_alloc : memref<!tpu.dma_semaphore, #tpu.memory_space<semaphore_mem>>
        %dma_start3A_2023 = arith.constant 0 : i32
        %dma_start3A_2024 = tpu.memref_slice %arg5[%mul3A_2022, %dma_start3A_2023] : memref<128x16xf32, #tpu.memory_space<hbm>> -> memref<32x16xf32, #tpu.memory_space<hbm>>
        %dma_start3A_2025 = arith.constant 65664 : i32
        %dma_start3A_2026 = arith.constant 0 : i32
        %dma_start3A_2027 = tpu.memref_slice %arg13[%dma_start3A_2025, %dma_start3A_2026] : memref<65696x16xf32, #tpu.memory_space<vmem_shared>> -> memref<32x16xf32, #tpu.memory_space<vmem_shared>>
        tpu.enqueue_dma source(%dma_start3A_2027 : memref<32x16xf32, #tpu.memory_space<vmem_shared>>) target(%dma_start3A_2024 : memref<32x16xf32, #tpu.memory_space<hbm>>) target_semaphore(%run_scoped3A : memref<!tpu.dma_semaphore, #tpu.memory_space<semaphore_mem>>)
        %dma_wait3A_2028 = arith.constant 0 : i32
        %dma_wait3A_2029 = tpu.memref_slice %arg5[%mul3A_2022, %dma_wait3A_2028] : memref<128x16xf32, #tpu.memory_space<hbm>> -> memref<32x16xf32, #tpu.memory_space<hbm>>
        %dma_wait3A_2030 = arith.constant 65664 : i32
        %dma_wait3A_2031 = arith.constant 0 : i32
        %dma_wait3A_2032 = tpu.memref_slice %arg13[%dma_wait3A_2030, %dma_wait3A_2031] : memref<65696x16xf32, #tpu.memory_space<vmem_shared>> -> memref<32x16xf32, #tpu.memory_space<vmem_shared>>
        tpu.wait_dma2 semaphore(%run_scoped3A : memref<!tpu.dma_semaphore, #tpu.memory_space<semaphore_mem>>) src(%dma_wait3A_2032 : memref<32x16xf32, #tpu.memory_space<vmem_shared>>) dst(%dma_wait3A_2029 : memref<32x16xf32, #tpu.memory_space<hbm>>)
        tpu.yield
      }) : () -> ()
    } else {
    }
    return
  }
}

module attributes {stable_mosaic.version = 14 : i64} {
  func.func @_k0_body(%arg0: i32, %arg1: memref<4x256x256xf32, #tpu.memory_space<vmem>>, %arg2: memref<4x256x128xf32, #tpu.memory_space<vmem>>, %arg3: memref<4x256x128xf32, #tpu.memory_space<vmem>>) attributes {dimension_semantics = [#tpu.dimension_semantics<arbitrary>], iteration_bounds = array<i64: 8>, scalar_prefetch = 0 : i64, scratch_operands = 0 : i64, tpu.core_type = #tpu.core_type<tc>, window_params = [{transform_indices = @transform_0, window_bounds = array<i64: 4, 256, 256>}, {transform_indices = @transform_1, window_bounds = array<i64: 4, 256, 128>}, {transform_indices = @transform_2, window_bounds = array<i64: 4, 256, 128>}]} {
    %iota3A = tpu.iota {dimensions = array<i32: 0>} : vector<256x256xi32>
    %iota3A_0 = tpu.iota {dimensions = array<i32: 1>} : vector<256x256xi32>
    %eq3A = arith.cmpi eq, %iota3A, %iota3A_0 : vector<256x256xi32>
    %get3A = arith.constant 0 : index
    %get3A_1 = arith.constant 0 : index
    %get3A_2 = arith.constant 0 : index
    %get3A_3 = vector.load %arg1[%get3A, %get3A_1, %get3A_2] : memref<4x256x256xf32, #tpu.memory_space<vmem>>, vector<1x256x256xf32>
    %get3A_4 = vector.shape_cast %get3A_3 : vector<1x256x256xf32> to vector<256x256xf32>
    %jit3A = arith.constant 0.000000e+00 : f32
    %broadcast_in_dim3A = vector.broadcast %jit3A : f32 to vector<256x256xf32>
    %select_n3A = arith.select %eq3A, %get3A_4, %broadcast_in_dim3A : vector<256x256xi1>, vector<256x256xf32>
    %reduce_sum3A = arith.constant dense<0.000000e+00> : vector<256xf32>
    %reduce_sum3A_5 = vector.multi_reduction <add>, %select_n3A, %reduce_sum3A [1] : vector<256x256xf32> to vector<256xf32>
    %broadcast_in_dim3A_6 = vector.shape_cast %reduce_sum3A_5 : vector<256xf32> to vector<256x1xf32>
    %get3A_7 = arith.constant 0 : index
    %get3A_8 = arith.constant 0 : index
    %get3A_9 = arith.constant 0 : index
    %get3A_10 = vector.load %arg2[%get3A_7, %get3A_8, %get3A_9] : memref<4x256x128xf32, #tpu.memory_space<vmem>>, vector<1x256x128xf32>
    %get3A_11 = vector.shape_cast %get3A_10 : vector<1x256x128xf32> to vector<256x128xf32>
    %mul3A = vector.broadcast %broadcast_in_dim3A_6 : vector<256x1xf32> to vector<256x128xf32>
    %mul3A_12 = arith.mulf %mul3A, %get3A_11 : vector<256x128xf32>
    %swap3A = arith.constant 0 : index
    %swap3A_13 = arith.constant 0 : index
    %swap3A_14 = arith.constant 0 : index
    %swap3A_15 = vector.load %arg3[%swap3A, %swap3A_13, %swap3A_14] : memref<4x256x128xf32, #tpu.memory_space<vmem>>, vector<1x256x128xf32>
    %swap3A_16 = vector.shape_cast %swap3A_15 : vector<1x256x128xf32> to vector<256x128xf32>
    %swap3A_17 = vector.shape_cast %mul3A_12 : vector<256x128xf32> to vector<1x256x128xf32>
    tpu.vector_store %arg3[%swap3A, %swap3A_13, %swap3A_14], %swap3A_17 {strides = array<i32>} : memref<4x256x128xf32, #tpu.memory_space<vmem>>, vector<1x256x128xf32>,
    %eq3A_18 = arith.cmpi eq, %iota3A, %iota3A_0 : vector<256x256xi32>
    %get3A_19 = arith.constant 1 : index
    %get3A_20 = arith.constant 0 : index
    %get3A_21 = arith.constant 0 : index
    %get3A_22 = vector.load %arg1[%get3A_19, %get3A_20, %get3A_21] : memref<4x256x256xf32, #tpu.memory_space<vmem>>, vector<1x256x256xf32>
    %get3A_23 = vector.shape_cast %get3A_22 : vector<1x256x256xf32> to vector<256x256xf32>
    %jit3A_24 = arith.constant 0.000000e+00 : f32
    %broadcast_in_dim3A_25 = vector.broadcast %jit3A_24 : f32 to vector<256x256xf32>
    %select_n3A_26 = arith.select %eq3A_18, %get3A_23, %broadcast_in_dim3A_25 : vector<256x256xi1>, vector<256x256xf32>
    %reduce_sum3A_27 = arith.constant dense<0.000000e+00> : vector<256xf32>
    %reduce_sum3A_28 = vector.multi_reduction <add>, %select_n3A_26, %reduce_sum3A_27 [1] : vector<256x256xf32> to vector<256xf32>
    %broadcast_in_dim3A_29 = vector.shape_cast %reduce_sum3A_28 : vector<256xf32> to vector<256x1xf32>
    %get3A_30 = arith.constant 1 : index
    %get3A_31 = arith.constant 0 : index
    %get3A_32 = arith.constant 0 : index
    %get3A_33 = vector.load %arg2[%get3A_30, %get3A_31, %get3A_32] : memref<4x256x128xf32, #tpu.memory_space<vmem>>, vector<1x256x128xf32>
    %get3A_34 = vector.shape_cast %get3A_33 : vector<1x256x128xf32> to vector<256x128xf32>
    %mul3A_35 = vector.broadcast %broadcast_in_dim3A_29 : vector<256x1xf32> to vector<256x128xf32>
    %mul3A_36 = arith.mulf %mul3A_35, %get3A_34 : vector<256x128xf32>
    %swap3A_37 = arith.constant 1 : index
    %swap3A_38 = arith.constant 0 : index
    %swap3A_39 = arith.constant 0 : index
    %swap3A_40 = vector.load %arg3[%swap3A_37, %swap3A_38, %swap3A_39] : memref<4x256x128xf32, #tpu.memory_space<vmem>>, vector<1x256x128xf32>
    %swap3A_41 = vector.shape_cast %swap3A_40 : vector<1x256x128xf32> to vector<256x128xf32>
    %swap3A_42 = vector.shape_cast %mul3A_36 : vector<256x128xf32> to vector<1x256x128xf32>
    tpu.vector_store %arg3[%swap3A_37, %swap3A_38, %swap3A_39], %swap3A_42 {strides = array<i32>} : memref<4x256x128xf32, #tpu.memory_space<vmem>>, vector<1x256x128xf32>,
    %eq3A_43 = arith.cmpi eq, %iota3A, %iota3A_0 : vector<256x256xi32>
    %get3A_44 = arith.constant 2 : index
    %get3A_45 = arith.constant 0 : index
    %get3A_46 = arith.constant 0 : index
    %get3A_47 = vector.load %arg1[%get3A_44, %get3A_45, %get3A_46] : memref<4x256x256xf32, #tpu.memory_space<vmem>>, vector<1x256x256xf32>
    %get3A_48 = vector.shape_cast %get3A_47 : vector<1x256x256xf32> to vector<256x256xf32>
    %jit3A_49 = arith.constant 0.000000e+00 : f32
    %broadcast_in_dim3A_50 = vector.broadcast %jit3A_49 : f32 to vector<256x256xf32>
    %select_n3A_51 = arith.select %eq3A_43, %get3A_48, %broadcast_in_dim3A_50 : vector<256x256xi1>, vector<256x256xf32>
    %reduce_sum3A_52 = arith.constant dense<0.000000e+00> : vector<256xf32>
    %reduce_sum3A_53 = vector.multi_reduction <add>, %select_n3A_51, %reduce_sum3A_52 [1] : vector<256x256xf32> to vector<256xf32>
    %broadcast_in_dim3A_54 = vector.shape_cast %reduce_sum3A_53 : vector<256xf32> to vector<256x1xf32>
    %get3A_55 = arith.constant 2 : index
    %get3A_56 = arith.constant 0 : index
    %get3A_57 = arith.constant 0 : index
    %get3A_58 = vector.load %arg2[%get3A_55, %get3A_56, %get3A_57] : memref<4x256x128xf32, #tpu.memory_space<vmem>>, vector<1x256x128xf32>
    %get3A_59 = vector.shape_cast %get3A_58 : vector<1x256x128xf32> to vector<256x128xf32>
    %mul3A_60 = vector.broadcast %broadcast_in_dim3A_54 : vector<256x1xf32> to vector<256x128xf32>
    %mul3A_61 = arith.mulf %mul3A_60, %get3A_59 : vector<256x128xf32>
    %swap3A_62 = arith.constant 2 : index
    %swap3A_63 = arith.constant 0 : index
    %swap3A_64 = arith.constant 0 : index
    %swap3A_65 = vector.load %arg3[%swap3A_62, %swap3A_63, %swap3A_64] : memref<4x256x128xf32, #tpu.memory_space<vmem>>, vector<1x256x128xf32>
    %swap3A_66 = vector.shape_cast %swap3A_65 : vector<1x256x128xf32> to vector<256x128xf32>
    %swap3A_67 = vector.shape_cast %mul3A_61 : vector<256x128xf32> to vector<1x256x128xf32>
    tpu.vector_store %arg3[%swap3A_62, %swap3A_63, %swap3A_64], %swap3A_67 {strides = array<i32>} : memref<4x256x128xf32, #tpu.memory_space<vmem>>, vector<1x256x128xf32>,
    %eq3A_68 = arith.cmpi eq, %iota3A, %iota3A_0 : vector<256x256xi32>
    %get3A_69 = arith.constant 3 : index
    %get3A_70 = arith.constant 0 : index
    %get3A_71 = arith.constant 0 : index
    %get3A_72 = vector.load %arg1[%get3A_69, %get3A_70, %get3A_71] : memref<4x256x256xf32, #tpu.memory_space<vmem>>, vector<1x256x256xf32>
    %get3A_73 = vector.shape_cast %get3A_72 : vector<1x256x256xf32> to vector<256x256xf32>
    %jit3A_74 = arith.constant 0.000000e+00 : f32
    %broadcast_in_dim3A_75 = vector.broadcast %jit3A_74 : f32 to vector<256x256xf32>
    %select_n3A_76 = arith.select %eq3A_68, %get3A_73, %broadcast_in_dim3A_75 : vector<256x256xi1>, vector<256x256xf32>
    %reduce_sum3A_77 = arith.constant dense<0.000000e+00> : vector<256xf32>
    %reduce_sum3A_78 = vector.multi_reduction <add>, %select_n3A_76, %reduce_sum3A_77 [1] : vector<256x256xf32> to vector<256xf32>
    %broadcast_in_dim3A_79 = vector.shape_cast %reduce_sum3A_78 : vector<256xf32> to vector<256x1xf32>
    %get3A_80 = arith.constant 3 : index
    %get3A_81 = arith.constant 0 : index
    %get3A_82 = arith.constant 0 : index
    %get3A_83 = vector.load %arg2[%get3A_80, %get3A_81, %get3A_82] : memref<4x256x128xf32, #tpu.memory_space<vmem>>, vector<1x256x128xf32>
    %get3A_84 = vector.shape_cast %get3A_83 : vector<1x256x128xf32> to vector<256x128xf32>
    %mul3A_85 = vector.broadcast %broadcast_in_dim3A_79 : vector<256x1xf32> to vector<256x128xf32>
    %mul3A_86 = arith.mulf %mul3A_85, %get3A_84 : vector<256x128xf32>
    %swap3A_87 = arith.constant 3 : index
    %swap3A_88 = arith.constant 0 : index
    %swap3A_89 = arith.constant 0 : index
    %swap3A_90 = vector.load %arg3[%swap3A_87, %swap3A_88, %swap3A_89] : memref<4x256x128xf32, #tpu.memory_space<vmem>>, vector<1x256x128xf32>
    %swap3A_91 = vector.shape_cast %swap3A_90 : vector<1x256x128xf32> to vector<256x128xf32>
    %swap3A_92 = vector.shape_cast %mul3A_86 : vector<256x128xf32> to vector<1x256x128xf32>
    tpu.vector_store %arg3[%swap3A_87, %swap3A_88, %swap3A_89], %swap3A_92 {strides = array<i32>} : memref<4x256x128xf32, #tpu.memory_space<vmem>>, vector<1x256x128xf32>,
    return
  }
  func.func @transform_0(%arg0: i32) -> (i32, i32, i32) {
    %c0_i32 = arith.constant 0 : i32
    %c0_i32_0 = arith.constant 0 : i32
    return %c0_i32, %arg0, %arg0 : i32, i32, i32
  }
  func.func @transform_1(%arg0: i32) -> (i32, i32, i32) {
    %c0_i32 = arith.constant 0 : i32
    %c0_i32_0 = arith.constant 0 : i32
    %c0_i32_1 = arith.constant 0 : i32
    return %c0_i32, %arg0, %c0_i32_0 : i32, i32, i32
  }
  func.func @transform_2(%arg0: i32) -> (i32, i32, i32) {
    %c0_i32 = arith.constant 0 : i32
    %c0_i32_0 = arith.constant 0 : i32
    %c0_i32_1 = arith.constant 0 : i32
    return %c0_i32, %arg0, %c0_i32_0 : i32, i32, i32
  }
}

module attributes {stable_mosaic.version = 14 : i64} {
  func.func @_k1_body(%arg0: i32, %arg1: memref<4x256x2048xf32, #tpu.memory_space<vmem>>, %arg2: memref<256x2048xf32, #tpu.memory_space<vmem>>, %arg3: memref<1x2048xf32, #tpu.memory_space<vmem>>, %arg4: memref<256x1xf32, #tpu.memory_space<vmem>>, %arg5: memref<4x2048x128xf32, #tpu.memory_space<vmem>>, %arg6: memref<4x256x128xf32, #tpu.memory_space<vmem>>) attributes {dimension_semantics = [#tpu.dimension_semantics<arbitrary>], iteration_bounds = array<i64: 8>, scalar_prefetch = 0 : i64, scratch_operands = 0 : i64, tpu.core_type = #tpu.core_type<tc>, window_params = [{transform_indices = @transform_0, window_bounds = array<i64: 4, 256, 2048>}, {transform_indices = @transform_1, window_bounds = array<i64: 256, 2048>}, {pipeline_mode = #tpu.pipeline_mode<synchronous>, transform_indices = @transform_2, window_bounds = array<i64: 1, 2048>}, {transform_indices = @transform_3, window_bounds = array<i64: 256, 1>}, {pipeline_mode = #tpu.pipeline_mode<synchronous>, transform_indices = @transform_4, window_bounds = array<i64: 4, 2048, 128>}, {transform_indices = @transform_5, window_bounds = array<i64: 4, 256, 128>}]} {
    %get3A = arith.constant 0 : index
    %get3A_0 = arith.constant 0 : index
    %get3A_1 = vector.load %arg3[%get3A, %get3A_0] : memref<1x2048xf32, #tpu.memory_space<vmem>>, vector<1x2048xf32>
    %gt3A = arith.constant 0.000000e+00 : f32
    %gt3A_2 = vector.broadcast %gt3A : f32 to vector<1x2048xf32>
    %gt3A_3 = arith.cmpf ogt, %get3A_1, %gt3A_2 : vector<1x2048xf32>
    %jit3A = arith.constant 1.000000e+00 : f32
    %broadcast_in_dim3A = vector.broadcast %jit3A : f32 to vector<1x2048xf32>
    %select_n3A = arith.select %gt3A_3, %get3A_1, %broadcast_in_dim3A : vector<1x2048xi1>, vector<1x2048xf32>
    %rsqrt3A = math.rsqrt %select_n3A : vector<1x2048xf32>
    %jit3A_4 = arith.constant 0.000000e+00 : f32
    %broadcast_in_dim3A_5 = vector.broadcast %jit3A_4 : f32 to vector<1x2048xf32>
    %select_n3A_6 = arith.select %gt3A_3, %rsqrt3A, %broadcast_in_dim3A_5 : vector<1x2048xi1>, vector<1x2048xf32>
    %get3A_7 = arith.constant 0 : index
    %get3A_8 = arith.constant 0 : index
    %get3A_9 = vector.load %arg4[%get3A_7, %get3A_8] : memref<256x1xf32, #tpu.memory_space<vmem>>, vector<256x1xf32>
    %gt3A_10 = arith.constant 0.000000e+00 : f32
    %gt3A_11 = vector.broadcast %gt3A_10 : f32 to vector<256x1xf32>
    %gt3A_12 = arith.cmpf ogt, %get3A_9, %gt3A_11 : vector<256x1xf32>
    %jit3A_13 = arith.constant 1.000000e+00 : f32
    %broadcast_in_dim3A_14 = vector.broadcast %jit3A_13 : f32 to vector<256x1xf32>
    %select_n3A_15 = arith.select %gt3A_12, %get3A_9, %broadcast_in_dim3A_14 : vector<256x1xi1>, vector<256x1xf32>
    %rsqrt3A_16 = math.rsqrt %select_n3A_15 : vector<256x1xf32>
    %jit3A_17 = arith.constant 0.000000e+00 : f32
    %broadcast_in_dim3A_18 = vector.broadcast %jit3A_17 : f32 to vector<256x1xf32>
    %select_n3A_19 = arith.select %gt3A_12, %rsqrt3A_16, %broadcast_in_dim3A_18 : vector<256x1xi1>, vector<256x1xf32>
    %neg3A = arith.constant 0.000000e+00 : f32
    %neg3A_20 = vector.broadcast %neg3A : f32 to vector<256x1xf32>
    %neg3A_21 = arith.subf %neg3A_20, %select_n3A_19 : vector<256x1xf32>
    %get3A_22 = arith.constant 0 : index
    %get3A_23 = arith.constant 0 : index
    %get3A_24 = vector.load %arg4[%get3A_22, %get3A_23] : memref<256x1xf32, #tpu.memory_space<vmem>>, vector<256x1xf32>
    %add3A = arith.constant 2.000000e+00 : f32
    %add3A_25 = vector.broadcast %add3A : f32 to vector<256x1xf32>
    %add3A_26 = arith.addf %get3A_24, %add3A_25 : vector<256x1xf32>
    %div3A = arith.divf %neg3A_21, %add3A_26 : vector<256x1xf32>
    %get3A_27 = arith.constant 0 : index
    %get3A_28 = arith.constant 0 : index
    %get3A_29 = vector.load %arg2[%get3A_27, %get3A_28] : memref<256x2048xf32, #tpu.memory_space<vmem>>, vector<256x2048xf32>
    %mul3A = vector.broadcast %select_n3A_6 : vector<1x2048xf32> to vector<256x2048xf32>
    %mul3A_30 = arith.mulf %get3A_29, %mul3A : vector<256x2048xf32>
    %get3A_31 = arith.constant 0 : index
    %get3A_32 = arith.constant 0 : index
    %get3A_33 = arith.constant 0 : index
    %get3A_34 = vector.load %arg1[%get3A_31, %get3A_32, %get3A_33] : memref<4x256x2048xf32, #tpu.memory_space<vmem>>, vector<1x256x2048xf32>
    %get3A_35 = vector.shape_cast %get3A_34 : vector<1x256x2048xf32> to vector<256x2048xf32>
    %mul3A_36 = arith.mulf %get3A_35, %mul3A_30 : vector<256x2048xf32>
    %get3A_37 = arith.constant 0 : index
    %get3A_38 = arith.constant 0 : index
    %get3A_39 = arith.constant 0 : index
    %get3A_40 = vector.load %arg5[%get3A_37, %get3A_38, %get3A_39] : memref<4x2048x128xf32, #tpu.memory_space<vmem>>, vector<1x2048x128xf32>
    %get3A_41 = vector.shape_cast %get3A_40 : vector<1x2048x128xf32> to vector<2048x128xf32>
    %dot_general3A = arith.constant dense<0.000000e+00> : vector<256x128xf32>
    %dot_general3A_42 = tpu.matmul %mul3A_36, %get3A_41, %dot_general3A {dimension_numbers = #tpu.dot_dimension_numbers<[1], [0], [0], [1], [0, 0, 1, 1], [], []>, transpose_lhs_hint = false} : vector<256x2048xf32>, vector<2048x128xf32>, vector<256x128xf32> -> vector<256x128xf32>
    %mul3A_43 = vector.broadcast %div3A : vector<256x1xf32> to vector<256x128xf32>
    %mul3A_44 = arith.mulf %mul3A_43, %dot_general3A_42 : vector<256x128xf32>
    %swap3A = arith.constant 0 : index
    %swap3A_45 = arith.constant 0 : index
    %swap3A_46 = arith.constant 0 : index
    %swap3A_47 = vector.load %arg6[%swap3A, %swap3A_45, %swap3A_46] : memref<4x256x128xf32, #tpu.memory_space<vmem>>, vector<1x256x128xf32>
    %swap3A_48 = vector.shape_cast %swap3A_47 : vector<1x256x128xf32> to vector<256x128xf32>
    %swap3A_49 = vector.shape_cast %mul3A_44 : vector<256x128xf32> to vector<1x256x128xf32>
    tpu.vector_store %arg6[%swap3A, %swap3A_45, %swap3A_46], %swap3A_49 {strides = array<i32>} : memref<4x256x128xf32, #tpu.memory_space<vmem>>, vector<1x256x128xf32>,
    %get3A_50 = arith.constant 1 : index
    %get3A_51 = arith.constant 0 : index
    %get3A_52 = arith.constant 0 : index
    %get3A_53 = vector.load %arg1[%get3A_50, %get3A_51, %get3A_52] : memref<4x256x2048xf32, #tpu.memory_space<vmem>>, vector<1x256x2048xf32>
    %get3A_54 = vector.shape_cast %get3A_53 : vector<1x256x2048xf32> to vector<256x2048xf32>
    %mul3A_55 = arith.mulf %get3A_54, %mul3A_30 : vector<256x2048xf32>
    %get3A_56 = arith.constant 1 : index
    %get3A_57 = arith.constant 0 : index
    %get3A_58 = arith.constant 0 : index
    %get3A_59 = vector.load %arg5[%get3A_56, %get3A_57, %get3A_58] : memref<4x2048x128xf32, #tpu.memory_space<vmem>>, vector<1x2048x128xf32>
    %get3A_60 = vector.shape_cast %get3A_59 : vector<1x2048x128xf32> to vector<2048x128xf32>
    %dot_general3A_61 = arith.constant dense<0.000000e+00> : vector<256x128xf32>
    %dot_general3A_62 = tpu.matmul %mul3A_55, %get3A_60, %dot_general3A_61 {dimension_numbers = #tpu.dot_dimension_numbers<[1], [0], [0], [1], [0, 0, 1, 1], [], []>, transpose_lhs_hint = false} : vector<256x2048xf32>, vector<2048x128xf32>, vector<256x128xf32> -> vector<256x128xf32>
    %mul3A_63 = vector.broadcast %div3A : vector<256x1xf32> to vector<256x128xf32>
    %mul3A_64 = arith.mulf %mul3A_63, %dot_general3A_62 : vector<256x128xf32>
    %swap3A_65 = arith.constant 1 : index
    %swap3A_66 = arith.constant 0 : index
    %swap3A_67 = arith.constant 0 : index
    %swap3A_68 = vector.load %arg6[%swap3A_65, %swap3A_66, %swap3A_67] : memref<4x256x128xf32, #tpu.memory_space<vmem>>, vector<1x256x128xf32>
    %swap3A_69 = vector.shape_cast %swap3A_68 : vector<1x256x128xf32> to vector<256x128xf32>
    %swap3A_70 = vector.shape_cast %mul3A_64 : vector<256x128xf32> to vector<1x256x128xf32>
    tpu.vector_store %arg6[%swap3A_65, %swap3A_66, %swap3A_67], %swap3A_70 {strides = array<i32>} : memref<4x256x128xf32, #tpu.memory_space<vmem>>, vector<1x256x128xf32>,
    %get3A_71 = arith.constant 2 : index
    %get3A_72 = arith.constant 0 : index
    %get3A_73 = arith.constant 0 : index
    %get3A_74 = vector.load %arg1[%get3A_71, %get3A_72, %get3A_73] : memref<4x256x2048xf32, #tpu.memory_space<vmem>>, vector<1x256x2048xf32>
    %get3A_75 = vector.shape_cast %get3A_74 : vector<1x256x2048xf32> to vector<256x2048xf32>
    %mul3A_76 = arith.mulf %get3A_75, %mul3A_30 : vector<256x2048xf32>
    %get3A_77 = arith.constant 2 : index
    %get3A_78 = arith.constant 0 : index
    %get3A_79 = arith.constant 0 : index
    %get3A_80 = vector.load %arg5[%get3A_77, %get3A_78, %get3A_79] : memref<4x2048x128xf32, #tpu.memory_space<vmem>>, vector<1x2048x128xf32>
    %get3A_81 = vector.shape_cast %get3A_80 : vector<1x2048x128xf32> to vector<2048x128xf32>
    %dot_general3A_82 = arith.constant dense<0.000000e+00> : vector<256x128xf32>
    %dot_general3A_83 = tpu.matmul %mul3A_76, %get3A_81, %dot_general3A_82 {dimension_numbers = #tpu.dot_dimension_numbers<[1], [0], [0], [1], [0, 0, 1, 1], [], []>, transpose_lhs_hint = false} : vector<256x2048xf32>, vector<2048x128xf32>, vector<256x128xf32> -> vector<256x128xf32>
    %mul3A_84 = vector.broadcast %div3A : vector<256x1xf32> to vector<256x128xf32>
    %mul3A_85 = arith.mulf %mul3A_84, %dot_general3A_83 : vector<256x128xf32>
    %swap3A_86 = arith.constant 2 : index
    %swap3A_87 = arith.constant 0 : index
    %swap3A_88 = arith.constant 0 : index
    %swap3A_89 = vector.load %arg6[%swap3A_86, %swap3A_87, %swap3A_88] : memref<4x256x128xf32, #tpu.memory_space<vmem>>, vector<1x256x128xf32>
    %swap3A_90 = vector.shape_cast %swap3A_89 : vector<1x256x128xf32> to vector<256x128xf32>
    %swap3A_91 = vector.shape_cast %mul3A_85 : vector<256x128xf32> to vector<1x256x128xf32>
    tpu.vector_store %arg6[%swap3A_86, %swap3A_87, %swap3A_88], %swap3A_91 {strides = array<i32>} : memref<4x256x128xf32, #tpu.memory_space<vmem>>, vector<1x256x128xf32>,
    %get3A_92 = arith.constant 3 : index
    %get3A_93 = arith.constant 0 : index
    %get3A_94 = arith.constant 0 : index
    %get3A_95 = vector.load %arg1[%get3A_92, %get3A_93, %get3A_94] : memref<4x256x2048xf32, #tpu.memory_space<vmem>>, vector<1x256x2048xf32>
    %get3A_96 = vector.shape_cast %get3A_95 : vector<1x256x2048xf32> to vector<256x2048xf32>
    %mul3A_97 = arith.mulf %get3A_96, %mul3A_30 : vector<256x2048xf32>
    %get3A_98 = arith.constant 3 : index
    %get3A_99 = arith.constant 0 : index
    %get3A_100 = arith.constant 0 : index
    %get3A_101 = vector.load %arg5[%get3A_98, %get3A_99, %get3A_100] : memref<4x2048x128xf32, #tpu.memory_space<vmem>>, vector<1x2048x128xf32>
    %get3A_102 = vector.shape_cast %get3A_101 : vector<1x2048x128xf32> to vector<2048x128xf32>
    %dot_general3A_103 = arith.constant dense<0.000000e+00> : vector<256x128xf32>
    %dot_general3A_104 = tpu.matmul %mul3A_97, %get3A_102, %dot_general3A_103 {dimension_numbers = #tpu.dot_dimension_numbers<[1], [0], [0], [1], [0, 0, 1, 1], [], []>, transpose_lhs_hint = false} : vector<256x2048xf32>, vector<2048x128xf32>, vector<256x128xf32> -> vector<256x128xf32>
    %mul3A_105 = vector.broadcast %div3A : vector<256x1xf32> to vector<256x128xf32>
    %mul3A_106 = arith.mulf %mul3A_105, %dot_general3A_104 : vector<256x128xf32>
    %swap3A_107 = arith.constant 3 : index
    %swap3A_108 = arith.constant 0 : index
    %swap3A_109 = arith.constant 0 : index
    %swap3A_110 = vector.load %arg6[%swap3A_107, %swap3A_108, %swap3A_109] : memref<4x256x128xf32, #tpu.memory_space<vmem>>, vector<1x256x128xf32>
    %swap3A_111 = vector.shape_cast %swap3A_110 : vector<1x256x128xf32> to vector<256x128xf32>
    %swap3A_112 = vector.shape_cast %mul3A_106 : vector<256x128xf32> to vector<1x256x128xf32>
    tpu.vector_store %arg6[%swap3A_107, %swap3A_108, %swap3A_109], %swap3A_112 {strides = array<i32>} : memref<4x256x128xf32, #tpu.memory_space<vmem>>, vector<1x256x128xf32>,
    return
  }
  func.func @transform_0(%arg0: i32) -> (i32, i32, i32) {
    %c0_i32 = arith.constant 0 : i32
    %c0_i32_0 = arith.constant 0 : i32
    %c0_i32_1 = arith.constant 0 : i32
    return %c0_i32, %arg0, %c0_i32_0 : i32, i32, i32
  }
  func.func @transform_1(%arg0: i32) -> (i32, i32) {
    %c0_i32 = arith.constant 0 : i32
    %c0_i32_0 = arith.constant 0 : i32
    return %arg0, %c0_i32 : i32, i32
  }
  func.func @transform_2(%arg0: i32) -> (i32, i32) {
    %c0_i32 = arith.constant 0 : i32
    %c0_i32_0 = arith.constant 0 : i32
    %c0_i32_1 = arith.constant 0 : i32
    return %c0_i32, %c0_i32_0 : i32, i32
  }
  func.func @transform_3(%arg0: i32) -> (i32, i32) {
    %c0_i32 = arith.constant 0 : i32
    %c0_i32_0 = arith.constant 0 : i32
    return %arg0, %c0_i32 : i32, i32
  }
  func.func @transform_4(%arg0: i32) -> (i32, i32, i32) {
    %c0_i32 = arith.constant 0 : i32
    %c0_i32_0 = arith.constant 0 : i32
    %c0_i32_1 = arith.constant 0 : i32
    %c0_i32_2 = arith.constant 0 : i32
    return %c0_i32, %c0_i32_0, %c0_i32_1 : i32, i32, i32
  }
  func.func @transform_5(%arg0: i32) -> (i32, i32, i32) {
    %c0_i32 = arith.constant 0 : i32
    %c0_i32_0 = arith.constant 0 : i32
    %c0_i32_1 = arith.constant 0 : i32
    return %c0_i32, %arg0, %c0_i32_0 : i32, i32, i32
  }
}

module attributes {stable_mosaic.version = 14 : i64} {
  func.func @_k2_body(%arg0: i32, %arg1: memref<256x2048xf32, #tpu.memory_space<vmem>>, %arg2: memref<1x2048xf32, #tpu.memory_space<vmem>>, %arg3: memref<256x1xf32, #tpu.memory_space<vmem>>, %arg4: memref<4x2048x128xf32, #tpu.memory_space<vmem>>, %arg5: memref<4x256x128xf32, #tpu.memory_space<vmem>>, %arg6: memref<4x256x128xf32, #tpu.memory_space<vmem>>, %arg7: memref<3x128x128xf32, #tpu.memory_space<vmem>>, %arg8: memref<1x128xf32, #tpu.memory_space<vmem>>, %arg9: memref<4x256x128xf32, #tpu.memory_space<vmem>>) attributes {dimension_semantics = [#tpu.dimension_semantics<arbitrary>], iteration_bounds = array<i64: 8>, scalar_prefetch = 0 : i64, scratch_operands = 0 : i64, tpu.core_type = #tpu.core_type<tc>, window_params = [{transform_indices = @transform_0, window_bounds = array<i64: 256, 2048>}, {pipeline_mode = #tpu.pipeline_mode<synchronous>, transform_indices = @transform_1, window_bounds = array<i64: 1, 2048>}, {transform_indices = @transform_2, window_bounds = array<i64: 256, 1>}, {pipeline_mode = #tpu.pipeline_mode<synchronous>, transform_indices = @transform_3, window_bounds = array<i64: 4, 2048, 128>}, {transform_indices = @transform_4, window_bounds = array<i64: 4, 256, 128>}, {transform_indices = @transform_5, window_bounds = array<i64: 4, 256, 128>}, {pipeline_mode = #tpu.pipeline_mode<synchronous>, transform_indices = @transform_6, window_bounds = array<i64: 3, 128, 128>}, {pipeline_mode = #tpu.pipeline_mode<synchronous>, transform_indices = @transform_7, window_bounds = array<i64: 1, 128>}, {transform_indices = @transform_8, window_bounds = array<i64: 4, 256, 128>}]} {
    %get3A = arith.constant 0 : index
    %get3A_0 = arith.constant 0 : index
    %get3A_1 = vector.load %arg2[%get3A, %get3A_0] : memref<1x2048xf32, #tpu.memory_space<vmem>>, vector<1x2048xf32>
    %gt3A = arith.constant 0.000000e+00 : f32
    %gt3A_2 = vector.broadcast %gt3A : f32 to vector<1x2048xf32>
    %gt3A_3 = arith.cmpf ogt, %get3A_1, %gt3A_2 : vector<1x2048xf32>
    %jit3A = arith.constant 1.000000e+00 : f32
    %broadcast_in_dim3A = vector.broadcast %jit3A : f32 to vector<1x2048xf32>
    %select_n3A = arith.select %gt3A_3, %get3A_1, %broadcast_in_dim3A : vector<1x2048xi1>, vector<1x2048xf32>
    %rsqrt3A = math.rsqrt %select_n3A : vector<1x2048xf32>
    %jit3A_4 = arith.constant 0.000000e+00 : f32
    %broadcast_in_dim3A_5 = vector.broadcast %jit3A_4 : f32 to vector<1x2048xf32>
    %select_n3A_6 = arith.select %gt3A_3, %rsqrt3A, %broadcast_in_dim3A_5 : vector<1x2048xi1>, vector<1x2048xf32>
    %get3A_7 = arith.constant 0 : index
    %get3A_8 = arith.constant 0 : index
    %get3A_9 = vector.load %arg3[%get3A_7, %get3A_8] : memref<256x1xf32, #tpu.memory_space<vmem>>, vector<256x1xf32>
    %gt3A_10 = arith.constant 0.000000e+00 : f32
    %gt3A_11 = vector.broadcast %gt3A_10 : f32 to vector<256x1xf32>
    %gt3A_12 = arith.cmpf ogt, %get3A_9, %gt3A_11 : vector<256x1xf32>
    %jit3A_13 = arith.constant 1.000000e+00 : f32
    %broadcast_in_dim3A_14 = vector.broadcast %jit3A_13 : f32 to vector<256x1xf32>
    %select_n3A_15 = arith.select %gt3A_12, %get3A_9, %broadcast_in_dim3A_14 : vector<256x1xi1>, vector<256x1xf32>
    %rsqrt3A_16 = math.rsqrt %select_n3A_15 : vector<256x1xf32>
    %jit3A_17 = arith.constant 0.000000e+00 : f32
    %broadcast_in_dim3A_18 = vector.broadcast %jit3A_17 : f32 to vector<256x1xf32>
    %select_n3A_19 = arith.select %gt3A_12, %rsqrt3A_16, %broadcast_in_dim3A_18 : vector<256x1xi1>, vector<256x1xf32>
    %mul3A = arith.constant -2.000000e+00 : f32
    %mul3A_20 = vector.broadcast %mul3A : f32 to vector<256x1xf32>
    %mul3A_21 = arith.mulf %mul3A_20, %select_n3A_19 : vector<256x1xf32>
    %get3A_22 = arith.constant 0 : index
    %get3A_23 = arith.constant 0 : index
    %get3A_24 = vector.load %arg3[%get3A_22, %get3A_23] : memref<256x1xf32, #tpu.memory_space<vmem>>, vector<256x1xf32>
    %add3A = arith.constant 2.000000e+00 : f32
    %add3A_25 = vector.broadcast %add3A : f32 to vector<256x1xf32>
    %add3A_26 = arith.addf %get3A_24, %add3A_25 : vector<256x1xf32>
    %div3A = arith.divf %mul3A_21, %add3A_26 : vector<256x1xf32>
    %get3A_27 = arith.constant 0 : index
    %get3A_28 = arith.constant 0 : index
    %get3A_29 = vector.load %arg1[%get3A_27, %get3A_28] : memref<256x2048xf32, #tpu.memory_space<vmem>>, vector<256x2048xf32>
    %mul3A_30 = vector.broadcast %select_n3A_6 : vector<1x2048xf32> to vector<256x2048xf32>
    %mul3A_31 = arith.mulf %get3A_29, %mul3A_30 : vector<256x2048xf32>
    %get3A_32 = arith.constant 0 : index
    %get3A_33 = arith.constant 0 : index
    %get3A_34 = arith.constant 0 : index
    %get3A_35 = vector.load %arg4[%get3A_32, %get3A_33, %get3A_34] : memref<4x2048x128xf32, #tpu.memory_space<vmem>>, vector<1x2048x128xf32>
    %get3A_36 = vector.shape_cast %get3A_35 : vector<1x2048x128xf32> to vector<2048x128xf32>
    %dot_general3A = arith.constant dense<0.000000e+00> : vector<256x128xf32>
    %dot_general3A_37 = tpu.matmul %mul3A_31, %get3A_36, %dot_general3A {dimension_numbers = #tpu.dot_dimension_numbers<[1], [0], [0], [1], [0, 0, 1, 1], [], []>, transpose_lhs_hint = false} : vector<256x2048xf32>, vector<2048x128xf32>, vector<256x128xf32> -> vector<256x128xf32>
    %mul3A_38 = vector.broadcast %div3A : vector<256x1xf32> to vector<256x128xf32>
    %mul3A_39 = arith.mulf %mul3A_38, %dot_general3A_37 : vector<256x128xf32>
    %get3A_40 = arith.constant 0 : index
    %get3A_41 = arith.constant 0 : index
    %get3A_42 = arith.constant 0 : index
    %get3A_43 = vector.load %arg5[%get3A_40, %get3A_41, %get3A_42] : memref<4x256x128xf32, #tpu.memory_space<vmem>>, vector<1x256x128xf32>
    %get3A_44 = vector.shape_cast %get3A_43 : vector<1x256x128xf32> to vector<256x128xf32>
    %sub3A = arith.subf %mul3A_39, %get3A_44 : vector<256x128xf32>
    %get3A_45 = arith.constant 0 : index
    %get3A_46 = arith.constant 0 : index
    %get3A_47 = arith.constant 0 : index
    %get3A_48 = vector.load %arg5[%get3A_45, %get3A_46, %get3A_47] : memref<4x256x128xf32, #tpu.memory_space<vmem>>, vector<1x256x128xf32>
    %get3A_49 = vector.shape_cast %get3A_48 : vector<1x256x128xf32> to vector<256x128xf32>
    %get3A_50 = arith.constant 0 : index
    %get3A_51 = arith.constant 0 : index
    %get3A_52 = arith.constant 0 : index
    %get3A_53 = vector.load %arg7[%get3A_50, %get3A_51, %get3A_52] : memref<3x128x128xf32, #tpu.memory_space<vmem>>, vector<1x128x128xf32>
    %get3A_54 = vector.shape_cast %get3A_53 : vector<1x128x128xf32> to vector<128x128xf32>
    %dot_general3A_55 = arith.constant dense<0.000000e+00> : vector<256x128xf32>
    %dot_general3A_56 = tpu.matmul %get3A_49, %get3A_54, %dot_general3A_55 {dimension_numbers = #tpu.dot_dimension_numbers<[1], [0], [0], [1], [0, 0, 1, 1], [], []>, transpose_lhs_hint = false} : vector<256x128xf32>, vector<128x128xf32>, vector<256x128xf32> -> vector<256x128xf32>
    %get3A_57 = arith.constant 0 : index
    %get3A_58 = arith.constant 0 : index
    %get3A_59 = arith.constant 0 : index
    %get3A_60 = vector.load %arg6[%get3A_57, %get3A_58, %get3A_59] : memref<4x256x128xf32, #tpu.memory_space<vmem>>, vector<1x256x128xf32>
    %get3A_61 = vector.shape_cast %get3A_60 : vector<1x256x128xf32> to vector<256x128xf32>
    %get3A_62 = arith.constant 1 : index
    %get3A_63 = arith.constant 0 : index
    %get3A_64 = arith.constant 0 : index
    %get3A_65 = vector.load %arg7[%get3A_62, %get3A_63, %get3A_64] : memref<3x128x128xf32, #tpu.memory_space<vmem>>, vector<1x128x128xf32>
    %get3A_66 = vector.shape_cast %get3A_65 : vector<1x128x128xf32> to vector<128x128xf32>
    %dot_general3A_67 = arith.constant dense<0.000000e+00> : vector<256x128xf32>
    %dot_general3A_68 = tpu.matmul %get3A_61, %get3A_66, %dot_general3A_67 {dimension_numbers = #tpu.dot_dimension_numbers<[1], [0], [0], [1], [0, 0, 1, 1], [], []>, transpose_lhs_hint = false} : vector<256x128xf32>, vector<128x128xf32>, vector<256x128xf32> -> vector<256x128xf32>
    %add3A_69 = arith.addf %dot_general3A_56, %dot_general3A_68 : vector<256x128xf32>
    %get3A_70 = arith.constant 2 : index
    %get3A_71 = arith.constant 0 : index
    %get3A_72 = arith.constant 0 : index
    %get3A_73 = vector.load %arg7[%get3A_70, %get3A_71, %get3A_72] : memref<3x128x128xf32, #tpu.memory_space<vmem>>, vector<1x128x128xf32>
    %get3A_74 = vector.shape_cast %get3A_73 : vector<1x128x128xf32> to vector<128x128xf32>
    %dot_general3A_75 = arith.constant dense<0.000000e+00> : vector<256x128xf32>
    %dot_general3A_76 = tpu.matmul %sub3A, %get3A_74, %dot_general3A_75 {dimension_numbers = #tpu.dot_dimension_numbers<[1], [0], [0], [1], [0, 0, 1, 1], [], []>, transpose_lhs_hint = false} : vector<256x128xf32>, vector<128x128xf32>, vector<256x128xf32> -> vector<256x128xf32>
    %add3A_77 = arith.addf %add3A_69, %dot_general3A_76 : vector<256x128xf32>
    %get3A_78 = arith.constant 0 : index
    %get3A_79 = arith.constant 0 : index
    %get3A_80 = vector.load %arg8[%get3A_78, %get3A_79] : memref<1x128xf32, #tpu.memory_space<vmem>>, vector<1x128xf32>
    %add3A_81 = vector.broadcast %get3A_80 : vector<1x128xf32> to vector<256x128xf32>
    %add3A_82 = arith.addf %add3A_77, %add3A_81 : vector<256x128xf32>
    %swap3A = arith.constant 0 : index
    %swap3A_83 = arith.constant 0 : index
    %swap3A_84 = arith.constant 0 : index
    %swap3A_85 = vector.load %arg9[%swap3A, %swap3A_83, %swap3A_84] : memref<4x256x128xf32, #tpu.memory_space<vmem>>, vector<1x256x128xf32>
    %swap3A_86 = vector.shape_cast %swap3A_85 : vector<1x256x128xf32> to vector<256x128xf32>
    %swap3A_87 = vector.shape_cast %add3A_82 : vector<256x128xf32> to vector<1x256x128xf32>
    tpu.vector_store %arg9[%swap3A, %swap3A_83, %swap3A_84], %swap3A_87 {strides = array<i32>} : memref<4x256x128xf32, #tpu.memory_space<vmem>>, vector<1x256x128xf32>,
    %get3A_88 = arith.constant 1 : index
    %get3A_89 = arith.constant 0 : index
    %get3A_90 = arith.constant 0 : index
    %get3A_91 = vector.load %arg4[%get3A_88, %get3A_89, %get3A_90] : memref<4x2048x128xf32, #tpu.memory_space<vmem>>, vector<1x2048x128xf32>
    %get3A_92 = vector.shape_cast %get3A_91 : vector<1x2048x128xf32> to vector<2048x128xf32>
    %dot_general3A_93 = arith.constant dense<0.000000e+00> : vector<256x128xf32>
    %dot_general3A_94 = tpu.matmul %mul3A_31, %get3A_92, %dot_general3A_93 {dimension_numbers = #tpu.dot_dimension_numbers<[1], [0], [0], [1], [0, 0, 1, 1], [], []>, transpose_lhs_hint = false} : vector<256x2048xf32>, vector<2048x128xf32>, vector<256x128xf32> -> vector<256x128xf32>
    %mul3A_95 = vector.broadcast %div3A : vector<256x1xf32> to vector<256x128xf32>
    %mul3A_96 = arith.mulf %mul3A_95, %dot_general3A_94 : vector<256x128xf32>
    %get3A_97 = arith.constant 1 : index
    %get3A_98 = arith.constant 0 : index
    %get3A_99 = arith.constant 0 : index
    %get3A_100 = vector.load %arg5[%get3A_97, %get3A_98, %get3A_99] : memref<4x256x128xf32, #tpu.memory_space<vmem>>, vector<1x256x128xf32>
    %get3A_101 = vector.shape_cast %get3A_100 : vector<1x256x128xf32> to vector<256x128xf32>
    %sub3A_102 = arith.subf %mul3A_96, %get3A_101 : vector<256x128xf32>
    %get3A_103 = arith.constant 1 : index
    %get3A_104 = arith.constant 0 : index
    %get3A_105 = arith.constant 0 : index
    %get3A_106 = vector.load %arg5[%get3A_103, %get3A_104, %get3A_105] : memref<4x256x128xf32, #tpu.memory_space<vmem>>, vector<1x256x128xf32>
    %get3A_107 = vector.shape_cast %get3A_106 : vector<1x256x128xf32> to vector<256x128xf32>
    %get3A_108 = arith.constant 0 : index
    %get3A_109 = arith.constant 0 : index
    %get3A_110 = arith.constant 0 : index
    %get3A_111 = vector.load %arg7[%get3A_108, %get3A_109, %get3A_110] : memref<3x128x128xf32, #tpu.memory_space<vmem>>, vector<1x128x128xf32>
    %get3A_112 = vector.shape_cast %get3A_111 : vector<1x128x128xf32> to vector<128x128xf32>
    %dot_general3A_113 = arith.constant dense<0.000000e+00> : vector<256x128xf32>
    %dot_general3A_114 = tpu.matmul %get3A_107, %get3A_112, %dot_general3A_113 {dimension_numbers = #tpu.dot_dimension_numbers<[1], [0], [0], [1], [0, 0, 1, 1], [], []>, transpose_lhs_hint = false} : vector<256x128xf32>, vector<128x128xf32>, vector<256x128xf32> -> vector<256x128xf32>
    %get3A_115 = arith.constant 1 : index
    %get3A_116 = arith.constant 0 : index
    %get3A_117 = arith.constant 0 : index
    %get3A_118 = vector.load %arg6[%get3A_115, %get3A_116, %get3A_117] : memref<4x256x128xf32, #tpu.memory_space<vmem>>, vector<1x256x128xf32>
    %get3A_119 = vector.shape_cast %get3A_118 : vector<1x256x128xf32> to vector<256x128xf32>
    %get3A_120 = arith.constant 1 : index
    %get3A_121 = arith.constant 0 : index
    %get3A_122 = arith.constant 0 : index
    %get3A_123 = vector.load %arg7[%get3A_120, %get3A_121, %get3A_122] : memref<3x128x128xf32, #tpu.memory_space<vmem>>, vector<1x128x128xf32>
    %get3A_124 = vector.shape_cast %get3A_123 : vector<1x128x128xf32> to vector<128x128xf32>
    %dot_general3A_125 = arith.constant dense<0.000000e+00> : vector<256x128xf32>
    %dot_general3A_126 = tpu.matmul %get3A_119, %get3A_124, %dot_general3A_125 {dimension_numbers = #tpu.dot_dimension_numbers<[1], [0], [0], [1], [0, 0, 1, 1], [], []>, transpose_lhs_hint = false} : vector<256x128xf32>, vector<128x128xf32>, vector<256x128xf32> -> vector<256x128xf32>
    %add3A_127 = arith.addf %dot_general3A_114, %dot_general3A_126 : vector<256x128xf32>
    %get3A_128 = arith.constant 2 : index
    %get3A_129 = arith.constant 0 : index
    %get3A_130 = arith.constant 0 : index
    %get3A_131 = vector.load %arg7[%get3A_128, %get3A_129, %get3A_130] : memref<3x128x128xf32, #tpu.memory_space<vmem>>, vector<1x128x128xf32>
    %get3A_132 = vector.shape_cast %get3A_131 : vector<1x128x128xf32> to vector<128x128xf32>
    %dot_general3A_133 = arith.constant dense<0.000000e+00> : vector<256x128xf32>
    %dot_general3A_134 = tpu.matmul %sub3A_102, %get3A_132, %dot_general3A_133 {dimension_numbers = #tpu.dot_dimension_numbers<[1], [0], [0], [1], [0, 0, 1, 1], [], []>, transpose_lhs_hint = false} : vector<256x128xf32>, vector<128x128xf32>, vector<256x128xf32> -> vector<256x128xf32>
    %add3A_135 = arith.addf %add3A_127, %dot_general3A_134 : vector<256x128xf32>
    %get3A_136 = arith.constant 0 : index
    %get3A_137 = arith.constant 0 : index
    %get3A_138 = vector.load %arg8[%get3A_136, %get3A_137] : memref<1x128xf32, #tpu.memory_space<vmem>>, vector<1x128xf32>
    %add3A_139 = vector.broadcast %get3A_138 : vector<1x128xf32> to vector<256x128xf32>
    %add3A_140 = arith.addf %add3A_135, %add3A_139 : vector<256x128xf32>
    %swap3A_141 = arith.constant 1 : index
    %swap3A_142 = arith.constant 0 : index
    %swap3A_143 = arith.constant 0 : index
    %swap3A_144 = vector.load %arg9[%swap3A_141, %swap3A_142, %swap3A_143] : memref<4x256x128xf32, #tpu.memory_space<vmem>>, vector<1x256x128xf32>
    %swap3A_145 = vector.shape_cast %swap3A_144 : vector<1x256x128xf32> to vector<256x128xf32>
    %swap3A_146 = vector.shape_cast %add3A_140 : vector<256x128xf32> to vector<1x256x128xf32>
    tpu.vector_store %arg9[%swap3A_141, %swap3A_142, %swap3A_143], %swap3A_146 {strides = array<i32>} : memref<4x256x128xf32, #tpu.memory_space<vmem>>, vector<1x256x128xf32>,
    %get3A_147 = arith.constant 2 : index
    %get3A_148 = arith.constant 0 : index
    %get3A_149 = arith.constant 0 : index
    %get3A_150 = vector.load %arg4[%get3A_147, %get3A_148, %get3A_149] : memref<4x2048x128xf32, #tpu.memory_space<vmem>>, vector<1x2048x128xf32>
    %get3A_151 = vector.shape_cast %get3A_150 : vector<1x2048x128xf32> to vector<2048x128xf32>
    %dot_general3A_152 = arith.constant dense<0.000000e+00> : vector<256x128xf32>
    %dot_general3A_153 = tpu.matmul %mul3A_31, %get3A_151, %dot_general3A_152 {dimension_numbers = #tpu.dot_dimension_numbers<[1], [0], [0], [1], [0, 0, 1, 1], [], []>, transpose_lhs_hint = false} : vector<256x2048xf32>, vector<2048x128xf32>, vector<256x128xf32> -> vector<256x128xf32>
    %mul3A_154 = vector.broadcast %div3A : vector<256x1xf32> to vector<256x128xf32>
    %mul3A_155 = arith.mulf %mul3A_154, %dot_general3A_153 : vector<256x128xf32>
    %get3A_156 = arith.constant 2 : index
    %get3A_157 = arith.constant 0 : index
    %get3A_158 = arith.constant 0 : index
    %get3A_159 = vector.load %arg5[%get3A_156, %get3A_157, %get3A_158] : memref<4x256x128xf32, #tpu.memory_space<vmem>>, vector<1x256x128xf32>
    %get3A_160 = vector.shape_cast %get3A_159 : vector<1x256x128xf32> to vector<256x128xf32>
    %sub3A_161 = arith.subf %mul3A_155, %get3A_160 : vector<256x128xf32>
    %get3A_162 = arith.constant 2 : index
    %get3A_163 = arith.constant 0 : index
    %get3A_164 = arith.constant 0 : index
    %get3A_165 = vector.load %arg5[%get3A_162, %get3A_163, %get3A_164] : memref<4x256x128xf32, #tpu.memory_space<vmem>>, vector<1x256x128xf32>
    %get3A_166 = vector.shape_cast %get3A_165 : vector<1x256x128xf32> to vector<256x128xf32>
    %get3A_167 = arith.constant 0 : index
    %get3A_168 = arith.constant 0 : index
    %get3A_169 = arith.constant 0 : index
    %get3A_170 = vector.load %arg7[%get3A_167, %get3A_168, %get3A_169] : memref<3x128x128xf32, #tpu.memory_space<vmem>>, vector<1x128x128xf32>
    %get3A_171 = vector.shape_cast %get3A_170 : vector<1x128x128xf32> to vector<128x128xf32>
    %dot_general3A_172 = arith.constant dense<0.000000e+00> : vector<256x128xf32>
    %dot_general3A_173 = tpu.matmul %get3A_166, %get3A_171, %dot_general3A_172 {dimension_numbers = #tpu.dot_dimension_numbers<[1], [0], [0], [1], [0, 0, 1, 1], [], []>, transpose_lhs_hint = false} : vector<256x128xf32>, vector<128x128xf32>, vector<256x128xf32> -> vector<256x128xf32>
    %get3A_174 = arith.constant 2 : index
    %get3A_175 = arith.constant 0 : index
    %get3A_176 = arith.constant 0 : index
    %get3A_177 = vector.load %arg6[%get3A_174, %get3A_175, %get3A_176] : memref<4x256x128xf32, #tpu.memory_space<vmem>>, vector<1x256x128xf32>
    %get3A_178 = vector.shape_cast %get3A_177 : vector<1x256x128xf32> to vector<256x128xf32>
    %get3A_179 = arith.constant 1 : index
    %get3A_180 = arith.constant 0 : index
    %get3A_181 = arith.constant 0 : index
    %get3A_182 = vector.load %arg7[%get3A_179, %get3A_180, %get3A_181] : memref<3x128x128xf32, #tpu.memory_space<vmem>>, vector<1x128x128xf32>
    %get3A_183 = vector.shape_cast %get3A_182 : vector<1x128x128xf32> to vector<128x128xf32>
    %dot_general3A_184 = arith.constant dense<0.000000e+00> : vector<256x128xf32>
    %dot_general3A_185 = tpu.matmul %get3A_178, %get3A_183, %dot_general3A_184 {dimension_numbers = #tpu.dot_dimension_numbers<[1], [0], [0], [1], [0, 0, 1, 1], [], []>, transpose_lhs_hint = false} : vector<256x128xf32>, vector<128x128xf32>, vector<256x128xf32> -> vector<256x128xf32>
    %add3A_186 = arith.addf %dot_general3A_173, %dot_general3A_185 : vector<256x128xf32>
    %get3A_187 = arith.constant 2 : index
    %get3A_188 = arith.constant 0 : index
    %get3A_189 = arith.constant 0 : index
    %get3A_190 = vector.load %arg7[%get3A_187, %get3A_188, %get3A_189] : memref<3x128x128xf32, #tpu.memory_space<vmem>>, vector<1x128x128xf32>
    %get3A_191 = vector.shape_cast %get3A_190 : vector<1x128x128xf32> to vector<128x128xf32>
    %dot_general3A_192 = arith.constant dense<0.000000e+00> : vector<256x128xf32>
    %dot_general3A_193 = tpu.matmul %sub3A_161, %get3A_191, %dot_general3A_192 {dimension_numbers = #tpu.dot_dimension_numbers<[1], [0], [0], [1], [0, 0, 1, 1], [], []>, transpose_lhs_hint = false} : vector<256x128xf32>, vector<128x128xf32>, vector<256x128xf32> -> vector<256x128xf32>
    %add3A_194 = arith.addf %add3A_186, %dot_general3A_193 : vector<256x128xf32>
    %get3A_195 = arith.constant 0 : index
    %get3A_196 = arith.constant 0 : index
    %get3A_197 = vector.load %arg8[%get3A_195, %get3A_196] : memref<1x128xf32, #tpu.memory_space<vmem>>, vector<1x128xf32>
    %add3A_198 = vector.broadcast %get3A_197 : vector<1x128xf32> to vector<256x128xf32>
    %add3A_199 = arith.addf %add3A_194, %add3A_198 : vector<256x128xf32>
    %swap3A_200 = arith.constant 2 : index
    %swap3A_201 = arith.constant 0 : index
    %swap3A_202 = arith.constant 0 : index
    %swap3A_203 = vector.load %arg9[%swap3A_200, %swap3A_201, %swap3A_202] : memref<4x256x128xf32, #tpu.memory_space<vmem>>, vector<1x256x128xf32>
    %swap3A_204 = vector.shape_cast %swap3A_203 : vector<1x256x128xf32> to vector<256x128xf32>
    %swap3A_205 = vector.shape_cast %add3A_199 : vector<256x128xf32> to vector<1x256x128xf32>
    tpu.vector_store %arg9[%swap3A_200, %swap3A_201, %swap3A_202], %swap3A_205 {strides = array<i32>} : memref<4x256x128xf32, #tpu.memory_space<vmem>>, vector<1x256x128xf32>,
    %get3A_206 = arith.constant 3 : index
    %get3A_207 = arith.constant 0 : index
    %get3A_208 = arith.constant 0 : index
    %get3A_209 = vector.load %arg4[%get3A_206, %get3A_207, %get3A_208] : memref<4x2048x128xf32, #tpu.memory_space<vmem>>, vector<1x2048x128xf32>
    %get3A_210 = vector.shape_cast %get3A_209 : vector<1x2048x128xf32> to vector<2048x128xf32>
    %dot_general3A_211 = arith.constant dense<0.000000e+00> : vector<256x128xf32>
    %dot_general3A_212 = tpu.matmul %mul3A_31, %get3A_210, %dot_general3A_211 {dimension_numbers = #tpu.dot_dimension_numbers<[1], [0], [0], [1], [0, 0, 1, 1], [], []>, transpose_lhs_hint = false} : vector<256x2048xf32>, vector<2048x128xf32>, vector<256x128xf32> -> vector<256x128xf32>
    %mul3A_213 = vector.broadcast %div3A : vector<256x1xf32> to vector<256x128xf32>
    %mul3A_214 = arith.mulf %mul3A_213, %dot_general3A_212 : vector<256x128xf32>
    %get3A_215 = arith.constant 3 : index
    %get3A_216 = arith.constant 0 : index
    %get3A_217 = arith.constant 0 : index
    %get3A_218 = vector.load %arg5[%get3A_215, %get3A_216, %get3A_217] : memref<4x256x128xf32, #tpu.memory_space<vmem>>, vector<1x256x128xf32>
    %get3A_219 = vector.shape_cast %get3A_218 : vector<1x256x128xf32> to vector<256x128xf32>
    %sub3A_220 = arith.subf %mul3A_214, %get3A_219 : vector<256x128xf32>
    %get3A_221 = arith.constant 3 : index
    %get3A_222 = arith.constant 0 : index
    %get3A_223 = arith.constant 0 : index
    %get3A_224 = vector.load %arg5[%get3A_221, %get3A_222, %get3A_223] : memref<4x256x128xf32, #tpu.memory_space<vmem>>, vector<1x256x128xf32>
    %get3A_225 = vector.shape_cast %get3A_224 : vector<1x256x128xf32> to vector<256x128xf32>
    %get3A_226 = arith.constant 0 : index
    %get3A_227 = arith.constant 0 : index
    %get3A_228 = arith.constant 0 : index
    %get3A_229 = vector.load %arg7[%get3A_226, %get3A_227, %get3A_228] : memref<3x128x128xf32, #tpu.memory_space<vmem>>, vector<1x128x128xf32>
    %get3A_230 = vector.shape_cast %get3A_229 : vector<1x128x128xf32> to vector<128x128xf32>
    %dot_general3A_231 = arith.constant dense<0.000000e+00> : vector<256x128xf32>
    %dot_general3A_232 = tpu.matmul %get3A_225, %get3A_230, %dot_general3A_231 {dimension_numbers = #tpu.dot_dimension_numbers<[1], [0], [0], [1], [0, 0, 1, 1], [], []>, transpose_lhs_hint = false} : vector<256x128xf32>, vector<128x128xf32>, vector<256x128xf32> -> vector<256x128xf32>
    %get3A_233 = arith.constant 3 : index
    %get3A_234 = arith.constant 0 : index
    %get3A_235 = arith.constant 0 : index
    %get3A_236 = vector.load %arg6[%get3A_233, %get3A_234, %get3A_235] : memref<4x256x128xf32, #tpu.memory_space<vmem>>, vector<1x256x128xf32>
    %get3A_237 = vector.shape_cast %get3A_236 : vector<1x256x128xf32> to vector<256x128xf32>
    %get3A_238 = arith.constant 1 : index
    %get3A_239 = arith.constant 0 : index
    %get3A_240 = arith.constant 0 : index
    %get3A_241 = vector.load %arg7[%get3A_238, %get3A_239, %get3A_240] : memref<3x128x128xf32, #tpu.memory_space<vmem>>, vector<1x128x128xf32>
    %get3A_242 = vector.shape_cast %get3A_241 : vector<1x128x128xf32> to vector<128x128xf32>
    %dot_general3A_243 = arith.constant dense<0.000000e+00> : vector<256x128xf32>
    %dot_general3A_244 = tpu.matmul %get3A_237, %get3A_242, %dot_general3A_243 {dimension_numbers = #tpu.dot_dimension_numbers<[1], [0], [0], [1], [0, 0, 1, 1], [], []>, transpose_lhs_hint = false} : vector<256x128xf32>, vector<128x128xf32>, vector<256x128xf32> -> vector<256x128xf32>
    %add3A_245 = arith.addf %dot_general3A_232, %dot_general3A_244 : vector<256x128xf32>
    %get3A_246 = arith.constant 2 : index
    %get3A_247 = arith.constant 0 : index
    %get3A_248 = arith.constant 0 : index
    %get3A_249 = vector.load %arg7[%get3A_246, %get3A_247, %get3A_248] : memref<3x128x128xf32, #tpu.memory_space<vmem>>, vector<1x128x128xf32>
    %get3A_250 = vector.shape_cast %get3A_249 : vector<1x128x128xf32> to vector<128x128xf32>
    %dot_general3A_251 = arith.constant dense<0.000000e+00> : vector<256x128xf32>
    %dot_general3A_252 = tpu.matmul %sub3A_220, %get3A_250, %dot_general3A_251 {dimension_numbers = #tpu.dot_dimension_numbers<[1], [0], [0], [1], [0, 0, 1, 1], [], []>, transpose_lhs_hint = false} : vector<256x128xf32>, vector<128x128xf32>, vector<256x128xf32> -> vector<256x128xf32>
    %add3A_253 = arith.addf %add3A_245, %dot_general3A_252 : vector<256x128xf32>
    %get3A_254 = arith.constant 0 : index
    %get3A_255 = arith.constant 0 : index
    %get3A_256 = vector.load %arg8[%get3A_254, %get3A_255] : memref<1x128xf32, #tpu.memory_space<vmem>>, vector<1x128xf32>
    %add3A_257 = vector.broadcast %get3A_256 : vector<1x128xf32> to vector<256x128xf32>
    %add3A_258 = arith.addf %add3A_253, %add3A_257 : vector<256x128xf32>
    %swap3A_259 = arith.constant 3 : index
    %swap3A_260 = arith.constant 0 : index
    %swap3A_261 = arith.constant 0 : index
    %swap3A_262 = vector.load %arg9[%swap3A_259, %swap3A_260, %swap3A_261] : memref<4x256x128xf32, #tpu.memory_space<vmem>>, vector<1x256x128xf32>
    %swap3A_263 = vector.shape_cast %swap3A_262 : vector<1x256x128xf32> to vector<256x128xf32>
    %swap3A_264 = vector.shape_cast %add3A_258 : vector<256x128xf32> to vector<1x256x128xf32>
    tpu.vector_store %arg9[%swap3A_259, %swap3A_260, %swap3A_261], %swap3A_264 {strides = array<i32>} : memref<4x256x128xf32, #tpu.memory_space<vmem>>, vector<1x256x128xf32>,
    return
  }
  func.func @transform_0(%arg0: i32) -> (i32, i32) {
    %c0_i32 = arith.constant 0 : i32
    %c0_i32_0 = arith.constant 0 : i32
    return %arg0, %c0_i32 : i32, i32
  }
  func.func @transform_1(%arg0: i32) -> (i32, i32) {
    %c0_i32 = arith.constant 0 : i32
    %c0_i32_0 = arith.constant 0 : i32
    %c0_i32_1 = arith.constant 0 : i32
    return %c0_i32, %c0_i32_0 : i32, i32
  }
  func.func @transform_2(%arg0: i32) -> (i32, i32) {
    %c0_i32 = arith.constant 0 : i32
    %c0_i32_0 = arith.constant 0 : i32
    return %arg0, %c0_i32 : i32, i32
  }
  func.func @transform_3(%arg0: i32) -> (i32, i32, i32) {
    %c0_i32 = arith.constant 0 : i32
    %c0_i32_0 = arith.constant 0 : i32
    %c0_i32_1 = arith.constant 0 : i32
    %c0_i32_2 = arith.constant 0 : i32
    return %c0_i32, %c0_i32_0, %c0_i32_1 : i32, i32, i32
  }
  func.func @transform_4(%arg0: i32) -> (i32, i32, i32) {
    %c0_i32 = arith.constant 0 : i32
    %c0_i32_0 = arith.constant 0 : i32
    %c0_i32_1 = arith.constant 0 : i32
    return %c0_i32, %arg0, %c0_i32_0 : i32, i32, i32
  }
  func.func @transform_5(%arg0: i32) -> (i32, i32, i32) {
    %c0_i32 = arith.constant 0 : i32
    %c0_i32_0 = arith.constant 0 : i32
    %c0_i32_1 = arith.constant 0 : i32
    return %c0_i32, %arg0, %c0_i32_0 : i32, i32, i32
  }
  func.func @transform_6(%arg0: i32) -> (i32, i32, i32) {
    %c0_i32 = arith.constant 0 : i32
    %c0_i32_0 = arith.constant 0 : i32
    %c0_i32_1 = arith.constant 0 : i32
    %c0_i32_2 = arith.constant 0 : i32
    return %c0_i32, %c0_i32_0, %c0_i32_1 : i32, i32, i32
  }
  func.func @transform_7(%arg0: i32) -> (i32, i32) {
    %c0_i32 = arith.constant 0 : i32
    %c0_i32_0 = arith.constant 0 : i32
    %c0_i32_1 = arith.constant 0 : i32
    return %c0_i32, %c0_i32_0 : i32, i32
  }
  func.func @transform_8(%arg0: i32) -> (i32, i32, i32) {
    %c0_i32 = arith.constant 0 : i32
    %c0_i32_0 = arith.constant 0 : i32
    %c0_i32_1 = arith.constant 0 : i32
    return %c0_i32, %arg0, %c0_i32_0 : i32, i32, i32
  }
}

</mosaic_0001>

<sc_bundles>
// kernel: kernel.6.cloned.1.call-start
scs
__scs_entry_jumppad:
0x0: {  	(pc) =	sbr.rel $0x88, $3  }
0x1: {  	(tag) =	ssettag $0x0;
	lr =	simm.s32 $0x1  }
0x2: {  	[smem:$0x3F9C] =	sst lr;
	_ =	strace $0xD0000000  }
0x3: {  	_ = 	snop  }
0x4: {  	_ = 	snop  }
0x5: {  	_ = 	snop  }
0x6: {  	_ = 	snop  }
0x7: {  	_ = 	snop  }
__scs_overlays_trampoline_lowered:
0x8: {  	[smem:$0x3FAB] =	sst s0  }
0x9: {  	[smem:$0x3FAC] =	sst s1  }
0xa: {  	[smem:$0x3FAD] =	sst s2  }
0xb: {  	[smem:$0x3FAE] =	sst s3  }
0xc: {  	[smem:$0x3FAF] =	sst s4  }
0xd: {  	[smem:$0x3FB0] =	sst s5  }
0xe: {  	[smem:$0x3FB1] =	sst s6  }
0xf: {  	[smem:$0x3FB2] =	sst s7  }
0x10: {  	[smem:$0x3FB3] =	sst s8  }
0x11: {  	[smem:$0x3FB4] =	sst s9;
	s0 =	simm.s32 @!p0 $0x0  }
0x12: {  	s1 =	sld [smem:$0x3F9A];
	s0 =	simm.s32 @p0 $0x1  }
0x13: {  	[smem:$0x3FB5] =	sst s0;
	s0 =	simm.s32 @!p1 $0x0  }
0x14: {  	s2 =	sld [smem:$0x3F99];
	s0 =	simm.s32 @p1 $0x1  }
0x15: {  	[smem:$0x3FB6] =	sst s0;
	s0 =	simm.s32 @!p2 $0x0  }
0x16: {  	s3 =	sld [smem:$0x3FDB];
	s0 =	simm.s32 @p2 $0x1  }
0x17: {  	s4 =	simm.s32 $0x1BF5;
	[smem:$0x3FB8] =	sst s0  }
0x18: {  	s0 =	sld [smem:$0x3F9B];
	_ =	swait.ge [sflag:s4], $0x0  }
0x19: {  	s7 =	sld [smem:$0x3F9C]  }
0x1a: {  	s8 =	sadd.s32 $0xFFFFE003, lr  }
0x1b: {  	s9 =	sadd.s32 $0xFFFFFEF7, lr;
	s5 =	simm.s32 $0xFFFFFFFF;
	p2 =	slt.u32 s8, $0xFFFFF086  }
0x1c: {  	p1 =	slt.u32 s9, $0xF7A;
	s5 =	simm.s32 @!p2 $0x0  }
0x1d: {  	s5 =	simm.s32 @p1 $0x1;
	p0 =	seq.s32 s7, s2  }
0x1e: {  	s7 =	smul.u32 @!p0 $0xF7A, s2;
	p2 =	seq.s32 @!p0 s5, $0x0  }
0x1f: {  	s9 =	smul.u32 $0xF7A, s1;
	s8 =	simm.s32 @!p0 $0x1BF5;
	p2 =	por !p2, p0  }
0x20: {  	[sflag:s8] =	ssyncset.s32 @!p0 $0xFFFFF086;
	s6 =	sadd.s32 @!p0 s3, s7;
	s7 =	simm.s32 @!p0 $0x108  }
0x21: {  	s3 =	sadd.s32 s3, s9;
	s6 =	sadd.s32 @!p0 $0x88, s6;
	s7 =	simm.s32 @p2 $0x1082  }
0x22: {  	[simem:s7], [sflag:s8] =	dma.local @!p0 [hbm:s6], $0xF7A  }
0x23: {  	s9 =	sor.u32 $0xD0000000, s2;
	s6 =	simm.s32 $0x108;
	_ =	swait.ge @!p0 [sflag:s8], $0x0  }
0x24: {  	s3 =	sadd.s32 $0x88, s3;
	s6 =	simm.s32 @!p1 $0x1082;
	[sflag:s4] =	ssyncset.s32 $0xFFFFF086  }
0x25: {  	[simem:s6], [sflag:s4] =	dma.local [hbm:s3], $0xF7A  }
0x26: {  	[smem:$0x3F9C] =	sst s1;
	(tag) =	ssettag s2;
	_ =	strace s9  }
0x27: {  	s1 =	sld [smem:$0x3FAC]  }
0x28: {  	s2 =	sld [smem:$0x3FAD]  }
0x29: {  	s4 =	sld [smem:$0x3FAF]  }
0x2a: {  	p0 =	seq.s32 s5, $0x0;
	s5 =	sld [smem:$0x3FB0]  }
0x2b: {  	s6 =	sld [smem:$0x3FB1]  }
0x2c: {  	s7 =	sld [smem:$0x3FB2]  }
0x2d: {  	s3 =	simm.s32 $0x108;
	s8 =	sld [smem:$0x3FB3]  }
0x2e: {  	s3 =	simm.s32 @!p0 $0x1082;
	s9 =	sld [smem:$0x3FB4]  }
0x2f: {  	lr =	sadd.s32 s0, s3;
	s0 =	sld [smem:$0x3FAB]  }
0x30: {  	s3 =	sld [smem:$0x3FAE]  }
0x31: {  	[smem:$0x3FB7] =	sst s10  }
0x32: {  	s10 =	sld [smem:$0x3FB5];
	_ =	sdelay $0x3  }
0x33: {  	p0 =	seq.s32 s10, $0x1;
	s10 =	sld [smem:$0x3FB7];
	_ =	sdelay $0x3  }
0x34: {  	[smem:$0x3FB7] =	sst s10  }
0x35: {  	s10 =	sld [smem:$0x3FB6];
	_ =	sdelay $0x3  }
0x36: {  	p1 =	seq.s32 s10, $0x1;
	s10 =	sld [smem:$0x3FB7];
	_ =	sdelay $0x3  }
0x37: {  	[smem:$0x3FB7] =	sst s10  }
0x38: {  	s10 =	sld [smem:$0x3FB8]  }
0x39: {  	_ = 	snop;
	(pc) =	sbr.ind lr, $3  }
0x3a: {  	_ = 	snop  }
0x3b: {  	_ = 	snop  }
0x3c: {  	p2 =	seq.s32 s10, $0x1;
	s10 =	sld [smem:$0x3FB7]  }
0x3d: {  	_ =	shalt  }
0x3e: {  	_ =	shalt  }
0x3f: {  	_ =	shalt  }
0x40: {  	_ =	shalt  }
0x41: {  	_ =	shalt  }
0x42: {  	_ =	shalt  }
0x43: {  	_ =	shalt  }
0x44: {  	_ =	shalt  }
0x45: {  	_ =	shalt  }
0x46: {  	_ =	shalt  }
0x47: {  	_ =	shalt  }
0x48: {  	_ =	shalt  }
0x49: {  	_ =	shalt  }
0x4a: {  	_ =	shalt  }
0x4b: {  	_ =	shalt  }
0x4c: {  	_ =	shalt  }
0x4d: {  	_ =	shalt  }
0x4e: {  	_ =	shalt  }
0x4f: {  	_ =	shalt  }
0x50: {  	_ =	shalt  }
0x51: {  	_ =	shalt  }
0x52: {  	_ =	shalt  }
0x53: {  	_ =	shalt  }
0x54: {  	_ =	shalt  }
0x55: {  	_ =	shalt  }
0x56: {  	_ =	shalt  }
0x57: {  	_ =	shalt  }
0x58: {  	_ =	shalt  }
0x59: {  	_ =	shalt  }
0x5a: {  	_ =	shalt  }
0x5b: {  	_ =	shalt  }
0x5c: {  	_ =	shalt  }
0x5d: {  	_ =	shalt  }
0x5e: {  	_ =	shalt  }
0x5f: {  	_ =	shalt  }
0x60: {  	_ =	shalt  }
0x61: {  	_ =	shalt  }
0x62: {  	_ =	shalt  }
0x63: {  	_ =	shalt  }
0x64: {  	_ =	shalt  }
0x65: {  	_ =	shalt  }
0x66: {  	_ =	shalt  }
0x67: {  	_ =	shalt  }
0x68: {  	_ =	shalt  }
0x69: {  	_ =	shalt  }
0x6a: {  	_ =	shalt  }
0x6b: {  	_ =	shalt  }
0x6c: {  	_ =	shalt  }
0x6d: {  	_ =	shalt  }
0x6e: {  	_ =	shalt  }
0x6f: {  	_ =	shalt  }
0x70: {  	_ =	shalt  }
0x71: {  	_ =	shalt  }
0x72: {  	_ =	shalt  }
0x73: {  	_ =	shalt  }
0x74: {  	_ =	shalt  }
0x75: {  	_ =	shalt  }
0x76: {  	_ =	shalt  }
0x77: {  	_ =	shalt  }
0x78: {  	_ =	shalt  }
0x79: {  	_ =	shalt  }
0x7a: {  	_ =	shalt  }
0x7b: {  	_ =	shalt  }
0x7c: {  	_ =	shalt  }
0x7d: {  	_ =	shalt  }
0x7e: {  	_ =	shalt  }
0x7f: {  	_ =	shalt  }
0x80: {  	_ =	shalt  }
0x81: {  	_ =	shalt  }
0x82: {  	_ =	shalt  }
0x83: {  	_ =	shalt  }
0x84: {  	_ =	shalt  }
0x85: {  	_ =	shalt  }
0x86: {  	_ =	shalt  }
0x87: {  	_ =	shalt  }
.Lfunc_end0:
.L_simem_size_0:
called_computation_lowered:
.L_overlay_start_0:
0x88: {  	s2 =	sld [smem:$0x3FD9]  }
0x89: {  	s3 =	sld [smem:$0x3FFE];
	_ =	sdelay $0x1  }
0x8a: {  	s1 =	srdreg.scid  }
0x8b: {  	s0 =	sand.u32 $0x1, s1  }
0x8c: {  	s17 =	sshll.u32 s0, $0xA;
	s2 =	sadd.s32 s3, s2  }
0x8d: {  	s2 =	sadd.s32 s2, s17  }
0x8e: {  	[smem:$0x3FC3] =	sst s2  }
0x8f: {  	_ = 	snop  }
0x90: {  	s2 =	sld [smem:$0x3FD0];
	(tm) =	ssettm $0x1  }
0x91: {  	s18 =	sld [smem:$0x3FFB];
	_ =	sdelay $0x3  }
0x92: {  	_ =	strace s18  }
0x93: {  	s3 =	sld [smem:$0x3FFC];
	_ =	sdelay $0x3  }
0x94: {  	_ =	strace s3  }
0x95: {  	s3 =	sld [smem:$0x3FFD];
	_ =	sdelay $0x3  }
0x96: {  	_ =	strace s3  }
0x97: {  	_ =	strace $0x8FFFFFFF  }
0x98: {  	s19 =	sld [smem:$0x3FDB];
	_ =	sdelay $0x1  }
0x99: {  	s4 =	simm.s32 $_scs_section_size  }
0x9a: {  	s5 =	simm.s32 $_size__tile_overlayer_lowered;
	s6 =	simm.s32 $_tile_overlayer_lowered  }
0x9b: {  	s22 =	simm.s32 $0x1BFF;
	s21 =	sshll.u32 s6, $0x1;
	s3 =	sadd.s32 s4, s19  }
0x9c: {  	s7 =	simm.s32 $0x0;
	s20 =	sshll.u32 s5, $0x1;
	s5 =	sadd.s32 s21, s3  }
0x9d: {  	[timem:s7], [sflag:s22] =	dma.local [hbm:s5], s20  }
0x9e: {  	_ =	swait.ge [sflag:s22], s20  }
0x9f: {  	s4 =	ssub.s32 $0x0, s20;
	[sflag:s22] =	ssyncset.done $0x0  }
0xa0: {  	[sflag:s22] =	ssyncadd.s32 s4;
	_ =	sdelay $0x1  }
0xa1: {  	s23 =	simm.s32 $0x1B8B  }
0xa2: {  	_ =	swait.ge [sflag:s23], $0x1  }
0xa3: {  	[sflag:s23] =	ssyncset.done $0x0  }
0xa4: {  	s25 =	simm.s32 $0x1B8E;
	s24 =	sld [smem:$0x3FFE];
	[sflag:s23] =	ssyncadd.s32 $0xFFFFFFFF  }
0xa5: {  	s26 =	simm.s32 $execute0_lowered;
	[smem:$0x3FD2] =	sst s25  }
0xa6: {  	s5 =	sshll.u32 s26, $0x1;
	_ =	strace $0x80000046;
	[dreg:$0x1] =	wrdreg $0xFFFFFFFF  }
0xa7: {  	s28 =	simm.s32 $_size_execute0_lowered;
	s3 =	sadd.s32 s3, s5;
	[dreg:$0x0] =	wrdreg $0x0  }
0xa8: {  	s5 =	sshll.u32 s28, $0x1;
	[dreg:$0x2] =	wrdreg s3  }
0xa9: {  	[dreg:$0x3] =	wrdreg s5  }
0xaa: {  	[dreg:$0x4] =	wrdreg $0xC0  }
0xab: {  	_ =	task [dreg:s7], $0x5FFFF  }
0xac: {  	[dreg:$0x1] =	wrdreg $0xFFFFFFFF  }
0xad: {  	[dreg:$0x0] =	wrdreg $0x60  }
0xae: {  	[dreg:$0x2] =	wrdreg s24  }
0xaf: {  	[dreg:$0x3] =	wrdreg s2  }
0xb0: {  	[dreg:$0x4] =	wrdreg $0xB8000  }
0xb1: {  	[dreg:$0x5] =	wrdreg $0x9  }
0xb2: {  	_ =	task.clear_ibuf [dreg:s7], $0x6FFFF;
	_ =	strace $0x90000046  }
0xb3: {  	s29 =	simm.s32 $0x9;
	_ =	strace $0x80000048  }
0xb4: {  	_ =	swait.ge [sflag:s29], $0x1  }
0xb5: {  	[sflag:s29] =	ssyncadd.s32 $0xFFFFFFFF  }
0xb6: {  	_ =	strace $0x90000048  }
0xb7: {  	_ =	sfence  }
0xb8: {  	s30 =	sld [smem:$0x0];
	_ =	sdelay $0x2  }
0xb9: {  	s31 =	sshll.u32 s1, $0xD;
	s1 =	sshrl.u32 s1, $0x2  }
0xba: {  	s3 =	sand.u32 $0x4000, s31;
	s1 =	sadd.s32 s1, s30  }
0xbb: {  	s0 =	sor.u32 s3, s0;
	s1 =	sshll.u32 s1, $0x11  }
0xbc: {  	s0 =	sor.u32 s1, s0  }
0xbd: {  	s0 =	sadd.s32 $0x8F2B, s0  }
0xbe: {  	[sflag:s0] =	ssyncadd.remote.s32 $0x1  }
0xbf: {  	_ =	sfence.sel $0xFFFF  }
0xc0: {  	[dreg:$0x0] =	wrdreg $0xFFFFFFFF;
	(pc) =	sbr.abs _section_cstart, $3  }
0xc1: {  	[dreg:$0x1] =	wrdreg $0xFFFFFFFF  }
0xc2: {  	_ =	task.clear_ibuf [dreg:s7], $0x2FFFF;
	_ =	strace $0x9FFFFFFF  }
0xc3: {  	(tm) =	ssettm $0x7FFFFFFF  }
tec
execute0_lowered:
.L_overlay_start_1:
0x0: {  	(tag) =	ssettag $0x1  }
0x1: {  	s0 =	rddreg [dreg:$0x0]  }
0x2: {  	s2 =	rddreg [dreg:$0x1]  }
0x3: {  	s1 =	rddreg [dreg:$0x2];
	s3 =	simm.s32 $0x0;
	s11 =	stileid.u32  }
0x4: {  	s10 =	srdreg.scid;
	s20 =	simm.s32 $0x2;
	s22 =	simm.s32 $0x9800  }
0x5: {  	s23 =	simm.s32 $0x1;
	s24 =	simm.s32 $0x1000;
	s25 =	simm.s32 $0x5000  }
0x6: {  	s19 =	simm.s32 $0x3000;
	[smem:$0x7FF] =	sst s3;
	s4 =	sshll.u32 s11, $0x8  }
0x7: {  	s3 =	sand.u32 $0x1, s10;
	s6 =	sadd.s32 $0x2200, s0;
	s9 =	sshll.u32 s11, $0x10  }
0x8: {  	p0 =	sne.s32 s11, $0x0;
	_ =	strace $0x80000047;
	s5 =	sadd.s32 s4, s0  }
0x9: {  	s7 =	ssub.s32 $0x2, s3;
	s0 =	sadd.s32 $0x82200, s0;
	s2 =	sadd.s32 s2, s4  }
0xa: {  	s16 =	sshll.u32 s3, $0x14;
	s10 =	sor.u32 $0x2, s3;
	s8 =	sshrl.u32 s7, $0x1  }
0xb: {  	s5 =	sadd.s32 $0x1200, s5;
	[dreg:$0x5] =	wrdreg s2;
	s2 =	sshll.u32 s3, $0x9  }
0xc: {  	s4 =	sor.u32 s9, s16;
	s3 =	sshll.u32 s3, $0x6;
	s26 =	sshll.u32 s10, $0x14  }
0xd: {  	s28 =	sshll.u32 s10, $0x9;
	s10 =	sshll.u32 s10, $0x6;
	s7 =	ssub.s32 s7, s8  }
0xe: {  	[dreg:$0x4] =	wrdreg s5;
	s5 =	sadd.s32 s9, s1;
	s3 =	sadd.s32 s0, s3  }
0xf: {  	s18 =	sadd.s32 $0x200, s2;
	s0 =	sadd.s32 s0, s10;
	[dreg:$0xc] =	wrdreg s3  }
0x10: {  	s4 =	sshrl.u32 s4, $0x3;
	s12 =	sadd.s32 $0x6000, s5;
	[dreg:$0xe] =	wrdreg s0  }
0x11: {  	s29 =	sadd.s32 $0x200, s28;
	s13 =	sadd.s32 $0x8000, s5;
	[dreg:$0x6] =	wrdreg s12  }
0x12: {  	s21 =	sadd.s32 $0x2000, s5;
	s14 =	sadd.s32 $0xA000, s5;
	[dreg:$0x7] =	wrdreg s13  }
0x13: {  	s31 =	sadd.s32 $0x4000, s5;
	s15 =	sadd.s32 $0xC000, s5;
	[dreg:$0x8] =	wrdreg s14  }
0x14: {  	s17 =	sadd.s32 $0xE000, s5;
	s4 =	sadd.s32 s6, s4;
	[dreg:$0x9] =	wrdreg s15  }
0x15: {  	s30 =	smax.u32 s7, $0x1;
	[dreg:$0xb] =	wrdreg s4;
	s4 =	sor.u32 s9, s26  }
0x16: {  	v4 =	vimm.f32 $0.0e+00;
	v6 =	vlaneseq.u32;
	v7 =	vimm.f32 $1.000000000e+00;
	s7 =	simm.s32 $0x7000;
	[dreg:$0xa] =	wrdreg s17;
	s4 =	sshrl.u32 s4, $0x3  }
0x17: {  	v5 =	vmul.u32 $0x10, v6;
	v6 =	vor.u32 $0x10000, v6;
	v0 =	vmov s2;
	s14 =	sadd.s32 $0x100800, s1;
	[dreg:$0xf] =	wrdreg s30;
	s4 =	sadd.s32 s6, s4  }
0x18: {  	v2 =	vmov s28;
	v1 =	vmov s18;
	v3 =	vmov s29;
	s26 =	simm.s32 $0x80;
	[dreg:$0xd] =	wrdreg s4;
	s4 =	simm.s32 $0x0  }
.LBB2_1:
0x19: {  	s0 =	simm.s32 $0x0;
	s6 =	rddreg [dreg:$0x4]  }
0x1a: {  	[tilespmem:s0], [sflag:$0x2] =	stream.linear.gather [hbm4b:s6+s0], $0x800, $0x38;
	[tilespmem:$0x1B8A0] =	vst v63  }
0x1b: {  	_ =	swait.ge [sflag:s20], $0x800  }
0x1c: {  	[sflag:s20] =	ssyncset.done $0x0  }
0x1d: {  	s2 =	simm.s32 $0x800;
	s30 =	rddreg [dreg:$0x5];
	[sflag:s20] =	ssyncadd.s32 $0xFFFFF800  }
0x1e: {  	[tilespmem:s2], [sflag:$0x2] =	stream.linear.gather [hbm4b:s30+s0], $0x800, $0x38;
	[tilespmem:$0x1B8A0] =	vst v63  }
0x1f: {  	_ =	swait.ge [sflag:s20], $0x800  }
0x20: {  	[sflag:s20] =	ssyncset.done $0x0  }
0x21: {  	s8 =	simm.s32 $0x0;
	s6 =	simm.s32 $0x40;
	[sflag:s20] =	ssyncadd.s32 $0xFFFFF800  }
.LBB2_2:
0x22: {  	p1 =	sne.s32 s6, $0x7FC0;
	[tilespmem:s8+$0x9800] =	vst v4;
	s8 =	smov.u32 s6;
	s6 =	sadd.s32 $0x40, s6  }
.Ltmp0:
0x23: {  	(pc) =	sbr.rel @p1 .LBB2_2-.Ltmp0, $2  }
0x24: {  	_ =	sdelay $0x2  }
0x25: {  	s8 =	sshra.s32 s8, $0x2  }
0x26: {  	[tilespmem:s8+$0x9800] =	vst v4  }
0x27: {  	[spmem:s5] =	stream.linear.scatter [tilespmem:s22], [sflag:$0x1], $0x2000, $0x38;
	[tilespmem:$0x1B8A0] =	vst v63  }
0x28: {  	_ = 	snop  }
0x29: {  	[spmem:s21] =	stream.linear.scatter [tilespmem:s22], [sflag:$0x1], $0x2000, $0x38;
	[tilespmem:$0x1B8A0] =	vst v63  }
0x2a: {  	_ = 	snop  }
0x2b: {  	[spmem:s31] =	stream.linear.scatter [tilespmem:s22], [sflag:$0x1], $0x2000, $0x38;
	[tilespmem:$0x1B8A0] =	vst v63  }
0x2c: {  	s0 =	rddreg [dreg:$0x6]  }
0x2d: {  	[spmem:s0] =	stream.linear.scatter [tilespmem:s22], [sflag:$0x1], $0x2000, $0x38;
	[tilespmem:$0x1B8A0] =	vst v63  }
0x2e: {  	s18 =	rddreg [dreg:$0x7]  }
0x2f: {  	[spmem:s18] =	stream.linear.scatter [tilespmem:s22], [sflag:$0x1], $0x2000, $0x38;
	[tilespmem:$0x1B8A0] =	vst v63  }
0x30: {  	s28 =	rddreg [dreg:$0x8]  }
0x31: {  	[spmem:s28] =	stream.linear.scatter [tilespmem:s22], [sflag:$0x1], $0x2000, $0x38;
	[tilespmem:$0x1B8A0] =	vst v63  }
0x32: {  	s29 =	rddreg [dreg:$0x9]  }
0x33: {  	[spmem:s29] =	stream.linear.scatter [tilespmem:s22], [sflag:$0x1], $0x2000, $0x38;
	[tilespmem:$0x1B8A0] =	vst v63  }
0x34: {  	s30 =	rddreg [dreg:$0xa]  }
0x35: {  	[spmem:s30] =	stream.linear.scatter [tilespmem:s22], [sflag:$0x1], $0x2000, $0x38;
	[tilespmem:$0x1B8A0] =	vst v63  }
0x36: {  	_ =	swait.ge [sflag:s23], $0x2000  }
0x37: {  	[sflag:s23] =	ssyncset.done $0x0  }
0x38: {  	[sflag:s23] =	ssyncadd.s32 $0xFFFFE000  }
0x39: {  	_ =	swait.ge [sflag:s23], $0x2000  }
0x3a: {  	[sflag:s23] =	ssyncset.done $0x0  }
0x3b: {  	[sflag:s23] =	ssyncadd.s32 $0xFFFFE000  }
0x3c: {  	_ =	swait.ge [sflag:s23], $0x2000  }
0x3d: {  	[sflag:s23] =	ssyncset.done $0x0  }
0x3e: {  	[sflag:s23] =	ssyncadd.s32 $0xFFFFE000  }
0x3f: {  	_ =	swait.ge [sflag:s23], $0x2000  }
0x40: {  	[sflag:s23] =	ssyncset.done $0x0  }
0x41: {  	[sflag:s23] =	ssyncadd.s32 $0xFFFFE000  }
0x42: {  	_ =	swait.ge [sflag:s23], $0x2000  }
0x43: {  	[sflag:s23] =	ssyncset.done $0x0  }
0x44: {  	[sflag:s23] =	ssyncadd.s32 $0xFFFFE000  }
0x45: {  	_ =	swait.ge [sflag:s23], $0x2000  }
0x46: {  	[sflag:s23] =	ssyncset.done $0x0  }
0x47: {  	[sflag:s23] =	ssyncadd.s32 $0xFFFFE000  }
0x48: {  	_ =	swait.ge [sflag:s23], $0x2000  }
0x49: {  	[sflag:s23] =	ssyncset.done $0x0  }
0x4a: {  	[sflag:s23] =	ssyncadd.s32 $0xFFFFE000  }
0x4b: {  	_ =	swait.ge [sflag:s23], $0x2000  }
0x4c: {  	[sflag:s23] =	ssyncset.done $0x0  }
0x4d: {  	s6 =	simm.s32 @!p0 $0x9800;
	[sflag:s23] =	ssyncadd.s32 $0xFFFFE000  }
0x4e: {  	[spmem:s14] =	stream.linear.scatter @!p0 [tilespmem:s6], [sflag:$0x2], $0x200, $0x38;
	[tilespmem:$0x1B8A0] =	vst v63  }
0x4f: {  	s6 =	simm.s32 @!p0 $0x2  }
0x50: {  	_ =	swait.ge @!p0 [sflag:s6], $0x200  }
0x51: {  	[sflag:s6] =	ssyncset.done @!p0 $0x0  }
0x52: {  	[sflag:s6] =	ssyncadd.s32 @!p0 $0xFFFFFE00  }
0x53: {  	s11 =	simm.s32 $0x0;
	s6 =	simm.s32 $0x0;
	[bflag:$0x0] =	sbarrier.arrive $0xFFFF  }
.LBB2_4:
0x54: {  	p1 =	sne.s32 s6, $0x7FC0  }
.Ltmp1:
0x55: {  	_ = 	snop;
	(pc) =	sbr.rel @p1 .LBB2_4-.Ltmp1, $4  }
0x56: {  	_ = 	snop  }
0x57: {  	s8 =	sshra.s32 s6, $0x2  }
0x58: {  	[tilespmem:s8+$0x1000] =	vst v4  }
0x59: {  	s6 =	sadd.s32 $0x40, s6;
	[tilespmem:s8+$0x5000] =	vst v4  }
0x5a: {  	s8 =	simm.s32 $0x800;
	v10 =	vld [tilespmem:s11+$0x0]  }
0x5b: {  	s6 =	simm.s32 $0x10;
	v12 =	vld [tilespmem:s8+$0x0]  }
0x5c: {  	v8 =	vmov s11;
	v9 =	vmov s6  }
0x5d: {  	v8 =	vshll.u32 v8, $0x4;
	v9 =	vshll.u32 v9, $0x4  }
0x5e: {  	v14 =	vor.u32 v5, v8;
	v8 =	vor.u32 v5, v9  }
0x5f: {  	vm0 =	vge.s32 v10, v0;
	vm1 =	vlt.s32 v10, v1;
	v13 =	vsub.s32 v10, v0  }
0x60: {  	s10 =	simm.s32 $0x9000;
	s9 =	simm.s32 $0x9400;
	s12 =	simm.s32 $0x9010;
	v9 =	vshll.u32 v13, $0x7;
	v11 =	vshrl.u32 v12, $0x4;
	v15 =	vand.u32 $0xF, v12  }
0x61: {  	s13 =	simm.s32 $0x9410;
	s17 =	simm.s32 $0x20;
	s30 =	sand.u32 $0x70, s11;
	vm0 =	vmand vm0, vm1;
	vm1 =	vne.s32 v10, v12;
	v12 =	vshrl.u32 v13, $0x4  }
0x62: {  	s28 =	simm.s32 $0x820;
	s15 =	simm.s32 $0x9010;
	s16 =	simm.s32 $0x9410;
	v10 =	vand.u32 $0xF, v10;
	v13 =	vor.u32 s30, v6;
	v11 =	vadd.s32 v11, v9  }
0x63: {  	s18 =	simm.s32 $0x10;
	s11 =	simm.s32 $0x10;
	s8 =	simm.s32 $0x810;
	v9 =	vor.u32 v14, v15;
	vm0 =	vmand vm0, vm1;
	v10 =	vor.u32 v14, v10  }
.LBB2_6:
0x64: {  	s12 =	sadd.s32 $0x10, s12  }
0x65: {  	s13 =	sadd.s32 $0x10, s13;
	s6 =	sadd.s32 $0x10, s6;
	v11 =	vsel vm0, v11, v13;
	v12 =	vadd.s32 $0x10080, v12;
	s29 =	smov.u32 s17  }
0x66: {  	p1 =	sne.s32 s17, $0x1F0;
	s17 =	sadd.s32 $0x10, s17;
	[tilespmem:s10+$0x0] =	vst v11;
	v11 =	vsel vm0, v12, v13;
	s10 =	smov.u32 s15  }
0x67: {  	s15 =	smov.u32 s12;
	[tilespmem:s9+$0x0] =	vst v11;
	s9 =	smov.u32 s16;
	s16 =	smov.u32 s13  }
0x68: {  	[tilespmem:v9+s24+$0x0] =	vst.idx.msk $0xffff, v7  }
0x69: {  	[tilespmem:v10+s25+$0x0] =	vst.idx.msk $0xffff, v7  }
0x6a: {  	v10 =	vld [tilespmem:s18+$0x0];
	s18 =	smov.u32 s6  }
0x6b: {  	v9 =	vmov s29;
	v12 =	vld [tilespmem:s8+$0x0];
	s8 =	smov.u32 s28;
	_ =	sdelay $0x1  }
0x6c: {  	v9 =	vshll.u32 v9, $0x4  }
0x6d: {  	v14 =	vor.u32 v5, v9  }
.Ltmp2:
0x6e: {  	vm0 =	vge.s32 v10, v0;
	vm1 =	vlt.s32 v10, v1;
	v13 =	vsub.s32 v10, v0;
	(pc) =	sbr.rel @p1 .LBB2_6-.Ltmp2, $4  }
0x6f: {  	v9 =	vshll.u32 v13, $0x7;
	v11 =	vshrl.u32 v12, $0x4;
	v15 =	vand.u32 $0xF, v12  }
0x70: {  	vm0 =	vmand vm0, vm1;
	v11 =	vadd.s32 v11, v9;
	v9 =	vor.u32 v8, v15  }
0x71: {  	s30 =	sand.u32 $0x70, s11;
	s11 =	smov.u32 s29;
	vm1 =	vne.s32 v10, v12;
	v12 =	vshrl.u32 v13, $0x4;
	v10 =	vand.u32 $0xF, v10  }
0x72: {  	s28 =	sadd.s32 $0x10, s28;
	v13 =	vor.u32 s30, v6;
	vm0 =	vmand vm0, vm1;
	v10 =	vor.u32 v8, v10;
	v8 =	vmovc v14  }
0x73: {  	_ = 	snop  }
0x74: {  	v11 =	vsel vm0, v11, v13;
	v12 =	vadd.s32 $0x10080, v12  }
0x75: {  	[tilespmem:s10+$0x0] =	vst v11;
	v55 =	vsel vm0, v12, v13  }
0x76: {  	[tilespmem:s9+$0x0] =	vst v55  }
0x77: {  	[tilespmem:v9+s24+$0x0] =	vst.idx.msk $0xffff, v7  }
0x78: {  	[tilespmem:v10+s25+$0x0] =	vst.idx.msk $0xffff, v7  }
0x79: {  	v9 =	vld [tilespmem:s18+$0x0]  }
0x7a: {  	v10 =	vld [tilespmem:s8+$0x0];
	_ =	sdelay $0x2  }
0x7b: {  	s6 =	sand.u32 $0x70, s11  }
0x7c: {  	v61 =	vor.u32 s6, v6;
	vm14 =	vge.s32 v9, v0;
	vm1 =	vlt.s32 v9, v1  }
0x7d: {  	v56 =	vsub.s32 v9, v0;
	v58 =	vshrl.u32 v10, $0x4;
	v14 =	vand.u32 $0xF, v10  }
0x7e: {  	vm15 =	vne.s32 v9, v10;
	v9 =	vand.u32 $0xF, v9;
	v57 =	vshll.u32 v56, $0x7  }
0x7f: {  	vm0 =	vmand vm14, vm1;
	v59 =	vor.u32 v8, v14;
	v60 =	vshrl.u32 v56, $0x4  }
0x80: {  	v8 =	vor.u32 v8, v9;
	v12 =	vadd.s32 v58, v57;
	vm0 =	vmand vm0, vm15  }
0x81: {  	v10 =	vadd.s32 $0x10080, v60;
	v62 =	vsel vm0, v12, v61  }
0x82: {  	v63 =	vsel vm0, v10, v61;
	[tilespmem:s15+$0x0] =	vst v62  }
0x83: {  	[tilespmem:s16+$0x0] =	vst v63  }
0x84: {  	[tilespmem:v59+s24+$0x0] =	vst.idx.msk $0xffff, v7  }
0x85: {  	s0 =	simm.s32 $0x9000;
	[tilespmem:v8+s25+$0x0] =	vst.idx.msk $0xffff, v7  }
0x86: {  	[spmem:s1] =	stream.indirect.scatter.add.f32 [tilespmem:s24], [sflag:$0x1], $0x10, s0, s26, $0xb8;
	[tilespmem:$0x1B8A0] =	vst v63  }
0x87: {  	s9 =	simm.s32 $0x9400  }
0x88: {  	[spmem:s1] =	stream.indirect.scatter.add.f32 [tilespmem:s25], [sflag:$0x1], $0x10, s9, s26, $0xb8;
	[tilespmem:$0x1B8A0] =	vst v63  }
0x89: {  	s2 =	simm.s32 $0x1800;
	s10 =	simm.s32 $0x9080  }
0x8a: {  	[spmem:s1] =	stream.indirect.scatter.add.f32 [tilespmem:s2], [sflag:$0x1], $0x10, s10, s26, $0xb8;
	[tilespmem:$0x1B8A0] =	vst v63  }
0x8b: {  	s11 =	simm.s32 $0x9480;
	s12 =	simm.s32 $0x5800  }
0x8c: {  	[spmem:s1] =	stream.indirect.scatter.add.f32 [tilespmem:s12], [sflag:$0x1], $0x10, s11, s26, $0xb8;
	[tilespmem:$0x1B8A0] =	vst v63  }
0x8d: {  	s13 =	simm.s32 $0x9100;
	s15 =	simm.s32 $0x2000  }
0x8e: {  	[spmem:s1] =	stream.indirect.scatter.add.f32 [tilespmem:s15], [sflag:$0x1], $0x10, s13, s26, $0xb8;
	[tilespmem:$0x1B8A0] =	vst v63  }
0x8f: {  	s17 =	simm.s32 $0x6000;
	s16 =	simm.s32 $0x9500  }
0x90: {  	[spmem:s1] =	stream.indirect.scatter.add.f32 [tilespmem:s17], [sflag:$0x1], $0x10, s16, s26, $0xb8;
	[tilespmem:$0x1B8A0] =	vst v63  }
0x91: {  	s28 =	simm.s32 $0x2800;
	s29 =	simm.s32 $0x9580;
	s18 =	simm.s32 $0x9180  }
0x92: {  	[spmem:s1] =	stream.indirect.scatter.add.f32 [tilespmem:s28], [sflag:$0x1], $0x10, s18, s26, $0xb8;
	[tilespmem:$0x1B8A0] =	vst v63  }
0x93: {  	s30 =	simm.s32 $0x6800;
	s6 =	simm.s32 $0x0;
	s8 =	simm.s32 $0x0  }
0x94: {  	[spmem:s1] =	stream.indirect.scatter.add.f32 [tilespmem:s30], [sflag:$0x1], $0x10, s29, s26, $0xb8;
	[tilespmem:$0x1B8A0] =	vst v63  }
.LBB2_8:
0x95: {  	p1 =	sne.s32 s6, $0x7FC0  }
.Ltmp3:
0x96: {  	_ = 	snop;
	(pc) =	sbr.rel @p1 .LBB2_8-.Ltmp3, $4  }
0x97: {  	_ = 	snop  }
0x98: {  	s9 =	sshra.s32 s6, $0x2  }
0x99: {  	[tilespmem:s9+$0x3000] =	vst v4  }
0x9a: {  	s6 =	sadd.s32 $0x40, s6;
	[tilespmem:s9+$0x7000] =	vst v4  }
0x9b: {  	s6 =	simm.s32 $0x200  }
0x9c: {  	s9 =	simm.s32 $0xA00;
	v10 =	vld [tilespmem:s6+$0x0]  }
0x9d: {  	s6 =	simm.s32 $0x10;
	v12 =	vld [tilespmem:s9+$0x0]  }
0x9e: {  	v8 =	vmov s8;
	v9 =	vmov s6  }
0x9f: {  	v8 =	vshll.u32 v8, $0x4;
	v9 =	vshll.u32 v9, $0x4  }
0xa0: {  	v14 =	vor.u32 v5, v8;
	v8 =	vor.u32 v5, v9  }
0xa1: {  	vm0 =	vge.s32 v10, v0;
	vm1 =	vlt.s32 v10, v1;
	v13 =	vsub.s32 v10, v0  }
0xa2: {  	s10 =	simm.s32 $0x9200;
	s16 =	simm.s32 $0x9600;
	s11 =	simm.s32 $0x9210;
	v11 =	vshrl.u32 v12, $0x4;
	v15 =	vand.u32 $0xF, v12;
	v9 =	vshll.u32 v13, $0x7  }
0xa3: {  	s12 =	simm.s32 $0x9610;
	s13 =	simm.s32 $0xA10;
	s30 =	sand.u32 $0x70, s8;
	vm0 =	vmand vm0, vm1;
	vm1 =	vne.s32 v10, v12;
	v12 =	vshrl.u32 v13, $0x4  }
0xa4: {  	s17 =	simm.s32 $0x20;
	s28 =	simm.s32 $0x220;
	s15 =	simm.s32 $0x9210;
	v10 =	vand.u32 $0xF, v10;
	v13 =	vor.u32 s30, v6;
	v11 =	vadd.s32 v11, v9  }
0xa5: {  	s8 =	simm.s32 $0x9610;
	s18 =	simm.s32 $0xA10;
	s9 =	simm.s32 $0x210;
	v9 =	vor.u32 v14, v15;
	vm0 =	vmand vm0, vm1;
	v10 =	vor.u32 v14, v10  }
.LBB2_10:
0xa6: {  	s11 =	sadd.s32 $0x10, s11  }
0xa7: {  	s12 =	sadd.s32 $0x10, s12;
	s13 =	sadd.s32 $0x10, s13;
	v11 =	vsel vm0, v11, v13;
	v12 =	vadd.s32 $0x10080, v12;
	s29 =	smov.u32 s17  }
0xa8: {  	p1 =	sne.s32 s17, $0x1F0;
	s17 =	sadd.s32 $0x10, s17;
	[tilespmem:s10+$0x0] =	vst v11;
	v11 =	vsel vm0, v12, v13;
	s10 =	smov.u32 s15  }
0xa9: {  	s15 =	smov.u32 s11;
	[tilespmem:s16+$0x0] =	vst v11;
	s16 =	smov.u32 s8;
	s8 =	smov.u32 s12  }
0xaa: {  	[tilespmem:v9+s19+$0x0] =	vst.idx.msk $0xffff, v7  }
0xab: {  	[tilespmem:v10+s7+$0x0] =	vst.idx.msk $0xffff, v7  }
0xac: {  	v10 =	vld [tilespmem:s9+$0x0];
	s9 =	smov.u32 s28  }
0xad: {  	v9 =	vmov s29;
	v12 =	vld [tilespmem:s18+$0x0];
	s18 =	smov.u32 s13;
	_ =	sdelay $0x1  }
0xae: {  	v9 =	vshll.u32 v9, $0x4  }
0xaf: {  	v14 =	vor.u32 v5, v9  }
.Ltmp4:
0xb0: {  	vm0 =	vge.s32 v10, v0;
	vm1 =	vlt.s32 v10, v1;
	v13 =	vsub.s32 v10, v0;
	(pc) =	sbr.rel @p1 .LBB2_10-.Ltmp4, $4  }
0xb1: {  	v9 =	vshll.u32 v13, $0x7;
	v11 =	vshrl.u32 v12, $0x4;
	v15 =	vand.u32 $0xF, v12  }
0xb2: {  	vm0 =	vmand vm0, vm1;
	v11 =	vadd.s32 v11, v9;
	v9 =	vor.u32 v8, v15  }
0xb3: {  	s30 =	sand.u32 $0x70, s6;
	s6 =	smov.u32 s29;
	vm1 =	vne.s32 v10, v12;
	v12 =	vshrl.u32 v13, $0x4;
	v10 =	vand.u32 $0xF, v10  }
0xb4: {  	s28 =	sadd.s32 $0x10, s28;
	v13 =	vor.u32 s30, v6;
	vm0 =	vmand vm0, vm1;
	v10 =	vor.u32 v8, v10;
	v8 =	vmovc v14  }
0xb5: {  	_ = 	snop  }
0xb6: {  	v11 =	vsel vm0, v11, v13;
	v12 =	vadd.s32 $0x10080, v12  }
0xb7: {  	[tilespmem:s10+$0x0] =	vst v11;
	v55 =	vsel vm0, v12, v13  }
0xb8: {  	[tilespmem:s16+$0x0] =	vst v55  }
0xb9: {  	[tilespmem:v9+s19+$0x0] =	vst.idx.msk $0xffff, v7  }
0xba: {  	[tilespmem:v10+s7+$0x0] =	vst.idx.msk $0xffff, v7  }
0xbb: {  	v9 =	vld [tilespmem:s9+$0x0]  }
0xbc: {  	v10 =	vld [tilespmem:s18+$0x0];
	_ =	sdelay $0x2  }
0xbd: {  	s6 =	sand.u32 $0x70, s6  }
0xbe: {  	v61 =	vor.u32 s6, v6;
	vm14 =	vge.s32 v9, v0;
	vm1 =	vlt.s32 v9, v1  }
0xbf: {  	v56 =	vsub.s32 v9, v0;
	v58 =	vshrl.u32 v10, $0x4;
	v14 =	vand.u32 $0xF, v10  }
0xc0: {  	vm15 =	vne.s32 v9, v10;
	v9 =	vand.u32 $0xF, v9;
	v57 =	vshll.u32 v56, $0x7  }
0xc1: {  	vm0 =	vmand vm14, vm1;
	v59 =	vor.u32 v8, v14;
	v60 =	vshrl.u32 v56, $0x4  }
0xc2: {  	v8 =	vor.u32 v8, v9;
	v12 =	vadd.s32 v58, v57;
	vm0 =	vmand vm0, vm15  }
0xc3: {  	v10 =	vadd.s32 $0x10080, v60;
	v62 =	vsel vm0, v12, v61  }
0xc4: {  	v63 =	vsel vm0, v10, v61;
	[tilespmem:s15+$0x0] =	vst v62  }
0xc5: {  	[tilespmem:s8+$0x0] =	vst v63  }
0xc6: {  	[tilespmem:v59+s19+$0x0] =	vst.idx.msk $0xffff, v7  }
0xc7: {  	s0 =	simm.s32 $0x9200;
	[tilespmem:v8+s7+$0x0] =	vst.idx.msk $0xffff, v7  }
0xc8: {  	[spmem:s1] =	stream.indirect.scatter.add.f32 [tilespmem:s19], [sflag:$0x1], $0x10, s0, s26, $0xb8;
	[tilespmem:$0x1B8A0] =	vst v63  }
0xc9: {  	s9 =	simm.s32 $0x9600  }
0xca: {  	[spmem:s1] =	stream.indirect.scatter.add.f32 [tilespmem:s7], [sflag:$0x1], $0x10, s9, s26, $0xb8;
	[tilespmem:$0x1B8A0] =	vst v63  }
0xcb: {  	s2 =	simm.s32 $0x3800;
	s10 =	simm.s32 $0x9280  }
0xcc: {  	[spmem:s1] =	stream.indirect.scatter.add.f32 [tilespmem:s2], [sflag:$0x1], $0x10, s10, s26, $0xb8;
	[tilespmem:$0x1B8A0] =	vst v63  }
0xcd: {  	s11 =	simm.s32 $0x9680;
	s12 =	simm.s32 $0x7800  }
0xce: {  	[spmem:s1] =	stream.indirect.scatter.add.f32 [tilespmem:s12], [sflag:$0x1], $0x10, s11, s26, $0xb8;
	[tilespmem:$0x1B8A0] =	vst v63  }
0xcf: {  	s13 =	simm.s32 $0x9300;
	s15 =	simm.s32 $0x4000  }
0xd0: {  	[spmem:s1] =	stream.indirect.scatter.add.f32 [tilespmem:s15], [sflag:$0x1], $0x10, s13, s26, $0xb8;
	[tilespmem:$0x1B8A0] =	vst v63  }
0xd1: {  	s17 =	simm.s32 $0x8000;
	s16 =	simm.s32 $0x9700  }
0xd2: {  	[spmem:s1] =	stream.indirect.scatter.add.f32 [tilespmem:s17], [sflag:$0x1], $0x10, s16, s26, $0xb8;
	[tilespmem:$0x1B8A0] =	vst v63  }
0xd3: {  	s28 =	simm.s32 $0x4800;
	s18 =	simm.s32 $0x9380  }
0xd4: {  	[spmem:s1] =	stream.indirect.scatter.add.f32 [tilespmem:s28], [sflag:$0x1], $0x10, s18, s26, $0xb8;
	[tilespmem:$0x1B8A0] =	vst v63  }
0xd5: {  	s29 =	simm.s32 $0x9780;
	s30 =	simm.s32 $0x8800  }
0xd6: {  	[spmem:s1] =	stream.indirect.scatter.add.f32 [tilespmem:s30], [sflag:$0x1], $0x10, s29, s26, $0xb8;
	[tilespmem:$0x1B8A0] =	vst v63  }
0xd7: {  	_ =	swait.ge [sflag:s23], $0x800  }
0xd8: {  	[sflag:s23] =	ssyncset.done $0x0  }
0xd9: {  	[sflag:s23] =	ssyncadd.s32 $0xFFFFF800  }
0xda: {  	_ =	swait.ge [sflag:s23], $0x800  }
0xdb: {  	[sflag:s23] =	ssyncset.done $0x0  }
0xdc: {  	[sflag:s23] =	ssyncadd.s32 $0xFFFFF800  }
0xdd: {  	_ =	swait.ge [sflag:s23], $0x800  }
0xde: {  	[sflag:s23] =	ssyncset.done $0x0  }
0xdf: {  	[sflag:s23] =	ssyncadd.s32 $0xFFFFF800  }
0xe0: {  	_ =	swait.ge [sflag:s23], $0x800  }
0xe1: {  	[sflag:s23] =	ssyncset.done $0x0  }
0xe2: {  	[sflag:s23] =	ssyncadd.s32 $0xFFFFF800  }
0xe3: {  	_ =	swait.ge [sflag:s23], $0x800  }
0xe4: {  	[sflag:s23] =	ssyncset.done $0x0  }
0xe5: {  	[sflag:s23] =	ssyncadd.s32 $0xFFFFF800  }
0xe6: {  	_ =	swait.ge [sflag:s23], $0x800  }
0xe7: {  	[sflag:s23] =	ssyncset.done $0x0  }
0xe8: {  	[sflag:s23] =	ssyncadd.s32 $0xFFFFF800  }
0xe9: {  	_ =	swait.ge [sflag:s23], $0x800  }
0xea: {  	[sflag:s23] =	ssyncset.done $0x0  }
0xeb: {  	[sflag:s23] =	ssyncadd.s32 $0xFFFFF800  }
0xec: {  	_ =	swait.ge [sflag:s23], $0x800  }
0xed: {  	[sflag:s23] =	ssyncset.done $0x0  }
0xee: {  	s6 =	simm.s32 $0x0;
	s8 =	simm.s32 $0x0;
	[sflag:s23] =	ssyncadd.s32 $0xFFFFF800  }
.LBB2_12:
0xef: {  	p1 =	sne.s32 s6, $0x7FC0  }
.Ltmp5:
0xf0: {  	_ = 	snop;
	(pc) =	sbr.rel @p1 .LBB2_12-.Ltmp5, $4  }
0xf1: {  	_ = 	snop  }
0xf2: {  	s9 =	sshra.s32 s6, $0x2  }
0xf3: {  	[tilespmem:s9+$0x1000] =	vst v4  }
0xf4: {  	s6 =	sadd.s32 $0x40, s6;
	[tilespmem:s9+$0x5000] =	vst v4  }
0xf5: {  	s6 =	simm.s32 $0x400  }
0xf6: {  	s9 =	simm.s32 $0xC00;
	v10 =	vld [tilespmem:s6+$0x0]  }
0xf7: {  	s6 =	simm.s32 $0x10;
	v12 =	vld [tilespmem:s9+$0x0]  }
0xf8: {  	v8 =	vmov s8;
	v9 =	vmov s6  }
0xf9: {  	v8 =	vshll.u32 v8, $0x4;
	v9 =	vshll.u32 v9, $0x4  }
0xfa: {  	v14 =	vor.u32 v5, v8;
	v8 =	vor.u32 v5, v9  }
0xfb: {  	vm0 =	vge.s32 v10, v0;
	vm1 =	vlt.s32 v10, v1;
	v13 =	vsub.s32 v10, v0  }
0xfc: {  	s10 =	simm.s32 $0x9000;
	s16 =	simm.s32 $0x9400;
	s11 =	simm.s32 $0x9010;
	v11 =	vshrl.u32 v12, $0x4;
	v15 =	vand.u32 $0xF, v12;
	v9 =	vshll.u32 v13, $0x7  }
0xfd: {  	s12 =	simm.s32 $0x9410;
	s13 =	simm.s32 $0xC10;
	s30 =	sand.u32 $0x70, s8;
	vm0 =	vmand vm0, vm1;
	vm1 =	vne.s32 v10, v12;
	v12 =	vshrl.u32 v13, $0x4  }
0xfe: {  	s17 =	simm.s32 $0x20;
	s28 =	simm.s32 $0x420;
	s15 =	simm.s32 $0x9010;
	v10 =	vand.u32 $0xF, v10;
	v13 =	vor.u32 s30, v6;
	v11 =	vadd.s32 v11, v9  }
0xff: {  	s8 =	simm.s32 $0x9410;
	s18 =	simm.s32 $0xC10;
	s9 =	simm.s32 $0x410;
	v9 =	vor.u32 v14, v15;
	vm0 =	vmand vm0, vm1;
	v10 =	vor.u32 v14, v10  }
.LBB2_14:
0x100: {  	s11 =	sadd.s32 $0x10, s11  }
0x101: {  	s12 =	sadd.s32 $0x10, s12;
	s13 =	sadd.s32 $0x10, s13;
	v11 =	vsel vm0, v11, v13;
	v12 =	vadd.s32 $0x10080, v12;
	s29 =	smov.u32 s17  }
0x102: {  	p1 =	sne.s32 s17, $0x1F0;
	s17 =	sadd.s32 $0x10, s17;
	[tilespmem:s10+$0x0] =	vst v11;
	v11 =	vsel vm0, v12, v13;
	s10 =	smov.u32 s15  }
0x103: {  	s15 =	smov.u32 s11;
	[tilespmem:s16+$0x0] =	vst v11;
	s16 =	smov.u32 s8;
	s8 =	smov.u32 s12  }
0x104: {  	[tilespmem:v9+s24+$0x0] =	vst.idx.msk $0xffff, v7  }
0x105: {  	[tilespmem:v10+s25+$0x0] =	vst.idx.msk $0xffff, v7  }
0x106: {  	v10 =	vld [tilespmem:s9+$0x0];
	s9 =	smov.u32 s28  }
0x107: {  	v9 =	vmov s29;
	v12 =	vld [tilespmem:s18+$0x0];
	s18 =	smov.u32 s13;
	_ =	sdelay $0x1  }
0x108: {  	v9 =	vshll.u32 v9, $0x4  }
0x109: {  	v14 =	vor.u32 v5, v9  }
.Ltmp6:
0x10a: {  	vm0 =	vge.s32 v10, v0;
	vm1 =	vlt.s32 v10, v1;
	v13 =	vsub.s32 v10, v0;
	(pc) =	sbr.rel @p1 .LBB2_14-.Ltmp6, $4  }
0x10b: {  	v9 =	vshll.u32 v13, $0x7;
	v11 =	vshrl.u32 v12, $0x4;
	v15 =	vand.u32 $0xF, v12  }
0x10c: {  	vm0 =	vmand vm0, vm1;
	v11 =	vadd.s32 v11, v9;
	v9 =	vor.u32 v8, v15  }
0x10d: {  	s30 =	sand.u32 $0x70, s6;
	s6 =	smov.u32 s29;
	vm1 =	vne.s32 v10, v12;
	v12 =	vshrl.u32 v13, $0x4;
	v10 =	vand.u32 $0xF, v10  }
0x10e: {  	s28 =	sadd.s32 $0x10, s28;
	v13 =	vor.u32 s30, v6;
	vm0 =	vmand vm0, vm1;
	v10 =	vor.u32 v8, v10;
	v8 =	vmovc v14  }
0x10f: {  	_ = 	snop  }
0x110: {  	v11 =	vsel vm0, v11, v13;
	v12 =	vadd.s32 $0x10080, v12  }
0x111: {  	[tilespmem:s10+$0x0] =	vst v11;
	v55 =	vsel vm0, v12, v13  }
0x112: {  	[tilespmem:s16+$0x0] =	vst v55  }
0x113: {  	[tilespmem:v9+s24+$0x0] =	vst.idx.msk $0xffff, v7  }
0x114: {  	[tilespmem:v10+s25+$0x0] =	vst.idx.msk $0xffff, v7  }
0x115: {  	v9 =	vld [tilespmem:s9+$0x0]  }
0x116: {  	v10 =	vld [tilespmem:s18+$0x0];
	_ =	sdelay $0x2  }
0x117: {  	s6 =	sand.u32 $0x70, s6  }
0x118: {  	v61 =	vor.u32 s6, v6;
	vm14 =	vge.s32 v9, v0;
	vm1 =	vlt.s32 v9, v1  }
0x119: {  	v56 =	vsub.s32 v9, v0;
	v58 =	vshrl.u32 v10, $0x4;
	v14 =	vand.u32 $0xF, v10  }
0x11a: {  	vm15 =	vne.s32 v9, v10;
	v9 =	vand.u32 $0xF, v9;
	v57 =	vshll.u32 v56, $0x7  }
0x11b: {  	vm0 =	vmand vm14, vm1;
	v59 =	vor.u32 v8, v14;
	v60 =	vshrl.u32 v56, $0x4  }
0x11c: {  	v8 =	vor.u32 v8, v9;
	v12 =	vadd.s32 v58, v57;
	vm0 =	vmand vm0, vm15  }
0x11d: {  	v10 =	vadd.s32 $0x10080, v60;
	v62 =	vsel vm0, v12, v61  }
0x11e: {  	v63 =	vsel vm0, v10, v61;
	[tilespmem:s15+$0x0] =	vst v62  }
0x11f: {  	[tilespmem:s8+$0x0] =	vst v63  }
0x120: {  	[tilespmem:v59+s24+$0x0] =	vst.idx.msk $0xffff, v7  }
0x121: {  	s0 =	simm.s32 $0x9000;
	[tilespmem:v8+s25+$0x0] =	vst.idx.msk $0xffff, v7  }
0x122: {  	[spmem:s1] =	stream.indirect.scatter.add.f32 [tilespmem:s24], [sflag:$0x1], $0x10, s0, s26, $0xb8;
	[tilespmem:$0x1B8A0] =	vst v63  }
0x123: {  	s9 =	simm.s32 $0x9400  }
0x124: {  	[spmem:s1] =	stream.indirect.scatter.add.f32 [tilespmem:s25], [sflag:$0x1], $0x10, s9, s26, $0xb8;
	[tilespmem:$0x1B8A0] =	vst v63  }
0x125: {  	s2 =	simm.s32 $0x1800;
	s10 =	simm.s32 $0x9080  }
0x126: {  	[spmem:s1] =	stream.indirect.scatter.add.f32 [tilespmem:s2], [sflag:$0x1], $0x10, s10, s26, $0xb8;
	[tilespmem:$0x1B8A0] =	vst v63  }
0x127: {  	s11 =	simm.s32 $0x9480;
	s12 =	simm.s32 $0x5800  }
0x128: {  	[spmem:s1] =	stream.indirect.scatter.add.f32 [tilespmem:s12], [sflag:$0x1], $0x10, s11, s26, $0xb8;
	[tilespmem:$0x1B8A0] =	vst v63  }
0x129: {  	s13 =	simm.s32 $0x9100;
	s15 =	simm.s32 $0x2000  }
0x12a: {  	[spmem:s1] =	stream.indirect.scatter.add.f32 [tilespmem:s15], [sflag:$0x1], $0x10, s13, s26, $0xb8;
	[tilespmem:$0x1B8A0] =	vst v63  }
0x12b: {  	s17 =	simm.s32 $0x6000;
	s16 =	simm.s32 $0x9500  }
0x12c: {  	[spmem:s1] =	stream.indirect.scatter.add.f32 [tilespmem:s17], [sflag:$0x1], $0x10, s16, s26, $0xb8;
	[tilespmem:$0x1B8A0] =	vst v63  }
0x12d: {  	s28 =	simm.s32 $0x2800;
	s18 =	simm.s32 $0x9180  }
0x12e: {  	[spmem:s1] =	stream.indirect.scatter.add.f32 [tilespmem:s28], [sflag:$0x1], $0x10, s18, s26, $0xb8;
	[tilespmem:$0x1B8A0] =	vst v63  }
0x12f: {  	s29 =	simm.s32 $0x9580;
	s30 =	simm.s32 $0x6800  }
0x130: {  	[spmem:s1] =	stream.indirect.scatter.add.f32 [tilespmem:s30], [sflag:$0x1], $0x10, s29, s26, $0xb8;
	[tilespmem:$0x1B8A0] =	vst v63  }
0x131: {  	_ =	swait.ge [sflag:s23], $0x800  }
0x132: {  	[sflag:s23] =	ssyncset.done $0x0  }
0x133: {  	[sflag:s23] =	ssyncadd.s32 $0xFFFFF800  }
0x134: {  	_ =	swait.ge [sflag:s23], $0x800  }
0x135: {  	[sflag:s23] =	ssyncset.done $0x0  }
0x136: {  	[sflag:s23] =	ssyncadd.s32 $0xFFFFF800  }
0x137: {  	_ =	swait.ge [sflag:s23], $0x800  }
0x138: {  	[sflag:s23] =	ssyncset.done $0x0  }
0x139: {  	[sflag:s23] =	ssyncadd.s32 $0xFFFFF800  }
0x13a: {  	_ =	swait.ge [sflag:s23], $0x800  }
0x13b: {  	[sflag:s23] =	ssyncset.done $0x0  }
0x13c: {  	[sflag:s23] =	ssyncadd.s32 $0xFFFFF800  }
0x13d: {  	_ =	swait.ge [sflag:s23], $0x800  }
0x13e: {  	[sflag:s23] =	ssyncset.done $0x0  }
0x13f: {  	[sflag:s23] =	ssyncadd.s32 $0xFFFFF800  }
0x140: {  	_ =	swait.ge [sflag:s23], $0x800  }
0x141: {  	[sflag:s23] =	ssyncset.done $0x0  }
0x142: {  	[sflag:s23] =	ssyncadd.s32 $0xFFFFF800  }
0x143: {  	_ =	swait.ge [sflag:s23], $0x800  }
0x144: {  	[sflag:s23] =	ssyncset.done $0x0  }
0x145: {  	[sflag:s23] =	ssyncadd.s32 $0xFFFFF800  }
0x146: {  	_ =	swait.ge [sflag:s23], $0x800  }
0x147: {  	[sflag:s23] =	ssyncset.done $0x0  }
0x148: {  	s6 =	simm.s32 $0x0;
	s8 =	simm.s32 $0x0;
	[sflag:s23] =	ssyncadd.s32 $0xFFFFF800  }
.LBB2_16:
0x149: {  	p1 =	sne.s32 s6, $0x7FC0  }
.Ltmp7:
0x14a: {  	_ = 	snop;
	(pc) =	sbr.rel @p1 .LBB2_16-.Ltmp7, $4  }
0x14b: {  	_ = 	snop  }
0x14c: {  	s9 =	sshra.s32 s6, $0x2  }
0x14d: {  	[tilespmem:s9+$0x3000] =	vst v4  }
0x14e: {  	s6 =	sadd.s32 $0x40, s6;
	[tilespmem:s9+$0x7000] =	vst v4  }
0x14f: {  	s6 =	simm.s32 $0x600  }
0x150: {  	s9 =	simm.s32 $0xE00;
	v10 =	vld [tilespmem:s6+$0x0]  }
0x151: {  	s6 =	simm.s32 $0x10;
	v12 =	vld [tilespmem:s9+$0x0]  }
0x152: {  	v8 =	vmov s8;
	v9 =	vmov s6  }
0x153: {  	v8 =	vshll.u32 v8, $0x4;
	v9 =	vshll.u32 v9, $0x4  }
0x154: {  	v14 =	vor.u32 v5, v8;
	v8 =	vor.u32 v5, v9  }
0x155: {  	vm0 =	vge.s32 v10, v0;
	vm1 =	vlt.s32 v10, v1;
	v13 =	vsub.s32 v10, v0  }
0x156: {  	s15 =	simm.s32 $0x9600;
	s10 =	simm.s32 $0x9200;
	s11 =	simm.s32 $0x9610;
	v11 =	vshrl.u32 v12, $0x4;
	v15 =	vand.u32 $0xF, v12;
	v9 =	vshll.u32 v13, $0x7  }
0x157: {  	s12 =	simm.s32 $0x9210;
	s13 =	simm.s32 $0xE10;
	s30 =	sand.u32 $0x70, s8;
	vm0 =	vmand vm0, vm1;
	vm1 =	vne.s32 v10, v12;
	v12 =	vshrl.u32 v13, $0x4  }
0x158: {  	s17 =	simm.s32 $0x20;
	s28 =	simm.s32 $0x620;
	s16 =	simm.s32 $0x9210;
	v10 =	vand.u32 $0xF, v10;
	v13 =	vor.u32 s30, v6;
	v11 =	vadd.s32 v11, v9  }
0x159: {  	s8 =	simm.s32 $0x9610;
	s18 =	simm.s32 $0xE10;
	s9 =	simm.s32 $0x610;
	v9 =	vor.u32 v14, v15;
	vm0 =	vmand vm0, vm1;
	v10 =	vor.u32 v14, v10  }
.LBB2_18:
0x15a: {  	s11 =	sadd.s32 $0x10, s11  }
0x15b: {  	s12 =	sadd.s32 $0x10, s12;
	s13 =	sadd.s32 $0x10, s13;
	v11 =	vsel vm0, v11, v13;
	v12 =	vadd.s32 $0x10080, v12;
	s29 =	smov.u32 s17  }
0x15c: {  	p1 =	sne.s32 s17, $0x1F0;
	s17 =	sadd.s32 $0x10, s17;
	[tilespmem:s10+$0x0] =	vst v11;
	v11 =	vsel vm0, v12, v13;
	s10 =	smov.u32 s16  }
0x15d: {  	s16 =	smov.u32 s12;
	[tilespmem:s15+$0x0] =	vst v11;
	s15 =	smov.u32 s8;
	s8 =	smov.u32 s11  }
0x15e: {  	[tilespmem:v9+s19+$0x0] =	vst.idx.msk $0xffff, v7  }
0x15f: {  	[tilespmem:v10+s7+$0x0] =	vst.idx.msk $0xffff, v7  }
0x160: {  	v10 =	vld [tilespmem:s9+$0x0];
	s9 =	smov.u32 s28  }
0x161: {  	v9 =	vmov s29;
	v12 =	vld [tilespmem:s18+$0x0];
	s18 =	smov.u32 s13;
	_ =	sdelay $0x1  }
0x162: {  	v9 =	vshll.u32 v9, $0x4  }
0x163: {  	v14 =	vor.u32 v5, v9  }
.Ltmp8:
0x164: {  	vm0 =	vge.s32 v10, v0;
	vm1 =	vlt.s32 v10, v1;
	v13 =	vsub.s32 v10, v0;
	(pc) =	sbr.rel @p1 .LBB2_18-.Ltmp8, $4  }
0x165: {  	v9 =	vshll.u32 v13, $0x7;
	v11 =	vshrl.u32 v12, $0x4;
	v15 =	vand.u32 $0xF, v12  }
0x166: {  	vm0 =	vmand vm0, vm1;
	v11 =	vadd.s32 v11, v9;
	v9 =	vor.u32 v8, v15  }
0x167: {  	s30 =	sand.u32 $0x70, s6;
	s6 =	smov.u32 s29;
	vm1 =	vne.s32 v10, v12;
	v12 =	vshrl.u32 v13, $0x4;
	v10 =	vand.u32 $0xF, v10  }
0x168: {  	s28 =	sadd.s32 $0x10, s28;
	v13 =	vor.u32 s30, v6;
	vm0 =	vmand vm0, vm1;
	v10 =	vor.u32 v8, v10;
	v8 =	vmovc v14  }
0x169: {  	_ = 	snop  }
0x16a: {  	v11 =	vsel vm0, v11, v13;
	v12 =	vadd.s32 $0x10080, v12  }
0x16b: {  	[tilespmem:s10+$0x0] =	vst v11;
	v55 =	vsel vm0, v12, v13  }
0x16c: {  	[tilespmem:s15+$0x0] =	vst v55  }
0x16d: {  	[tilespmem:v9+s19+$0x0] =	vst.idx.msk $0xffff, v7  }
0x16e: {  	[tilespmem:v10+s7+$0x0] =	vst.idx.msk $0xffff, v7  }
0x16f: {  	v9 =	vld [tilespmem:s9+$0x0]  }
0x170: {  	v10 =	vld [tilespmem:s18+$0x0];
	_ =	sdelay $0x2  }
0x171: {  	s6 =	sand.u32 $0x70, s6  }
0x172: {  	v61 =	vor.u32 s6, v6;
	vm14 =	vge.s32 v9, v0;
	vm1 =	vlt.s32 v9, v1  }
0x173: {  	v56 =	vsub.s32 v9, v0;
	v58 =	vshrl.u32 v10, $0x4;
	v14 =	vand.u32 $0xF, v10  }
0x174: {  	vm15 =	vne.s32 v9, v10;
	v9 =	vand.u32 $0xF, v9;
	v57 =	vshll.u32 v56, $0x7  }
0x175: {  	vm0 =	vmand vm14, vm1;
	v59 =	vor.u32 v8, v14;
	v60 =	vshrl.u32 v56, $0x4  }
0x176: {  	v8 =	vor.u32 v8, v9;
	v12 =	vadd.s32 v58, v57;
	vm0 =	vmand vm0, vm15  }
0x177: {  	v10 =	vadd.s32 $0x10080, v60;
	v62 =	vsel vm0, v12, v61  }
0x178: {  	v63 =	vsel vm0, v10, v61;
	[tilespmem:s16+$0x0] =	vst v62  }
0x179: {  	[tilespmem:s8+$0x0] =	vst v63  }
0x17a: {  	[tilespmem:v59+s19+$0x0] =	vst.idx.msk $0xffff, v7  }
0x17b: {  	s0 =	simm.s32 $0x9200;
	[tilespmem:v8+s7+$0x0] =	vst.idx.msk $0xffff, v7  }
0x17c: {  	[spmem:s1] =	stream.indirect.scatter.add.f32 [tilespmem:s19], [sflag:$0x1], $0x10, s0, s26, $0xb8;
	[tilespmem:$0x1B8A0] =	vst v63  }
0x17d: {  	s29 =	simm.s32 $0x9600  }
0x17e: {  	[spmem:s1] =	stream.indirect.scatter.add.f32 [tilespmem:s7], [sflag:$0x1], $0x10, s29, s26, $0xb8;
	[tilespmem:$0x1B8A0] =	vst v63  }
0x17f: {  	s30 =	simm.s32 $0x9280;
	s2 =	simm.s32 $0x3800  }
0x180: {  	[spmem:s1] =	stream.indirect.scatter.add.f32 [tilespmem:s2], [sflag:$0x1], $0x10, s30, s26, $0xb8;
	[tilespmem:$0x1B8A0] =	vst v63  }
0x181: {  	s3 =	simm.s32 $0x7800;
	s2 =	simm.s32 $0x9680  }
0x182: {  	[spmem:s1] =	stream.indirect.scatter.add.f32 [tilespmem:s3], [sflag:$0x1], $0x10, s2, s26, $0xb8;
	[tilespmem:$0x1B8A0] =	vst v63  }
0x183: {  	s6 =	simm.s32 $0x9300;
	s8 =	simm.s32 $0x4000  }
0x184: {  	[spmem:s1] =	stream.indirect.scatter.add.f32 [tilespmem:s8], [sflag:$0x1], $0x10, s6, s26, $0xb8;
	[tilespmem:$0x1B8A0] =	vst v63  }
0x185: {  	s10 =	simm.s32 $0x8000;
	s9 =	simm.s32 $0x9700  }
0x186: {  	[spmem:s1] =	stream.indirect.scatter.add.f32 [tilespmem:s10], [sflag:$0x1], $0x10, s9, s26, $0xb8;
	[tilespmem:$0x1B8A0] =	vst v63  }
0x187: {  	s11 =	simm.s32 $0x9380;
	s12 =	simm.s32 $0x4800  }
0x188: {  	[spmem:s1] =	stream.indirect.scatter.add.f32 [tilespmem:s12], [sflag:$0x1], $0x10, s11, s26, $0xb8;
	[tilespmem:$0x1B8A0] =	vst v63  }
0x189: {  	s13 =	simm.s32 $0x9780;
	s15 =	simm.s32 $0x8800  }
0x18a: {  	[spmem:s1] =	stream.indirect.scatter.add.f32 [tilespmem:s15], [sflag:$0x1], $0x10, s13, s26, $0xb8;
	[tilespmem:$0x1B8A0] =	vst v63  }
0x18b: {  	_ =	swait.ge [sflag:s23], $0x800  }
0x18c: {  	[sflag:s23] =	ssyncset.done $0x0  }
0x18d: {  	[sflag:s23] =	ssyncadd.s32 $0xFFFFF800  }
0x18e: {  	_ =	swait.ge [sflag:s23], $0x800  }
0x18f: {  	[sflag:s23] =	ssyncset.done $0x0  }
0x190: {  	[sflag:s23] =	ssyncadd.s32 $0xFFFFF800  }
0x191: {  	_ =	swait.ge [sflag:s23], $0x800  }
0x192: {  	[sflag:s23] =	ssyncset.done $0x0  }
0x193: {  	[sflag:s23] =	ssyncadd.s32 $0xFFFFF800  }
0x194: {  	_ =	swait.ge [sflag:s23], $0x800  }
0x195: {  	[sflag:s23] =	ssyncset.done $0x0  }
0x196: {  	[sflag:s23] =	ssyncadd.s32 $0xFFFFF800  }
0x197: {  	_ =	swait.ge [sflag:s23], $0x800  }
0x198: {  	[sflag:s23] =	ssyncset.done $0x0  }
0x199: {  	[sflag:s23] =	ssyncadd.s32 $0xFFFFF800  }
0x19a: {  	_ =	swait.ge [sflag:s23], $0x800  }
0x19b: {  	[sflag:s23] =	ssyncset.done $0x0  }
0x19c: {  	[sflag:s23] =	ssyncadd.s32 $0xFFFFF800  }
0x19d: {  	_ =	swait.ge [sflag:s23], $0x800  }
0x19e: {  	[sflag:s23] =	ssyncset.done $0x0  }
0x19f: {  	[sflag:s23] =	ssyncadd.s32 $0xFFFFF800  }
0x1a0: {  	_ =	swait.ge [sflag:s23], $0x800  }
0x1a1: {  	[sflag:s23] =	ssyncset.done $0x0  }
0x1a2: {  	[sflag:s23] =	ssyncadd.s32 $0xFFFFF800  }
0x1a3: {  	_ =	swait.ge [sflag:s23], $0x800  }
0x1a4: {  	[sflag:s23] =	ssyncset.done $0x0  }
0x1a5: {  	[sflag:s23] =	ssyncadd.s32 $0xFFFFF800  }
0x1a6: {  	_ =	swait.ge [sflag:s23], $0x800  }
0x1a7: {  	[sflag:s23] =	ssyncset.done $0x0  }
0x1a8: {  	[sflag:s23] =	ssyncadd.s32 $0xFFFFF800  }
0x1a9: {  	_ =	swait.ge [sflag:s23], $0x800  }
0x1aa: {  	[sflag:s23] =	ssyncset.done $0x0  }
0x1ab: {  	[sflag:s23] =	ssyncadd.s32 $0xFFFFF800  }
0x1ac: {  	_ =	swait.ge [sflag:s23], $0x800  }
0x1ad: {  	[sflag:s23] =	ssyncset.done $0x0  }
0x1ae: {  	[sflag:s23] =	ssyncadd.s32 $0xFFFFF800  }
0x1af: {  	_ =	swait.ge [sflag:s23], $0x800  }
0x1b0: {  	[sflag:s23] =	ssyncset.done $0x0  }
0x1b1: {  	[sflag:s23] =	ssyncadd.s32 $0xFFFFF800  }
0x1b2: {  	_ =	swait.ge [sflag:s23], $0x800  }
0x1b3: {  	[sflag:s23] =	ssyncset.done $0x0  }
0x1b4: {  	[sflag:s23] =	ssyncadd.s32 $0xFFFFF800  }
0x1b5: {  	_ =	swait.ge [sflag:s23], $0x800  }
0x1b6: {  	[sflag:s23] =	ssyncset.done $0x0  }
0x1b7: {  	[sflag:s23] =	ssyncadd.s32 $0xFFFFF800  }
0x1b8: {  	_ =	swait.ge [sflag:s23], $0x800  }
0x1b9: {  	[sflag:s23] =	ssyncset.done $0x0  }
0x1ba: {  	s16 =	stileid.u32;
	[sflag:s23] =	ssyncadd.s32 $0xFFFFF800  }
0x1bb: {  	s17 =	sshll.u32 s16, $0x6;
	[bflag:$0x0] =	sbarrier.arrive $0xFFFF  }
0x1bc: {  	s6 =	sor.u32 $0x1C02, s17;
	s15 =	sshrl.u32 s5, $0x3;
	s18 =	rddreg [dreg:$0xb]  }
0x1bd: {  	[hbm:s18], [sflag:s6] =	dma.local [spmem:s15], $0x2000  }
0x1be: {  	_ =	swait.ge [sflag:s20], $0x2000  }
0x1bf: {  	s16 =	sshrl.u32 @!p0 s14, $0x3;
	[sflag:s20] =	ssyncset.done $0x0  }
0x1c0: {  	s8 =	simm.s32 @!p0 $0x2;
	s0 =	rddreg [dreg:$0xc];
	[sflag:s20] =	ssyncadd.s32 $0xFFFFE000  }
0x1c1: {  	[hbm:s0], [sflag:s6] =	dma.local @!p0 [spmem:s16], $0x40  }
0x1c2: {  	_ =	swait.ge @!p0 [sflag:s8], $0x40  }
0x1c3: {  	[sflag:s8] =	ssyncset.done @!p0 $0x0  }
0x1c4: {  	[sflag:s8] =	ssyncadd.s32 @!p0 $0xFFFFFFC0  }
0x1c5: {  	[spmem:s5] =	stream.linear.scatter [tilespmem:s22], [sflag:$0x1], $0x2000, $0x38;
	[tilespmem:$0x1B8A0] =	vst v63  }
0x1c6: {  	_ = 	snop  }
0x1c7: {  	[spmem:s21] =	stream.linear.scatter [tilespmem:s22], [sflag:$0x1], $0x2000, $0x38;
	[tilespmem:$0x1B8A0] =	vst v63  }
0x1c8: {  	_ = 	snop  }
0x1c9: {  	[spmem:s31] =	stream.linear.scatter [tilespmem:s22], [sflag:$0x1], $0x2000, $0x38;
	[tilespmem:$0x1B8A0] =	vst v63  }
0x1ca: {  	s3 =	smov.u32 s21;
	s21 =	rddreg [dreg:$0x6]  }
0x1cb: {  	[spmem:s21] =	stream.linear.scatter [tilespmem:s22], [sflag:$0x1], $0x2000, $0x38;
	[tilespmem:$0x1B8A0] =	vst v63  }
0x1cc: {  	s28 =	rddreg [dreg:$0x7]  }
0x1cd: {  	[spmem:s28] =	stream.linear.scatter [tilespmem:s22], [sflag:$0x1], $0x2000, $0x38;
	[tilespmem:$0x1B8A0] =	vst v63  }
0x1ce: {  	s29 =	rddreg [dreg:$0x8]  }
0x1cf: {  	[spmem:s29] =	stream.linear.scatter [tilespmem:s22], [sflag:$0x1], $0x2000, $0x38;
	[tilespmem:$0x1B8A0] =	vst v63  }
0x1d0: {  	s30 =	rddreg [dreg:$0x9]  }
0x1d1: {  	[spmem:s30] =	stream.linear.scatter [tilespmem:s22], [sflag:$0x1], $0x2000, $0x38;
	[tilespmem:$0x1B8A0] =	vst v63  }
0x1d2: {  	s2 =	smov.u32 s31;
	s31 =	rddreg [dreg:$0xa]  }
0x1d3: {  	[spmem:s31] =	stream.linear.scatter [tilespmem:s22], [sflag:$0x1], $0x2000, $0x38;
	[tilespmem:$0x1B8A0] =	vst v63  }
0x1d4: {  	_ =	swait.ge [sflag:s23], $0x2000  }
0x1d5: {  	[sflag:s23] =	ssyncset.done $0x0  }
0x1d6: {  	[sflag:s23] =	ssyncadd.s32 $0xFFFFE000  }
0x1d7: {  	_ =	swait.ge [sflag:s23], $0x2000  }
0x1d8: {  	[sflag:s23] =	ssyncset.done $0x0  }
0x1d9: {  	[sflag:s23] =	ssyncadd.s32 $0xFFFFE000  }
0x1da: {  	_ =	swait.ge [sflag:s23], $0x2000  }
0x1db: {  	[sflag:s23] =	ssyncset.done $0x0  }
0x1dc: {  	[sflag:s23] =	ssyncadd.s32 $0xFFFFE000  }
0x1dd: {  	_ =	swait.ge [sflag:s23], $0x2000  }
0x1de: {  	[sflag:s23] =	ssyncset.done $0x0  }
0x1df: {  	[sflag:s23] =	ssyncadd.s32 $0xFFFFE000  }
0x1e0: {  	_ =	swait.ge [sflag:s23], $0x2000  }
0x1e1: {  	[sflag:s23] =	ssyncset.done $0x0  }
0x1e2: {  	[sflag:s23] =	ssyncadd.s32 $0xFFFFE000  }
0x1e3: {  	_ =	swait.ge [sflag:s23], $0x2000  }
0x1e4: {  	[sflag:s23] =	ssyncset.done $0x0  }
0x1e5: {  	[sflag:s23] =	ssyncadd.s32 $0xFFFFE000  }
0x1e6: {  	_ =	swait.ge [sflag:s23], $0x2000  }
0x1e7: {  	[sflag:s23] =	ssyncset.done $0x0  }
0x1e8: {  	[sflag:s23] =	ssyncadd.s32 $0xFFFFE000  }
0x1e9: {  	_ =	swait.ge [sflag:s23], $0x2000  }
0x1ea: {  	[sflag:s23] =	ssyncset.done $0x0  }
0x1eb: {  	s9 =	simm.s32 @!p0 $0x9800;
	[sflag:s23] =	ssyncadd.s32 $0xFFFFE000  }
0x1ec: {  	[spmem:s14] =	stream.linear.scatter @!p0 [tilespmem:s9], [sflag:$0x2], $0x200, $0x38;
	[tilespmem:$0x1B8A0] =	vst v63  }
0x1ed: {  	_ =	swait.ge @!p0 [sflag:s8], $0x200  }
0x1ee: {  	[sflag:s8] =	ssyncset.done @!p0 $0x0  }
0x1ef: {  	[sflag:s8] =	ssyncadd.s32 @!p0 $0xFFFFFE00  }
0x1f0: {  	s9 =	simm.s32 $0x0;
	s8 =	simm.s32 $0x0;
	[bflag:$0x0] =	sbarrier.arrive $0xFFFF  }
.LBB2_20:
0x1f1: {  	p1 =	sne.s32 s9, $0x7FC0  }
.Ltmp9:
0x1f2: {  	_ = 	snop;
	(pc) =	sbr.rel @p1 .LBB2_20-.Ltmp9, $4  }
0x1f3: {  	_ = 	snop  }
0x1f4: {  	s10 =	sshra.s32 s9, $0x2  }
0x1f5: {  	[tilespmem:s10+$0x1000] =	vst v4  }
0x1f6: {  	s9 =	sadd.s32 $0x40, s9;
	[tilespmem:s10+$0x5000] =	vst v4  }
0x1f7: {  	s9 =	simm.s32 $0x800;
	v10 =	vld [tilespmem:s8+$0x0]  }
0x1f8: {  	s17 =	simm.s32 $0x10;
	v12 =	vld [tilespmem:s9+$0x0]  }
0x1f9: {  	v8 =	vmov s8;
	v9 =	vmov s17  }
0x1fa: {  	v8 =	vshll.u32 v8, $0x4;
	v9 =	vshll.u32 v9, $0x4  }
0x1fb: {  	v14 =	vor.u32 v5, v8;
	v8 =	vor.u32 v5, v9  }
0x1fc: {  	vm0 =	vge.s32 v10, v2;
	vm1 =	vlt.s32 v10, v3;
	v13 =	vsub.s32 v10, v2  }
0x1fd: {  	s11 =	simm.s32 $0x9000;
	s10 =	simm.s32 $0x9400;
	s13 =	simm.s32 $0x9010;
	v9 =	vshll.u32 v13, $0x7;
	v11 =	vshrl.u32 v12, $0x4;
	v15 =	vand.u32 $0xF, v12  }
0x1fe: {  	s28 =	simm.s32 $0x9410;
	s29 =	simm.s32 $0x20;
	s21 =	sand.u32 $0x70, s8;
	vm0 =	vmand vm0, vm1;
	vm1 =	vne.s32 v10, v12;
	v12 =	vshrl.u32 v13, $0x4  }
0x1ff: {  	s31 =	simm.s32 $0x820;
	s18 =	simm.s32 $0x9010;
	s8 =	simm.s32 $0x9410;
	v10 =	vand.u32 $0xF, v10;
	v13 =	vor.u32 s21, v6;
	v11 =	vadd.s32 v11, v9  }
0x200: {  	s30 =	simm.s32 $0x10;
	s12 =	simm.s32 $0x10;
	s9 =	simm.s32 $0x810;
	v9 =	vor.u32 v14, v15;
	vm0 =	vmand vm0, vm1;
	v10 =	vor.u32 v14, v10  }
.LBB2_22:
0x201: {  	s13 =	sadd.s32 $0x10, s13  }
0x202: {  	s28 =	sadd.s32 $0x10, s28;
	s17 =	sadd.s32 $0x10, s17;
	v11 =	vsel vm0, v11, v13;
	v12 =	vadd.s32 $0x10080, v12;
	s0 =	smov.u32 s29  }
0x203: {  	p1 =	sne.s32 s29, $0x1F0;
	s29 =	sadd.s32 $0x10, s29;
	[tilespmem:s11+$0x0] =	vst v11;
	v11 =	vsel vm0, v12, v13;
	s11 =	smov.u32 s18  }
0x204: {  	s18 =	smov.u32 s13;
	[tilespmem:s10+$0x0] =	vst v11;
	s10 =	smov.u32 s8;
	s8 =	smov.u32 s28  }
0x205: {  	[tilespmem:v9+s24+$0x0] =	vst.idx.msk $0xffff, v7  }
0x206: {  	[tilespmem:v10+s25+$0x0] =	vst.idx.msk $0xffff, v7  }
0x207: {  	v10 =	vld [tilespmem:s30+$0x0];
	s30 =	smov.u32 s17  }
0x208: {  	v9 =	vmov s0;
	v12 =	vld [tilespmem:s9+$0x0];
	s9 =	smov.u32 s31;
	_ =	sdelay $0x1  }
0x209: {  	v9 =	vshll.u32 v9, $0x4  }
0x20a: {  	v14 =	vor.u32 v5, v9  }
.Ltmp10:
0x20b: {  	vm0 =	vge.s32 v10, v2;
	vm1 =	vlt.s32 v10, v3;
	v13 =	vsub.s32 v10, v2;
	(pc) =	sbr.rel @p1 .LBB2_22-.Ltmp10, $4  }
0x20c: {  	v9 =	vshll.u32 v13, $0x7;
	v11 =	vshrl.u32 v12, $0x4;
	v15 =	vand.u32 $0xF, v12  }
0x20d: {  	vm0 =	vmand vm0, vm1;
	v11 =	vadd.s32 v11, v9;
	v9 =	vor.u32 v8, v15  }
0x20e: {  	s21 =	sand.u32 $0x70, s12;
	s12 =	smov.u32 s0;
	vm1 =	vne.s32 v10, v12;
	v12 =	vshrl.u32 v13, $0x4;
	v10 =	vand.u32 $0xF, v10  }
0x20f: {  	s31 =	sadd.s32 $0x10, s31;
	v13 =	vor.u32 s21, v6;
	vm0 =	vmand vm0, vm1;
	v10 =	vor.u32 v8, v10;
	v8 =	vmovc v14  }
0x210: {  	_ = 	snop  }
0x211: {  	v11 =	vsel vm0, v11, v13;
	v12 =	vadd.s32 $0x10080, v12  }
0x212: {  	[tilespmem:s11+$0x0] =	vst v11;
	v55 =	vsel vm0, v12, v13  }
0x213: {  	[tilespmem:s10+$0x0] =	vst v55  }
0x214: {  	[tilespmem:v9+s24+$0x0] =	vst.idx.msk $0xffff, v7  }
0x215: {  	[tilespmem:v10+s25+$0x0] =	vst.idx.msk $0xffff, v7  }
0x216: {  	v9 =	vld [tilespmem:s30+$0x0]  }
0x217: {  	v10 =	vld [tilespmem:s9+$0x0];
	_ =	sdelay $0x2  }
0x218: {  	s0 =	sand.u32 $0x70, s12  }
0x219: {  	v61 =	vor.u32 s0, v6;
	vm14 =	vge.s32 v9, v2;
	vm1 =	vlt.s32 v9, v3  }
0x21a: {  	v56 =	vsub.s32 v9, v2;
	v58 =	vshrl.u32 v10, $0x4;
	v14 =	vand.u32 $0xF, v10  }
0x21b: {  	vm15 =	vne.s32 v9, v10;
	v9 =	vand.u32 $0xF, v9;
	v57 =	vshll.u32 v56, $0x7  }
0x21c: {  	vm0 =	vmand vm14, vm1;
	v59 =	vor.u32 v8, v14;
	v60 =	vshrl.u32 v56, $0x4  }
0x21d: {  	v8 =	vor.u32 v8, v9;
	v12 =	vadd.s32 v58, v57;
	vm0 =	vmand vm0, vm15  }
0x21e: {  	v10 =	vadd.s32 $0x10080, v60;
	v62 =	vsel vm0, v12, v61  }
0x21f: {  	v63 =	vsel vm0, v10, v61;
	[tilespmem:s18+$0x0] =	vst v62  }
0x220: {  	[tilespmem:s8+$0x0] =	vst v63  }
0x221: {  	[tilespmem:v59+s24+$0x0] =	vst.idx.msk $0xffff, v7  }
0x222: {  	s31 =	simm.s32 $0x9000;
	[tilespmem:v8+s25+$0x0] =	vst.idx.msk $0xffff, v7  }
0x223: {  	[spmem:s1] =	stream.indirect.scatter.add.f32 [tilespmem:s24], [sflag:$0x1], $0x10, s31, s26, $0xb8;
	[tilespmem:$0x1B8A0] =	vst v63  }
0x224: {  	s8 =	simm.s32 $0x9400  }
0x225: {  	[spmem:s1] =	stream.indirect.scatter.add.f32 [tilespmem:s25], [sflag:$0x1], $0x10, s8, s26, $0xb8;
	[tilespmem:$0x1B8A0] =	vst v63  }
0x226: {  	s10 =	simm.s32 $0x1800;
	s9 =	simm.s32 $0x9080  }
0x227: {  	[spmem:s1] =	stream.indirect.scatter.add.f32 [tilespmem:s10], [sflag:$0x1], $0x10, s9, s26, $0xb8;
	[tilespmem:$0x1B8A0] =	vst v63  }
0x228: {  	s12 =	simm.s32 $0x5800;
	s11 =	simm.s32 $0x9480  }
0x229: {  	[spmem:s1] =	stream.indirect.scatter.add.f32 [tilespmem:s12], [sflag:$0x1], $0x10, s11, s26, $0xb8;
	[tilespmem:$0x1B8A0] =	vst v63  }
0x22a: {  	s13 =	simm.s32 $0x9100;
	s17 =	simm.s32 $0x2000  }
0x22b: {  	[spmem:s1] =	stream.indirect.scatter.add.f32 [tilespmem:s17], [sflag:$0x1], $0x10, s13, s26, $0xb8;
	[tilespmem:$0x1B8A0] =	vst v63  }
0x22c: {  	s21 =	simm.s32 $0x6000;
	s18 =	simm.s32 $0x9500  }
0x22d: {  	[spmem:s1] =	stream.indirect.scatter.add.f32 [tilespmem:s21], [sflag:$0x1], $0x10, s18, s26, $0xb8;
	[tilespmem:$0x1B8A0] =	vst v63  }
0x22e: {  	s28 =	simm.s32 $0x9180;
	s29 =	simm.s32 $0x2800;
	s30 =	simm.s32 $0x9580  }
0x22f: {  	[spmem:s1] =	stream.indirect.scatter.add.f32 [tilespmem:s29], [sflag:$0x1], $0x10, s28, s26, $0xb8;
	[tilespmem:$0x1B8A0] =	vst v63  }
0x230: {  	s31 =	simm.s32 $0x6800;
	s8 =	simm.s32 $0x0;
	s9 =	simm.s32 $0x0  }
0x231: {  	[spmem:s1] =	stream.indirect.scatter.add.f32 [tilespmem:s31], [sflag:$0x1], $0x10, s30, s26, $0xb8;
	[tilespmem:$0x1B8A0] =	vst v63  }
.LBB2_24:
0x232: {  	p1 =	sne.s32 s9, $0x7FC0  }
.Ltmp11:
0x233: {  	_ = 	snop;
	(pc) =	sbr.rel @p1 .LBB2_24-.Ltmp11, $4  }
0x234: {  	_ = 	snop  }
0x235: {  	s0 =	sshra.s32 s9, $0x2  }
0x236: {  	[tilespmem:s0+$0x3000] =	vst v4  }
0x237: {  	s9 =	sadd.s32 $0x40, s9;
	[tilespmem:s0+$0x7000] =	vst v4  }
0x238: {  	s0 =	simm.s32 $0x200  }
0x239: {  	s9 =	simm.s32 $0xA00;
	v10 =	vld [tilespmem:s0+$0x0]  }
0x23a: {  	s17 =	simm.s32 $0x10;
	v12 =	vld [tilespmem:s9+$0x0]  }
0x23b: {  	v8 =	vmov s8;
	v9 =	vmov s17  }
0x23c: {  	v8 =	vshll.u32 v8, $0x4;
	v9 =	vshll.u32 v9, $0x4  }
0x23d: {  	v14 =	vor.u32 v5, v8;
	v8 =	vor.u32 v5, v9  }
0x23e: {  	vm0 =	vge.s32 v10, v2;
	vm1 =	vlt.s32 v10, v3;
	v13 =	vsub.s32 v10, v2  }
0x23f: {  	s11 =	simm.s32 $0x9200;
	s10 =	simm.s32 $0x9600;
	s12 =	simm.s32 $0x9210;
	v11 =	vshrl.u32 v12, $0x4;
	v15 =	vand.u32 $0xF, v12;
	v9 =	vshll.u32 v13, $0x7  }
0x240: {  	s13 =	simm.s32 $0x9610;
	s28 =	simm.s32 $0xA10;
	s21 =	sand.u32 $0x70, s8;
	vm0 =	vmand vm0, vm1;
	vm1 =	vne.s32 v10, v12;
	v12 =	vshrl.u32 v13, $0x4  }
0x241: {  	s29 =	simm.s32 $0x20;
	s31 =	simm.s32 $0x220;
	s18 =	simm.s32 $0x9210;
	v10 =	vand.u32 $0xF, v10;
	v13 =	vor.u32 s21, v6;
	v11 =	vadd.s32 v11, v9  }
0x242: {  	s8 =	simm.s32 $0x9610;
	s30 =	simm.s32 $0xA10;
	s9 =	simm.s32 $0x210;
	v9 =	vor.u32 v14, v15;
	vm0 =	vmand vm0, vm1;
	v10 =	vor.u32 v14, v10  }
.LBB2_26:
0x243: {  	s12 =	sadd.s32 $0x10, s12  }
0x244: {  	s13 =	sadd.s32 $0x10, s13;
	s28 =	sadd.s32 $0x10, s28;
	v11 =	vsel vm0, v11, v13;
	v12 =	vadd.s32 $0x10080, v12;
	s0 =	smov.u32 s29  }
0x245: {  	p1 =	sne.s32 s29, $0x1F0;
	s29 =	sadd.s32 $0x10, s29;
	[tilespmem:s11+$0x0] =	vst v11;
	v11 =	vsel vm0, v12, v13;
	s11 =	smov.u32 s18  }
0x246: {  	s18 =	smov.u32 s12;
	[tilespmem:s10+$0x0] =	vst v11;
	s10 =	smov.u32 s8;
	s8 =	smov.u32 s13  }
0x247: {  	[tilespmem:v9+s19+$0x0] =	vst.idx.msk $0xffff, v7  }
0x248: {  	[tilespmem:v10+s7+$0x0] =	vst.idx.msk $0xffff, v7  }
0x249: {  	v10 =	vld [tilespmem:s9+$0x0];
	s9 =	smov.u32 s31  }
0x24a: {  	v9 =	vmov s0;
	v12 =	vld [tilespmem:s30+$0x0];
	s30 =	smov.u32 s28;
	_ =	sdelay $0x1  }
0x24b: {  	v9 =	vshll.u32 v9, $0x4  }
0x24c: {  	v14 =	vor.u32 v5, v9  }
.Ltmp12:
0x24d: {  	vm0 =	vge.s32 v10, v2;
	vm1 =	vlt.s32 v10, v3;
	v13 =	vsub.s32 v10, v2;
	(pc) =	sbr.rel @p1 .LBB2_26-.Ltmp12, $4  }
0x24e: {  	v9 =	vshll.u32 v13, $0x7;
	v11 =	vshrl.u32 v12, $0x4;
	v15 =	vand.u32 $0xF, v12  }
0x24f: {  	vm0 =	vmand vm0, vm1;
	v11 =	vadd.s32 v11, v9;
	v9 =	vor.u32 v8, v15  }
0x250: {  	s21 =	sand.u32 $0x70, s17;
	s17 =	smov.u32 s0;
	vm1 =	vne.s32 v10, v12;
	v12 =	vshrl.u32 v13, $0x4;
	v10 =	vand.u32 $0xF, v10  }
0x251: {  	s31 =	sadd.s32 $0x10, s31;
	v13 =	vor.u32 s21, v6;
	vm0 =	vmand vm0, vm1;
	v10 =	vor.u32 v8, v10;
	v8 =	vmovc v14  }
0x252: {  	_ = 	snop  }
0x253: {  	v11 =	vsel vm0, v11, v13;
	v12 =	vadd.s32 $0x10080, v12  }
0x254: {  	[tilespmem:s11+$0x0] =	vst v11;
	v55 =	vsel vm0, v12, v13  }
0x255: {  	[tilespmem:s10+$0x0] =	vst v55  }
0x256: {  	[tilespmem:v9+s19+$0x0] =	vst.idx.msk $0xffff, v7  }
0x257: {  	[tilespmem:v10+s7+$0x0] =	vst.idx.msk $0xffff, v7  }
0x258: {  	v9 =	vld [tilespmem:s9+$0x0]  }
0x259: {  	v10 =	vld [tilespmem:s30+$0x0];
	_ =	sdelay $0x2  }
0x25a: {  	s0 =	sand.u32 $0x70, s17  }
0x25b: {  	v61 =	vor.u32 s0, v6;
	vm14 =	vge.s32 v9, v2;
	vm1 =	vlt.s32 v9, v3  }
0x25c: {  	v56 =	vsub.s32 v9, v2;
	v58 =	vshrl.u32 v10, $0x4;
	v14 =	vand.u32 $0xF, v10  }
0x25d: {  	vm15 =	vne.s32 v9, v10;
	v9 =	vand.u32 $0xF, v9;
	v57 =	vshll.u32 v56, $0x7  }
0x25e: {  	vm0 =	vmand vm14, vm1;
	v59 =	vor.u32 v8, v14;
	v60 =	vshrl.u32 v56, $0x4  }
0x25f: {  	v8 =	vor.u32 v8, v9;
	v12 =	vadd.s32 v58, v57;
	vm0 =	vmand vm0, vm15  }
0x260: {  	v10 =	vadd.s32 $0x10080, v60;
	v62 =	vsel vm0, v12, v61  }
0x261: {  	v63 =	vsel vm0, v10, v61;
	[tilespmem:s18+$0x0] =	vst v62  }
0x262: {  	[tilespmem:s8+$0x0] =	vst v63  }
0x263: {  	[tilespmem:v59+s19+$0x0] =	vst.idx.msk $0xffff, v7  }
0x264: {  	s31 =	simm.s32 $0x9200;
	[tilespmem:v8+s7+$0x0] =	vst.idx.msk $0xffff, v7  }
0x265: {  	[spmem:s1] =	stream.indirect.scatter.add.f32 [tilespmem:s19], [sflag:$0x1], $0x10, s31, s26, $0xb8;
	[tilespmem:$0x1B8A0] =	vst v63  }
0x266: {  	s8 =	simm.s32 $0x9600  }
0x267: {  	[spmem:s1] =	stream.indirect.scatter.add.f32 [tilespmem:s7], [sflag:$0x1], $0x10, s8, s26, $0xb8;
	[tilespmem:$0x1B8A0] =	vst v63  }
0x268: {  	s10 =	simm.s32 $0x3800;
	s9 =	simm.s32 $0x9280  }
0x269: {  	[spmem:s1] =	stream.indirect.scatter.add.f32 [tilespmem:s10], [sflag:$0x1], $0x10, s9, s26, $0xb8;
	[tilespmem:$0x1B8A0] =	vst v63  }
0x26a: {  	s12 =	simm.s32 $0x7800;
	s11 =	simm.s32 $0x9680  }
0x26b: {  	[spmem:s1] =	stream.indirect.scatter.add.f32 [tilespmem:s12], [sflag:$0x1], $0x10, s11, s26, $0xb8;
	[tilespmem:$0x1B8A0] =	vst v63  }
0x26c: {  	s13 =	simm.s32 $0x9300;
	s17 =	simm.s32 $0x4000  }
0x26d: {  	[spmem:s1] =	stream.indirect.scatter.add.f32 [tilespmem:s17], [sflag:$0x1], $0x10, s13, s26, $0xb8;
	[tilespmem:$0x1B8A0] =	vst v63  }
0x26e: {  	s21 =	simm.s32 $0x8000;
	s18 =	simm.s32 $0x9700  }
0x26f: {  	[spmem:s1] =	stream.indirect.scatter.add.f32 [tilespmem:s21], [sflag:$0x1], $0x10, s18, s26, $0xb8;
	[tilespmem:$0x1B8A0] =	vst v63  }
0x270: {  	s28 =	simm.s32 $0x9380;
	s29 =	simm.s32 $0x4800  }
0x271: {  	[spmem:s1] =	stream.indirect.scatter.add.f32 [tilespmem:s29], [sflag:$0x1], $0x10, s28, s26, $0xb8;
	[tilespmem:$0x1B8A0] =	vst v63  }
0x272: {  	s30 =	simm.s32 $0x9780;
	s31 =	simm.s32 $0x8800  }
0x273: {  	[spmem:s1] =	stream.indirect.scatter.add.f32 [tilespmem:s31], [sflag:$0x1], $0x10, s30, s26, $0xb8;
	[tilespmem:$0x1B8A0] =	vst v63  }
0x274: {  	_ =	swait.ge [sflag:s23], $0x800  }
0x275: {  	[sflag:s23] =	ssyncset.done $0x0  }
0x276: {  	[sflag:s23] =	ssyncadd.s32 $0xFFFFF800  }
0x277: {  	_ =	swait.ge [sflag:s23], $0x800  }
0x278: {  	[sflag:s23] =	ssyncset.done $0x0  }
0x279: {  	[sflag:s23] =	ssyncadd.s32 $0xFFFFF800  }
0x27a: {  	_ =	swait.ge [sflag:s23], $0x800  }
0x27b: {  	[sflag:s23] =	ssyncset.done $0x0  }
0x27c: {  	[sflag:s23] =	ssyncadd.s32 $0xFFFFF800  }
0x27d: {  	_ =	swait.ge [sflag:s23], $0x800  }
0x27e: {  	[sflag:s23] =	ssyncset.done $0x0  }
0x27f: {  	[sflag:s23] =	ssyncadd.s32 $0xFFFFF800  }
0x280: {  	_ =	swait.ge [sflag:s23], $0x800  }
0x281: {  	[sflag:s23] =	ssyncset.done $0x0  }
0x282: {  	[sflag:s23] =	ssyncadd.s32 $0xFFFFF800  }
0x283: {  	_ =	swait.ge [sflag:s23], $0x800  }
0x284: {  	[sflag:s23] =	ssyncset.done $0x0  }
0x285: {  	[sflag:s23] =	ssyncadd.s32 $0xFFFFF800  }
0x286: {  	_ =	swait.ge [sflag:s23], $0x800  }
0x287: {  	[sflag:s23] =	ssyncset.done $0x0  }
0x288: {  	[sflag:s23] =	ssyncadd.s32 $0xFFFFF800  }
0x289: {  	_ =	swait.ge [sflag:s23], $0x800  }
0x28a: {  	[sflag:s23] =	ssyncset.done $0x0  }
0x28b: {  	s8 =	simm.s32 $0x0;
	s9 =	simm.s32 $0x0;
	[sflag:s23] =	ssyncadd.s32 $0xFFFFF800  }
.LBB2_28:
0x28c: {  	p1 =	sne.s32 s9, $0x7FC0  }
.Ltmp13:
0x28d: {  	_ = 	snop;
	(pc) =	sbr.rel @p1 .LBB2_28-.Ltmp13, $4  }
0x28e: {  	_ = 	snop  }
0x28f: {  	s0 =	sshra.s32 s9, $0x2  }
0x290: {  	[tilespmem:s0+$0x1000] =	vst v4  }
0x291: {  	s9 =	sadd.s32 $0x40, s9;
	[tilespmem:s0+$0x5000] =	vst v4  }
0x292: {  	s0 =	simm.s32 $0x400  }
0x293: {  	s9 =	simm.s32 $0xC00;
	v10 =	vld [tilespmem:s0+$0x0]  }
0x294: {  	s17 =	simm.s32 $0x10;
	v12 =	vld [tilespmem:s9+$0x0]  }
0x295: {  	v8 =	vmov s8;
	v9 =	vmov s17  }
0x296: {  	v8 =	vshll.u32 v8, $0x4;
	v9 =	vshll.u32 v9, $0x4  }
0x297: {  	v14 =	vor.u32 v5, v8;
	v8 =	vor.u32 v5, v9  }
0x298: {  	vm0 =	vge.s32 v10, v2;
	vm1 =	vlt.s32 v10, v3;
	v13 =	vsub.s32 v10, v2  }
0x299: {  	s11 =	simm.s32 $0x9000;
	s10 =	simm.s32 $0x9400;
	s12 =	simm.s32 $0x9010;
	v11 =	vshrl.u32 v12, $0x4;
	v15 =	vand.u32 $0xF, v12;
	v9 =	vshll.u32 v13, $0x7  }
0x29a: {  	s13 =	simm.s32 $0x9410;
	s28 =	simm.s32 $0xC10;
	s21 =	sand.u32 $0x70, s8;
	vm0 =	vmand vm0, vm1;
	vm1 =	vne.s32 v10, v12;
	v12 =	vshrl.u32 v13, $0x4  }
0x29b: {  	s29 =	simm.s32 $0x20;
	s31 =	simm.s32 $0x420;
	s18 =	simm.s32 $0x9010;
	v10 =	vand.u32 $0xF, v10;
	v13 =	vor.u32 s21, v6;
	v11 =	vadd.s32 v11, v9  }
0x29c: {  	s8 =	simm.s32 $0x9410;
	s30 =	simm.s32 $0xC10;
	s9 =	simm.s32 $0x410;
	v9 =	vor.u32 v14, v15;
	vm0 =	vmand vm0, vm1;
	v10 =	vor.u32 v14, v10  }
.LBB2_30:
0x29d: {  	s12 =	sadd.s32 $0x10, s12  }
0x29e: {  	s13 =	sadd.s32 $0x10, s13;
	s28 =	sadd.s32 $0x10, s28;
	v11 =	vsel vm0, v11, v13;
	v12 =	vadd.s32 $0x10080, v12;
	s0 =	smov.u32 s29  }
0x29f: {  	p1 =	sne.s32 s29, $0x1F0;
	s29 =	sadd.s32 $0x10, s29;
	[tilespmem:s11+$0x0] =	vst v11;
	v11 =	vsel vm0, v12, v13;
	s11 =	smov.u32 s18  }
0x2a0: {  	s18 =	smov.u32 s12;
	[tilespmem:s10+$0x0] =	vst v11;
	s10 =	smov.u32 s8;
	s8 =	smov.u32 s13  }
0x2a1: {  	[tilespmem:v9+s24+$0x0] =	vst.idx.msk $0xffff, v7  }
0x2a2: {  	[tilespmem:v10+s25+$0x0] =	vst.idx.msk $0xffff, v7  }
0x2a3: {  	v10 =	vld [tilespmem:s9+$0x0];
	s9 =	smov.u32 s31  }
0x2a4: {  	v9 =	vmov s0;
	v12 =	vld [tilespmem:s30+$0x0];
	s30 =	smov.u32 s28;
	_ =	sdelay $0x1  }
0x2a5: {  	v9 =	vshll.u32 v9, $0x4  }
0x2a6: {  	v14 =	vor.u32 v5, v9  }
.Ltmp14:
0x2a7: {  	vm0 =	vge.s32 v10, v2;
	vm1 =	vlt.s32 v10, v3;
	v13 =	vsub.s32 v10, v2;
	(pc) =	sbr.rel @p1 .LBB2_30-.Ltmp14, $4  }
0x2a8: {  	v9 =	vshll.u32 v13, $0x7;
	v11 =	vshrl.u32 v12, $0x4;
	v15 =	vand.u32 $0xF, v12  }
0x2a9: {  	vm0 =	vmand vm0, vm1;
	v11 =	vadd.s32 v11, v9;
	v9 =	vor.u32 v8, v15  }
0x2aa: {  	s21 =	sand.u32 $0x70, s17;
	s17 =	smov.u32 s0;
	vm1 =	vne.s32 v10, v12;
	v12 =	vshrl.u32 v13, $0x4;
	v10 =	vand.u32 $0xF, v10  }
0x2ab: {  	s31 =	sadd.s32 $0x10, s31;
	v13 =	vor.u32 s21, v6;
	vm0 =	vmand vm0, vm1;
	v10 =	vor.u32 v8, v10;
	v8 =	vmovc v14  }
0x2ac: {  	_ = 	snop  }
0x2ad: {  	v11 =	vsel vm0, v11, v13;
	v12 =	vadd.s32 $0x10080, v12  }
0x2ae: {  	[tilespmem:s11+$0x0] =	vst v11;
	v55 =	vsel vm0, v12, v13  }
0x2af: {  	[tilespmem:s10+$0x0] =	vst v55  }
0x2b0: {  	[tilespmem:v9+s24+$0x0] =	vst.idx.msk $0xffff, v7  }
0x2b1: {  	[tilespmem:v10+s25+$0x0] =	vst.idx.msk $0xffff, v7  }
0x2b2: {  	v9 =	vld [tilespmem:s9+$0x0]  }
0x2b3: {  	v10 =	vld [tilespmem:s30+$0x0];
	_ =	sdelay $0x2  }
0x2b4: {  	s0 =	sand.u32 $0x70, s17  }
0x2b5: {  	v61 =	vor.u32 s0, v6;
	vm14 =	vge.s32 v9, v2;
	vm1 =	vlt.s32 v9, v3  }
0x2b6: {  	v56 =	vsub.s32 v9, v2;
	v58 =	vshrl.u32 v10, $0x4;
	v14 =	vand.u32 $0xF, v10  }
0x2b7: {  	vm15 =	vne.s32 v9, v10;
	v9 =	vand.u32 $0xF, v9;
	v57 =	vshll.u32 v56, $0x7  }
0x2b8: {  	vm0 =	vmand vm14, vm1;
	v59 =	vor.u32 v8, v14;
	v60 =	vshrl.u32 v56, $0x4  }
0x2b9: {  	v8 =	vor.u32 v8, v9;
	v12 =	vadd.s32 v58, v57;
	vm0 =	vmand vm0, vm15  }
0x2ba: {  	v10 =	vadd.s32 $0x10080, v60;
	v62 =	vsel vm0, v12, v61  }
0x2bb: {  	v63 =	vsel vm0, v10, v61;
	[tilespmem:s18+$0x0] =	vst v62  }
0x2bc: {  	[tilespmem:s8+$0x0] =	vst v63  }
0x2bd: {  	[tilespmem:v59+s24+$0x0] =	vst.idx.msk $0xffff, v7  }
0x2be: {  	s31 =	simm.s32 $0x9000;
	[tilespmem:v8+s25+$0x0] =	vst.idx.msk $0xffff, v7  }
0x2bf: {  	[spmem:s1] =	stream.indirect.scatter.add.f32 [tilespmem:s24], [sflag:$0x1], $0x10, s31, s26, $0xb8;
	[tilespmem:$0x1B8A0] =	vst v63  }
0x2c0: {  	s8 =	simm.s32 $0x9400  }
0x2c1: {  	[spmem:s1] =	stream.indirect.scatter.add.f32 [tilespmem:s25], [sflag:$0x1], $0x10, s8, s26, $0xb8;
	[tilespmem:$0x1B8A0] =	vst v63  }
0x2c2: {  	s10 =	simm.s32 $0x1800;
	s9 =	simm.s32 $0x9080  }
0x2c3: {  	[spmem:s1] =	stream.indirect.scatter.add.f32 [tilespmem:s10], [sflag:$0x1], $0x10, s9, s26, $0xb8;
	[tilespmem:$0x1B8A0] =	vst v63  }
0x2c4: {  	s12 =	simm.s32 $0x5800;
	s11 =	simm.s32 $0x9480  }
0x2c5: {  	[spmem:s1] =	stream.indirect.scatter.add.f32 [tilespmem:s12], [sflag:$0x1], $0x10, s11, s26, $0xb8;
	[tilespmem:$0x1B8A0] =	vst v63  }
0x2c6: {  	s13 =	simm.s32 $0x9100;
	s17 =	simm.s32 $0x2000  }
0x2c7: {  	[spmem:s1] =	stream.indirect.scatter.add.f32 [tilespmem:s17], [sflag:$0x1], $0x10, s13, s26, $0xb8;
	[tilespmem:$0x1B8A0] =	vst v63  }
0x2c8: {  	s21 =	simm.s32 $0x6000;
	s18 =	simm.s32 $0x9500  }
0x2c9: {  	[spmem:s1] =	stream.indirect.scatter.add.f32 [tilespmem:s21], [sflag:$0x1], $0x10, s18, s26, $0xb8;
	[tilespmem:$0x1B8A0] =	vst v63  }
0x2ca: {  	s28 =	simm.s32 $0x9180;
	s29 =	simm.s32 $0x2800  }
0x2cb: {  	[spmem:s1] =	stream.indirect.scatter.add.f32 [tilespmem:s29], [sflag:$0x1], $0x10, s28, s26, $0xb8;
	[tilespmem:$0x1B8A0] =	vst v63  }
0x2cc: {  	s30 =	simm.s32 $0x9580;
	s31 =	simm.s32 $0x6800  }
0x2cd: {  	[spmem:s1] =	stream.indirect.scatter.add.f32 [tilespmem:s31], [sflag:$0x1], $0x10, s30, s26, $0xb8;
	[tilespmem:$0x1B8A0] =	vst v63  }
0x2ce: {  	_ =	swait.ge [sflag:s23], $0x800  }
0x2cf: {  	[sflag:s23] =	ssyncset.done $0x0  }
0x2d0: {  	[sflag:s23] =	ssyncadd.s32 $0xFFFFF800  }
0x2d1: {  	_ =	swait.ge [sflag:s23], $0x800  }
0x2d2: {  	[sflag:s23] =	ssyncset.done $0x0  }
0x2d3: {  	[sflag:s23] =	ssyncadd.s32 $0xFFFFF800  }
0x2d4: {  	_ =	swait.ge [sflag:s23], $0x800  }
0x2d5: {  	[sflag:s23] =	ssyncset.done $0x0  }
0x2d6: {  	[sflag:s23] =	ssyncadd.s32 $0xFFFFF800  }
0x2d7: {  	_ =	swait.ge [sflag:s23], $0x800  }
0x2d8: {  	[sflag:s23] =	ssyncset.done $0x0  }
0x2d9: {  	[sflag:s23] =	ssyncadd.s32 $0xFFFFF800  }
0x2da: {  	_ =	swait.ge [sflag:s23], $0x800  }
0x2db: {  	[sflag:s23] =	ssyncset.done $0x0  }
0x2dc: {  	[sflag:s23] =	ssyncadd.s32 $0xFFFFF800  }
0x2dd: {  	_ =	swait.ge [sflag:s23], $0x800  }
0x2de: {  	[sflag:s23] =	ssyncset.done $0x0  }
0x2df: {  	[sflag:s23] =	ssyncadd.s32 $0xFFFFF800  }
0x2e0: {  	_ =	swait.ge [sflag:s23], $0x800  }
0x2e1: {  	[sflag:s23] =	ssyncset.done $0x0  }
0x2e2: {  	[sflag:s23] =	ssyncadd.s32 $0xFFFFF800  }
0x2e3: {  	_ =	swait.ge [sflag:s23], $0x800  }
0x2e4: {  	[sflag:s23] =	ssyncset.done $0x0  }
0x2e5: {  	s8 =	simm.s32 $0x0;
	s9 =	simm.s32 $0x0;
	[sflag:s23] =	ssyncadd.s32 $0xFFFFF800  }
.LBB2_32:
0x2e6: {  	p1 =	sne.s32 s9, $0x7FC0  }
.Ltmp15:
0x2e7: {  	_ = 	snop;
	(pc) =	sbr.rel @p1 .LBB2_32-.Ltmp15, $4  }
0x2e8: {  	_ = 	snop  }
0x2e9: {  	s0 =	sshra.s32 s9, $0x2  }
0x2ea: {  	[tilespmem:s0+$0x3000] =	vst v4  }
0x2eb: {  	s9 =	sadd.s32 $0x40, s9;
	[tilespmem:s0+$0x7000] =	vst v4  }
0x2ec: {  	s0 =	simm.s32 $0x600  }
0x2ed: {  	s9 =	simm.s32 $0xE00;
	v10 =	vld [tilespmem:s0+$0x0]  }
0x2ee: {  	s17 =	simm.s32 $0x10;
	v12 =	vld [tilespmem:s9+$0x0]  }
0x2ef: {  	v8 =	vmov s8;
	v9 =	vmov s17  }
0x2f0: {  	v8 =	vshll.u32 v8, $0x4;
	v9 =	vshll.u32 v9, $0x4  }
0x2f1: {  	v14 =	vor.u32 v5, v8;
	v8 =	vor.u32 v5, v9  }
0x2f2: {  	vm0 =	vge.s32 v10, v2;
	vm1 =	vlt.s32 v10, v3;
	v13 =	vsub.s32 v10, v2  }
0x2f3: {  	s18 =	simm.s32 $0x9600;
	s11 =	simm.s32 $0x9200;
	s12 =	simm.s32 $0x9610;
	v11 =	vshrl.u32 v12, $0x4;
	v15 =	vand.u32 $0xF, v12;
	v9 =	vshll.u32 v13, $0x7  }
0x2f4: {  	s13 =	simm.s32 $0x9210;
	s28 =	simm.s32 $0xE10;
	s21 =	sand.u32 $0x70, s8;
	vm0 =	vmand vm0, vm1;
	vm1 =	vne.s32 v10, v12;
	v12 =	vshrl.u32 v13, $0x4  }
0x2f5: {  	s29 =	simm.s32 $0x20;
	s31 =	simm.s32 $0x620;
	s10 =	simm.s32 $0x9210;
	v10 =	vand.u32 $0xF, v10;
	v13 =	vor.u32 s21, v6;
	v11 =	vadd.s32 v11, v9  }
0x2f6: {  	s8 =	simm.s32 $0x9610;
	s30 =	simm.s32 $0xE10;
	s9 =	simm.s32 $0x610;
	v9 =	vor.u32 v14, v15;
	vm0 =	vmand vm0, vm1;
	v10 =	vor.u32 v14, v10  }
.LBB2_34:
0x2f7: {  	s12 =	sadd.s32 $0x10, s12  }
0x2f8: {  	s13 =	sadd.s32 $0x10, s13;
	s28 =	sadd.s32 $0x10, s28;
	v11 =	vsel vm0, v11, v13;
	v12 =	vadd.s32 $0x10080, v12;
	s0 =	smov.u32 s29  }
0x2f9: {  	p1 =	sne.s32 s29, $0x1F0;
	s29 =	sadd.s32 $0x10, s29;
	[tilespmem:s11+$0x0] =	vst v11;
	v11 =	vsel vm0, v12, v13;
	s11 =	smov.u32 s10  }
0x2fa: {  	s10 =	smov.u32 s13;
	[tilespmem:s18+$0x0] =	vst v11;
	s18 =	smov.u32 s8;
	s8 =	smov.u32 s12  }
0x2fb: {  	[tilespmem:v9+s19+$0x0] =	vst.idx.msk $0xffff, v7  }
0x2fc: {  	[tilespmem:v10+s7+$0x0] =	vst.idx.msk $0xffff, v7  }
0x2fd: {  	v10 =	vld [tilespmem:s9+$0x0];
	s9 =	smov.u32 s31  }
0x2fe: {  	v9 =	vmov s0;
	v12 =	vld [tilespmem:s30+$0x0];
	s30 =	smov.u32 s28;
	_ =	sdelay $0x1  }
0x2ff: {  	v9 =	vshll.u32 v9, $0x4  }
0x300: {  	v14 =	vor.u32 v5, v9  }
.Ltmp16:
0x301: {  	vm0 =	vge.s32 v10, v2;
	vm1 =	vlt.s32 v10, v3;
	v13 =	vsub.s32 v10, v2;
	(pc) =	sbr.rel @p1 .LBB2_34-.Ltmp16, $4  }
0x302: {  	v9 =	vshll.u32 v13, $0x7;
	v11 =	vshrl.u32 v12, $0x4;
	v15 =	vand.u32 $0xF, v12  }
0x303: {  	vm0 =	vmand vm0, vm1;
	v11 =	vadd.s32 v11, v9;
	v9 =	vor.u32 v8, v15  }
0x304: {  	s21 =	sand.u32 $0x70, s17;
	s17 =	smov.u32 s0;
	vm1 =	vne.s32 v10, v12;
	v12 =	vshrl.u32 v13, $0x4;
	v10 =	vand.u32 $0xF, v10  }
0x305: {  	s31 =	sadd.s32 $0x10, s31;
	v13 =	vor.u32 s21, v6;
	vm0 =	vmand vm0, vm1;
	v10 =	vor.u32 v8, v10;
	v8 =	vmovc v14  }
0x306: {  	_ = 	snop  }
0x307: {  	v11 =	vsel vm0, v11, v13;
	v12 =	vadd.s32 $0x10080, v12  }
0x308: {  	[tilespmem:s11+$0x0] =	vst v11;
	v56 =	vsel vm0, v12, v13  }
0x309: {  	[tilespmem:s18+$0x0] =	vst v56  }
0x30a: {  	[tilespmem:v9+s19+$0x0] =	vst.idx.msk $0xffff, v7  }
0x30b: {  	[tilespmem:v10+s7+$0x0] =	vst.idx.msk $0xffff, v7  }
0x30c: {  	v9 =	vld [tilespmem:s9+$0x0]  }
0x30d: {  	v10 =	vld [tilespmem:s30+$0x0];
	_ =	sdelay $0x2  }
0x30e: {  	s0 =	sand.u32 $0x70, s17  }
0x30f: {  	v57 =	vor.u32 s0, v6;
	vm14 =	vge.s32 v9, v2;
	v58 =	vsub.s32 v9, v2  }
0x310: {  	vm1 =	vlt.s32 v9, v3;
	v14 =	vshrl.u32 v10, $0x4;
	v60 =	vand.u32 $0xF, v10  }
0x311: {  	vm15 =	vne.s32 v9, v10;
	v9 =	vand.u32 $0xF, v9;
	v59 =	vshll.u32 v58, $0x7  }
0x312: {  	vm0 =	vmand vm14, vm1;
	v13 =	vadd.s32 v14, v59;
	v14 =	vor.u32 v8, v60  }
0x313: {  	v61 =	vshrl.u32 v58, $0x4;
	vm0 =	vmand vm0, vm15;
	v8 =	vor.u32 v8, v9  }
0x314: {  	v10 =	vadd.s32 $0x10080, v61;
	v62 =	vsel vm0, v13, v57  }
0x315: {  	v63 =	vsel vm0, v10, v57;
	[tilespmem:s10+$0x0] =	vst v62  }
0x316: {  	[tilespmem:s8+$0x0] =	vst v63  }
0x317: {  	[tilespmem:v14+s19+$0x0] =	vst.idx.msk $0xffff, v7  }
0x318: {  	s21 =	simm.s32 $0x9200;
	[tilespmem:v8+s7+$0x0] =	vst.idx.msk $0xffff, v7  }
0x319: {  	[spmem:s1] =	stream.indirect.scatter.add.f32 [tilespmem:s19], [sflag:$0x1], $0x10, s21, s26, $0xb8;
	[tilespmem:$0x1B8A0] =	vst v63  }
0x31a: {  	s28 =	simm.s32 $0x9600  }
0x31b: {  	[spmem:s1] =	stream.indirect.scatter.add.f32 [tilespmem:s7], [sflag:$0x1], $0x10, s28, s26, $0xb8;
	[tilespmem:$0x1B8A0] =	vst v63  }
0x31c: {  	s29 =	simm.s32 $0x9280;
	s30 =	simm.s32 $0x3800  }
0x31d: {  	[spmem:s1] =	stream.indirect.scatter.add.f32 [tilespmem:s30], [sflag:$0x1], $0x10, s29, s26, $0xb8;
	[tilespmem:$0x1B8A0] =	vst v63  }
0x31e: {  	s9 =	simm.s32 $0x7800;
	s8 =	simm.s32 $0x9680  }
0x31f: {  	[spmem:s1] =	stream.indirect.scatter.add.f32 [tilespmem:s9], [sflag:$0x1], $0x10, s8, s26, $0xb8;
	[tilespmem:$0x1B8A0] =	vst v63  }
0x320: {  	s11 =	simm.s32 $0x4000;
	s10 =	simm.s32 $0x9300  }
0x321: {  	[spmem:s1] =	stream.indirect.scatter.add.f32 [tilespmem:s11], [sflag:$0x1], $0x10, s10, s26, $0xb8;
	[tilespmem:$0x1B8A0] =	vst v63  }
0x322: {  	s12 =	simm.s32 $0x9700;
	s13 =	simm.s32 $0x8000  }
0x323: {  	[spmem:s1] =	stream.indirect.scatter.add.f32 [tilespmem:s13], [sflag:$0x1], $0x10, s12, s26, $0xb8;
	[tilespmem:$0x1B8A0] =	vst v63  }
0x324: {  	s17 =	simm.s32 $0x9380;
	s18 =	simm.s32 $0x4800  }
0x325: {  	[spmem:s1] =	stream.indirect.scatter.add.f32 [tilespmem:s18], [sflag:$0x1], $0x10, s17, s26, $0xb8;
	[tilespmem:$0x1B8A0] =	vst v63  }
0x326: {  	s21 =	simm.s32 $0x9780;
	s28 =	simm.s32 $0x8800  }
0x327: {  	[spmem:s1] =	stream.indirect.scatter.add.f32 [tilespmem:s28], [sflag:$0x1], $0x10, s21, s26, $0xb8;
	[tilespmem:$0x1B8A0] =	vst v63  }
0x328: {  	_ =	swait.ge [sflag:s23], $0x800  }
0x329: {  	[sflag:s23] =	ssyncset.done $0x0  }
0x32a: {  	[sflag:s23] =	ssyncadd.s32 $0xFFFFF800  }
0x32b: {  	_ =	swait.ge [sflag:s23], $0x800  }
0x32c: {  	[sflag:s23] =	ssyncset.done $0x0  }
0x32d: {  	[sflag:s23] =	ssyncadd.s32 $0xFFFFF800  }
0x32e: {  	_ =	swait.ge [sflag:s23], $0x800  }
0x32f: {  	[sflag:s23] =	ssyncset.done $0x0  }
0x330: {  	[sflag:s23] =	ssyncadd.s32 $0xFFFFF800  }
0x331: {  	_ =	swait.ge [sflag:s23], $0x800  }
0x332: {  	[sflag:s23] =	ssyncset.done $0x0  }
0x333: {  	[sflag:s23] =	ssyncadd.s32 $0xFFFFF800  }
0x334: {  	_ =	swait.ge [sflag:s23], $0x800  }
0x335: {  	[sflag:s23] =	ssyncset.done $0x0  }
0x336: {  	[sflag:s23] =	ssyncadd.s32 $0xFFFFF800  }
0x337: {  	_ =	swait.ge [sflag:s23], $0x800  }
0x338: {  	[sflag:s23] =	ssyncset.done $0x0  }
0x339: {  	[sflag:s23] =	ssyncadd.s32 $0xFFFFF800  }
0x33a: {  	_ =	swait.ge [sflag:s23], $0x800  }
0x33b: {  	[sflag:s23] =	ssyncset.done $0x0  }
0x33c: {  	[sflag:s23] =	ssyncadd.s32 $0xFFFFF800  }
0x33d: {  	_ =	swait.ge [sflag:s23], $0x800  }
0x33e: {  	[sflag:s23] =	ssyncset.done $0x0  }
0x33f: {  	[sflag:s23] =	ssyncadd.s32 $0xFFFFF800  }
0x340: {  	_ =	swait.ge [sflag:s23], $0x800  }
0x341: {  	[sflag:s23] =	ssyncset.done $0x0  }
0x342: {  	[sflag:s23] =	ssyncadd.s32 $0xFFFFF800  }
0x343: {  	_ =	swait.ge [sflag:s23], $0x800  }
0x344: {  	[sflag:s23] =	ssyncset.done $0x0  }
0x345: {  	[sflag:s23] =	ssyncadd.s32 $0xFFFFF800  }
0x346: {  	_ =	swait.ge [sflag:s23], $0x800  }
0x347: {  	[sflag:s23] =	ssyncset.done $0x0  }
0x348: {  	[sflag:s23] =	ssyncadd.s32 $0xFFFFF800  }
0x349: {  	_ =	swait.ge [sflag:s23], $0x800  }
0x34a: {  	[sflag:s23] =	ssyncset.done $0x0  }
0x34b: {  	[sflag:s23] =	ssyncadd.s32 $0xFFFFF800  }
0x34c: {  	_ =	swait.ge [sflag:s23], $0x800  }
0x34d: {  	[sflag:s23] =	ssyncset.done $0x0  }
0x34e: {  	[sflag:s23] =	ssyncadd.s32 $0xFFFFF800  }
0x34f: {  	_ =	swait.ge [sflag:s23], $0x800  }
0x350: {  	[sflag:s23] =	ssyncset.done $0x0  }
0x351: {  	[sflag:s23] =	ssyncadd.s32 $0xFFFFF800  }
0x352: {  	_ =	swait.ge [sflag:s23], $0x800  }
0x353: {  	[sflag:s23] =	ssyncset.done $0x0  }
0x354: {  	[sflag:s23] =	ssyncadd.s32 $0xFFFFF800  }
0x355: {  	_ =	swait.ge [sflag:s23], $0x800  }
0x356: {  	[sflag:s23] =	ssyncset.done $0x0  }
0x357: {  	[sflag:s23] =	ssyncadd.s32 $0xFFFFF800  }
0x358: {  	[bflag:$0x0] =	sbarrier.arrive $0xFFFF  }
0x359: {  	s29 =	rddreg [dreg:$0xd]  }
0x35a: {  	[hbm:s29], [sflag:s6] =	dma.local [spmem:s15], $0x2000  }
0x35b: {  	_ =	swait.ge [sflag:s20], $0x2000  }
0x35c: {  	[sflag:s20] =	ssyncset.done $0x0  }
0x35d: {  	s0 =	rddreg [dreg:$0xe];
	[sflag:s20] =	ssyncadd.s32 $0xFFFFE000  }
0x35e: {  	[hbm:s0], [sflag:s6] =	dma.local @!p0 [spmem:s16], $0x40  }
0x35f: {  	s0 =	simm.s32 @!p0 $0x2  }
0x360: {  	_ =	swait.ge @!p0 [sflag:s0], $0x40  }
0x361: {  	s4 =	sadd.s32 $0x1, s4;
	s30 =	rddreg [dreg:$0xf]  }
0x362: {  	p1 =	sne.s32 s4, s30  }
.Ltmp17:
0x363: {  	_ = 	snop;
	(pc) =	sbr.rel @p1 .LBB2_1-.Ltmp17, $3  }
0x364: {  	_ =	sdelay $0x1  }
0x365: {  	[sflag:s0] =	ssyncset.done @!p0 $0x0  }
0x366: {  	s31 =	smov.u32 s2;
	s21 =	smov.u32 s3;
	[sflag:s0] =	ssyncadd.s32 @!p0 $0xFFFFFFC0  }
0x367: {  	_ =	sfence.sel $0x180000  }
0x368: {  	[bflag:$0x0] =	sbarrier.arrive $0xFFFF  }
0x369: {  	_ =	strace $0x90000047  }
0x36a: {  	[bflag:$0x2] =	sbarrier.arrive $0xFFFF  }
0x36b: {  	s0 =	rddreg [dreg:$0x3]  }
0x36c: {  	s0 =	sadd.s32 @!p0 $0x100000, s0  }
0x36d: {  	[sflag:s0] =	ssyncadd.tile.s32 @!p0 $0x1;
	_ =	shalt  }
.Lfunc_end2:
_tile_overlayer_lowered:
.L_overlay_start_2:
0x36e: {  	(tag) =	ssettag $0x2  }
0x36f: {  	s0 =	rddreg [dreg:$0x0];
	s2 =	stileid.u32  }
0x370: {  	s1 =	rddreg [dreg:$0x1];
	p0 =	sne.s32 s2, $0x0  }
0x371: {  	s3 =	rddreg [dreg:$0x2];
	[bflag:$0x3] =	sbarrier.arrive $0xFFFF;
	s2 =	simm.s32 @!p0 $0x1C02  }
0x372: {  	[timem:s3], [sflag:s2] =	dma.local @!p0 [hbm:s0], s1  }
0x373: {  	s0 =	simm.s32 @!p0 $0x2  }
0x374: {  	_ =	swait.ge @!p0 [sflag:s0], s1  }
0x375: {  	s1 =	ssub.s32 @!p0 $0x0, s1;
	[sflag:s0] =	ssyncset.done @!p0 $0x0  }
0x376: {  	[sflag:s0] =	ssyncadd.s32 @!p0 s1  }
0x377: {  	[bflag:$0x3] =	sbarrier.arrive $0xFFFF  }
0x378: {  	_ =	shalt  }

</sc_bundles>
